<compile_context>
chip_gen: v7x
topology: tpu7x:2x2x1
jax: 0.10.2.dev20260603
libtpu: 0.0.44.dev20260713+nightly
codegen_flags: <defaults>
</compile_context>

<pallas_src>
import jax
import jax.numpy as jnp
from jax import lax
from jax.experimental import pallas as pl
from jax.experimental.pallas import tpu as pltpu
from jax.experimental.pallas import tpu_sc as plsc

N_CHANNELS = 384
N_NEIGHBORHOODS = 512
NHOOD_SIZE = 40
N_SPIKES = 1000000
N_FEAT = 8
MIN_COVERAGE = 0.12

NW = 32
BLK = 128
NBLK = N_SPIKES // BLK
TAIL = N_SPIKES - NBLK * BLK
BPW = NBLK // NW
EXTRA_B = NBLK - BPW * NW
CHUNK_B = 48
N_FULL_CHUNK = BPW // CHUNK_B
REM_B = BPW - N_FULL_CHUNK * CHUNK_B
CHUNK_SP = CHUNK_B * BLK
REM_SP = REM_B * BLK
NB_PER_W = N_NEIGHBORHOODS // NW


def _sc_kernel(ids_hbm, featT_hbm, nbf_hbm, chan_hbm, tailf_hbm,
               covn_hbm, ccnt_hbm, parts_hbm, pops_hbm,
               ids_v, ids_w, feat_v, feat_w, a0, a1, a2, a3, a4, a5, a6, a7,
               pop_v, ind_v, nb_v, chan_v, cov_st, cnt_st, tailf_v,
               sem_i0, sem_i1, sem_f0, sem_f1):
    w = lax.axis_index("c") * 16 + lax.axis_index("s")
    iota = jnp.arange(16, dtype=jnp.int32)
    zeros_f = jnp.zeros((16,), jnp.float32)
    ones_f = jnp.full((16,), 1.0, jnp.float32)
    ones_i = jnp.full((16,), 1, jnp.int32)
    zeros_i = jnp.zeros((16,), jnp.int32)
    accs = [a0, a1, a2, a3, a4, a5, a6, a7]

    ids_bufs = [ids_v, ids_w]
    feat_bufs = [feat_v, feat_w]
    sems_i = [sem_i0, sem_i1]
    sems_f = [sem_f0, sem_f1]
    base_sp = w * (BPW * BLK)
    n_chunks = N_FULL_CHUNK + 1

    def _start(c, buf):
        n_sp = CHUNK_SP if c < N_FULL_CHUNK else REM_SP
        off = base_sp + c * CHUNK_SP
        di = pltpu.async_copy(ids_hbm.at[pl.ds(off, n_sp)],
                              ids_bufs[buf].at[pl.ds(0, n_sp)], sems_i[buf])
        df = pltpu.async_copy(featT_hbm.at[:, pl.ds(off, n_sp)],
                              feat_bufs[buf].at[:, pl.ds(0, n_sp)], sems_f[buf])
        return di, df

    pend = _start(0, 0)

    pltpu.sync_copy(nbf_hbm.at[pl.ds(w * (NB_PER_W * NHOOD_SIZE),
                                     NB_PER_W * NHOOD_SIZE)], nb_v)
    pltpu.sync_copy(chan_hbm, chan_v)

    def _zero_ind(k, carry):
        ind_v[pl.ds(k * 16, 16)] = zeros_f
        return carry
    lax.fori_loop(0, N_CHANNELS // 16, _zero_ind, 0)

    ch0 = chan_v[pl.ds(0, 16)]
    ch1 = chan_v[pl.ds(16, 16)]
    ch2 = chan_v[pl.ds(32, 16)]

    def _nb_body(jj, carry):
        num_vec, cnt_vec = carry
        b = jj * NHOOD_SIZE
        v0 = nb_v[pl.ds(b, 16)]
        v1 = nb_v[pl.ds(b + 16, 16)]
        v2 = nb_v[pl.ds(b + 24, 16)]
        plsc.store_scatter(ind_v, [v0], ones_f)
        plsc.store_scatter(ind_v, [v1], ones_f)
        plsc.store_scatter(ind_v, [v2], ones_f)

        def _sum_ind(k, s):
            return s + ind_v[pl.ds(k * 16, 16)]
        cnt = jnp.sum(lax.fori_loop(0, N_CHANNELS // 16, _sum_ind, zeros_f))
        hits = (plsc.load_gather(ind_v, [ch0])
                + plsc.load_gather(ind_v, [ch1])
                + plsc.load_gather(ind_v, [ch2]))
        here = iota == jj
        num_vec = jnp.where(here, jnp.sum(hits), num_vec)
        cnt_vec = jnp.where(here, cnt, cnt_vec)
        plsc.store_scatter(ind_v, [v0], zeros_f)
        plsc.store_scatter(ind_v, [v1], zeros_f)
        plsc.store_scatter(ind_v, [v2], zeros_f)
        return num_vec, cnt_vec
    num_vec, cnt_vec = lax.fori_loop(
        0, NB_PER_W, _nb_body, (zeros_f, zeros_f))
    cov_st[...] = num_vec
    cnt_st[...] = cnt_vec

    pltpu.sync_copy(cov_st, covn_hbm.at[pl.ds(w * NB_PER_W, NB_PER_W)])
    pltpu.sync_copy(cnt_st, ccnt_hbm.at[pl.ds(w * NB_PER_W, NB_PER_W)])

    def _zero_acc(k, carry):
        for a in accs:
            a[pl.ds(k * 16, 16)] = zeros_f
        pop_v[pl.ds(k * 16, 16)] = zeros_i
        return carry
    lax.fori_loop(0, N_NEIGHBORHOODS // 16, _zero_acc, 0)

    def _process(buf, n_sp):
        ib, fb = ids_bufs[buf], feat_bufs[buf]

        @plsc.parallel_loop(0, n_sp, step=16, unroll=4)
        def _g(s):
            ids16 = ib[pl.ds(s, 16)]
            plsc.addupdate_scatter(pop_v, [ids16], ones_i)
            for j in range(N_FEAT):
                x = fb[j, pl.ds(s, 16)]
                plsc.addupdate_scatter(accs[j], [ids16], x)

    for c in range(n_chunks):
        nxt = _start(c + 1, (c + 1) % 2) if c + 1 < n_chunks else None
        pend[0].wait()
        pend[1].wait()
        _process(c % 2, CHUNK_SP if c < N_FULL_CHUNK else REM_SP)
        pend = nxt

    @pl.when(w < EXTRA_B)
    def _extra():
        off = NW * (BPW * BLK) + w * BLK
        pltpu.sync_copy(ids_hbm.at[pl.ds(off, BLK)], ids_v.at[pl.ds(0, BLK)])
        pltpu.sync_copy(featT_hbm.at[:, pl.ds(off, BLK)],
                        feat_v.at[:, pl.ds(0, BLK)])
        _process(0, BLK)

    @pl.when(w == NW - 1)
    def _tail():
        off = NBLK * BLK
        pltpu.sync_copy(ids_hbm.at[pl.ds(off, TAIL)], ids_v.at[pl.ds(0, TAIL)])
        pltpu.sync_copy(tailf_hbm, tailf_v)

        def _tgroup(t, carry):
            ids16 = ids_v[pl.ds(t * 16, 16)]
            plsc.addupdate_scatter(pop_v, [ids16], ones_i)
            for j in range(N_FEAT):
                x = tailf_v[pl.ds(j * TAIL + t * 16, 16)]
                plsc.addupdate_scatter(accs[j], [ids16], x)
            return carry
        lax.fori_loop(0, TAIL // 16, _tgroup, 0)

    for j in range(N_FEAT):
        pltpu.sync_copy(
            accs[j],
            parts_hbm.at[pl.ds(w * (N_FEAT * N_NEIGHBORHOODS)
                               + j * N_NEIGHBORHOODS, N_NEIGHBORHOODS)])
    pltpu.sync_copy(pop_v, pops_hbm.at[pl.ds(w * N_NEIGHBORHOODS,
                                             N_NEIGHBORHOODS)])


def _combine_body(parts_ref, pops_ref, covn_ref, ccnt_ref,
                  cov_ref, covd_ref, means_ref, ns_ref):
    cols = []
    for j in range(N_FEAT):
        sj = parts_ref[pl.ds(j * N_NEIGHBORHOODS, N_NEIGHBORHOODS)]
        for wq in range(1, NW):
            sj = sj + parts_ref[pl.ds((wq * N_FEAT + j) * N_NEIGHBORHOODS,
                                      N_NEIGHBORHOODS)]
        cols.append(sj)
    s = jnp.stack(cols, axis=0)
    pop = pops_ref[pl.ds(0, N_NEIGHBORHOODS)]
    for wq in range(1, NW):
        pop = pop + pops_ref[pl.ds(wq * N_NEIGHBORHOODS, N_NEIGHBORHOODS)]
    denom = jnp.maximum(pop, 1).astype(jnp.float32)
    means_ref[...] = s.T / denom[:, None]
    coverage = covn_ref[...] / ccnt_ref[...]
    cov_ref[...] = coverage
    covered = coverage >= MIN_COVERAGE
    covd_ref[...] = covered.astype(jnp.int32)
    ns_ref[0, 0] = jnp.sum(jnp.where(covered, pop, 0))


@jax.jit
def kernel(neighborhood_ids, neighborhoods, channels, features):
    ids = neighborhood_ids.astype(jnp.int32)
    nbf = neighborhoods.astype(jnp.int32).reshape(-1)
    chan = channels.astype(jnp.int32)
    featT = features.astype(jnp.float32).T
    tailf = featT[:, NBLK * BLK:].reshape(-1)

    mesh = plsc.VectorSubcoreMesh(core_axis_name="c", subcore_axis_name="s")
    sc = pl.kernel(
        _sc_kernel,
        out_type=(
            jax.ShapeDtypeStruct((N_NEIGHBORHOODS,), jnp.float32),
            jax.ShapeDtypeStruct((N_NEIGHBORHOODS,), jnp.float32),
            jax.ShapeDtypeStruct((NW * N_FEAT * N_NEIGHBORHOODS,), jnp.float32),
            jax.ShapeDtypeStruct((NW * N_NEIGHBORHOODS,), jnp.int32),
        ),
        mesh=mesh,
        compiler_params=pltpu.CompilerParams(needs_layout_passes=False,
                                             use_tc_tiling_on_sc=True),
        scratch_types=[
            pltpu.VMEM((CHUNK_SP,), jnp.int32),
            pltpu.VMEM((CHUNK_SP,), jnp.int32),
            pltpu.VMEM((N_FEAT, CHUNK_SP), jnp.float32),
            pltpu.VMEM((N_FEAT, CHUNK_SP), jnp.float32),
        ] + [pltpu.VMEM((N_NEIGHBORHOODS,), jnp.float32)] * N_FEAT + [
            pltpu.VMEM((N_NEIGHBORHOODS,), jnp.int32),
            pltpu.VMEM((N_CHANNELS,), jnp.float32),
            pltpu.VMEM((NB_PER_W * NHOOD_SIZE,), jnp.int32),
            pltpu.VMEM((48,), jnp.int32),
            pltpu.VMEM((NB_PER_W,), jnp.float32),
            pltpu.VMEM((NB_PER_W,), jnp.float32),
            pltpu.VMEM((N_FEAT * TAIL,), jnp.float32),
            pltpu.SemaphoreType.DMA,
            pltpu.SemaphoreType.DMA,
            pltpu.SemaphoreType.DMA,
            pltpu.SemaphoreType.DMA,
        ],
    )
    covn, ccnt, parts, pops = sc(ids, featT, nbf, chan, tailf)

    coverage, covd, means, ns = pl.pallas_call(
        _combine_body,
        out_shape=(
            jax.ShapeDtypeStruct((N_NEIGHBORHOODS,), jnp.float32),
            jax.ShapeDtypeStruct((N_NEIGHBORHOODS,), jnp.int32),
            jax.ShapeDtypeStruct((N_NEIGHBORHOODS, N_FEAT), jnp.float32),
            jax.ShapeDtypeStruct((1, 1), jnp.int32),
        ),
        out_specs=(
            pl.BlockSpec(memory_space=pltpu.VMEM),
            pl.BlockSpec(memory_space=pltpu.VMEM),
            pl.BlockSpec(memory_space=pltpu.VMEM),
            pl.BlockSpec(memory_space=pltpu.SMEM),
        ),
    )(parts, pops, covn, ccnt)

    return coverage, covd.astype(bool), ns[0, 0], means

# --- scband reference (transcript-rebuilt; emitter-appended) ---
"""Pipeline reference for scband-spike-neighborhoods-42606075576505 (READ-ONLY COPY).

The authoritative reference and input builder live on the scoring server;
editing this copy changes nothing except your own understanding.
"""

import jax, jax.numpy as jnp
import numpy as np

N_CHANNELS = 384
N_NEIGHBORHOODS = 512
NHOOD_SIZE = 40
N_SPIKES = 1000000
MIN_COVERAGE = 0.12


def setup_inputs(seed: int = 0):
    key = jax.random.key(seed)
    k1, k2, k3, k4 = jax.random.split(key, 4)
    neighborhood_ids = jax.random.randint(k1, (N_SPIKES,), 0, N_NEIGHBORHOODS)
    neighborhoods = jax.random.randint(k2, (N_NEIGHBORHOODS, NHOOD_SIZE), 0, N_CHANNELS)
    channels = jax.random.randint(k3, (48,), 0, N_CHANNELS)
    features = jax.random.normal(k4, (N_SPIKES, 8), dtype=jnp.float32)
    return {
        'neighborhood_ids': neighborhood_ids,
        'neighborhoods': neighborhoods,
        'channels': channels,
        'features': features,
    }


def reference(neighborhood_ids, neighborhoods, channels, features):
    n_neighborhoods = neighborhoods.shape[0]
    # --- construction of indicators, channel_counts, popcounts (as in __init__) ---
    flat_ch = neighborhoods.reshape(-1)
    jidx = jnp.repeat(jnp.arange(n_neighborhoods), neighborhoods.shape[1])
    valid = (flat_ch < N_CHANNELS).astype(jnp.float32)
    safe_ch = jnp.clip(flat_ch, 0, N_CHANNELS - 1)
    # indicators[nhood[jvalid], j] = 1.0  (set-to-one semantics -> scatter-max)
    indicators = jnp.zeros((N_CHANNELS, n_neighborhoods), jnp.float32).at[safe_ch, jidx].max(valid)
    channel_counts = indicators.sum(0)
    # popcounts: number of member spikes per neighborhood
    popcounts = jnp.bincount(neighborhood_ids, length=n_neighborhoods)
    # --- subset_neighborhoods(channels) ---
    inds = indicators[channels]                      # gather rows of indicator table
    coverage = inds.sum(0) / channel_counts
    covered = coverage >= MIN_COVERAGE
    n_spikes = jnp.sum(jnp.where(covered, popcounts, 0))
    # --- neighborhood feature cache (features gathered per neighborhood, aggregated) ---
    feat_sums = jax.ops.segment_sum(features, neighborhood_ids, num_segments=n_neighborhoods)
    denom = jnp.maximum(popcounts, 1).astype(jnp.float32)[:, None]
    feat_means = feat_sums / denom
    return coverage, covered, n_spikes, feat_means


if False:  # reference __main__ guard neutralized (emitter)
    out = reference(**setup_inputs())
    print([getattr(o, 'shape', o) for o in out])

if __name__ == "__main__":
    import jax
    _d = setup_inputs()
    print(jax.jit(kernel)(*tuple(_d.values())))

</pallas_src>

<mosaic_0001>
#map = affine_map<(d0, d1) -> (0)>
#map1 = affine_map<(d0, d1) -> (0, 0)>
module attributes {stable_mosaic.version = 14 : i64} {
  func.func @_sc_kernel(%arg0: i32, %arg1: i32, %arg2: memref<1000000xi32, #tpu.memory_space<hbm>>, %arg3: memref<8x1000000xf32, #tpu.memory_space<hbm>>, %arg4: memref<20480xi32, #tpu.memory_space<hbm>>, %arg5: memref<48xi32, #tpu.memory_space<hbm>>, %arg6: memref<512xf32, #tpu.memory_space<hbm>>, %arg7: memref<512xf32, #tpu.memory_space<hbm>>, %arg8: memref<512xf32, #tpu.memory_space<hbm>>, %arg9: memref<131072xf32, #tpu.memory_space<hbm>>, %arg10: memref<16384xi32, #tpu.memory_space<hbm>>, %arg11: memref<6144xi32, #tpu.memory_space<vmem>>, %arg12: memref<6144xi32, #tpu.memory_space<vmem>>, %arg13: memref<8x6144xf32, #tpu.memory_space<vmem>>, %arg14: memref<8x6144xf32, #tpu.memory_space<vmem>>, %arg15: memref<512xf32, #tpu.memory_space<vmem>>, %arg16: memref<512xf32, #tpu.memory_space<vmem>>, %arg17: memref<512xf32, #tpu.memory_space<vmem>>, %arg18: memref<512xf32, #tpu.memory_space<vmem>>, %arg19: memref<512xf32, #tpu.memory_space<vmem>>, %arg20: memref<512xf32, #tpu.memory_space<vmem>>, %arg21: memref<512xf32, #tpu.memory_space<vmem>>, %arg22: memref<512xf32, #tpu.memory_space<vmem>>, %arg23: memref<512xi32, #tpu.memory_space<vmem>>, %arg24: memref<384xf32, #tpu.memory_space<vmem>>, %arg25: memref<640xi32, #tpu.memory_space<vmem>>, %arg26: memref<48xi32, #tpu.memory_space<vmem>>, %arg27: memref<16xf32, #tpu.memory_space<vmem>>, %arg28: memref<16xf32, #tpu.memory_space<vmem>>, %arg29: memref<512xf32, #tpu.memory_space<vmem>>, %arg30: memref<!tpu.dma_semaphore, #tpu.memory_space<semaphore_mem>>, %arg31: memref<!tpu.dma_semaphore, #tpu.memory_space<semaphore_mem>>, %arg32: memref<!tpu.dma_semaphore, #tpu.memory_space<semaphore_mem>>, %arg33: memref<!tpu.dma_semaphore, #tpu.memory_space<semaphore_mem>>) attributes {dimension_semantics = [#tpu.dimension_semantics<core_parallel>, #tpu.dimension_semantics<subcore_parallel>], iteration_bounds = array<i64: 2, 16>, scalar_prefetch = 0 : i64, scratch_operands = 23 : i64, tpu.core_type = #tpu.core_type<sc_vector_subcore>, window_params = [{transform_indices = #map}, {transform_indices = #map1}, {transform_indices = #map}, {transform_indices = #map}, {transform_indices = #map}, {transform_indices = #map}, {transform_indices = #map}, {transform_indices = #map}, {transform_indices = #map}]} {
    %mul3A = arith.constant 16 : i32
    %mul3A_0 = arith.muli %arg0, %mul3A : i32
    %add3A = arith.addi %mul3A_0, %arg1 : i32
    %iota3A = tpu.iota {dimensions = array<i32: 0>} : vector<16xi32>
    %broadcast_in_dim3A = arith.constant 0.000000e+00 : f32
    %broadcast_in_dim3A_1 = vector.broadcast %broadcast_in_dim3A : f32 to vector<16xf32>
    %broadcast_in_dim3A_2 = arith.constant 1.000000e+00 : f32
    %broadcast_in_dim3A_3 = vector.broadcast %broadcast_in_dim3A_2 : f32 to vector<16xf32>
    %broadcast_in_dim3A_4 = arith.constant 1 : i32
    %broadcast_in_dim3A_5 = vector.broadcast %broadcast_in_dim3A_4 : i32 to vector<16xi32>
    %broadcast_in_dim3A_6 = arith.constant 0 : i32
    %broadcast_in_dim3A_7 = vector.broadcast %broadcast_in_dim3A_6 : i32 to vector<16xi32>
    %mul3A_8 = arith.constant 31232 : i32
    %mul3A_9 = arith.muli %add3A, %mul3A_8 : i32
    %add3A_10 = arith.constant 0 : i32
    %add3A_11 = arith.addi %mul3A_9, %add3A_10 : i32
    %dma_start3A = arith.constant 0 : i32
    %dma_start3A_12 = tpu.memref_slice %arg11[%dma_start3A] : memref<6144xi32, #tpu.memory_space<vmem>> -> memref<6144xi32, #tpu.memory_space<vmem>>
    %dma_start3A_13 = tpu.memref_slice %arg2[%add3A_11] : memref<1000000xi32, #tpu.memory_space<hbm>> -> memref<6144xi32, #tpu.memory_space<hbm>>
    %dma_start3A_14 = arith.constant 0 : i32
    %dma_start3A_15 = tpu.memref_slice %arg11[%dma_start3A_14] : memref<6144xi32, #tpu.memory_space<vmem>> -> memref<6144xi32, #tpu.memory_space<vmem>>
    %dma_start3A_16 = tpu.memref_slice %arg2[%add3A_11] : memref<1000000xi32, #tpu.memory_space<hbm>> -> memref<6144xi32, #tpu.memory_space<hbm>>
    tpu.enqueue_dma source(%dma_start3A_16 : memref<6144xi32, #tpu.memory_space<hbm>>) target(%dma_start3A_15 : memref<6144xi32, #tpu.memory_space<vmem>>) target_semaphore(%arg30 : memref<!tpu.dma_semaphore, #tpu.memory_space<semaphore_mem>>)
    %dma_start3A_17 = arith.constant 0 : i32
    %dma_start3A_18 = arith.constant 0 : i32
    %dma_start3A_19 = tpu.memref_slice %arg13[%dma_start3A_17, %dma_start3A_18] : memref<8x6144xf32, #tpu.memory_space<vmem>> -> memref<8x6144xf32, #tpu.memory_space<vmem>>
    %dma_start3A_20 = arith.constant 0 : i32
    %dma_start3A_21 = tpu.memref_slice %arg3[%dma_start3A_20, %add3A_11] : memref<8x1000000xf32, #tpu.memory_space<hbm>> -> memref<8x6144xf32, #tpu.memory_space<hbm>>
    %dma_start3A_22 = arith.constant 0 : i32
    %dma_start3A_23 = arith.constant 0 : i32
    %dma_start3A_24 = tpu.memref_slice %arg13[%dma_start3A_22, %dma_start3A_23] : memref<8x6144xf32, #tpu.memory_space<vmem>> -> memref<8x6144xf32, #tpu.memory_space<vmem>>
    %dma_start3A_25 = arith.constant 0 : i32
    %dma_start3A_26 = tpu.memref_slice %arg3[%dma_start3A_25, %add3A_11] : memref<8x1000000xf32, #tpu.memory_space<hbm>> -> memref<8x6144xf32, #tpu.memory_space<hbm>>
    tpu.enqueue_dma source(%dma_start3A_26 : memref<8x6144xf32, #tpu.memory_space<hbm>>) target(%dma_start3A_24 : memref<8x6144xf32, #tpu.memory_space<vmem>>) target_semaphore(%arg32 : memref<!tpu.dma_semaphore, #tpu.memory_space<semaphore_mem>>)
    %mul3A_27 = arith.constant 640 : i32
    %mul3A_28 = arith.muli %add3A, %mul3A_27 : i32
    "tpu.region"() ({
      %run_scoped3A = tpu.sem_alloc : memref<!tpu.dma_semaphore, #tpu.memory_space<semaphore_mem>>
      %dma_start3A_300 = tpu.memref_slice %arg4[%mul3A_28] : memref<20480xi32, #tpu.memory_space<hbm>> -> memref<640xi32, #tpu.memory_space<hbm>>
      %dma_start3A_301 = tpu.memref_slice %arg4[%mul3A_28] : memref<20480xi32, #tpu.memory_space<hbm>> -> memref<640xi32, #tpu.memory_space<hbm>>
      tpu.enqueue_dma source(%dma_start3A_301 : memref<640xi32, #tpu.memory_space<hbm>>) target(%arg25 : memref<640xi32, #tpu.memory_space<vmem>>) target_semaphore(%run_scoped3A : memref<!tpu.dma_semaphore, #tpu.memory_space<semaphore_mem>>)
      %dma_wait3A_302 = tpu.memref_slice %arg4[%mul3A_28] : memref<20480xi32, #tpu.memory_space<hbm>> -> memref<640xi32, #tpu.memory_space<hbm>>
      %dma_wait3A_303 = tpu.memref_slice %arg4[%mul3A_28] : memref<20480xi32, #tpu.memory_space<hbm>> -> memref<640xi32, #tpu.memory_space<hbm>>
      tpu.wait_dma2 semaphore(%run_scoped3A : memref<!tpu.dma_semaphore, #tpu.memory_space<semaphore_mem>>) src(%dma_wait3A_303 : memref<640xi32, #tpu.memory_space<hbm>>) dst(%arg25 : memref<640xi32, #tpu.memory_space<vmem>>)
      tpu.yield
    }) : () -> ()
    "tpu.region"() ({
      %run_scoped3A = tpu.sem_alloc : memref<!tpu.dma_semaphore, #tpu.memory_space<semaphore_mem>>
      tpu.enqueue_dma source(%arg5 : memref<48xi32, #tpu.memory_space<hbm>>) target(%arg26 : memref<48xi32, #tpu.memory_space<vmem>>) target_semaphore(%run_scoped3A : memref<!tpu.dma_semaphore, #tpu.memory_space<semaphore_mem>>)
      tpu.wait_dma2 semaphore(%run_scoped3A : memref<!tpu.dma_semaphore, #tpu.memory_space<semaphore_mem>>) src(%arg5 : memref<48xi32, #tpu.memory_space<hbm>>) dst(%arg26 : memref<48xi32, #tpu.memory_space<vmem>>)
      tpu.yield
    }) : () -> ()
    %scan3A = arith.constant 0 : i32
    %scan3A_29 = arith.constant 0 : i32
    %scan3A_30 = arith.constant 24 : i32
    %scan3A_31 = arith.addi %scan3A_29, %scan3A_30 : i32
    %scan3A_32 = arith.constant 1 : i32
    scf.for %scan3A_300 = %scan3A_29 to %scan3A_31 step %scan3A_32  : i32 {
      %mul3A_301 = arith.constant 16 : i32
      %mul3A_302 = arith.muli %scan3A_300, %mul3A_301 : i32
      %swap3A_303 = arith.index_cast %mul3A_302 : i32 to index
      %swap3A_304 = tpu.vector_load %arg24[%swap3A_303] {strides = array<i32>} : memref<384xf32, #tpu.memory_space<vmem>>, vector<16xf32>,
      tpu.vector_store %arg24[%swap3A_303], %broadcast_in_dim3A_1 {strides = array<i32>} : memref<384xf32, #tpu.memory_space<vmem>>, vector<16xf32>,
    }
    %scan3A_33 = arith.constant 24 : i32
    %get3A = arith.constant 0 : index
    %get3A_34 = tpu.vector_load %arg26[%get3A] {strides = array<i32>} : memref<48xi32, #tpu.memory_space<vmem>>, vector<16xi32>,
    %get3A_35 = arith.constant 16 : index
    %get3A_36 = tpu.vector_load %arg26[%get3A_35] {strides = array<i32>} : memref<48xi32, #tpu.memory_space<vmem>>, vector<16xi32>,
    %get3A_37 = arith.constant 32 : index
    %get3A_38 = tpu.vector_load %arg26[%get3A_37] {strides = array<i32>} : memref<48xi32, #tpu.memory_space<vmem>>, vector<16xi32>,
    %scan3A_39 = arith.constant 0 : i32
    %scan3A_40 = arith.constant 16 : i32
    %scan3A_41 = arith.addi %scan3A_39, %scan3A_40 : i32
    %scan3A_42 = arith.constant 1 : i32
    %scan3A_43:2 = scf.for %scan3A_300 = %scan3A_39 to %scan3A_41 step %scan3A_42 iter_args(%scan3A_301 = %broadcast_in_dim3A_1, %scan3A_302 = %broadcast_in_dim3A_1) -> (vector<16xf32>, vector<16xf32>)  : i32 {
      %mul3A_303 = arith.constant 40 : i32
      %mul3A_304 = arith.muli %scan3A_300, %mul3A_303 : i32
      %get3A_305 = arith.index_cast %mul3A_304 : i32 to index
      %get3A_306 = tpu.vector_load %arg25[%get3A_305] {strides = array<i32>} : memref<640xi32, #tpu.memory_space<vmem>>, vector<16xi32>,
      %add3A_307 = arith.constant 16 : i32
      %add3A_308 = arith.addi %mul3A_304, %add3A_307 : i32
      %get3A_309 = arith.index_cast %add3A_308 : i32 to index
      %get3A_310 = tpu.vector_load %arg25[%get3A_309] {strides = array<i32>} : memref<640xi32, #tpu.memory_space<vmem>>, vector<16xi32>,
      %add3A_311 = arith.constant 24 : i32
      %add3A_312 = arith.addi %mul3A_304, %add3A_311 : i32
      %get3A_313 = arith.index_cast %add3A_312 : i32 to index
      %get3A_314 = tpu.vector_load %arg25[%get3A_313] {strides = array<i32>} : memref<640xi32, #tpu.memory_space<vmem>>, vector<16xi32>,
      tpu.vector_store_idx %arg24[%get3A_306], %broadcast_in_dim3A_3 : memref<384xf32, #tpu.memory_space<vmem>>[vector<16xi32>], vector<16xf32>,
      tpu.vector_store_idx %arg24[%get3A_310], %broadcast_in_dim3A_3 : memref<384xf32, #tpu.memory_space<vmem>>[vector<16xi32>], vector<16xf32>,
      tpu.vector_store_idx %arg24[%get3A_314], %broadcast_in_dim3A_3 : memref<384xf32, #tpu.memory_space<vmem>>[vector<16xi32>], vector<16xf32>,
      %scan3A_315 = arith.constant 0 : i32
      %scan3A_316 = arith.constant 24 : i32
      %scan3A_317 = arith.addi %scan3A_315, %scan3A_316 : i32
      %scan3A_318 = arith.constant 1 : i32
      %scan3A_319 = scf.for %scan3A_337 = %scan3A_315 to %scan3A_317 step %scan3A_318 iter_args(%scan3A_338 = %broadcast_in_dim3A_1) -> (vector<16xf32>)  : i32 {
        %mul3A_339 = arith.constant 16 : i32
        %mul3A_340 = arith.muli %scan3A_337, %mul3A_339 : i32
        %get3A_341 = arith.index_cast %mul3A_340 : i32 to index
        %get3A_342 = tpu.vector_load %arg24[%get3A_341] {strides = array<i32>} : memref<384xf32, #tpu.memory_space<vmem>>, vector<16xf32>,
        %add3A_343 = arith.addf %scan3A_338, %get3A_342 : vector<16xf32>
        scf.yield %add3A_343 : vector<16xf32>
      }
      %scan3A_320 = arith.constant 24 : i32
      %reduce_sum3A = arith.constant true
      %reduce_sum3A_321 = vector.broadcast %reduce_sum3A : i1 to vector<16xi1>
      %reduce_sum3A_322 = tpu.scan <sum>, %scan3A_319 masked %reduce_sum3A_321 : vector<16xf32>, vector<16xi1> -> vector<16xf32>
      %reduce_sum3A_323 = vector.extract %reduce_sum3A_322[15] : f32 from vector<16xf32>
      %gather3A = tpu.vector_load_idx %arg24[%get3A_34] : memref<384xf32, #tpu.memory_space<vmem>>[vector<16xi32>], vector<16xf32>,
      %gather3A_324 = tpu.vector_load_idx %arg24[%get3A_36] : memref<384xf32, #tpu.memory_space<vmem>>[vector<16xi32>], vector<16xf32>,
      %add3A_325 = arith.addf %gather3A, %gather3A_324 : vector<16xf32>
      %gather3A_326 = tpu.vector_load_idx %arg24[%get3A_38] : memref<384xf32, #tpu.memory_space<vmem>>[vector<16xi32>], vector<16xf32>,
      %add3A_327 = arith.addf %add3A_325, %gather3A_326 : vector<16xf32>
      %eq3A_328 = vector.broadcast %scan3A_300 : i32 to vector<16xi32>
      %eq3A_329 = arith.cmpi eq, %iota3A, %eq3A_328 : vector<16xi32>
      %reduce_sum3A_330 = arith.constant true
      %reduce_sum3A_331 = vector.broadcast %reduce_sum3A_330 : i1 to vector<16xi1>
      %reduce_sum3A_332 = tpu.scan <sum>, %add3A_327 masked %reduce_sum3A_331 : vector<16xf32>, vector<16xi1> -> vector<16xf32>
      %reduce_sum3A_333 = vector.extract %reduce_sum3A_332[15] : f32 from vector<16xf32>
      %broadcast_in_dim3A_334 = vector.broadcast %reduce_sum3A_333 : f32 to vector<16xf32>
      %select_n3A = arith.select %eq3A_329, %broadcast_in_dim3A_334, %scan3A_301 : vector<16xi1>, vector<16xf32>
      %broadcast_in_dim3A_335 = vector.broadcast %reduce_sum3A_323 : f32 to vector<16xf32>
      %select_n3A_336 = arith.select %eq3A_329, %broadcast_in_dim3A_335, %scan3A_302 : vector<16xi1>, vector<16xf32>
      tpu.vector_store_idx %arg24[%get3A_306], %broadcast_in_dim3A_1 : memref<384xf32, #tpu.memory_space<vmem>>[vector<16xi32>], vector<16xf32>,
      tpu.vector_store_idx %arg24[%get3A_310], %broadcast_in_dim3A_1 : memref<384xf32, #tpu.memory_space<vmem>>[vector<16xi32>], vector<16xf32>,
      tpu.vector_store_idx %arg24[%get3A_314], %broadcast_in_dim3A_1 : memref<384xf32, #tpu.memory_space<vmem>>[vector<16xi32>], vector<16xf32>,
      scf.yield %select_n3A, %select_n3A_336 : vector<16xf32>, vector<16xf32>
    }
    %scan3A_44 = arith.constant 16 : i32
    %swap3A = arith.constant 0 : index
    %swap3A_45 = tpu.vector_load %arg27[%swap3A] {strides = array<i32>} : memref<16xf32, #tpu.memory_space<vmem>>, vector<16xf32>,
    tpu.vector_store %arg27[%swap3A], %scan3A_43#0 {strides = array<i32>} : memref<16xf32, #tpu.memory_space<vmem>>, vector<16xf32>,
    %swap3A_46 = arith.constant 0 : index
    %swap3A_47 = tpu.vector_load %arg28[%swap3A_46] {strides = array<i32>} : memref<16xf32, #tpu.memory_space<vmem>>, vector<16xf32>,
    tpu.vector_store %arg28[%swap3A_46], %scan3A_43#1 {strides = array<i32>} : memref<16xf32, #tpu.memory_space<vmem>>, vector<16xf32>,
    %mul3A_48 = arith.constant 16 : i32
    %mul3A_49 = arith.muli %add3A, %mul3A_48 : i32
    "tpu.region"() ({
      %run_scoped3A = tpu.sem_alloc : memref<!tpu.dma_semaphore, #tpu.memory_space<semaphore_mem>>
      %dma_start3A_300 = tpu.memref_slice %arg7[%mul3A_49] : memref<512xf32, #tpu.memory_space<hbm>> -> memref<16xf32, #tpu.memory_space<hbm>>
      %dma_start3A_301 = tpu.memref_slice %arg7[%mul3A_49] : memref<512xf32, #tpu.memory_space<hbm>> -> memref<16xf32, #tpu.memory_space<hbm>>
      tpu.enqueue_dma source(%arg27 : memref<16xf32, #tpu.memory_space<vmem>>) target(%dma_start3A_301 : memref<16xf32, #tpu.memory_space<hbm>>) target_semaphore(%run_scoped3A : memref<!tpu.dma_semaphore, #tpu.memory_space<semaphore_mem>>)
      %dma_wait3A_302 = tpu.memref_slice %arg7[%mul3A_49] : memref<512xf32, #tpu.memory_space<hbm>> -> memref<16xf32, #tpu.memory_space<hbm>>
      %dma_wait3A_303 = tpu.memref_slice %arg7[%mul3A_49] : memref<512xf32, #tpu.memory_space<hbm>> -> memref<16xf32, #tpu.memory_space<hbm>>
      tpu.wait_dma2 semaphore(%run_scoped3A : memref<!tpu.dma_semaphore, #tpu.memory_space<semaphore_mem>>) src(%arg27 : memref<16xf32, #tpu.memory_space<vmem>>) dst(%dma_wait3A_303 : memref<16xf32, #tpu.memory_space<hbm>>)
      tpu.yield
    }) : () -> ()
    %mul3A_50 = arith.constant 16 : i32
    %mul3A_51 = arith.muli %add3A, %mul3A_50 : i32
    "tpu.region"() ({
      %run_scoped3A = tpu.sem_alloc : memref<!tpu.dma_semaphore, #tpu.memory_space<semaphore_mem>>
      %dma_start3A_300 = tpu.memref_slice %arg8[%mul3A_51] : memref<512xf32, #tpu.memory_space<hbm>> -> memref<16xf32, #tpu.memory_space<hbm>>
      %dma_start3A_301 = tpu.memref_slice %arg8[%mul3A_51] : memref<512xf32, #tpu.memory_space<hbm>> -> memref<16xf32, #tpu.memory_space<hbm>>
      tpu.enqueue_dma source(%arg28 : memref<16xf32, #tpu.memory_space<vmem>>) target(%dma_start3A_301 : memref<16xf32, #tpu.memory_space<hbm>>) target_semaphore(%run_scoped3A : memref<!tpu.dma_semaphore, #tpu.memory_space<semaphore_mem>>)
      %dma_wait3A_302 = tpu.memref_slice %arg8[%mul3A_51] : memref<512xf32, #tpu.memory_space<hbm>> -> memref<16xf32, #tpu.memory_space<hbm>>
      %dma_wait3A_303 = tpu.memref_slice %arg8[%mul3A_51] : memref<512xf32, #tpu.memory_space<hbm>> -> memref<16xf32, #tpu.memory_space<hbm>>
      tpu.wait_dma2 semaphore(%run_scoped3A : memref<!tpu.dma_semaphore, #tpu.memory_space<semaphore_mem>>) src(%arg28 : memref<16xf32, #tpu.memory_space<vmem>>) dst(%dma_wait3A_303 : memref<16xf32, #tpu.memory_space<hbm>>)
      tpu.yield
    }) : () -> ()
    %scan3A_52 = arith.constant 0 : i32
    %scan3A_53 = arith.constant 0 : i32
    %scan3A_54 = arith.constant 32 : i32
    %scan3A_55 = arith.addi %scan3A_53, %scan3A_54 : i32
    %scan3A_56 = arith.constant 1 : i32
    scf.for %scan3A_300 = %scan3A_53 to %scan3A_55 step %scan3A_56  : i32 {
      %mul3A_301 = arith.constant 16 : i32
      %mul3A_302 = arith.muli %scan3A_300, %mul3A_301 : i32
      %swap3A_303 = arith.index_cast %mul3A_302 : i32 to index
      %swap3A_304 = tpu.vector_load %arg15[%swap3A_303] {strides = array<i32>} : memref<512xf32, #tpu.memory_space<vmem>>, vector<16xf32>,
      tpu.vector_store %arg15[%swap3A_303], %broadcast_in_dim3A_1 {strides = array<i32>} : memref<512xf32, #tpu.memory_space<vmem>>, vector<16xf32>,
      %mul3A_305 = arith.constant 16 : i32
      %mul3A_306 = arith.muli %scan3A_300, %mul3A_305 : i32
      %swap3A_307 = arith.index_cast %mul3A_306 : i32 to index
      %swap3A_308 = tpu.vector_load %arg16[%swap3A_307] {strides = array<i32>} : memref<512xf32, #tpu.memory_space<vmem>>, vector<16xf32>,
      tpu.vector_store %arg16[%swap3A_307], %broadcast_in_dim3A_1 {strides = array<i32>} : memref<512xf32, #tpu.memory_space<vmem>>, vector<16xf32>,
      %mul3A_309 = arith.constant 16 : i32
      %mul3A_310 = arith.muli %scan3A_300, %mul3A_309 : i32
      %swap3A_311 = arith.index_cast %mul3A_310 : i32 to index
      %swap3A_312 = tpu.vector_load %arg17[%swap3A_311] {strides = array<i32>} : memref<512xf32, #tpu.memory_space<vmem>>, vector<16xf32>,
      tpu.vector_store %arg17[%swap3A_311], %broadcast_in_dim3A_1 {strides = array<i32>} : memref<512xf32, #tpu.memory_space<vmem>>, vector<16xf32>,
      %mul3A_313 = arith.constant 16 : i32
      %mul3A_314 = arith.muli %scan3A_300, %mul3A_313 : i32
      %swap3A_315 = arith.index_cast %mul3A_314 : i32 to index
      %swap3A_316 = tpu.vector_load %arg18[%swap3A_315] {strides = array<i32>} : memref<512xf32, #tpu.memory_space<vmem>>, vector<16xf32>,
      tpu.vector_store %arg18[%swap3A_315], %broadcast_in_dim3A_1 {strides = array<i32>} : memref<512xf32, #tpu.memory_space<vmem>>, vector<16xf32>,
      %mul3A_317 = arith.constant 16 : i32
      %mul3A_318 = arith.muli %scan3A_300, %mul3A_317 : i32
      %swap3A_319 = arith.index_cast %mul3A_318 : i32 to index
      %swap3A_320 = tpu.vector_load %arg19[%swap3A_319] {strides = array<i32>} : memref<512xf32, #tpu.memory_space<vmem>>, vector<16xf32>,
      tpu.vector_store %arg19[%swap3A_319], %broadcast_in_dim3A_1 {strides = array<i32>} : memref<512xf32, #tpu.memory_space<vmem>>, vector<16xf32>,
      %mul3A_321 = arith.constant 16 : i32
      %mul3A_322 = arith.muli %scan3A_300, %mul3A_321 : i32
      %swap3A_323 = arith.index_cast %mul3A_322 : i32 to index
      %swap3A_324 = tpu.vector_load %arg20[%swap3A_323] {strides = array<i32>} : memref<512xf32, #tpu.memory_space<vmem>>, vector<16xf32>,
      tpu.vector_store %arg20[%swap3A_323], %broadcast_in_dim3A_1 {strides = array<i32>} : memref<512xf32, #tpu.memory_space<vmem>>, vector<16xf32>,
      %mul3A_325 = arith.constant 16 : i32
      %mul3A_326 = arith.muli %scan3A_300, %mul3A_325 : i32
      %swap3A_327 = arith.index_cast %mul3A_326 : i32 to index
      %swap3A_328 = tpu.vector_load %arg21[%swap3A_327] {strides = array<i32>} : memref<512xf32, #tpu.memory_space<vmem>>, vector<16xf32>,
      tpu.vector_store %arg21[%swap3A_327], %broadcast_in_dim3A_1 {strides = array<i32>} : memref<512xf32, #tpu.memory_space<vmem>>, vector<16xf32>,
      %mul3A_329 = arith.constant 16 : i32
      %mul3A_330 = arith.muli %scan3A_300, %mul3A_329 : i32
      %swap3A_331 = arith.index_cast %mul3A_330 : i32 to index
      %swap3A_332 = tpu.vector_load %arg22[%swap3A_331] {strides = array<i32>} : memref<512xf32, #tpu.memory_space<vmem>>, vector<16xf32>,
      tpu.vector_store %arg22[%swap3A_331], %broadcast_in_dim3A_1 {strides = array<i32>} : memref<512xf32, #tpu.memory_space<vmem>>, vector<16xf32>,
      %mul3A_333 = arith.constant 16 : i32
      %mul3A_334 = arith.muli %scan3A_300, %mul3A_333 : i32
      %swap3A_335 = arith.index_cast %mul3A_334 : i32 to index
      %swap3A_336 = tpu.vector_load %arg23[%swap3A_335] {strides = array<i32>} : memref<512xi32, #tpu.memory_space<vmem>>, vector<16xi32>,
      tpu.vector_store %arg23[%swap3A_335], %broadcast_in_dim3A_7 {strides = array<i32>} : memref<512xi32, #tpu.memory_space<vmem>>, vector<16xi32>,
    }
    %scan3A_57 = arith.constant 32 : i32
    %add3A_58 = arith.constant 6144 : i32
    %add3A_59 = arith.addi %mul3A_9, %add3A_58 : i32
    %dma_start3A_60 = arith.constant 0 : i32
    %dma_start3A_61 = tpu.memref_slice %arg12[%dma_start3A_60] : memref<6144xi32, #tpu.memory_space<vmem>> -> memref<6144xi32, #tpu.memory_space<vmem>>
    %dma_start3A_62 = tpu.memref_slice %arg2[%add3A_59] : memref<1000000xi32, #tpu.memory_space<hbm>> -> memref<6144xi32, #tpu.memory_space<hbm>>
    %dma_start3A_63 = arith.constant 0 : i32
    %dma_start3A_64 = tpu.memref_slice %arg12[%dma_start3A_63] : memref<6144xi32, #tpu.memory_space<vmem>> -> memref<6144xi32, #tpu.memory_space<vmem>>
    %dma_start3A_65 = tpu.memref_slice %arg2[%add3A_59] : memref<1000000xi32, #tpu.memory_space<hbm>> -> memref<6144xi32, #tpu.memory_space<hbm>>
    tpu.enqueue_dma source(%dma_start3A_65 : memref<6144xi32, #tpu.memory_space<hbm>>) target(%dma_start3A_64 : memref<6144xi32, #tpu.memory_space<vmem>>) target_semaphore(%arg31 : memref<!tpu.dma_semaphore, #tpu.memory_space<semaphore_mem>>)
    %dma_start3A_66 = arith.constant 0 : i32
    %dma_start3A_67 = arith.constant 0 : i32
    %dma_start3A_68 = tpu.memref_slice %arg14[%dma_start3A_66, %dma_start3A_67] : memref<8x6144xf32, #tpu.memory_space<vmem>> -> memref<8x6144xf32, #tpu.memory_space<vmem>>
    %dma_start3A_69 = arith.constant 0 : i32
    %dma_start3A_70 = tpu.memref_slice %arg3[%dma_start3A_69, %add3A_59] : memref<8x1000000xf32, #tpu.memory_space<hbm>> -> memref<8x6144xf32, #tpu.memory_space<hbm>>
    %dma_start3A_71 = arith.constant 0 : i32
    %dma_start3A_72 = arith.constant 0 : i32
    %dma_start3A_73 = tpu.memref_slice %arg14[%dma_start3A_71, %dma_start3A_72] : memref<8x6144xf32, #tpu.memory_space<vmem>> -> memref<8x6144xf32, #tpu.memory_space<vmem>>
    %dma_start3A_74 = arith.constant 0 : i32
    %dma_start3A_75 = tpu.memref_slice %arg3[%dma_start3A_74, %add3A_59] : memref<8x1000000xf32, #tpu.memory_space<hbm>> -> memref<8x6144xf32, #tpu.memory_space<hbm>>
    tpu.enqueue_dma source(%dma_start3A_75 : memref<8x6144xf32, #tpu.memory_space<hbm>>) target(%dma_start3A_73 : memref<8x6144xf32, #tpu.memory_space<vmem>>) target_semaphore(%arg33 : memref<!tpu.dma_semaphore, #tpu.memory_space<semaphore_mem>>)
    %dma_wait3A = arith.constant 0 : i32
    %dma_wait3A_76 = tpu.memref_slice %arg11[%dma_wait3A] : memref<6144xi32, #tpu.memory_space<vmem>> -> memref<6144xi32, #tpu.memory_space<vmem>>
    %dma_wait3A_77 = tpu.memref_slice %arg2[%add3A_11] : memref<1000000xi32, #tpu.memory_space<hbm>> -> memref<6144xi32, #tpu.memory_space<hbm>>
    %dma_wait3A_78 = arith.constant 0 : i32
    %dma_wait3A_79 = tpu.memref_slice %arg11[%dma_wait3A_78] : memref<6144xi32, #tpu.memory_space<vmem>> -> memref<6144xi32, #tpu.memory_space<vmem>>
    %dma_wait3A_80 = tpu.memref_slice %arg2[%add3A_11] : memref<1000000xi32, #tpu.memory_space<hbm>> -> memref<6144xi32, #tpu.memory_space<hbm>>
    tpu.wait_dma2 semaphore(%arg30 : memref<!tpu.dma_semaphore, #tpu.memory_space<semaphore_mem>>) src(%dma_wait3A_80 : memref<6144xi32, #tpu.memory_space<hbm>>) dst(%dma_wait3A_79 : memref<6144xi32, #tpu.memory_space<vmem>>)
    %dma_wait3A_81 = arith.constant 0 : i32
    %dma_wait3A_82 = arith.constant 0 : i32
    %dma_wait3A_83 = tpu.memref_slice %arg13[%dma_wait3A_81, %dma_wait3A_82] : memref<8x6144xf32, #tpu.memory_space<vmem>> -> memref<8x6144xf32, #tpu.memory_space<vmem>>
    %dma_wait3A_84 = arith.constant 0 : i32
    %dma_wait3A_85 = tpu.memref_slice %arg3[%dma_wait3A_84, %add3A_11] : memref<8x1000000xf32, #tpu.memory_space<hbm>> -> memref<8x6144xf32, #tpu.memory_space<hbm>>
    %dma_wait3A_86 = arith.constant 0 : i32
    %dma_wait3A_87 = arith.constant 0 : i32
    %dma_wait3A_88 = tpu.memref_slice %arg13[%dma_wait3A_86, %dma_wait3A_87] : memref<8x6144xf32, #tpu.memory_space<vmem>> -> memref<8x6144xf32, #tpu.memory_space<vmem>>
    %dma_wait3A_89 = arith.constant 0 : i32
    %dma_wait3A_90 = tpu.memref_slice %arg3[%dma_wait3A_89, %add3A_11] : memref<8x1000000xf32, #tpu.memory_space<hbm>> -> memref<8x6144xf32, #tpu.memory_space<hbm>>
    tpu.wait_dma2 semaphore(%arg32 : memref<!tpu.dma_semaphore, #tpu.memory_space<semaphore_mem>>) src(%dma_wait3A_90 : memref<8x6144xf32, #tpu.memory_space<hbm>>) dst(%dma_wait3A_88 : memref<8x6144xf32, #tpu.memory_space<vmem>>)
    %parallel_loop3A = arith.constant 0 : i32
    %parallel_loop3A_91 = arith.constant 6144 : i32
    %parallel_loop3A_92 = arith.constant 16 : i32
    scf.for %parallel_loop3A_300 = %parallel_loop3A to %parallel_loop3A_91 step %parallel_loop3A_92  : i32 {
      %parallel_loop3A_301 = arith.index_cast %parallel_loop3A_300 : i32 to index
      %parallel_loop3A_302 = tpu.vector_load %arg11[%parallel_loop3A_301] {strides = array<i32>} : memref<6144xi32, #tpu.memory_space<vmem>>, vector<16xi32>,
      tpu.vector_store_idx %arg23[%parallel_loop3A_302], %broadcast_in_dim3A_5 {add = true} : memref<512xi32, #tpu.memory_space<vmem>>[vector<16xi32>], vector<16xi32>,
      %parallel_loop3A_303 = arith.constant 0 : i32
      %parallel_loop3A_304 = arith.index_cast %parallel_loop3A_303 : i32 to index
      %parallel_loop3A_305 = arith.index_cast %parallel_loop3A_300 : i32 to index
      %parallel_loop3A_306 = tpu.vector_load %arg13[%parallel_loop3A_304, %parallel_loop3A_305] {strides = array<i32>} : memref<8x6144xf32, #tpu.memory_space<vmem>>, vector<16xf32>,
      tpu.vector_store_idx %arg15[%parallel_loop3A_302], %parallel_loop3A_306 {add = true} : memref<512xf32, #tpu.memory_space<vmem>>[vector<16xi32>], vector<16xf32>,
      %parallel_loop3A_307 = arith.constant 1 : i32
      %parallel_loop3A_308 = arith.index_cast %parallel_loop3A_307 : i32 to index
      %parallel_loop3A_309 = arith.index_cast %parallel_loop3A_300 : i32 to index
      %parallel_loop3A_310 = tpu.vector_load %arg13[%parallel_loop3A_308, %parallel_loop3A_309] {strides = array<i32>} : memref<8x6144xf32, #tpu.memory_space<vmem>>, vector<16xf32>,
      tpu.vector_store_idx %arg16[%parallel_loop3A_302], %parallel_loop3A_310 {add = true} : memref<512xf32, #tpu.memory_space<vmem>>[vector<16xi32>], vector<16xf32>,
      %parallel_loop3A_311 = arith.constant 2 : i32
      %parallel_loop3A_312 = arith.index_cast %parallel_loop3A_311 : i32 to index
      %parallel_loop3A_313 = arith.index_cast %parallel_loop3A_300 : i32 to index
      %parallel_loop3A_314 = tpu.vector_load %arg13[%parallel_loop3A_312, %parallel_loop3A_313] {strides = array<i32>} : memref<8x6144xf32, #tpu.memory_space<vmem>>, vector<16xf32>,
      tpu.vector_store_idx %arg17[%parallel_loop3A_302], %parallel_loop3A_314 {add = true} : memref<512xf32, #tpu.memory_space<vmem>>[vector<16xi32>], vector<16xf32>,
      %parallel_loop3A_315 = arith.constant 3 : i32
      %parallel_loop3A_316 = arith.index_cast %parallel_loop3A_315 : i32 to index
      %parallel_loop3A_317 = arith.index_cast %parallel_loop3A_300 : i32 to index
      %parallel_loop3A_318 = tpu.vector_load %arg13[%parallel_loop3A_316, %parallel_loop3A_317] {strides = array<i32>} : memref<8x6144xf32, #tpu.memory_space<vmem>>, vector<16xf32>,
      tpu.vector_store_idx %arg18[%parallel_loop3A_302], %parallel_loop3A_318 {add = true} : memref<512xf32, #tpu.memory_space<vmem>>[vector<16xi32>], vector<16xf32>,
      %parallel_loop3A_319 = arith.constant 4 : i32
      %parallel_loop3A_320 = arith.index_cast %parallel_loop3A_319 : i32 to index
      %parallel_loop3A_321 = arith.index_cast %parallel_loop3A_300 : i32 to index
      %parallel_loop3A_322 = tpu.vector_load %arg13[%parallel_loop3A_320, %parallel_loop3A_321] {strides = array<i32>} : memref<8x6144xf32, #tpu.memory_space<vmem>>, vector<16xf32>,
      tpu.vector_store_idx %arg19[%parallel_loop3A_302], %parallel_loop3A_322 {add = true} : memref<512xf32, #tpu.memory_space<vmem>>[vector<16xi32>], vector<16xf32>,
      %parallel_loop3A_323 = arith.constant 5 : i32
      %parallel_loop3A_324 = arith.index_cast %parallel_loop3A_323 : i32 to index
      %parallel_loop3A_325 = arith.index_cast %parallel_loop3A_300 : i32 to index
      %parallel_loop3A_326 = tpu.vector_load %arg13[%parallel_loop3A_324, %parallel_loop3A_325] {strides = array<i32>} : memref<8x6144xf32, #tpu.memory_space<vmem>>, vector<16xf32>,
      tpu.vector_store_idx %arg20[%parallel_loop3A_302], %parallel_loop3A_326 {add = true} : memref<512xf32, #tpu.memory_space<vmem>>[vector<16xi32>], vector<16xf32>,
      %parallel_loop3A_327 = arith.constant 6 : i32
      %parallel_loop3A_328 = arith.index_cast %parallel_loop3A_327 : i32 to index
      %parallel_loop3A_329 = arith.index_cast %parallel_loop3A_300 : i32 to index
      %parallel_loop3A_330 = tpu.vector_load %arg13[%parallel_loop3A_328, %parallel_loop3A_329] {strides = array<i32>} : memref<8x6144xf32, #tpu.memory_space<vmem>>, vector<16xf32>,
      tpu.vector_store_idx %arg21[%parallel_loop3A_302], %parallel_loop3A_330 {add = true} : memref<512xf32, #tpu.memory_space<vmem>>[vector<16xi32>], vector<16xf32>,
      %parallel_loop3A_331 = arith.constant 7 : i32
      %parallel_loop3A_332 = arith.index_cast %parallel_loop3A_331 : i32 to index
      %parallel_loop3A_333 = arith.index_cast %parallel_loop3A_300 : i32 to index
      %parallel_loop3A_334 = tpu.vector_load %arg13[%parallel_loop3A_332, %parallel_loop3A_333] {strides = array<i32>} : memref<8x6144xf32, #tpu.memory_space<vmem>>, vector<16xf32>,
      tpu.vector_store_idx %arg22[%parallel_loop3A_302], %parallel_loop3A_334 {add = true} : memref<512xf32, #tpu.memory_space<vmem>>[vector<16xi32>], vector<16xf32>,
    } {sc.loop_unroll_factor = 4 : i64, sc.parallel_access}
    %add3A_93 = arith.constant 12288 : i32
    %add3A_94 = arith.addi %mul3A_9, %add3A_93 : i32
    %dma_start3A_95 = arith.constant 0 : i32
    %dma_start3A_96 = tpu.memref_slice %arg11[%dma_start3A_95] : memref<6144xi32, #tpu.memory_space<vmem>> -> memref<6144xi32, #tpu.memory_space<vmem>>
    %dma_start3A_97 = tpu.memref_slice %arg2[%add3A_94] : memref<1000000xi32, #tpu.memory_space<hbm>> -> memref<6144xi32, #tpu.memory_space<hbm>>
    %dma_start3A_98 = arith.constant 0 : i32
    %dma_start3A_99 = tpu.memref_slice %arg11[%dma_start3A_98] : memref<6144xi32, #tpu.memory_space<vmem>> -> memref<6144xi32, #tpu.memory_space<vmem>>
    %dma_start3A_100 = tpu.memref_slice %arg2[%add3A_94] : memref<1000000xi32, #tpu.memory_space<hbm>> -> memref<6144xi32, #tpu.memory_space<hbm>>
    tpu.enqueue_dma source(%dma_start3A_100 : memref<6144xi32, #tpu.memory_space<hbm>>) target(%dma_start3A_99 : memref<6144xi32, #tpu.memory_space<vmem>>) target_semaphore(%arg30 : memref<!tpu.dma_semaphore, #tpu.memory_space<semaphore_mem>>)
    %dma_start3A_101 = arith.constant 0 : i32
    %dma_start3A_102 = arith.constant 0 : i32
    %dma_start3A_103 = tpu.memref_slice %arg13[%dma_start3A_101, %dma_start3A_102] : memref<8x6144xf32, #tpu.memory_space<vmem>> -> memref<8x6144xf32, #tpu.memory_space<vmem>>
    %dma_start3A_104 = arith.constant 0 : i32
    %dma_start3A_105 = tpu.memref_slice %arg3[%dma_start3A_104, %add3A_94] : memref<8x1000000xf32, #tpu.memory_space<hbm>> -> memref<8x6144xf32, #tpu.memory_space<hbm>>
    %dma_start3A_106 = arith.constant 0 : i32
    %dma_start3A_107 = arith.constant 0 : i32
    %dma_start3A_108 = tpu.memref_slice %arg13[%dma_start3A_106, %dma_start3A_107] : memref<8x6144xf32, #tpu.memory_space<vmem>> -> memref<8x6144xf32, #tpu.memory_space<vmem>>
    %dma_start3A_109 = arith.constant 0 : i32
    %dma_start3A_110 = tpu.memref_slice %arg3[%dma_start3A_109, %add3A_94] : memref<8x1000000xf32, #tpu.memory_space<hbm>> -> memref<8x6144xf32, #tpu.memory_space<hbm>>
    tpu.enqueue_dma source(%dma_start3A_110 : memref<8x6144xf32, #tpu.memory_space<hbm>>) target(%dma_start3A_108 : memref<8x6144xf32, #tpu.memory_space<vmem>>) target_semaphore(%arg32 : memref<!tpu.dma_semaphore, #tpu.memory_space<semaphore_mem>>)
    %dma_wait3A_111 = arith.constant 0 : i32
    %dma_wait3A_112 = tpu.memref_slice %arg12[%dma_wait3A_111] : memref<6144xi32, #tpu.memory_space<vmem>> -> memref<6144xi32, #tpu.memory_space<vmem>>
    %dma_wait3A_113 = tpu.memref_slice %arg2[%add3A_59] : memref<1000000xi32, #tpu.memory_space<hbm>> -> memref<6144xi32, #tpu.memory_space<hbm>>
    %dma_wait3A_114 = arith.constant 0 : i32
    %dma_wait3A_115 = tpu.memref_slice %arg12[%dma_wait3A_114] : memref<6144xi32, #tpu.memory_space<vmem>> -> memref<6144xi32, #tpu.memory_space<vmem>>
    %dma_wait3A_116 = tpu.memref_slice %arg2[%add3A_59] : memref<1000000xi32, #tpu.memory_space<hbm>> -> memref<6144xi32, #tpu.memory_space<hbm>>
    tpu.wait_dma2 semaphore(%arg31 : memref<!tpu.dma_semaphore, #tpu.memory_space<semaphore_mem>>) src(%dma_wait3A_116 : memref<6144xi32, #tpu.memory_space<hbm>>) dst(%dma_wait3A_115 : memref<6144xi32, #tpu.memory_space<vmem>>)
    %dma_wait3A_117 = arith.constant 0 : i32
    %dma_wait3A_118 = arith.constant 0 : i32
    %dma_wait3A_119 = tpu.memref_slice %arg14[%dma_wait3A_117, %dma_wait3A_118] : memref<8x6144xf32, #tpu.memory_space<vmem>> -> memref<8x6144xf32, #tpu.memory_space<vmem>>
    %dma_wait3A_120 = arith.constant 0 : i32
    %dma_wait3A_121 = tpu.memref_slice %arg3[%dma_wait3A_120, %add3A_59] : memref<8x1000000xf32, #tpu.memory_space<hbm>> -> memref<8x6144xf32, #tpu.memory_space<hbm>>
    %dma_wait3A_122 = arith.constant 0 : i32
    %dma_wait3A_123 = arith.constant 0 : i32
    %dma_wait3A_124 = tpu.memref_slice %arg14[%dma_wait3A_122, %dma_wait3A_123] : memref<8x6144xf32, #tpu.memory_space<vmem>> -> memref<8x6144xf32, #tpu.memory_space<vmem>>
    %dma_wait3A_125 = arith.constant 0 : i32
    %dma_wait3A_126 = tpu.memref_slice %arg3[%dma_wait3A_125, %add3A_59] : memref<8x1000000xf32, #tpu.memory_space<hbm>> -> memref<8x6144xf32, #tpu.memory_space<hbm>>
    tpu.wait_dma2 semaphore(%arg33 : memref<!tpu.dma_semaphore, #tpu.memory_space<semaphore_mem>>) src(%dma_wait3A_126 : memref<8x6144xf32, #tpu.memory_space<hbm>>) dst(%dma_wait3A_124 : memref<8x6144xf32, #tpu.memory_space<vmem>>)
    %parallel_loop3A_127 = arith.constant 0 : i32
    %parallel_loop3A_128 = arith.constant 6144 : i32
    %parallel_loop3A_129 = arith.constant 16 : i32
    scf.for %parallel_loop3A_300 = %parallel_loop3A_127 to %parallel_loop3A_128 step %parallel_loop3A_129  : i32 {
      %parallel_loop3A_301 = arith.index_cast %parallel_loop3A_300 : i32 to index
      %parallel_loop3A_302 = tpu.vector_load %arg12[%parallel_loop3A_301] {strides = array<i32>} : memref<6144xi32, #tpu.memory_space<vmem>>, vector<16xi32>,
      tpu.vector_store_idx %arg23[%parallel_loop3A_302], %broadcast_in_dim3A_5 {add = true} : memref<512xi32, #tpu.memory_space<vmem>>[vector<16xi32>], vector<16xi32>,
      %parallel_loop3A_303 = arith.constant 0 : i32
      %parallel_loop3A_304 = arith.index_cast %parallel_loop3A_303 : i32 to index
      %parallel_loop3A_305 = arith.index_cast %parallel_loop3A_300 : i32 to index
      %parallel_loop3A_306 = tpu.vector_load %arg14[%parallel_loop3A_304, %parallel_loop3A_305] {strides = array<i32>} : memref<8x6144xf32, #tpu.memory_space<vmem>>, vector<16xf32>,
      tpu.vector_store_idx %arg15[%parallel_loop3A_302], %parallel_loop3A_306 {add = true} : memref<512xf32, #tpu.memory_space<vmem>>[vector<16xi32>], vector<16xf32>,
      %parallel_loop3A_307 = arith.constant 1 : i32
      %parallel_loop3A_308 = arith.index_cast %parallel_loop3A_307 : i32 to index
      %parallel_loop3A_309 = arith.index_cast %parallel_loop3A_300 : i32 to index
      %parallel_loop3A_310 = tpu.vector_load %arg14[%parallel_loop3A_308, %parallel_loop3A_309] {strides = array<i32>} : memref<8x6144xf32, #tpu.memory_space<vmem>>, vector<16xf32>,
      tpu.vector_store_idx %arg16[%parallel_loop3A_302], %parallel_loop3A_310 {add = true} : memref<512xf32, #tpu.memory_space<vmem>>[vector<16xi32>], vector<16xf32>,
      %parallel_loop3A_311 = arith.constant 2 : i32
      %parallel_loop3A_312 = arith.index_cast %parallel_loop3A_311 : i32 to index
      %parallel_loop3A_313 = arith.index_cast %parallel_loop3A_300 : i32 to index
      %parallel_loop3A_314 = tpu.vector_load %arg14[%parallel_loop3A_312, %parallel_loop3A_313] {strides = array<i32>} : memref<8x6144xf32, #tpu.memory_space<vmem>>, vector<16xf32>,
      tpu.vector_store_idx %arg17[%parallel_loop3A_302], %parallel_loop3A_314 {add = true} : memref<512xf32, #tpu.memory_space<vmem>>[vector<16xi32>], vector<16xf32>,
      %parallel_loop3A_315 = arith.constant 3 : i32
      %parallel_loop3A_316 = arith.index_cast %parallel_loop3A_315 : i32 to index
      %parallel_loop3A_317 = arith.index_cast %parallel_loop3A_300 : i32 to index
      %parallel_loop3A_318 = tpu.vector_load %arg14[%parallel_loop3A_316, %parallel_loop3A_317] {strides = array<i32>} : memref<8x6144xf32, #tpu.memory_space<vmem>>, vector<16xf32>,
      tpu.vector_store_idx %arg18[%parallel_loop3A_302], %parallel_loop3A_318 {add = true} : memref<512xf32, #tpu.memory_space<vmem>>[vector<16xi32>], vector<16xf32>,
      %parallel_loop3A_319 = arith.constant 4 : i32
      %parallel_loop3A_320 = arith.index_cast %parallel_loop3A_319 : i32 to index
      %parallel_loop3A_321 = arith.index_cast %parallel_loop3A_300 : i32 to index
      %parallel_loop3A_322 = tpu.vector_load %arg14[%parallel_loop3A_320, %parallel_loop3A_321] {strides = array<i32>} : memref<8x6144xf32, #tpu.memory_space<vmem>>, vector<16xf32>,
      tpu.vector_store_idx %arg19[%parallel_loop3A_302], %parallel_loop3A_322 {add = true} : memref<512xf32, #tpu.memory_space<vmem>>[vector<16xi32>], vector<16xf32>,
      %parallel_loop3A_323 = arith.constant 5 : i32
      %parallel_loop3A_324 = arith.index_cast %parallel_loop3A_323 : i32 to index
      %parallel_loop3A_325 = arith.index_cast %parallel_loop3A_300 : i32 to index
      %parallel_loop3A_326 = tpu.vector_load %arg14[%parallel_loop3A_324, %parallel_loop3A_325] {strides = array<i32>} : memref<8x6144xf32, #tpu.memory_space<vmem>>, vector<16xf32>,
      tpu.vector_store_idx %arg20[%parallel_loop3A_302], %parallel_loop3A_326 {add = true} : memref<512xf32, #tpu.memory_space<vmem>>[vector<16xi32>], vector<16xf32>,
      %parallel_loop3A_327 = arith.constant 6 : i32
      %parallel_loop3A_328 = arith.index_cast %parallel_loop3A_327 : i32 to index
      %parallel_loop3A_329 = arith.index_cast %parallel_loop3A_300 : i32 to index
      %parallel_loop3A_330 = tpu.vector_load %arg14[%parallel_loop3A_328, %parallel_loop3A_329] {strides = array<i32>} : memref<8x6144xf32, #tpu.memory_space<vmem>>, vector<16xf32>,
      tpu.vector_store_idx %arg21[%parallel_loop3A_302], %parallel_loop3A_330 {add = true} : memref<512xf32, #tpu.memory_space<vmem>>[vector<16xi32>], vector<16xf32>,
      %parallel_loop3A_331 = arith.constant 7 : i32
      %parallel_loop3A_332 = arith.index_cast %parallel_loop3A_331 : i32 to index
      %parallel_loop3A_333 = arith.index_cast %parallel_loop3A_300 : i32 to index
      %parallel_loop3A_334 = tpu.vector_load %arg14[%parallel_loop3A_332, %parallel_loop3A_333] {strides = array<i32>} : memref<8x6144xf32, #tpu.memory_space<vmem>>, vector<16xf32>,
      tpu.vector_store_idx %arg22[%parallel_loop3A_302], %parallel_loop3A_334 {add = true} : memref<512xf32, #tpu.memory_space<vmem>>[vector<16xi32>], vector<16xf32>,
    } {sc.loop_unroll_factor = 4 : i64, sc.parallel_access}
    %add3A_130 = arith.constant 18432 : i32
    %add3A_131 = arith.addi %mul3A_9, %add3A_130 : i32
    %dma_start3A_132 = arith.constant 0 : i32
    %dma_start3A_133 = tpu.memref_slice %arg12[%dma_start3A_132] : memref<6144xi32, #tpu.memory_space<vmem>> -> memref<6144xi32, #tpu.memory_space<vmem>>
    %dma_start3A_134 = tpu.memref_slice %arg2[%add3A_131] : memref<1000000xi32, #tpu.memory_space<hbm>> -> memref<6144xi32, #tpu.memory_space<hbm>>
    %dma_start3A_135 = arith.constant 0 : i32
    %dma_start3A_136 = tpu.memref_slice %arg12[%dma_start3A_135] : memref<6144xi32, #tpu.memory_space<vmem>> -> memref<6144xi32, #tpu.memory_space<vmem>>
    %dma_start3A_137 = tpu.memref_slice %arg2[%add3A_131] : memref<1000000xi32, #tpu.memory_space<hbm>> -> memref<6144xi32, #tpu.memory_space<hbm>>
    tpu.enqueue_dma source(%dma_start3A_137 : memref<6144xi32, #tpu.memory_space<hbm>>) target(%dma_start3A_136 : memref<6144xi32, #tpu.memory_space<vmem>>) target_semaphore(%arg31 : memref<!tpu.dma_semaphore, #tpu.memory_space<semaphore_mem>>)
    %dma_start3A_138 = arith.constant 0 : i32
    %dma_start3A_139 = arith.constant 0 : i32
    %dma_start3A_140 = tpu.memref_slice %arg14[%dma_start3A_138, %dma_start3A_139] : memref<8x6144xf32, #tpu.memory_space<vmem>> -> memref<8x6144xf32, #tpu.memory_space<vmem>>
    %dma_start3A_141 = arith.constant 0 : i32
    %dma_start3A_142 = tpu.memref_slice %arg3[%dma_start3A_141, %add3A_131] : memref<8x1000000xf32, #tpu.memory_space<hbm>> -> memref<8x6144xf32, #tpu.memory_space<hbm>>
    %dma_start3A_143 = arith.constant 0 : i32
    %dma_start3A_144 = arith.constant 0 : i32
    %dma_start3A_145 = tpu.memref_slice %arg14[%dma_start3A_143, %dma_start3A_144] : memref<8x6144xf32, #tpu.memory_space<vmem>> -> memref<8x6144xf32, #tpu.memory_space<vmem>>
    %dma_start3A_146 = arith.constant 0 : i32
    %dma_start3A_147 = tpu.memref_slice %arg3[%dma_start3A_146, %add3A_131] : memref<8x1000000xf32, #tpu.memory_space<hbm>> -> memref<8x6144xf32, #tpu.memory_space<hbm>>
    tpu.enqueue_dma source(%dma_start3A_147 : memref<8x6144xf32, #tpu.memory_space<hbm>>) target(%dma_start3A_145 : memref<8x6144xf32, #tpu.memory_space<vmem>>) target_semaphore(%arg33 : memref<!tpu.dma_semaphore, #tpu.memory_space<semaphore_mem>>)
    %dma_wait3A_148 = arith.constant 0 : i32
    %dma_wait3A_149 = tpu.memref_slice %arg11[%dma_wait3A_148] : memref<6144xi32, #tpu.memory_space<vmem>> -> memref<6144xi32, #tpu.memory_space<vmem>>
    %dma_wait3A_150 = tpu.memref_slice %arg2[%add3A_94] : memref<1000000xi32, #tpu.memory_space<hbm>> -> memref<6144xi32, #tpu.memory_space<hbm>>
    %dma_wait3A_151 = arith.constant 0 : i32
    %dma_wait3A_152 = tpu.memref_slice %arg11[%dma_wait3A_151] : memref<6144xi32, #tpu.memory_space<vmem>> -> memref<6144xi32, #tpu.memory_space<vmem>>
    %dma_wait3A_153 = tpu.memref_slice %arg2[%add3A_94] : memref<1000000xi32, #tpu.memory_space<hbm>> -> memref<6144xi32, #tpu.memory_space<hbm>>
    tpu.wait_dma2 semaphore(%arg30 : memref<!tpu.dma_semaphore, #tpu.memory_space<semaphore_mem>>) src(%dma_wait3A_153 : memref<6144xi32, #tpu.memory_space<hbm>>) dst(%dma_wait3A_152 : memref<6144xi32, #tpu.memory_space<vmem>>)
    %dma_wait3A_154 = arith.constant 0 : i32
    %dma_wait3A_155 = arith.constant 0 : i32
    %dma_wait3A_156 = tpu.memref_slice %arg13[%dma_wait3A_154, %dma_wait3A_155] : memref<8x6144xf32, #tpu.memory_space<vmem>> -> memref<8x6144xf32, #tpu.memory_space<vmem>>
    %dma_wait3A_157 = arith.constant 0 : i32
    %dma_wait3A_158 = tpu.memref_slice %arg3[%dma_wait3A_157, %add3A_94] : memref<8x1000000xf32, #tpu.memory_space<hbm>> -> memref<8x6144xf32, #tpu.memory_space<hbm>>
    %dma_wait3A_159 = arith.constant 0 : i32
    %dma_wait3A_160 = arith.constant 0 : i32
    %dma_wait3A_161 = tpu.memref_slice %arg13[%dma_wait3A_159, %dma_wait3A_160] : memref<8x6144xf32, #tpu.memory_space<vmem>> -> memref<8x6144xf32, #tpu.memory_space<vmem>>
    %dma_wait3A_162 = arith.constant 0 : i32
    %dma_wait3A_163 = tpu.memref_slice %arg3[%dma_wait3A_162, %add3A_94] : memref<8x1000000xf32, #tpu.memory_space<hbm>> -> memref<8x6144xf32, #tpu.memory_space<hbm>>
    tpu.wait_dma2 semaphore(%arg32 : memref<!tpu.dma_semaphore, #tpu.memory_space<semaphore_mem>>) src(%dma_wait3A_163 : memref<8x6144xf32, #tpu.memory_space<hbm>>) dst(%dma_wait3A_161 : memref<8x6144xf32, #tpu.memory_space<vmem>>)
    %parallel_loop3A_164 = arith.constant 0 : i32
    %parallel_loop3A_165 = arith.constant 6144 : i32
    %parallel_loop3A_166 = arith.constant 16 : i32
    scf.for %parallel_loop3A_300 = %parallel_loop3A_164 to %parallel_loop3A_165 step %parallel_loop3A_166  : i32 {
      %parallel_loop3A_301 = arith.index_cast %parallel_loop3A_300 : i32 to index
      %parallel_loop3A_302 = tpu.vector_load %arg11[%parallel_loop3A_301] {strides = array<i32>} : memref<6144xi32, #tpu.memory_space<vmem>>, vector<16xi32>,
      tpu.vector_store_idx %arg23[%parallel_loop3A_302], %broadcast_in_dim3A_5 {add = true} : memref<512xi32, #tpu.memory_space<vmem>>[vector<16xi32>], vector<16xi32>,
      %parallel_loop3A_303 = arith.constant 0 : i32
      %parallel_loop3A_304 = arith.index_cast %parallel_loop3A_303 : i32 to index
      %parallel_loop3A_305 = arith.index_cast %parallel_loop3A_300 : i32 to index
      %parallel_loop3A_306 = tpu.vector_load %arg13[%parallel_loop3A_304, %parallel_loop3A_305] {strides = array<i32>} : memref<8x6144xf32, #tpu.memory_space<vmem>>, vector<16xf32>,
      tpu.vector_store_idx %arg15[%parallel_loop3A_302], %parallel_loop3A_306 {add = true} : memref<512xf32, #tpu.memory_space<vmem>>[vector<16xi32>], vector<16xf32>,
      %parallel_loop3A_307 = arith.constant 1 : i32
      %parallel_loop3A_308 = arith.index_cast %parallel_loop3A_307 : i32 to index
      %parallel_loop3A_309 = arith.index_cast %parallel_loop3A_300 : i32 to index
      %parallel_loop3A_310 = tpu.vector_load %arg13[%parallel_loop3A_308, %parallel_loop3A_309] {strides = array<i32>} : memref<8x6144xf32, #tpu.memory_space<vmem>>, vector<16xf32>,
      tpu.vector_store_idx %arg16[%parallel_loop3A_302], %parallel_loop3A_310 {add = true} : memref<512xf32, #tpu.memory_space<vmem>>[vector<16xi32>], vector<16xf32>,
      %parallel_loop3A_311 = arith.constant 2 : i32
      %parallel_loop3A_312 = arith.index_cast %parallel_loop3A_311 : i32 to index
      %parallel_loop3A_313 = arith.index_cast %parallel_loop3A_300 : i32 to index
      %parallel_loop3A_314 = tpu.vector_load %arg13[%parallel_loop3A_312, %parallel_loop3A_313] {strides = array<i32>} : memref<8x6144xf32, #tpu.memory_space<vmem>>, vector<16xf32>,
      tpu.vector_store_idx %arg17[%parallel_loop3A_302], %parallel_loop3A_314 {add = true} : memref<512xf32, #tpu.memory_space<vmem>>[vector<16xi32>], vector<16xf32>,
      %parallel_loop3A_315 = arith.constant 3 : i32
      %parallel_loop3A_316 = arith.index_cast %parallel_loop3A_315 : i32 to index
      %parallel_loop3A_317 = arith.index_cast %parallel_loop3A_300 : i32 to index
      %parallel_loop3A_318 = tpu.vector_load %arg13[%parallel_loop3A_316, %parallel_loop3A_317] {strides = array<i32>} : memref<8x6144xf32, #tpu.memory_space<vmem>>, vector<16xf32>,
      tpu.vector_store_idx %arg18[%parallel_loop3A_302], %parallel_loop3A_318 {add = true} : memref<512xf32, #tpu.memory_space<vmem>>[vector<16xi32>], vector<16xf32>,
      %parallel_loop3A_319 = arith.constant 4 : i32
      %parallel_loop3A_320 = arith.index_cast %parallel_loop3A_319 : i32 to index
      %parallel_loop3A_321 = arith.index_cast %parallel_loop3A_300 : i32 to index
      %parallel_loop3A_322 = tpu.vector_load %arg13[%parallel_loop3A_320, %parallel_loop3A_321] {strides = array<i32>} : memref<8x6144xf32, #tpu.memory_space<vmem>>, vector<16xf32>,
      tpu.vector_store_idx %arg19[%parallel_loop3A_302], %parallel_loop3A_322 {add = true} : memref<512xf32, #tpu.memory_space<vmem>>[vector<16xi32>], vector<16xf32>,
      %parallel_loop3A_323 = arith.constant 5 : i32
      %parallel_loop3A_324 = arith.index_cast %parallel_loop3A_323 : i32 to index
      %parallel_loop3A_325 = arith.index_cast %parallel_loop3A_300 : i32 to index
      %parallel_loop3A_326 = tpu.vector_load %arg13[%parallel_loop3A_324, %parallel_loop3A_325] {strides = array<i32>} : memref<8x6144xf32, #tpu.memory_space<vmem>>, vector<16xf32>,
      tpu.vector_store_idx %arg20[%parallel_loop3A_302], %parallel_loop3A_326 {add = true} : memref<512xf32, #tpu.memory_space<vmem>>[vector<16xi32>], vector<16xf32>,
      %parallel_loop3A_327 = arith.constant 6 : i32
      %parallel_loop3A_328 = arith.index_cast %parallel_loop3A_327 : i32 to index
      %parallel_loop3A_329 = arith.index_cast %parallel_loop3A_300 : i32 to index
      %parallel_loop3A_330 = tpu.vector_load %arg13[%parallel_loop3A_328, %parallel_loop3A_329] {strides = array<i32>} : memref<8x6144xf32, #tpu.memory_space<vmem>>, vector<16xf32>,
      tpu.vector_store_idx %arg21[%parallel_loop3A_302], %parallel_loop3A_330 {add = true} : memref<512xf32, #tpu.memory_space<vmem>>[vector<16xi32>], vector<16xf32>,
      %parallel_loop3A_331 = arith.constant 7 : i32
      %parallel_loop3A_332 = arith.index_cast %parallel_loop3A_331 : i32 to index
      %parallel_loop3A_333 = arith.index_cast %parallel_loop3A_300 : i32 to index
      %parallel_loop3A_334 = tpu.vector_load %arg13[%parallel_loop3A_332, %parallel_loop3A_333] {strides = array<i32>} : memref<8x6144xf32, #tpu.memory_space<vmem>>, vector<16xf32>,
      tpu.vector_store_idx %arg22[%parallel_loop3A_302], %parallel_loop3A_334 {add = true} : memref<512xf32, #tpu.memory_space<vmem>>[vector<16xi32>], vector<16xf32>,
    } {sc.loop_unroll_factor = 4 : i64, sc.parallel_access}
    %add3A_167 = arith.constant 24576 : i32
    %add3A_168 = arith.addi %mul3A_9, %add3A_167 : i32
    %dma_start3A_169 = arith.constant 0 : i32
    %dma_start3A_170 = tpu.memref_slice %arg11[%dma_start3A_169] : memref<6144xi32, #tpu.memory_space<vmem>> -> memref<6144xi32, #tpu.memory_space<vmem>>
    %dma_start3A_171 = tpu.memref_slice %arg2[%add3A_168] : memref<1000000xi32, #tpu.memory_space<hbm>> -> memref<6144xi32, #tpu.memory_space<hbm>>
    %dma_start3A_172 = arith.constant 0 : i32
    %dma_start3A_173 = tpu.memref_slice %arg11[%dma_start3A_172] : memref<6144xi32, #tpu.memory_space<vmem>> -> memref<6144xi32, #tpu.memory_space<vmem>>
    %dma_start3A_174 = tpu.memref_slice %arg2[%add3A_168] : memref<1000000xi32, #tpu.memory_space<hbm>> -> memref<6144xi32, #tpu.memory_space<hbm>>
    tpu.enqueue_dma source(%dma_start3A_174 : memref<6144xi32, #tpu.memory_space<hbm>>) target(%dma_start3A_173 : memref<6144xi32, #tpu.memory_space<vmem>>) target_semaphore(%arg30 : memref<!tpu.dma_semaphore, #tpu.memory_space<semaphore_mem>>)
    %dma_start3A_175 = arith.constant 0 : i32
    %dma_start3A_176 = arith.constant 0 : i32
    %dma_start3A_177 = tpu.memref_slice %arg13[%dma_start3A_175, %dma_start3A_176] : memref<8x6144xf32, #tpu.memory_space<vmem>> -> memref<8x6144xf32, #tpu.memory_space<vmem>>
    %dma_start3A_178 = arith.constant 0 : i32
    %dma_start3A_179 = tpu.memref_slice %arg3[%dma_start3A_178, %add3A_168] : memref<8x1000000xf32, #tpu.memory_space<hbm>> -> memref<8x6144xf32, #tpu.memory_space<hbm>>
    %dma_start3A_180 = arith.constant 0 : i32
    %dma_start3A_181 = arith.constant 0 : i32
    %dma_start3A_182 = tpu.memref_slice %arg13[%dma_start3A_180, %dma_start3A_181] : memref<8x6144xf32, #tpu.memory_space<vmem>> -> memref<8x6144xf32, #tpu.memory_space<vmem>>
    %dma_start3A_183 = arith.constant 0 : i32
    %dma_start3A_184 = tpu.memref_slice %arg3[%dma_start3A_183, %add3A_168] : memref<8x1000000xf32, #tpu.memory_space<hbm>> -> memref<8x6144xf32, #tpu.memory_space<hbm>>
    tpu.enqueue_dma source(%dma_start3A_184 : memref<8x6144xf32, #tpu.memory_space<hbm>>) target(%dma_start3A_182 : memref<8x6144xf32, #tpu.memory_space<vmem>>) target_semaphore(%arg32 : memref<!tpu.dma_semaphore, #tpu.memory_space<semaphore_mem>>)
    %dma_wait3A_185 = arith.constant 0 : i32
    %dma_wait3A_186 = tpu.memref_slice %arg12[%dma_wait3A_185] : memref<6144xi32, #tpu.memory_space<vmem>> -> memref<6144xi32, #tpu.memory_space<vmem>>
    %dma_wait3A_187 = tpu.memref_slice %arg2[%add3A_131] : memref<1000000xi32, #tpu.memory_space<hbm>> -> memref<6144xi32, #tpu.memory_space<hbm>>
    %dma_wait3A_188 = arith.constant 0 : i32
    %dma_wait3A_189 = tpu.memref_slice %arg12[%dma_wait3A_188] : memref<6144xi32, #tpu.memory_space<vmem>> -> memref<6144xi32, #tpu.memory_space<vmem>>
    %dma_wait3A_190 = tpu.memref_slice %arg2[%add3A_131] : memref<1000000xi32, #tpu.memory_space<hbm>> -> memref<6144xi32, #tpu.memory_space<hbm>>
    tpu.wait_dma2 semaphore(%arg31 : memref<!tpu.dma_semaphore, #tpu.memory_space<semaphore_mem>>) src(%dma_wait3A_190 : memref<6144xi32, #tpu.memory_space<hbm>>) dst(%dma_wait3A_189 : memref<6144xi32, #tpu.memory_space<vmem>>)
    %dma_wait3A_191 = arith.constant 0 : i32
    %dma_wait3A_192 = arith.constant 0 : i32
    %dma_wait3A_193 = tpu.memref_slice %arg14[%dma_wait3A_191, %dma_wait3A_192] : memref<8x6144xf32, #tpu.memory_space<vmem>> -> memref<8x6144xf32, #tpu.memory_space<vmem>>
    %dma_wait3A_194 = arith.constant 0 : i32
    %dma_wait3A_195 = tpu.memref_slice %arg3[%dma_wait3A_194, %add3A_131] : memref<8x1000000xf32, #tpu.memory_space<hbm>> -> memref<8x6144xf32, #tpu.memory_space<hbm>>
    %dma_wait3A_196 = arith.constant 0 : i32
    %dma_wait3A_197 = arith.constant 0 : i32
    %dma_wait3A_198 = tpu.memref_slice %arg14[%dma_wait3A_196, %dma_wait3A_197] : memref<8x6144xf32, #tpu.memory_space<vmem>> -> memref<8x6144xf32, #tpu.memory_space<vmem>>
    %dma_wait3A_199 = arith.constant 0 : i32
    %dma_wait3A_200 = tpu.memref_slice %arg3[%dma_wait3A_199, %add3A_131] : memref<8x1000000xf32, #tpu.memory_space<hbm>> -> memref<8x6144xf32, #tpu.memory_space<hbm>>
    tpu.wait_dma2 semaphore(%arg33 : memref<!tpu.dma_semaphore, #tpu.memory_space<semaphore_mem>>) src(%dma_wait3A_200 : memref<8x6144xf32, #tpu.memory_space<hbm>>) dst(%dma_wait3A_198 : memref<8x6144xf32, #tpu.memory_space<vmem>>)
    %parallel_loop3A_201 = arith.constant 0 : i32
    %parallel_loop3A_202 = arith.constant 6144 : i32
    %parallel_loop3A_203 = arith.constant 16 : i32
    scf.for %parallel_loop3A_300 = %parallel_loop3A_201 to %parallel_loop3A_202 step %parallel_loop3A_203  : i32 {
      %parallel_loop3A_301 = arith.index_cast %parallel_loop3A_300 : i32 to index
      %parallel_loop3A_302 = tpu.vector_load %arg12[%parallel_loop3A_301] {strides = array<i32>} : memref<6144xi32, #tpu.memory_space<vmem>>, vector<16xi32>,
      tpu.vector_store_idx %arg23[%parallel_loop3A_302], %broadcast_in_dim3A_5 {add = true} : memref<512xi32, #tpu.memory_space<vmem>>[vector<16xi32>], vector<16xi32>,
      %parallel_loop3A_303 = arith.constant 0 : i32
      %parallel_loop3A_304 = arith.index_cast %parallel_loop3A_303 : i32 to index
      %parallel_loop3A_305 = arith.index_cast %parallel_loop3A_300 : i32 to index
      %parallel_loop3A_306 = tpu.vector_load %arg14[%parallel_loop3A_304, %parallel_loop3A_305] {strides = array<i32>} : memref<8x6144xf32, #tpu.memory_space<vmem>>, vector<16xf32>,
      tpu.vector_store_idx %arg15[%parallel_loop3A_302], %parallel_loop3A_306 {add = true} : memref<512xf32, #tpu.memory_space<vmem>>[vector<16xi32>], vector<16xf32>,
      %parallel_loop3A_307 = arith.constant 1 : i32
      %parallel_loop3A_308 = arith.index_cast %parallel_loop3A_307 : i32 to index
      %parallel_loop3A_309 = arith.index_cast %parallel_loop3A_300 : i32 to index
      %parallel_loop3A_310 = tpu.vector_load %arg14[%parallel_loop3A_308, %parallel_loop3A_309] {strides = array<i32>} : memref<8x6144xf32, #tpu.memory_space<vmem>>, vector<16xf32>,
      tpu.vector_store_idx %arg16[%parallel_loop3A_302], %parallel_loop3A_310 {add = true} : memref<512xf32, #tpu.memory_space<vmem>>[vector<16xi32>], vector<16xf32>,
      %parallel_loop3A_311 = arith.constant 2 : i32
      %parallel_loop3A_312 = arith.index_cast %parallel_loop3A_311 : i32 to index
      %parallel_loop3A_313 = arith.index_cast %parallel_loop3A_300 : i32 to index
      %parallel_loop3A_314 = tpu.vector_load %arg14[%parallel_loop3A_312, %parallel_loop3A_313] {strides = array<i32>} : memref<8x6144xf32, #tpu.memory_space<vmem>>, vector<16xf32>,
      tpu.vector_store_idx %arg17[%parallel_loop3A_302], %parallel_loop3A_314 {add = true} : memref<512xf32, #tpu.memory_space<vmem>>[vector<16xi32>], vector<16xf32>,
      %parallel_loop3A_315 = arith.constant 3 : i32
      %parallel_loop3A_316 = arith.index_cast %parallel_loop3A_315 : i32 to index
      %parallel_loop3A_317 = arith.index_cast %parallel_loop3A_300 : i32 to index
      %parallel_loop3A_318 = tpu.vector_load %arg14[%parallel_loop3A_316, %parallel_loop3A_317] {strides = array<i32>} : memref<8x6144xf32, #tpu.memory_space<vmem>>, vector<16xf32>,
      tpu.vector_store_idx %arg18[%parallel_loop3A_302], %parallel_loop3A_318 {add = true} : memref<512xf32, #tpu.memory_space<vmem>>[vector<16xi32>], vector<16xf32>,
      %parallel_loop3A_319 = arith.constant 4 : i32
      %parallel_loop3A_320 = arith.index_cast %parallel_loop3A_319 : i32 to index
      %parallel_loop3A_321 = arith.index_cast %parallel_loop3A_300 : i32 to index
      %parallel_loop3A_322 = tpu.vector_load %arg14[%parallel_loop3A_320, %parallel_loop3A_321] {strides = array<i32>} : memref<8x6144xf32, #tpu.memory_space<vmem>>, vector<16xf32>,
      tpu.vector_store_idx %arg19[%parallel_loop3A_302], %parallel_loop3A_322 {add = true} : memref<512xf32, #tpu.memory_space<vmem>>[vector<16xi32>], vector<16xf32>,
      %parallel_loop3A_323 = arith.constant 5 : i32
      %parallel_loop3A_324 = arith.index_cast %parallel_loop3A_323 : i32 to index
      %parallel_loop3A_325 = arith.index_cast %parallel_loop3A_300 : i32 to index
      %parallel_loop3A_326 = tpu.vector_load %arg14[%parallel_loop3A_324, %parallel_loop3A_325] {strides = array<i32>} : memref<8x6144xf32, #tpu.memory_space<vmem>>, vector<16xf32>,
      tpu.vector_store_idx %arg20[%parallel_loop3A_302], %parallel_loop3A_326 {add = true} : memref<512xf32, #tpu.memory_space<vmem>>[vector<16xi32>], vector<16xf32>,
      %parallel_loop3A_327 = arith.constant 6 : i32
      %parallel_loop3A_328 = arith.index_cast %parallel_loop3A_327 : i32 to index
      %parallel_loop3A_329 = arith.index_cast %parallel_loop3A_300 : i32 to index
      %parallel_loop3A_330 = tpu.vector_load %arg14[%parallel_loop3A_328, %parallel_loop3A_329] {strides = array<i32>} : memref<8x6144xf32, #tpu.memory_space<vmem>>, vector<16xf32>,
      tpu.vector_store_idx %arg21[%parallel_loop3A_302], %parallel_loop3A_330 {add = true} : memref<512xf32, #tpu.memory_space<vmem>>[vector<16xi32>], vector<16xf32>,
      %parallel_loop3A_331 = arith.constant 7 : i32
      %parallel_loop3A_332 = arith.index_cast %parallel_loop3A_331 : i32 to index
      %parallel_loop3A_333 = arith.index_cast %parallel_loop3A_300 : i32 to index
      %parallel_loop3A_334 = tpu.vector_load %arg14[%parallel_loop3A_332, %parallel_loop3A_333] {strides = array<i32>} : memref<8x6144xf32, #tpu.memory_space<vmem>>, vector<16xf32>,
      tpu.vector_store_idx %arg22[%parallel_loop3A_302], %parallel_loop3A_334 {add = true} : memref<512xf32, #tpu.memory_space<vmem>>[vector<16xi32>], vector<16xf32>,
    } {sc.loop_unroll_factor = 4 : i64, sc.parallel_access}
    %add3A_204 = arith.constant 30720 : i32
    %add3A_205 = arith.addi %mul3A_9, %add3A_204 : i32
    %dma_start3A_206 = arith.constant 0 : i32
    %dma_start3A_207 = tpu.memref_slice %arg12[%dma_start3A_206] : memref<6144xi32, #tpu.memory_space<vmem>> -> memref<512xi32, #tpu.memory_space<vmem>>
    %dma_start3A_208 = tpu.memref_slice %arg2[%add3A_205] : memref<1000000xi32, #tpu.memory_space<hbm>> -> memref<512xi32, #tpu.memory_space<hbm>>
    %dma_start3A_209 = arith.constant 0 : i32
    %dma_start3A_210 = tpu.memref_slice %arg12[%dma_start3A_209] : memref<6144xi32, #tpu.memory_space<vmem>> -> memref<512xi32, #tpu.memory_space<vmem>>
    %dma_start3A_211 = tpu.memref_slice %arg2[%add3A_205] : memref<1000000xi32, #tpu.memory_space<hbm>> -> memref<512xi32, #tpu.memory_space<hbm>>
    tpu.enqueue_dma source(%dma_start3A_211 : memref<512xi32, #tpu.memory_space<hbm>>) target(%dma_start3A_210 : memref<512xi32, #tpu.memory_space<vmem>>) target_semaphore(%arg31 : memref<!tpu.dma_semaphore, #tpu.memory_space<semaphore_mem>>)
    %dma_start3A_212 = arith.constant 0 : i32
    %dma_start3A_213 = arith.constant 0 : i32
    %dma_start3A_214 = tpu.memref_slice %arg14[%dma_start3A_212, %dma_start3A_213] : memref<8x6144xf32, #tpu.memory_space<vmem>> -> memref<8x512xf32, #tpu.memory_space<vmem>>
    %dma_start3A_215 = arith.constant 0 : i32
    %dma_start3A_216 = tpu.memref_slice %arg3[%dma_start3A_215, %add3A_205] : memref<8x1000000xf32, #tpu.memory_space<hbm>> -> memref<8x512xf32, #tpu.memory_space<hbm>>
    %dma_start3A_217 = arith.constant 0 : i32
    %dma_start3A_218 = arith.constant 0 : i32
    %dma_start3A_219 = tpu.memref_slice %arg14[%dma_start3A_217, %dma_start3A_218] : memref<8x6144xf32, #tpu.memory_space<vmem>> -> memref<8x512xf32, #tpu.memory_space<vmem>>
    %dma_start3A_220 = arith.constant 0 : i32
    %dma_start3A_221 = tpu.memref_slice %arg3[%dma_start3A_220, %add3A_205] : memref<8x1000000xf32, #tpu.memory_space<hbm>> -> memref<8x512xf32, #tpu.memory_space<hbm>>
    tpu.enqueue_dma source(%dma_start3A_221 : memref<8x512xf32, #tpu.memory_space<hbm>>) target(%dma_start3A_219 : memref<8x512xf32, #tpu.memory_space<vmem>>) target_semaphore(%arg33 : memref<!tpu.dma_semaphore, #tpu.memory_space<semaphore_mem>>)
    %dma_wait3A_222 = arith.constant 0 : i32
    %dma_wait3A_223 = tpu.memref_slice %arg11[%dma_wait3A_222] : memref<6144xi32, #tpu.memory_space<vmem>> -> memref<6144xi32, #tpu.memory_space<vmem>>
    %dma_wait3A_224 = tpu.memref_slice %arg2[%add3A_168] : memref<1000000xi32, #tpu.memory_space<hbm>> -> memref<6144xi32, #tpu.memory_space<hbm>>
    %dma_wait3A_225 = arith.constant 0 : i32
    %dma_wait3A_226 = tpu.memref_slice %arg11[%dma_wait3A_225] : memref<6144xi32, #tpu.memory_space<vmem>> -> memref<6144xi32, #tpu.memory_space<vmem>>
    %dma_wait3A_227 = tpu.memref_slice %arg2[%add3A_168] : memref<1000000xi32, #tpu.memory_space<hbm>> -> memref<6144xi32, #tpu.memory_space<hbm>>
    tpu.wait_dma2 semaphore(%arg30 : memref<!tpu.dma_semaphore, #tpu.memory_space<semaphore_mem>>) src(%dma_wait3A_227 : memref<6144xi32, #tpu.memory_space<hbm>>) dst(%dma_wait3A_226 : memref<6144xi32, #tpu.memory_space<vmem>>)
    %dma_wait3A_228 = arith.constant 0 : i32
    %dma_wait3A_229 = arith.constant 0 : i32
    %dma_wait3A_230 = tpu.memref_slice %arg13[%dma_wait3A_228, %dma_wait3A_229] : memref<8x6144xf32, #tpu.memory_space<vmem>> -> memref<8x6144xf32, #tpu.memory_space<vmem>>
    %dma_wait3A_231 = arith.constant 0 : i32
    %dma_wait3A_232 = tpu.memref_slice %arg3[%dma_wait3A_231, %add3A_168] : memref<8x1000000xf32, #tpu.memory_space<hbm>> -> memref<8x6144xf32, #tpu.memory_space<hbm>>
    %dma_wait3A_233 = arith.constant 0 : i32
    %dma_wait3A_234 = arith.constant 0 : i32
    %dma_wait3A_235 = tpu.memref_slice %arg13[%dma_wait3A_233, %dma_wait3A_234] : memref<8x6144xf32, #tpu.memory_space<vmem>> -> memref<8x6144xf32, #tpu.memory_space<vmem>>
    %dma_wait3A_236 = arith.constant 0 : i32
    %dma_wait3A_237 = tpu.memref_slice %arg3[%dma_wait3A_236, %add3A_168] : memref<8x1000000xf32, #tpu.memory_space<hbm>> -> memref<8x6144xf32, #tpu.memory_space<hbm>>
    tpu.wait_dma2 semaphore(%arg32 : memref<!tpu.dma_semaphore, #tpu.memory_space<semaphore_mem>>) src(%dma_wait3A_237 : memref<8x6144xf32, #tpu.memory_space<hbm>>) dst(%dma_wait3A_235 : memref<8x6144xf32, #tpu.memory_space<vmem>>)
    %parallel_loop3A_238 = arith.constant 0 : i32
    %parallel_loop3A_239 = arith.constant 6144 : i32
    %parallel_loop3A_240 = arith.constant 16 : i32
    scf.for %parallel_loop3A_300 = %parallel_loop3A_238 to %parallel_loop3A_239 step %parallel_loop3A_240  : i32 {
      %parallel_loop3A_301 = arith.index_cast %parallel_loop3A_300 : i32 to index
      %parallel_loop3A_302 = tpu.vector_load %arg11[%parallel_loop3A_301] {strides = array<i32>} : memref<6144xi32, #tpu.memory_space<vmem>>, vector<16xi32>,
      tpu.vector_store_idx %arg23[%parallel_loop3A_302], %broadcast_in_dim3A_5 {add = true} : memref<512xi32, #tpu.memory_space<vmem>>[vector<16xi32>], vector<16xi32>,
      %parallel_loop3A_303 = arith.constant 0 : i32
      %parallel_loop3A_304 = arith.index_cast %parallel_loop3A_303 : i32 to index
      %parallel_loop3A_305 = arith.index_cast %parallel_loop3A_300 : i32 to index
      %parallel_loop3A_306 = tpu.vector_load %arg13[%parallel_loop3A_304, %parallel_loop3A_305] {strides = array<i32>} : memref<8x6144xf32, #tpu.memory_space<vmem>>, vector<16xf32>,
      tpu.vector_store_idx %arg15[%parallel_loop3A_302], %parallel_loop3A_306 {add = true} : memref<512xf32, #tpu.memory_space<vmem>>[vector<16xi32>], vector<16xf32>,
      %parallel_loop3A_307 = arith.constant 1 : i32
      %parallel_loop3A_308 = arith.index_cast %parallel_loop3A_307 : i32 to index
      %parallel_loop3A_309 = arith.index_cast %parallel_loop3A_300 : i32 to index
      %parallel_loop3A_310 = tpu.vector_load %arg13[%parallel_loop3A_308, %parallel_loop3A_309] {strides = array<i32>} : memref<8x6144xf32, #tpu.memory_space<vmem>>, vector<16xf32>,
      tpu.vector_store_idx %arg16[%parallel_loop3A_302], %parallel_loop3A_310 {add = true} : memref<512xf32, #tpu.memory_space<vmem>>[vector<16xi32>], vector<16xf32>,
      %parallel_loop3A_311 = arith.constant 2 : i32
      %parallel_loop3A_312 = arith.index_cast %parallel_loop3A_311 : i32 to index
      %parallel_loop3A_313 = arith.index_cast %parallel_loop3A_300 : i32 to index
      %parallel_loop3A_314 = tpu.vector_load %arg13[%parallel_loop3A_312, %parallel_loop3A_313] {strides = array<i32>} : memref<8x6144xf32, #tpu.memory_space<vmem>>, vector<16xf32>,
      tpu.vector_store_idx %arg17[%parallel_loop3A_302], %parallel_loop3A_314 {add = true} : memref<512xf32, #tpu.memory_space<vmem>>[vector<16xi32>], vector<16xf32>,
      %parallel_loop3A_315 = arith.constant 3 : i32
      %parallel_loop3A_316 = arith.index_cast %parallel_loop3A_315 : i32 to index
      %parallel_loop3A_317 = arith.index_cast %parallel_loop3A_300 : i32 to index
      %parallel_loop3A_318 = tpu.vector_load %arg13[%parallel_loop3A_316, %parallel_loop3A_317] {strides = array<i32>} : memref<8x6144xf32, #tpu.memory_space<vmem>>, vector<16xf32>,
      tpu.vector_store_idx %arg18[%parallel_loop3A_302], %parallel_loop3A_318 {add = true} : memref<512xf32, #tpu.memory_space<vmem>>[vector<16xi32>], vector<16xf32>,
      %parallel_loop3A_319 = arith.constant 4 : i32
      %parallel_loop3A_320 = arith.index_cast %parallel_loop3A_319 : i32 to index
      %parallel_loop3A_321 = arith.index_cast %parallel_loop3A_300 : i32 to index
      %parallel_loop3A_322 = tpu.vector_load %arg13[%parallel_loop3A_320, %parallel_loop3A_321] {strides = array<i32>} : memref<8x6144xf32, #tpu.memory_space<vmem>>, vector<16xf32>,
      tpu.vector_store_idx %arg19[%parallel_loop3A_302], %parallel_loop3A_322 {add = true} : memref<512xf32, #tpu.memory_space<vmem>>[vector<16xi32>], vector<16xf32>,
      %parallel_loop3A_323 = arith.constant 5 : i32
      %parallel_loop3A_324 = arith.index_cast %parallel_loop3A_323 : i32 to index
      %parallel_loop3A_325 = arith.index_cast %parallel_loop3A_300 : i32 to index
      %parallel_loop3A_326 = tpu.vector_load %arg13[%parallel_loop3A_324, %parallel_loop3A_325] {strides = array<i32>} : memref<8x6144xf32, #tpu.memory_space<vmem>>, vector<16xf32>,
      tpu.vector_store_idx %arg20[%parallel_loop3A_302], %parallel_loop3A_326 {add = true} : memref<512xf32, #tpu.memory_space<vmem>>[vector<16xi32>], vector<16xf32>,
      %parallel_loop3A_327 = arith.constant 6 : i32
      %parallel_loop3A_328 = arith.index_cast %parallel_loop3A_327 : i32 to index
      %parallel_loop3A_329 = arith.index_cast %parallel_loop3A_300 : i32 to index
      %parallel_loop3A_330 = tpu.vector_load %arg13[%parallel_loop3A_328, %parallel_loop3A_329] {strides = array<i32>} : memref<8x6144xf32, #tpu.memory_space<vmem>>, vector<16xf32>,
      tpu.vector_store_idx %arg21[%parallel_loop3A_302], %parallel_loop3A_330 {add = true} : memref<512xf32, #tpu.memory_space<vmem>>[vector<16xi32>], vector<16xf32>,
      %parallel_loop3A_331 = arith.constant 7 : i32
      %parallel_loop3A_332 = arith.index_cast %parallel_loop3A_331 : i32 to index
      %parallel_loop3A_333 = arith.index_cast %parallel_loop3A_300 : i32 to index
      %parallel_loop3A_334 = tpu.vector_load %arg13[%parallel_loop3A_332, %parallel_loop3A_333] {strides = array<i32>} : memref<8x6144xf32, #tpu.memory_space<vmem>>, vector<16xf32>,
      tpu.vector_store_idx %arg22[%parallel_loop3A_302], %parallel_loop3A_334 {add = true} : memref<512xf32, #tpu.memory_space<vmem>>[vector<16xi32>], vector<16xf32>,
    } {sc.loop_unroll_factor = 4 : i64, sc.parallel_access}
    %dma_wait3A_241 = arith.constant 0 : i32
    %dma_wait3A_242 = tpu.memref_slice %arg12[%dma_wait3A_241] : memref<6144xi32, #tpu.memory_space<vmem>> -> memref<512xi32, #tpu.memory_space<vmem>>
    %dma_wait3A_243 = tpu.memref_slice %arg2[%add3A_205] : memref<1000000xi32, #tpu.memory_space<hbm>> -> memref<512xi32, #tpu.memory_space<hbm>>
    %dma_wait3A_244 = arith.constant 0 : i32
    %dma_wait3A_245 = tpu.memref_slice %arg12[%dma_wait3A_244] : memref<6144xi32, #tpu.memory_space<vmem>> -> memref<512xi32, #tpu.memory_space<vmem>>
    %dma_wait3A_246 = tpu.memref_slice %arg2[%add3A_205] : memref<1000000xi32, #tpu.memory_space<hbm>> -> memref<512xi32, #tpu.memory_space<hbm>>
    tpu.wait_dma2 semaphore(%arg31 : memref<!tpu.dma_semaphore, #tpu.memory_space<semaphore_mem>>) src(%dma_wait3A_246 : memref<512xi32, #tpu.memory_space<hbm>>) dst(%dma_wait3A_245 : memref<512xi32, #tpu.memory_space<vmem>>)
    %dma_wait3A_247 = arith.constant 0 : i32
    %dma_wait3A_248 = arith.constant 0 : i32
    %dma_wait3A_249 = tpu.memref_slice %arg14[%dma_wait3A_247, %dma_wait3A_248] : memref<8x6144xf32, #tpu.memory_space<vmem>> -> memref<8x512xf32, #tpu.memory_space<vmem>>
    %dma_wait3A_250 = arith.constant 0 : i32
    %dma_wait3A_251 = tpu.memref_slice %arg3[%dma_wait3A_250, %add3A_205] : memref<8x1000000xf32, #tpu.memory_space<hbm>> -> memref<8x512xf32, #tpu.memory_space<hbm>>
    %dma_wait3A_252 = arith.constant 0 : i32
    %dma_wait3A_253 = arith.constant 0 : i32
    %dma_wait3A_254 = tpu.memref_slice %arg14[%dma_wait3A_252, %dma_wait3A_253] : memref<8x6144xf32, #tpu.memory_space<vmem>> -> memref<8x512xf32, #tpu.memory_space<vmem>>
    %dma_wait3A_255 = arith.constant 0 : i32
    %dma_wait3A_256 = tpu.memref_slice %arg3[%dma_wait3A_255, %add3A_205] : memref<8x1000000xf32, #tpu.memory_space<hbm>> -> memref<8x512xf32, #tpu.memory_space<hbm>>
    tpu.wait_dma2 semaphore(%arg33 : memref<!tpu.dma_semaphore, #tpu.memory_space<semaphore_mem>>) src(%dma_wait3A_256 : memref<8x512xf32, #tpu.memory_space<hbm>>) dst(%dma_wait3A_254 : memref<8x512xf32, #tpu.memory_space<vmem>>)
    %parallel_loop3A_257 = arith.constant 0 : i32
    %parallel_loop3A_258 = arith.constant 512 : i32
    %parallel_loop3A_259 = arith.constant 16 : i32
    scf.for %parallel_loop3A_300 = %parallel_loop3A_257 to %parallel_loop3A_258 step %parallel_loop3A_259  : i32 {
      %parallel_loop3A_301 = arith.index_cast %parallel_loop3A_300 : i32 to index
      %parallel_loop3A_302 = tpu.vector_load %arg12[%parallel_loop3A_301] {strides = array<i32>} : memref<6144xi32, #tpu.memory_space<vmem>>, vector<16xi32>,
      tpu.vector_store_idx %arg23[%parallel_loop3A_302], %broadcast_in_dim3A_5 {add = true} : memref<512xi32, #tpu.memory_space<vmem>>[vector<16xi32>], vector<16xi32>,
      %parallel_loop3A_303 = arith.constant 0 : i32
      %parallel_loop3A_304 = arith.index_cast %parallel_loop3A_303 : i32 to index
      %parallel_loop3A_305 = arith.index_cast %parallel_loop3A_300 : i32 to index
      %parallel_loop3A_306 = tpu.vector_load %arg14[%parallel_loop3A_304, %parallel_loop3A_305] {strides = array<i32>} : memref<8x6144xf32, #tpu.memory_space<vmem>>, vector<16xf32>,
      tpu.vector_store_idx %arg15[%parallel_loop3A_302], %parallel_loop3A_306 {add = true} : memref<512xf32, #tpu.memory_space<vmem>>[vector<16xi32>], vector<16xf32>,
      %parallel_loop3A_307 = arith.constant 1 : i32
      %parallel_loop3A_308 = arith.index_cast %parallel_loop3A_307 : i32 to index
      %parallel_loop3A_309 = arith.index_cast %parallel_loop3A_300 : i32 to index
      %parallel_loop3A_310 = tpu.vector_load %arg14[%parallel_loop3A_308, %parallel_loop3A_309] {strides = array<i32>} : memref<8x6144xf32, #tpu.memory_space<vmem>>, vector<16xf32>,
      tpu.vector_store_idx %arg16[%parallel_loop3A_302], %parallel_loop3A_310 {add = true} : memref<512xf32, #tpu.memory_space<vmem>>[vector<16xi32>], vector<16xf32>,
      %parallel_loop3A_311 = arith.constant 2 : i32
      %parallel_loop3A_312 = arith.index_cast %parallel_loop3A_311 : i32 to index
      %parallel_loop3A_313 = arith.index_cast %parallel_loop3A_300 : i32 to index
      %parallel_loop3A_314 = tpu.vector_load %arg14[%parallel_loop3A_312, %parallel_loop3A_313] {strides = array<i32>} : memref<8x6144xf32, #tpu.memory_space<vmem>>, vector<16xf32>,
      tpu.vector_store_idx %arg17[%parallel_loop3A_302], %parallel_loop3A_314 {add = true} : memref<512xf32, #tpu.memory_space<vmem>>[vector<16xi32>], vector<16xf32>,
      %parallel_loop3A_315 = arith.constant 3 : i32
      %parallel_loop3A_316 = arith.index_cast %parallel_loop3A_315 : i32 to index
      %parallel_loop3A_317 = arith.index_cast %parallel_loop3A_300 : i32 to index
      %parallel_loop3A_318 = tpu.vector_load %arg14[%parallel_loop3A_316, %parallel_loop3A_317] {strides = array<i32>} : memref<8x6144xf32, #tpu.memory_space<vmem>>, vector<16xf32>,
      tpu.vector_store_idx %arg18[%parallel_loop3A_302], %parallel_loop3A_318 {add = true} : memref<512xf32, #tpu.memory_space<vmem>>[vector<16xi32>], vector<16xf32>,
      %parallel_loop3A_319 = arith.constant 4 : i32
      %parallel_loop3A_320 = arith.index_cast %parallel_loop3A_319 : i32 to index
      %parallel_loop3A_321 = arith.index_cast %parallel_loop3A_300 : i32 to index
      %parallel_loop3A_322 = tpu.vector_load %arg14[%parallel_loop3A_320, %parallel_loop3A_321] {strides = array<i32>} : memref<8x6144xf32, #tpu.memory_space<vmem>>, vector<16xf32>,
      tpu.vector_store_idx %arg19[%parallel_loop3A_302], %parallel_loop3A_322 {add = true} : memref<512xf32, #tpu.memory_space<vmem>>[vector<16xi32>], vector<16xf32>,
      %parallel_loop3A_323 = arith.constant 5 : i32
      %parallel_loop3A_324 = arith.index_cast %parallel_loop3A_323 : i32 to index
      %parallel_loop3A_325 = arith.index_cast %parallel_loop3A_300 : i32 to index
      %parallel_loop3A_326 = tpu.vector_load %arg14[%parallel_loop3A_324, %parallel_loop3A_325] {strides = array<i32>} : memref<8x6144xf32, #tpu.memory_space<vmem>>, vector<16xf32>,
      tpu.vector_store_idx %arg20[%parallel_loop3A_302], %parallel_loop3A_326 {add = true} : memref<512xf32, #tpu.memory_space<vmem>>[vector<16xi32>], vector<16xf32>,
      %parallel_loop3A_327 = arith.constant 6 : i32
      %parallel_loop3A_328 = arith.index_cast %parallel_loop3A_327 : i32 to index
      %parallel_loop3A_329 = arith.index_cast %parallel_loop3A_300 : i32 to index
      %parallel_loop3A_330 = tpu.vector_load %arg14[%parallel_loop3A_328, %parallel_loop3A_329] {strides = array<i32>} : memref<8x6144xf32, #tpu.memory_space<vmem>>, vector<16xf32>,
      tpu.vector_store_idx %arg21[%parallel_loop3A_302], %parallel_loop3A_330 {add = true} : memref<512xf32, #tpu.memory_space<vmem>>[vector<16xi32>], vector<16xf32>,
      %parallel_loop3A_331 = arith.constant 7 : i32
      %parallel_loop3A_332 = arith.index_cast %parallel_loop3A_331 : i32 to index
      %parallel_loop3A_333 = arith.index_cast %parallel_loop3A_300 : i32 to index
      %parallel_loop3A_334 = tpu.vector_load %arg14[%parallel_loop3A_332, %parallel_loop3A_333] {strides = array<i32>} : memref<8x6144xf32, #tpu.memory_space<vmem>>, vector<16xf32>,
      tpu.vector_store_idx %arg22[%parallel_loop3A_302], %parallel_loop3A_334 {add = true} : memref<512xf32, #tpu.memory_space<vmem>>[vector<16xi32>], vector<16xf32>,
    } {sc.loop_unroll_factor = 4 : i64, sc.parallel_access}
    %lt3A = arith.constant 4 : i32
    %lt3A_260 = arith.cmpi slt, %add3A, %lt3A : i32
    %convert_element_type3A = arith.extui %lt3A_260 : i1 to i32
    %cond3A = arith.constant 0 : i32
    %cond3A_261 = arith.cmpi ne, %convert_element_type3A, %cond3A : i32
    scf.if %cond3A_261 {
      %mul3A_300 = arith.constant 128 : i32
      %mul3A_301 = arith.muli %add3A, %mul3A_300 : i32
      %add3A_302 = arith.constant 999424 : i32
      %add3A_303 = arith.addi %add3A_302, %mul3A_301 : i32
      "tpu.region"() ({
        %run_scoped3A = tpu.sem_alloc : memref<!tpu.dma_semaphore, #tpu.memory_space<semaphore_mem>>
        %dma_start3A_307 = arith.constant 0 : i32
        %dma_start3A_308 = tpu.memref_slice %arg11[%dma_start3A_307] : memref<6144xi32, #tpu.memory_space<vmem>> -> memref<128xi32, #tpu.memory_space<vmem>>
        %dma_start3A_309 = tpu.memref_slice %arg2[%add3A_303] : memref<1000000xi32, #tpu.memory_space<hbm>> -> memref<128xi32, #tpu.memory_space<hbm>>
        %dma_start3A_310 = arith.constant 0 : i32
        %dma_start3A_311 = tpu.memref_slice %arg11[%dma_start3A_310] : memref<6144xi32, #tpu.memory_space<vmem>> -> memref<128xi32, #tpu.memory_space<vmem>>
        %dma_start3A_312 = tpu.memref_slice %arg2[%add3A_303] : memref<1000000xi32, #tpu.memory_space<hbm>> -> memref<128xi32, #tpu.memory_space<hbm>>
        tpu.enqueue_dma source(%dma_start3A_312 : memref<128xi32, #tpu.memory_space<hbm>>) target(%dma_start3A_311 : memref<128xi32, #tpu.memory_space<vmem>>) target_semaphore(%run_scoped3A : memref<!tpu.dma_semaphore, #tpu.memory_space<semaphore_mem>>)
        %dma_wait3A_313 = arith.constant 0 : i32
        %dma_wait3A_314 = tpu.memref_slice %arg11[%dma_wait3A_313] : memref<6144xi32, #tpu.memory_space<vmem>> -> memref<128xi32, #tpu.memory_space<vmem>>
        %dma_wait3A_315 = tpu.memref_slice %arg2[%add3A_303] : memref<1000000xi32, #tpu.memory_space<hbm>> -> memref<128xi32, #tpu.memory_space<hbm>>
        %dma_wait3A_316 = arith.constant 0 : i32
        %dma_wait3A_317 = tpu.memref_slice %arg11[%dma_wait3A_316] : memref<6144xi32, #tpu.memory_space<vmem>> -> memref<128xi32, #tpu.memory_space<vmem>>
        %dma_wait3A_318 = tpu.memref_slice %arg2[%add3A_303] : memref<1000000xi32, #tpu.memory_space<hbm>> -> memref<128xi32, #tpu.memory_space<hbm>>
        tpu.wait_dma2 semaphore(%run_scoped3A : memref<!tpu.dma_semaphore, #tpu.memory_space<semaphore_mem>>) src(%dma_wait3A_318 : memref<128xi32, #tpu.memory_space<hbm>>) dst(%dma_wait3A_317 : memref<128xi32, #tpu.memory_space<vmem>>)
        tpu.yield
      }) : () -> ()
      "tpu.region"() ({
        %run_scoped3A = tpu.sem_alloc : memref<!tpu.dma_semaphore, #tpu.memory_space<semaphore_mem>>
        %dma_start3A_307 = arith.constant 0 : i32
        %dma_start3A_308 = arith.constant 0 : i32
        %dma_start3A_309 = tpu.memref_slice %arg13[%dma_start3A_307, %dma_start3A_308] : memref<8x6144xf32, #tpu.memory_space<vmem>> -> memref<8x128xf32, #tpu.memory_space<vmem>>
        %dma_start3A_310 = arith.constant 0 : i32
        %dma_start3A_311 = tpu.memref_slice %arg3[%dma_start3A_310, %add3A_303] : memref<8x1000000xf32, #tpu.memory_space<hbm>> -> memref<8x128xf32, #tpu.memory_space<hbm>>
        %dma_start3A_312 = arith.constant 0 : i32
        %dma_start3A_313 = arith.constant 0 : i32
        %dma_start3A_314 = tpu.memref_slice %arg13[%dma_start3A_312, %dma_start3A_313] : memref<8x6144xf32, #tpu.memory_space<vmem>> -> memref<8x128xf32, #tpu.memory_space<vmem>>
        %dma_start3A_315 = arith.constant 0 : i32
        %dma_start3A_316 = tpu.memref_slice %arg3[%dma_start3A_315, %add3A_303] : memref<8x1000000xf32, #tpu.memory_space<hbm>> -> memref<8x128xf32, #tpu.memory_space<hbm>>
        tpu.enqueue_dma source(%dma_start3A_316 : memref<8x128xf32, #tpu.memory_space<hbm>>) target(%dma_start3A_314 : memref<8x128xf32, #tpu.memory_space<vmem>>) target_semaphore(%run_scoped3A : memref<!tpu.dma_semaphore, #tpu.memory_space<semaphore_mem>>)
        %dma_wait3A_317 = arith.constant 0 : i32
        %dma_wait3A_318 = arith.constant 0 : i32
        %dma_wait3A_319 = tpu.memref_slice %arg13[%dma_wait3A_317, %dma_wait3A_318] : memref<8x6144xf32, #tpu.memory_space<vmem>> -> memref<8x128xf32, #tpu.memory_space<vmem>>
        %dma_wait3A_320 = arith.constant 0 : i32
        %dma_wait3A_321 = tpu.memref_slice %arg3[%dma_wait3A_320, %add3A_303] : memref<8x1000000xf32, #tpu.memory_space<hbm>> -> memref<8x128xf32, #tpu.memory_space<hbm>>
        %dma_wait3A_322 = arith.constant 0 : i32
        %dma_wait3A_323 = arith.constant 0 : i32
        %dma_wait3A_324 = tpu.memref_slice %arg13[%dma_wait3A_322, %dma_wait3A_323] : memref<8x6144xf32, #tpu.memory_space<vmem>> -> memref<8x128xf32, #tpu.memory_space<vmem>>
        %dma_wait3A_325 = arith.constant 0 : i32
        %dma_wait3A_326 = tpu.memref_slice %arg3[%dma_wait3A_325, %add3A_303] : memref<8x1000000xf32, #tpu.memory_space<hbm>> -> memref<8x128xf32, #tpu.memory_space<hbm>>
        tpu.wait_dma2 semaphore(%run_scoped3A : memref<!tpu.dma_semaphore, #tpu.memory_space<semaphore_mem>>) src(%dma_wait3A_326 : memref<8x128xf32, #tpu.memory_space<hbm>>) dst(%dma_wait3A_324 : memref<8x128xf32, #tpu.memory_space<vmem>>)
        tpu.yield
      }) : () -> ()
      %parallel_loop3A_304 = arith.constant 0 : i32
      %parallel_loop3A_305 = arith.constant 128 : i32
      %parallel_loop3A_306 = arith.constant 16 : i32
      scf.for %parallel_loop3A_307 = %parallel_loop3A_304 to %parallel_loop3A_305 step %parallel_loop3A_306  : i32 {
        %parallel_loop3A_308 = arith.index_cast %parallel_loop3A_307 : i32 to index
        %parallel_loop3A_309 = tpu.vector_load %arg11[%parallel_loop3A_308] {strides = array<i32>} : memref<6144xi32, #tpu.memory_space<vmem>>, vector<16xi32>,
        tpu.vector_store_idx %arg23[%parallel_loop3A_309], %broadcast_in_dim3A_5 {add = true} : memref<512xi32, #tpu.memory_space<vmem>>[vector<16xi32>], vector<16xi32>,
        %parallel_loop3A_310 = arith.constant 0 : i32
        %parallel_loop3A_311 = arith.index_cast %parallel_loop3A_310 : i32 to index
        %parallel_loop3A_312 = arith.index_cast %parallel_loop3A_307 : i32 to index
        %parallel_loop3A_313 = tpu.vector_load %arg13[%parallel_loop3A_311, %parallel_loop3A_312] {strides = array<i32>} : memref<8x6144xf32, #tpu.memory_space<vmem>>, vector<16xf32>,
        tpu.vector_store_idx %arg15[%parallel_loop3A_309], %parallel_loop3A_313 {add = true} : memref<512xf32, #tpu.memory_space<vmem>>[vector<16xi32>], vector<16xf32>,
        %parallel_loop3A_314 = arith.constant 1 : i32
        %parallel_loop3A_315 = arith.index_cast %parallel_loop3A_314 : i32 to index
        %parallel_loop3A_316 = arith.index_cast %parallel_loop3A_307 : i32 to index
        %parallel_loop3A_317 = tpu.vector_load %arg13[%parallel_loop3A_315, %parallel_loop3A_316] {strides = array<i32>} : memref<8x6144xf32, #tpu.memory_space<vmem>>, vector<16xf32>,
        tpu.vector_store_idx %arg16[%parallel_loop3A_309], %parallel_loop3A_317 {add = true} : memref<512xf32, #tpu.memory_space<vmem>>[vector<16xi32>], vector<16xf32>,
        %parallel_loop3A_318 = arith.constant 2 : i32
        %parallel_loop3A_319 = arith.index_cast %parallel_loop3A_318 : i32 to index
        %parallel_loop3A_320 = arith.index_cast %parallel_loop3A_307 : i32 to index
        %parallel_loop3A_321 = tpu.vector_load %arg13[%parallel_loop3A_319, %parallel_loop3A_320] {strides = array<i32>} : memref<8x6144xf32, #tpu.memory_space<vmem>>, vector<16xf32>,
        tpu.vector_store_idx %arg17[%parallel_loop3A_309], %parallel_loop3A_321 {add = true} : memref<512xf32, #tpu.memory_space<vmem>>[vector<16xi32>], vector<16xf32>,
        %parallel_loop3A_322 = arith.constant 3 : i32
        %parallel_loop3A_323 = arith.index_cast %parallel_loop3A_322 : i32 to index
        %parallel_loop3A_324 = arith.index_cast %parallel_loop3A_307 : i32 to index
        %parallel_loop3A_325 = tpu.vector_load %arg13[%parallel_loop3A_323, %parallel_loop3A_324] {strides = array<i32>} : memref<8x6144xf32, #tpu.memory_space<vmem>>, vector<16xf32>,
        tpu.vector_store_idx %arg18[%parallel_loop3A_309], %parallel_loop3A_325 {add = true} : memref<512xf32, #tpu.memory_space<vmem>>[vector<16xi32>], vector<16xf32>,
        %parallel_loop3A_326 = arith.constant 4 : i32
        %parallel_loop3A_327 = arith.index_cast %parallel_loop3A_326 : i32 to index
        %parallel_loop3A_328 = arith.index_cast %parallel_loop3A_307 : i32 to index
        %parallel_loop3A_329 = tpu.vector_load %arg13[%parallel_loop3A_327, %parallel_loop3A_328] {strides = array<i32>} : memref<8x6144xf32, #tpu.memory_space<vmem>>, vector<16xf32>,
        tpu.vector_store_idx %arg19[%parallel_loop3A_309], %parallel_loop3A_329 {add = true} : memref<512xf32, #tpu.memory_space<vmem>>[vector<16xi32>], vector<16xf32>,
        %parallel_loop3A_330 = arith.constant 5 : i32
        %parallel_loop3A_331 = arith.index_cast %parallel_loop3A_330 : i32 to index
        %parallel_loop3A_332 = arith.index_cast %parallel_loop3A_307 : i32 to index
        %parallel_loop3A_333 = tpu.vector_load %arg13[%parallel_loop3A_331, %parallel_loop3A_332] {strides = array<i32>} : memref<8x6144xf32, #tpu.memory_space<vmem>>, vector<16xf32>,
        tpu.vector_store_idx %arg20[%parallel_loop3A_309], %parallel_loop3A_333 {add = true} : memref<512xf32, #tpu.memory_space<vmem>>[vector<16xi32>], vector<16xf32>,
        %parallel_loop3A_334 = arith.constant 6 : i32
        %parallel_loop3A_335 = arith.index_cast %parallel_loop3A_334 : i32 to index
        %parallel_loop3A_336 = arith.index_cast %parallel_loop3A_307 : i32 to index
        %parallel_loop3A_337 = tpu.vector_load %arg13[%parallel_loop3A_335, %parallel_loop3A_336] {strides = array<i32>} : memref<8x6144xf32, #tpu.memory_space<vmem>>, vector<16xf32>,
        tpu.vector_store_idx %arg21[%parallel_loop3A_309], %parallel_loop3A_337 {add = true} : memref<512xf32, #tpu.memory_space<vmem>>[vector<16xi32>], vector<16xf32>,
        %parallel_loop3A_338 = arith.constant 7 : i32
        %parallel_loop3A_339 = arith.index_cast %parallel_loop3A_338 : i32 to index
        %parallel_loop3A_340 = arith.index_cast %parallel_loop3A_307 : i32 to index
        %parallel_loop3A_341 = tpu.vector_load %arg13[%parallel_loop3A_339, %parallel_loop3A_340] {strides = array<i32>} : memref<8x6144xf32, #tpu.memory_space<vmem>>, vector<16xf32>,
        tpu.vector_store_idx %arg22[%parallel_loop3A_309], %parallel_loop3A_341 {add = true} : memref<512xf32, #tpu.memory_space<vmem>>[vector<16xi32>], vector<16xf32>,
      } {sc.loop_unroll_factor = 4 : i64, sc.parallel_access}
    } else {
    }
    %eq3A = arith.constant 31 : i32
    %eq3A_262 = arith.cmpi eq, %add3A, %eq3A : i32
    %convert_element_type3A_263 = arith.extui %eq3A_262 : i1 to i32
    %cond3A_264 = arith.constant 0 : i32
    %cond3A_265 = arith.cmpi ne, %convert_element_type3A_263, %cond3A_264 : i32
    scf.if %cond3A_265 {
      "tpu.region"() ({
        %run_scoped3A = tpu.sem_alloc : memref<!tpu.dma_semaphore, #tpu.memory_space<semaphore_mem>>
        %dma_start3A_306 = arith.constant 0 : i32
        %dma_start3A_307 = tpu.memref_slice %arg11[%dma_start3A_306] : memref<6144xi32, #tpu.memory_space<vmem>> -> memref<64xi32, #tpu.memory_space<vmem>>
        %dma_start3A_308 = arith.constant 999936 : i32
        %dma_start3A_309 = tpu.memref_slice %arg2[%dma_start3A_308] : memref<1000000xi32, #tpu.memory_space<hbm>> -> memref<64xi32, #tpu.memory_space<hbm>>
        %dma_start3A_310 = arith.constant 0 : i32
        %dma_start3A_311 = tpu.memref_slice %arg11[%dma_start3A_310] : memref<6144xi32, #tpu.memory_space<vmem>> -> memref<64xi32, #tpu.memory_space<vmem>>
        %dma_start3A_312 = arith.constant 999936 : i32
        %dma_start3A_313 = tpu.memref_slice %arg2[%dma_start3A_312] : memref<1000000xi32, #tpu.memory_space<hbm>> -> memref<64xi32, #tpu.memory_space<hbm>>
        tpu.enqueue_dma source(%dma_start3A_313 : memref<64xi32, #tpu.memory_space<hbm>>) target(%dma_start3A_311 : memref<64xi32, #tpu.memory_space<vmem>>) target_semaphore(%run_scoped3A : memref<!tpu.dma_semaphore, #tpu.memory_space<semaphore_mem>>)
        %dma_wait3A_314 = arith.constant 0 : i32
        %dma_wait3A_315 = tpu.memref_slice %arg11[%dma_wait3A_314] : memref<6144xi32, #tpu.memory_space<vmem>> -> memref<64xi32, #tpu.memory_space<vmem>>
        %dma_wait3A_316 = arith.constant 999936 : i32
        %dma_wait3A_317 = tpu.memref_slice %arg2[%dma_wait3A_316] : memref<1000000xi32, #tpu.memory_space<hbm>> -> memref<64xi32, #tpu.memory_space<hbm>>
        %dma_wait3A_318 = arith.constant 0 : i32
        %dma_wait3A_319 = tpu.memref_slice %arg11[%dma_wait3A_318] : memref<6144xi32, #tpu.memory_space<vmem>> -> memref<64xi32, #tpu.memory_space<vmem>>
        %dma_wait3A_320 = arith.constant 999936 : i32
        %dma_wait3A_321 = tpu.memref_slice %arg2[%dma_wait3A_320] : memref<1000000xi32, #tpu.memory_space<hbm>> -> memref<64xi32, #tpu.memory_space<hbm>>
        tpu.wait_dma2 semaphore(%run_scoped3A : memref<!tpu.dma_semaphore, #tpu.memory_space<semaphore_mem>>) src(%dma_wait3A_321 : memref<64xi32, #tpu.memory_space<hbm>>) dst(%dma_wait3A_319 : memref<64xi32, #tpu.memory_space<vmem>>)
        tpu.yield
      }) : () -> ()
      "tpu.region"() ({
        %run_scoped3A = tpu.sem_alloc : memref<!tpu.dma_semaphore, #tpu.memory_space<semaphore_mem>>
        tpu.enqueue_dma source(%arg6 : memref<512xf32, #tpu.memory_space<hbm>>) target(%arg29 : memref<512xf32, #tpu.memory_space<vmem>>) target_semaphore(%run_scoped3A : memref<!tpu.dma_semaphore, #tpu.memory_space<semaphore_mem>>)
        tpu.wait_dma2 semaphore(%run_scoped3A : memref<!tpu.dma_semaphore, #tpu.memory_space<semaphore_mem>>) src(%arg6 : memref<512xf32, #tpu.memory_space<hbm>>) dst(%arg29 : memref<512xf32, #tpu.memory_space<vmem>>)
        tpu.yield
      }) : () -> ()
      %scan3A_300 = arith.constant 0 : i32
      %scan3A_301 = arith.constant 0 : i32
      %scan3A_302 = arith.constant 4 : i32
      %scan3A_303 = arith.addi %scan3A_301, %scan3A_302 : i32
      %scan3A_304 = arith.constant 1 : i32
      scf.for %scan3A_306 = %scan3A_301 to %scan3A_303 step %scan3A_304  : i32 {
        %mul3A_307 = arith.constant 16 : i32
        %mul3A_308 = arith.muli %scan3A_306, %mul3A_307 : i32
        %get3A_309 = arith.index_cast %mul3A_308 : i32 to index
        %get3A_310 = tpu.vector_load %arg11[%get3A_309] {strides = array<i32>} : memref<6144xi32, #tpu.memory_space<vmem>>, vector<16xi32>,
        tpu.vector_store_idx %arg23[%get3A_310], %broadcast_in_dim3A_5 {add = true} : memref<512xi32, #tpu.memory_space<vmem>>[vector<16xi32>], vector<16xi32>,
        %mul3A_311 = arith.constant 16 : i32
        %mul3A_312 = arith.muli %scan3A_306, %mul3A_311 : i32
        %add3A_313 = arith.constant 0 : i32
        %add3A_314 = arith.addi %add3A_313, %mul3A_312 : i32
        %get3A_315 = arith.index_cast %add3A_314 : i32 to index
        %get3A_316 = tpu.vector_load %arg29[%get3A_315] {strides = array<i32>} : memref<512xf32, #tpu.memory_space<vmem>>, vector<16xf32>,
        tpu.vector_store_idx %arg15[%get3A_310], %get3A_316 {add = true} : memref<512xf32, #tpu.memory_space<vmem>>[vector<16xi32>], vector<16xf32>,
        %mul3A_317 = arith.constant 16 : i32
        %mul3A_318 = arith.muli %scan3A_306, %mul3A_317 : i32
        %add3A_319 = arith.constant 64 : i32
        %add3A_320 = arith.addi %add3A_319, %mul3A_318 : i32
        %get3A_321 = arith.index_cast %add3A_320 : i32 to index
        %get3A_322 = tpu.vector_load %arg29[%get3A_321] {strides = array<i32>} : memref<512xf32, #tpu.memory_space<vmem>>, vector<16xf32>,
        tpu.vector_store_idx %arg16[%get3A_310], %get3A_322 {add = true} : memref<512xf32, #tpu.memory_space<vmem>>[vector<16xi32>], vector<16xf32>,
        %mul3A_323 = arith.constant 16 : i32
        %mul3A_324 = arith.muli %scan3A_306, %mul3A_323 : i32
        %add3A_325 = arith.constant 128 : i32
        %add3A_326 = arith.addi %add3A_325, %mul3A_324 : i32
        %get3A_327 = arith.index_cast %add3A_326 : i32 to index
        %get3A_328 = tpu.vector_load %arg29[%get3A_327] {strides = array<i32>} : memref<512xf32, #tpu.memory_space<vmem>>, vector<16xf32>,
        tpu.vector_store_idx %arg17[%get3A_310], %get3A_328 {add = true} : memref<512xf32, #tpu.memory_space<vmem>>[vector<16xi32>], vector<16xf32>,
        %mul3A_329 = arith.constant 16 : i32
        %mul3A_330 = arith.muli %scan3A_306, %mul3A_329 : i32
        %add3A_331 = arith.constant 192 : i32
        %add3A_332 = arith.addi %add3A_331, %mul3A_330 : i32
        %get3A_333 = arith.index_cast %add3A_332 : i32 to index
        %get3A_334 = tpu.vector_load %arg29[%get3A_333] {strides = array<i32>} : memref<512xf32, #tpu.memory_space<vmem>>, vector<16xf32>,
        tpu.vector_store_idx %arg18[%get3A_310], %get3A_334 {add = true} : memref<512xf32, #tpu.memory_space<vmem>>[vector<16xi32>], vector<16xf32>,
        %mul3A_335 = arith.constant 16 : i32
        %mul3A_336 = arith.muli %scan3A_306, %mul3A_335 : i32
        %add3A_337 = arith.constant 256 : i32
        %add3A_338 = arith.addi %add3A_337, %mul3A_336 : i32
        %get3A_339 = arith.index_cast %add3A_338 : i32 to index
        %get3A_340 = tpu.vector_load %arg29[%get3A_339] {strides = array<i32>} : memref<512xf32, #tpu.memory_space<vmem>>, vector<16xf32>,
        tpu.vector_store_idx %arg19[%get3A_310], %get3A_340 {add = true} : memref<512xf32, #tpu.memory_space<vmem>>[vector<16xi32>], vector<16xf32>,
        %mul3A_341 = arith.constant 16 : i32
        %mul3A_342 = arith.muli %scan3A_306, %mul3A_341 : i32
        %add3A_343 = arith.constant 320 : i32
        %add3A_344 = arith.addi %add3A_343, %mul3A_342 : i32
        %get3A_345 = arith.index_cast %add3A_344 : i32 to index
        %get3A_346 = tpu.vector_load %arg29[%get3A_345] {strides = array<i32>} : memref<512xf32, #tpu.memory_space<vmem>>, vector<16xf32>,
        tpu.vector_store_idx %arg20[%get3A_310], %get3A_346 {add = true} : memref<512xf32, #tpu.memory_space<vmem>>[vector<16xi32>], vector<16xf32>,
        %mul3A_347 = arith.constant 16 : i32
        %mul3A_348 = arith.muli %scan3A_306, %mul3A_347 : i32
        %add3A_349 = arith.constant 384 : i32
        %add3A_350 = arith.addi %add3A_349, %mul3A_348 : i32
        %get3A_351 = arith.index_cast %add3A_350 : i32 to index
        %get3A_352 = tpu.vector_load %arg29[%get3A_351] {strides = array<i32>} : memref<512xf32, #tpu.memory_space<vmem>>, vector<16xf32>,
        tpu.vector_store_idx %arg21[%get3A_310], %get3A_352 {add = true} : memref<512xf32, #tpu.memory_space<vmem>>[vector<16xi32>], vector<16xf32>,
        %mul3A_353 = arith.constant 16 : i32
        %mul3A_354 = arith.muli %scan3A_306, %mul3A_353 : i32
        %add3A_355 = arith.constant 448 : i32
        %add3A_356 = arith.addi %add3A_355, %mul3A_354 : i32
        %get3A_357 = arith.index_cast %add3A_356 : i32 to index
        %get3A_358 = tpu.vector_load %arg29[%get3A_357] {strides = array<i32>} : memref<512xf32, #tpu.memory_space<vmem>>, vector<16xf32>,
        tpu.vector_store_idx %arg22[%get3A_310], %get3A_358 {add = true} : memref<512xf32, #tpu.memory_space<vmem>>[vector<16xi32>], vector<16xf32>,
      }
      %scan3A_305 = arith.constant 4 : i32
    } else {
    }
    %mul3A_266 = arith.constant 4096 : i32
    %mul3A_267 = arith.muli %add3A, %mul3A_266 : i32
    %add3A_268 = arith.constant 0 : i32
    %add3A_269 = arith.addi %mul3A_267, %add3A_268 : i32
    "tpu.region"() ({
      %run_scoped3A = tpu.sem_alloc : memref<!tpu.dma_semaphore, #tpu.memory_space<semaphore_mem>>
      %dma_start3A_300 = tpu.memref_slice %arg9[%add3A_269] : memref<131072xf32, #tpu.memory_space<hbm>> -> memref<512xf32, #tpu.memory_space<hbm>>
      %dma_start3A_301 = tpu.memref_slice %arg9[%add3A_269] : memref<131072xf32, #tpu.memory_space<hbm>> -> memref<512xf32, #tpu.memory_space<hbm>>
      tpu.enqueue_dma source(%arg15 : memref<512xf32, #tpu.memory_space<vmem>>) target(%dma_start3A_301 : memref<512xf32, #tpu.memory_space<hbm>>) target_semaphore(%run_scoped3A : memref<!tpu.dma_semaphore, #tpu.memory_space<semaphore_mem>>)
      %dma_wait3A_302 = tpu.memref_slice %arg9[%add3A_269] : memref<131072xf32, #tpu.memory_space<hbm>> -> memref<512xf32, #tpu.memory_space<hbm>>
      %dma_wait3A_303 = tpu.memref_slice %arg9[%add3A_269] : memref<131072xf32, #tpu.memory_space<hbm>> -> memref<512xf32, #tpu.memory_space<hbm>>
      tpu.wait_dma2 semaphore(%run_scoped3A : memref<!tpu.dma_semaphore, #tpu.memory_space<semaphore_mem>>) src(%arg15 : memref<512xf32, #tpu.memory_space<vmem>>) dst(%dma_wait3A_303 : memref<512xf32, #tpu.memory_space<hbm>>)
      tpu.yield
    }) : () -> ()
    %mul3A_270 = arith.constant 4096 : i32
    %mul3A_271 = arith.muli %add3A, %mul3A_270 : i32
    %add3A_272 = arith.constant 512 : i32
    %add3A_273 = arith.addi %mul3A_271, %add3A_272 : i32
    "tpu.region"() ({
      %run_scoped3A = tpu.sem_alloc : memref<!tpu.dma_semaphore, #tpu.memory_space<semaphore_mem>>
      %dma_start3A_300 = tpu.memref_slice %arg9[%add3A_273] : memref<131072xf32, #tpu.memory_space<hbm>> -> memref<512xf32, #tpu.memory_space<hbm>>
      %dma_start3A_301 = tpu.memref_slice %arg9[%add3A_273] : memref<131072xf32, #tpu.memory_space<hbm>> -> memref<512xf32, #tpu.memory_space<hbm>>
      tpu.enqueue_dma source(%arg16 : memref<512xf32, #tpu.memory_space<vmem>>) target(%dma_start3A_301 : memref<512xf32, #tpu.memory_space<hbm>>) target_semaphore(%run_scoped3A : memref<!tpu.dma_semaphore, #tpu.memory_space<semaphore_mem>>)
      %dma_wait3A_302 = tpu.memref_slice %arg9[%add3A_273] : memref<131072xf32, #tpu.memory_space<hbm>> -> memref<512xf32, #tpu.memory_space<hbm>>
      %dma_wait3A_303 = tpu.memref_slice %arg9[%add3A_273] : memref<131072xf32, #tpu.memory_space<hbm>> -> memref<512xf32, #tpu.memory_space<hbm>>
      tpu.wait_dma2 semaphore(%run_scoped3A : memref<!tpu.dma_semaphore, #tpu.memory_space<semaphore_mem>>) src(%arg16 : memref<512xf32, #tpu.memory_space<vmem>>) dst(%dma_wait3A_303 : memref<512xf32, #tpu.memory_space<hbm>>)
      tpu.yield
    }) : () -> ()
    %mul3A_274 = arith.constant 4096 : i32
    %mul3A_275 = arith.muli %add3A, %mul3A_274 : i32
    %add3A_276 = arith.constant 1024 : i32
    %add3A_277 = arith.addi %mul3A_275, %add3A_276 : i32
    "tpu.region"() ({
      %run_scoped3A = tpu.sem_alloc : memref<!tpu.dma_semaphore, #tpu.memory_space<semaphore_mem>>
      %dma_start3A_300 = tpu.memref_slice %arg9[%add3A_277] : memref<131072xf32, #tpu.memory_space<hbm>> -> memref<512xf32, #tpu.memory_space<hbm>>
      %dma_start3A_301 = tpu.memref_slice %arg9[%add3A_277] : memref<131072xf32, #tpu.memory_space<hbm>> -> memref<512xf32, #tpu.memory_space<hbm>>
      tpu.enqueue_dma source(%arg17 : memref<512xf32, #tpu.memory_space<vmem>>) target(%dma_start3A_301 : memref<512xf32, #tpu.memory_space<hbm>>) target_semaphore(%run_scoped3A : memref<!tpu.dma_semaphore, #tpu.memory_space<semaphore_mem>>)
      %dma_wait3A_302 = tpu.memref_slice %arg9[%add3A_277] : memref<131072xf32, #tpu.memory_space<hbm>> -> memref<512xf32, #tpu.memory_space<hbm>>
      %dma_wait3A_303 = tpu.memref_slice %arg9[%add3A_277] : memref<131072xf32, #tpu.memory_space<hbm>> -> memref<512xf32, #tpu.memory_space<hbm>>
      tpu.wait_dma2 semaphore(%run_scoped3A : memref<!tpu.dma_semaphore, #tpu.memory_space<semaphore_mem>>) src(%arg17 : memref<512xf32, #tpu.memory_space<vmem>>) dst(%dma_wait3A_303 : memref<512xf32, #tpu.memory_space<hbm>>)
      tpu.yield
    }) : () -> ()
    %mul3A_278 = arith.constant 4096 : i32
    %mul3A_279 = arith.muli %add3A, %mul3A_278 : i32
    %add3A_280 = arith.constant 1536 : i32
    %add3A_281 = arith.addi %mul3A_279, %add3A_280 : i32
    "tpu.region"() ({
      %run_scoped3A = tpu.sem_alloc : memref<!tpu.dma_semaphore, #tpu.memory_space<semaphore_mem>>
      %dma_start3A_300 = tpu.memref_slice %arg9[%add3A_281] : memref<131072xf32, #tpu.memory_space<hbm>> -> memref<512xf32, #tpu.memory_space<hbm>>
      %dma_start3A_301 = tpu.memref_slice %arg9[%add3A_281] : memref<131072xf32, #tpu.memory_space<hbm>> -> memref<512xf32, #tpu.memory_space<hbm>>
      tpu.enqueue_dma source(%arg18 : memref<512xf32, #tpu.memory_space<vmem>>) target(%dma_start3A_301 : memref<512xf32, #tpu.memory_space<hbm>>) target_semaphore(%run_scoped3A : memref<!tpu.dma_semaphore, #tpu.memory_space<semaphore_mem>>)
      %dma_wait3A_302 = tpu.memref_slice %arg9[%add3A_281] : memref<131072xf32, #tpu.memory_space<hbm>> -> memref<512xf32, #tpu.memory_space<hbm>>
      %dma_wait3A_303 = tpu.memref_slice %arg9[%add3A_281] : memref<131072xf32, #tpu.memory_space<hbm>> -> memref<512xf32, #tpu.memory_space<hbm>>
      tpu.wait_dma2 semaphore(%run_scoped3A : memref<!tpu.dma_semaphore, #tpu.memory_space<semaphore_mem>>) src(%arg18 : memref<512xf32, #tpu.memory_space<vmem>>) dst(%dma_wait3A_303 : memref<512xf32, #tpu.memory_space<hbm>>)
      tpu.yield
    }) : () -> ()
    %mul3A_282 = arith.constant 4096 : i32
    %mul3A_283 = arith.muli %add3A, %mul3A_282 : i32
    %add3A_284 = arith.constant 2048 : i32
    %add3A_285 = arith.addi %mul3A_283, %add3A_284 : i32
    "tpu.region"() ({
      %run_scoped3A = tpu.sem_alloc : memref<!tpu.dma_semaphore, #tpu.memory_space<semaphore_mem>>
      %dma_start3A_300 = tpu.memref_slice %arg9[%add3A_285] : memref<131072xf32, #tpu.memory_space<hbm>> -> memref<512xf32, #tpu.memory_space<hbm>>
      %dma_start3A_301 = tpu.memref_slice %arg9[%add3A_285] : memref<131072xf32, #tpu.memory_space<hbm>> -> memref<512xf32, #tpu.memory_space<hbm>>
      tpu.enqueue_dma source(%arg19 : memref<512xf32, #tpu.memory_space<vmem>>) target(%dma_start3A_301 : memref<512xf32, #tpu.memory_space<hbm>>) target_semaphore(%run_scoped3A : memref<!tpu.dma_semaphore, #tpu.memory_space<semaphore_mem>>)
      %dma_wait3A_302 = tpu.memref_slice %arg9[%add3A_285] : memref<131072xf32, #tpu.memory_space<hbm>> -> memref<512xf32, #tpu.memory_space<hbm>>
      %dma_wait3A_303 = tpu.memref_slice %arg9[%add3A_285] : memref<131072xf32, #tpu.memory_space<hbm>> -> memref<512xf32, #tpu.memory_space<hbm>>
      tpu.wait_dma2 semaphore(%run_scoped3A : memref<!tpu.dma_semaphore, #tpu.memory_space<semaphore_mem>>) src(%arg19 : memref<512xf32, #tpu.memory_space<vmem>>) dst(%dma_wait3A_303 : memref<512xf32, #tpu.memory_space<hbm>>)
      tpu.yield
    }) : () -> ()
    %mul3A_286 = arith.constant 4096 : i32
    %mul3A_287 = arith.muli %add3A, %mul3A_286 : i32
    %add3A_288 = arith.constant 2560 : i32
    %add3A_289 = arith.addi %mul3A_287, %add3A_288 : i32
    "tpu.region"() ({
      %run_scoped3A = tpu.sem_alloc : memref<!tpu.dma_semaphore, #tpu.memory_space<semaphore_mem>>
      %dma_start3A_300 = tpu.memref_slice %arg9[%add3A_289] : memref<131072xf32, #tpu.memory_space<hbm>> -> memref<512xf32, #tpu.memory_space<hbm>>
      %dma_start3A_301 = tpu.memref_slice %arg9[%add3A_289] : memref<131072xf32, #tpu.memory_space<hbm>> -> memref<512xf32, #tpu.memory_space<hbm>>
      tpu.enqueue_dma source(%arg20 : memref<512xf32, #tpu.memory_space<vmem>>) target(%dma_start3A_301 : memref<512xf32, #tpu.memory_space<hbm>>) target_semaphore(%run_scoped3A : memref<!tpu.dma_semaphore, #tpu.memory_space<semaphore_mem>>)
      %dma_wait3A_302 = tpu.memref_slice %arg9[%add3A_289] : memref<131072xf32, #tpu.memory_space<hbm>> -> memref<512xf32, #tpu.memory_space<hbm>>
      %dma_wait3A_303 = tpu.memref_slice %arg9[%add3A_289] : memref<131072xf32, #tpu.memory_space<hbm>> -> memref<512xf32, #tpu.memory_space<hbm>>
      tpu.wait_dma2 semaphore(%run_scoped3A : memref<!tpu.dma_semaphore, #tpu.memory_space<semaphore_mem>>) src(%arg20 : memref<512xf32, #tpu.memory_space<vmem>>) dst(%dma_wait3A_303 : memref<512xf32, #tpu.memory_space<hbm>>)
      tpu.yield
    }) : () -> ()
    %mul3A_290 = arith.constant 4096 : i32
    %mul3A_291 = arith.muli %add3A, %mul3A_290 : i32
    %add3A_292 = arith.constant 3072 : i32
    %add3A_293 = arith.addi %mul3A_291, %add3A_292 : i32
    "tpu.region"() ({
      %run_scoped3A = tpu.sem_alloc : memref<!tpu.dma_semaphore, #tpu.memory_space<semaphore_mem>>
      %dma_start3A_300 = tpu.memref_slice %arg9[%add3A_293] : memref<131072xf32, #tpu.memory_space<hbm>> -> memref<512xf32, #tpu.memory_space<hbm>>
      %dma_start3A_301 = tpu.memref_slice %arg9[%add3A_293] : memref<131072xf32, #tpu.memory_space<hbm>> -> memref<512xf32, #tpu.memory_space<hbm>>
      tpu.enqueue_dma source(%arg21 : memref<512xf32, #tpu.memory_space<vmem>>) target(%dma_start3A_301 : memref<512xf32, #tpu.memory_space<hbm>>) target_semaphore(%run_scoped3A : memref<!tpu.dma_semaphore, #tpu.memory_space<semaphore_mem>>)
      %dma_wait3A_302 = tpu.memref_slice %arg9[%add3A_293] : memref<131072xf32, #tpu.memory_space<hbm>> -> memref<512xf32, #tpu.memory_space<hbm>>
      %dma_wait3A_303 = tpu.memref_slice %arg9[%add3A_293] : memref<131072xf32, #tpu.memory_space<hbm>> -> memref<512xf32, #tpu.memory_space<hbm>>
      tpu.wait_dma2 semaphore(%run_scoped3A : memref<!tpu.dma_semaphore, #tpu.memory_space<semaphore_mem>>) src(%arg21 : memref<512xf32, #tpu.memory_space<vmem>>) dst(%dma_wait3A_303 : memref<512xf32, #tpu.memory_space<hbm>>)
      tpu.yield
    }) : () -> ()
    %mul3A_294 = arith.constant 4096 : i32
    %mul3A_295 = arith.muli %add3A, %mul3A_294 : i32
    %add3A_296 = arith.constant 3584 : i32
    %add3A_297 = arith.addi %mul3A_295, %add3A_296 : i32
    "tpu.region"() ({
      %run_scoped3A = tpu.sem_alloc : memref<!tpu.dma_semaphore, #tpu.memory_space<semaphore_mem>>
      %dma_start3A_300 = tpu.memref_slice %arg9[%add3A_297] : memref<131072xf32, #tpu.memory_space<hbm>> -> memref<512xf32, #tpu.memory_space<hbm>>
      %dma_start3A_301 = tpu.memref_slice %arg9[%add3A_297] : memref<131072xf32, #tpu.memory_space<hbm>> -> memref<512xf32, #tpu.memory_space<hbm>>
      tpu.enqueue_dma source(%arg22 : memref<512xf32, #tpu.memory_space<vmem>>) target(%dma_start3A_301 : memref<512xf32, #tpu.memory_space<hbm>>) target_semaphore(%run_scoped3A : memref<!tpu.dma_semaphore, #tpu.memory_space<semaphore_mem>>)
      %dma_wait3A_302 = tpu.memref_slice %arg9[%add3A_297] : memref<131072xf32, #tpu.memory_space<hbm>> -> memref<512xf32, #tpu.memory_space<hbm>>
      %dma_wait3A_303 = tpu.memref_slice %arg9[%add3A_297] : memref<131072xf32, #tpu.memory_space<hbm>> -> memref<512xf32, #tpu.memory_space<hbm>>
      tpu.wait_dma2 semaphore(%run_scoped3A : memref<!tpu.dma_semaphore, #tpu.memory_space<semaphore_mem>>) src(%arg22 : memref<512xf32, #tpu.memory_space<vmem>>) dst(%dma_wait3A_303 : memref<512xf32, #tpu.memory_space<hbm>>)
      tpu.yield
    }) : () -> ()
    %mul3A_298 = arith.constant 512 : i32
    %mul3A_299 = arith.muli %add3A, %mul3A_298 : i32
    "tpu.region"() ({
      %run_scoped3A = tpu.sem_alloc : memref<!tpu.dma_semaphore, #tpu.memory_space<semaphore_mem>>
      %dma_start3A_300 = tpu.memref_slice %arg10[%mul3A_299] : memref<16384xi32, #tpu.memory_space<hbm>> -> memref<512xi32, #tpu.memory_space<hbm>>
      %dma_start3A_301 = tpu.memref_slice %arg10[%mul3A_299] : memref<16384xi32, #tpu.memory_space<hbm>> -> memref<512xi32, #tpu.memory_space<hbm>>
      tpu.enqueue_dma source(%arg23 : memref<512xi32, #tpu.memory_space<vmem>>) target(%dma_start3A_301 : memref<512xi32, #tpu.memory_space<hbm>>) target_semaphore(%run_scoped3A : memref<!tpu.dma_semaphore, #tpu.memory_space<semaphore_mem>>)
      %dma_wait3A_302 = tpu.memref_slice %arg10[%mul3A_299] : memref<16384xi32, #tpu.memory_space<hbm>> -> memref<512xi32, #tpu.memory_space<hbm>>
      %dma_wait3A_303 = tpu.memref_slice %arg10[%mul3A_299] : memref<16384xi32, #tpu.memory_space<hbm>> -> memref<512xi32, #tpu.memory_space<hbm>>
      tpu.wait_dma2 semaphore(%run_scoped3A : memref<!tpu.dma_semaphore, #tpu.memory_space<semaphore_mem>>) src(%arg23 : memref<512xi32, #tpu.memory_space<vmem>>) dst(%dma_wait3A_303 : memref<512xi32, #tpu.memory_space<hbm>>)
      tpu.yield
    }) : () -> ()
    return
  }
}

module attributes {stable_mosaic.version = 14 : i64} {
  func.func @_combine_body(%arg0: memref<131072xf32, #tpu.memory_space<vmem>>, %arg1: memref<16384xi32, #tpu.memory_space<vmem>>, %arg2: memref<512xf32, #tpu.memory_space<vmem>>, %arg3: memref<512xf32, #tpu.memory_space<vmem>>, %arg4: memref<512xf32, #tpu.memory_space<vmem>>, %arg5: memref<512xi32, #tpu.memory_space<vmem>>, %arg6: memref<512x8xf32, #tpu.memory_space<vmem>>, %arg7: memref<1x1xi32, #tpu.memory_space<smem>>) attributes {dimension_semantics = [], scalar_prefetch = 0 : i64, scratch_operands = 0 : i64, tpu.core_type = #tpu.core_type<tc>} {
    %get3A = arith.constant 0 : index
    %get3A_0 = vector.load %arg0[%get3A] : memref<131072xf32, #tpu.memory_space<vmem>>, vector<512xf32>
    %get3A_1 = arith.constant 4096 : index
    %get3A_2 = vector.load %arg0[%get3A_1] : memref<131072xf32, #tpu.memory_space<vmem>>, vector<512xf32>
    %add3A = arith.addf %get3A_0, %get3A_2 : vector<512xf32>
    %get3A_3 = arith.constant 8192 : index
    %get3A_4 = vector.load %arg0[%get3A_3] : memref<131072xf32, #tpu.memory_space<vmem>>, vector<512xf32>
    %add3A_5 = arith.addf %add3A, %get3A_4 : vector<512xf32>
    %get3A_6 = arith.constant 12288 : index
    %get3A_7 = vector.load %arg0[%get3A_6] : memref<131072xf32, #tpu.memory_space<vmem>>, vector<512xf32>
    %add3A_8 = arith.addf %add3A_5, %get3A_7 : vector<512xf32>
    %get3A_9 = arith.constant 16384 : index
    %get3A_10 = vector.load %arg0[%get3A_9] : memref<131072xf32, #tpu.memory_space<vmem>>, vector<512xf32>
    %add3A_11 = arith.addf %add3A_8, %get3A_10 : vector<512xf32>
    %get3A_12 = arith.constant 20480 : index
    %get3A_13 = vector.load %arg0[%get3A_12] : memref<131072xf32, #tpu.memory_space<vmem>>, vector<512xf32>
    %add3A_14 = arith.addf %add3A_11, %get3A_13 : vector<512xf32>
    %get3A_15 = arith.constant 24576 : index
    %get3A_16 = vector.load %arg0[%get3A_15] : memref<131072xf32, #tpu.memory_space<vmem>>, vector<512xf32>
    %add3A_17 = arith.addf %add3A_14, %get3A_16 : vector<512xf32>
    %get3A_18 = arith.constant 28672 : index
    %get3A_19 = vector.load %arg0[%get3A_18] : memref<131072xf32, #tpu.memory_space<vmem>>, vector<512xf32>
    %add3A_20 = arith.addf %add3A_17, %get3A_19 : vector<512xf32>
    %get3A_21 = arith.constant 32768 : index
    %get3A_22 = vector.load %arg0[%get3A_21] : memref<131072xf32, #tpu.memory_space<vmem>>, vector<512xf32>
    %add3A_23 = arith.addf %add3A_20, %get3A_22 : vector<512xf32>
    %get3A_24 = arith.constant 36864 : index
    %get3A_25 = vector.load %arg0[%get3A_24] : memref<131072xf32, #tpu.memory_space<vmem>>, vector<512xf32>
    %add3A_26 = arith.addf %add3A_23, %get3A_25 : vector<512xf32>
    %get3A_27 = arith.constant 40960 : index
    %get3A_28 = vector.load %arg0[%get3A_27] : memref<131072xf32, #tpu.memory_space<vmem>>, vector<512xf32>
    %add3A_29 = arith.addf %add3A_26, %get3A_28 : vector<512xf32>
    %get3A_30 = arith.constant 45056 : index
    %get3A_31 = vector.load %arg0[%get3A_30] : memref<131072xf32, #tpu.memory_space<vmem>>, vector<512xf32>
    %add3A_32 = arith.addf %add3A_29, %get3A_31 : vector<512xf32>
    %get3A_33 = arith.constant 49152 : index
    %get3A_34 = vector.load %arg0[%get3A_33] : memref<131072xf32, #tpu.memory_space<vmem>>, vector<512xf32>
    %add3A_35 = arith.addf %add3A_32, %get3A_34 : vector<512xf32>
    %get3A_36 = arith.constant 53248 : index
    %get3A_37 = vector.load %arg0[%get3A_36] : memref<131072xf32, #tpu.memory_space<vmem>>, vector<512xf32>
    %add3A_38 = arith.addf %add3A_35, %get3A_37 : vector<512xf32>
    %get3A_39 = arith.constant 57344 : index
    %get3A_40 = vector.load %arg0[%get3A_39] : memref<131072xf32, #tpu.memory_space<vmem>>, vector<512xf32>
    %add3A_41 = arith.addf %add3A_38, %get3A_40 : vector<512xf32>
    %get3A_42 = arith.constant 61440 : index
    %get3A_43 = vector.load %arg0[%get3A_42] : memref<131072xf32, #tpu.memory_space<vmem>>, vector<512xf32>
    %add3A_44 = arith.addf %add3A_41, %get3A_43 : vector<512xf32>
    %get3A_45 = arith.constant 65536 : index
    %get3A_46 = vector.load %arg0[%get3A_45] : memref<131072xf32, #tpu.memory_space<vmem>>, vector<512xf32>
    %add3A_47 = arith.addf %add3A_44, %get3A_46 : vector<512xf32>
    %get3A_48 = arith.constant 69632 : index
    %get3A_49 = vector.load %arg0[%get3A_48] : memref<131072xf32, #tpu.memory_space<vmem>>, vector<512xf32>
    %add3A_50 = arith.addf %add3A_47, %get3A_49 : vector<512xf32>
    %get3A_51 = arith.constant 73728 : index
    %get3A_52 = vector.load %arg0[%get3A_51] : memref<131072xf32, #tpu.memory_space<vmem>>, vector<512xf32>
    %add3A_53 = arith.addf %add3A_50, %get3A_52 : vector<512xf32>
    %get3A_54 = arith.constant 77824 : index
    %get3A_55 = vector.load %arg0[%get3A_54] : memref<131072xf32, #tpu.memory_space<vmem>>, vector<512xf32>
    %add3A_56 = arith.addf %add3A_53, %get3A_55 : vector<512xf32>
    %get3A_57 = arith.constant 81920 : index
    %get3A_58 = vector.load %arg0[%get3A_57] : memref<131072xf32, #tpu.memory_space<vmem>>, vector<512xf32>
    %add3A_59 = arith.addf %add3A_56, %get3A_58 : vector<512xf32>
    %get3A_60 = arith.constant 86016 : index
    %get3A_61 = vector.load %arg0[%get3A_60] : memref<131072xf32, #tpu.memory_space<vmem>>, vector<512xf32>
    %add3A_62 = arith.addf %add3A_59, %get3A_61 : vector<512xf32>
    %get3A_63 = arith.constant 90112 : index
    %get3A_64 = vector.load %arg0[%get3A_63] : memref<131072xf32, #tpu.memory_space<vmem>>, vector<512xf32>
    %add3A_65 = arith.addf %add3A_62, %get3A_64 : vector<512xf32>
    %get3A_66 = arith.constant 94208 : index
    %get3A_67 = vector.load %arg0[%get3A_66] : memref<131072xf32, #tpu.memory_space<vmem>>, vector<512xf32>
    %add3A_68 = arith.addf %add3A_65, %get3A_67 : vector<512xf32>
    %get3A_69 = arith.constant 98304 : index
    %get3A_70 = vector.load %arg0[%get3A_69] : memref<131072xf32, #tpu.memory_space<vmem>>, vector<512xf32>
    %add3A_71 = arith.addf %add3A_68, %get3A_70 : vector<512xf32>
    %get3A_72 = arith.constant 102400 : index
    %get3A_73 = vector.load %arg0[%get3A_72] : memref<131072xf32, #tpu.memory_space<vmem>>, vector<512xf32>
    %add3A_74 = arith.addf %add3A_71, %get3A_73 : vector<512xf32>
    %get3A_75 = arith.constant 106496 : index
    %get3A_76 = vector.load %arg0[%get3A_75] : memref<131072xf32, #tpu.memory_space<vmem>>, vector<512xf32>
    %add3A_77 = arith.addf %add3A_74, %get3A_76 : vector<512xf32>
    %get3A_78 = arith.constant 110592 : index
    %get3A_79 = vector.load %arg0[%get3A_78] : memref<131072xf32, #tpu.memory_space<vmem>>, vector<512xf32>
    %add3A_80 = arith.addf %add3A_77, %get3A_79 : vector<512xf32>
    %get3A_81 = arith.constant 114688 : index
    %get3A_82 = vector.load %arg0[%get3A_81] : memref<131072xf32, #tpu.memory_space<vmem>>, vector<512xf32>
    %add3A_83 = arith.addf %add3A_80, %get3A_82 : vector<512xf32>
    %get3A_84 = arith.constant 118784 : index
    %get3A_85 = vector.load %arg0[%get3A_84] : memref<131072xf32, #tpu.memory_space<vmem>>, vector<512xf32>
    %add3A_86 = arith.addf %add3A_83, %get3A_85 : vector<512xf32>
    %get3A_87 = arith.constant 122880 : index
    %get3A_88 = vector.load %arg0[%get3A_87] : memref<131072xf32, #tpu.memory_space<vmem>>, vector<512xf32>
    %add3A_89 = arith.addf %add3A_86, %get3A_88 : vector<512xf32>
    %get3A_90 = arith.constant 126976 : index
    %get3A_91 = vector.load %arg0[%get3A_90] : memref<131072xf32, #tpu.memory_space<vmem>>, vector<512xf32>
    %add3A_92 = arith.addf %add3A_89, %get3A_91 : vector<512xf32>
    %get3A_93 = arith.constant 512 : index
    %get3A_94 = vector.load %arg0[%get3A_93] : memref<131072xf32, #tpu.memory_space<vmem>>, vector<512xf32>
    %get3A_95 = arith.constant 4608 : index
    %get3A_96 = vector.load %arg0[%get3A_95] : memref<131072xf32, #tpu.memory_space<vmem>>, vector<512xf32>
    %add3A_97 = arith.addf %get3A_94, %get3A_96 : vector<512xf32>
    %get3A_98 = arith.constant 8704 : index
    %get3A_99 = vector.load %arg0[%get3A_98] : memref<131072xf32, #tpu.memory_space<vmem>>, vector<512xf32>
    %add3A_100 = arith.addf %add3A_97, %get3A_99 : vector<512xf32>
    %get3A_101 = arith.constant 12800 : index
    %get3A_102 = vector.load %arg0[%get3A_101] : memref<131072xf32, #tpu.memory_space<vmem>>, vector<512xf32>
    %add3A_103 = arith.addf %add3A_100, %get3A_102 : vector<512xf32>
    %get3A_104 = arith.constant 16896 : index
    %get3A_105 = vector.load %arg0[%get3A_104] : memref<131072xf32, #tpu.memory_space<vmem>>, vector<512xf32>
    %add3A_106 = arith.addf %add3A_103, %get3A_105 : vector<512xf32>
    %get3A_107 = arith.constant 20992 : index
    %get3A_108 = vector.load %arg0[%get3A_107] : memref<131072xf32, #tpu.memory_space<vmem>>, vector<512xf32>
    %add3A_109 = arith.addf %add3A_106, %get3A_108 : vector<512xf32>
    %get3A_110 = arith.constant 25088 : index
    %get3A_111 = vector.load %arg0[%get3A_110] : memref<131072xf32, #tpu.memory_space<vmem>>, vector<512xf32>
    %add3A_112 = arith.addf %add3A_109, %get3A_111 : vector<512xf32>
    %get3A_113 = arith.constant 29184 : index
    %get3A_114 = vector.load %arg0[%get3A_113] : memref<131072xf32, #tpu.memory_space<vmem>>, vector<512xf32>
    %add3A_115 = arith.addf %add3A_112, %get3A_114 : vector<512xf32>
    %get3A_116 = arith.constant 33280 : index
    %get3A_117 = vector.load %arg0[%get3A_116] : memref<131072xf32, #tpu.memory_space<vmem>>, vector<512xf32>
    %add3A_118 = arith.addf %add3A_115, %get3A_117 : vector<512xf32>
    %get3A_119 = arith.constant 37376 : index
    %get3A_120 = vector.load %arg0[%get3A_119] : memref<131072xf32, #tpu.memory_space<vmem>>, vector<512xf32>
    %add3A_121 = arith.addf %add3A_118, %get3A_120 : vector<512xf32>
    %get3A_122 = arith.constant 41472 : index
    %get3A_123 = vector.load %arg0[%get3A_122] : memref<131072xf32, #tpu.memory_space<vmem>>, vector<512xf32>
    %add3A_124 = arith.addf %add3A_121, %get3A_123 : vector<512xf32>
    %get3A_125 = arith.constant 45568 : index
    %get3A_126 = vector.load %arg0[%get3A_125] : memref<131072xf32, #tpu.memory_space<vmem>>, vector<512xf32>
    %add3A_127 = arith.addf %add3A_124, %get3A_126 : vector<512xf32>
    %get3A_128 = arith.constant 49664 : index
    %get3A_129 = vector.load %arg0[%get3A_128] : memref<131072xf32, #tpu.memory_space<vmem>>, vector<512xf32>
    %add3A_130 = arith.addf %add3A_127, %get3A_129 : vector<512xf32>
    %get3A_131 = arith.constant 53760 : index
    %get3A_132 = vector.load %arg0[%get3A_131] : memref<131072xf32, #tpu.memory_space<vmem>>, vector<512xf32>
    %add3A_133 = arith.addf %add3A_130, %get3A_132 : vector<512xf32>
    %get3A_134 = arith.constant 57856 : index
    %get3A_135 = vector.load %arg0[%get3A_134] : memref<131072xf32, #tpu.memory_space<vmem>>, vector<512xf32>
    %add3A_136 = arith.addf %add3A_133, %get3A_135 : vector<512xf32>
    %get3A_137 = arith.constant 61952 : index
    %get3A_138 = vector.load %arg0[%get3A_137] : memref<131072xf32, #tpu.memory_space<vmem>>, vector<512xf32>
    %add3A_139 = arith.addf %add3A_136, %get3A_138 : vector<512xf32>
    %get3A_140 = arith.constant 66048 : index
    %get3A_141 = vector.load %arg0[%get3A_140] : memref<131072xf32, #tpu.memory_space<vmem>>, vector<512xf32>
    %add3A_142 = arith.addf %add3A_139, %get3A_141 : vector<512xf32>
    %get3A_143 = arith.constant 70144 : index
    %get3A_144 = vector.load %arg0[%get3A_143] : memref<131072xf32, #tpu.memory_space<vmem>>, vector<512xf32>
    %add3A_145 = arith.addf %add3A_142, %get3A_144 : vector<512xf32>
    %get3A_146 = arith.constant 74240 : index
    %get3A_147 = vector.load %arg0[%get3A_146] : memref<131072xf32, #tpu.memory_space<vmem>>, vector<512xf32>
    %add3A_148 = arith.addf %add3A_145, %get3A_147 : vector<512xf32>
    %get3A_149 = arith.constant 78336 : index
    %get3A_150 = vector.load %arg0[%get3A_149] : memref<131072xf32, #tpu.memory_space<vmem>>, vector<512xf32>
    %add3A_151 = arith.addf %add3A_148, %get3A_150 : vector<512xf32>
    %get3A_152 = arith.constant 82432 : index
    %get3A_153 = vector.load %arg0[%get3A_152] : memref<131072xf32, #tpu.memory_space<vmem>>, vector<512xf32>
    %add3A_154 = arith.addf %add3A_151, %get3A_153 : vector<512xf32>
    %get3A_155 = arith.constant 86528 : index
    %get3A_156 = vector.load %arg0[%get3A_155] : memref<131072xf32, #tpu.memory_space<vmem>>, vector<512xf32>
    %add3A_157 = arith.addf %add3A_154, %get3A_156 : vector<512xf32>
    %get3A_158 = arith.constant 90624 : index
    %get3A_159 = vector.load %arg0[%get3A_158] : memref<131072xf32, #tpu.memory_space<vmem>>, vector<512xf32>
    %add3A_160 = arith.addf %add3A_157, %get3A_159 : vector<512xf32>
    %get3A_161 = arith.constant 94720 : index
    %get3A_162 = vector.load %arg0[%get3A_161] : memref<131072xf32, #tpu.memory_space<vmem>>, vector<512xf32>
    %add3A_163 = arith.addf %add3A_160, %get3A_162 : vector<512xf32>
    %get3A_164 = arith.constant 98816 : index
    %get3A_165 = vector.load %arg0[%get3A_164] : memref<131072xf32, #tpu.memory_space<vmem>>, vector<512xf32>
    %add3A_166 = arith.addf %add3A_163, %get3A_165 : vector<512xf32>
    %get3A_167 = arith.constant 102912 : index
    %get3A_168 = vector.load %arg0[%get3A_167] : memref<131072xf32, #tpu.memory_space<vmem>>, vector<512xf32>
    %add3A_169 = arith.addf %add3A_166, %get3A_168 : vector<512xf32>
    %get3A_170 = arith.constant 107008 : index
    %get3A_171 = vector.load %arg0[%get3A_170] : memref<131072xf32, #tpu.memory_space<vmem>>, vector<512xf32>
    %add3A_172 = arith.addf %add3A_169, %get3A_171 : vector<512xf32>
    %get3A_173 = arith.constant 111104 : index
    %get3A_174 = vector.load %arg0[%get3A_173] : memref<131072xf32, #tpu.memory_space<vmem>>, vector<512xf32>
    %add3A_175 = arith.addf %add3A_172, %get3A_174 : vector<512xf32>
    %get3A_176 = arith.constant 115200 : index
    %get3A_177 = vector.load %arg0[%get3A_176] : memref<131072xf32, #tpu.memory_space<vmem>>, vector<512xf32>
    %add3A_178 = arith.addf %add3A_175, %get3A_177 : vector<512xf32>
    %get3A_179 = arith.constant 119296 : index
    %get3A_180 = vector.load %arg0[%get3A_179] : memref<131072xf32, #tpu.memory_space<vmem>>, vector<512xf32>
    %add3A_181 = arith.addf %add3A_178, %get3A_180 : vector<512xf32>
    %get3A_182 = arith.constant 123392 : index
    %get3A_183 = vector.load %arg0[%get3A_182] : memref<131072xf32, #tpu.memory_space<vmem>>, vector<512xf32>
    %add3A_184 = arith.addf %add3A_181, %get3A_183 : vector<512xf32>
    %get3A_185 = arith.constant 127488 : index
    %get3A_186 = vector.load %arg0[%get3A_185] : memref<131072xf32, #tpu.memory_space<vmem>>, vector<512xf32>
    %add3A_187 = arith.addf %add3A_184, %get3A_186 : vector<512xf32>
    %get3A_188 = arith.constant 1024 : index
    %get3A_189 = vector.load %arg0[%get3A_188] : memref<131072xf32, #tpu.memory_space<vmem>>, vector<512xf32>
    %get3A_190 = arith.constant 5120 : index
    %get3A_191 = vector.load %arg0[%get3A_190] : memref<131072xf32, #tpu.memory_space<vmem>>, vector<512xf32>
    %add3A_192 = arith.addf %get3A_189, %get3A_191 : vector<512xf32>
    %get3A_193 = arith.constant 9216 : index
    %get3A_194 = vector.load %arg0[%get3A_193] : memref<131072xf32, #tpu.memory_space<vmem>>, vector<512xf32>
    %add3A_195 = arith.addf %add3A_192, %get3A_194 : vector<512xf32>
    %get3A_196 = arith.constant 13312 : index
    %get3A_197 = vector.load %arg0[%get3A_196] : memref<131072xf32, #tpu.memory_space<vmem>>, vector<512xf32>
    %add3A_198 = arith.addf %add3A_195, %get3A_197 : vector<512xf32>
    %get3A_199 = arith.constant 17408 : index
    %get3A_200 = vector.load %arg0[%get3A_199] : memref<131072xf32, #tpu.memory_space<vmem>>, vector<512xf32>
    %add3A_201 = arith.addf %add3A_198, %get3A_200 : vector<512xf32>
    %get3A_202 = arith.constant 21504 : index
    %get3A_203 = vector.load %arg0[%get3A_202] : memref<131072xf32, #tpu.memory_space<vmem>>, vector<512xf32>
    %add3A_204 = arith.addf %add3A_201, %get3A_203 : vector<512xf32>
    %get3A_205 = arith.constant 25600 : index
    %get3A_206 = vector.load %arg0[%get3A_205] : memref<131072xf32, #tpu.memory_space<vmem>>, vector<512xf32>
    %add3A_207 = arith.addf %add3A_204, %get3A_206 : vector<512xf32>
    %get3A_208 = arith.constant 29696 : index
    %get3A_209 = vector.load %arg0[%get3A_208] : memref<131072xf32, #tpu.memory_space<vmem>>, vector<512xf32>
    %add3A_210 = arith.addf %add3A_207, %get3A_209 : vector<512xf32>
    %get3A_211 = arith.constant 33792 : index
    %get3A_212 = vector.load %arg0[%get3A_211] : memref<131072xf32, #tpu.memory_space<vmem>>, vector<512xf32>
    %add3A_213 = arith.addf %add3A_210, %get3A_212 : vector<512xf32>
    %get3A_214 = arith.constant 37888 : index
    %get3A_215 = vector.load %arg0[%get3A_214] : memref<131072xf32, #tpu.memory_space<vmem>>, vector<512xf32>
    %add3A_216 = arith.addf %add3A_213, %get3A_215 : vector<512xf32>
    %get3A_217 = arith.constant 41984 : index
    %get3A_218 = vector.load %arg0[%get3A_217] : memref<131072xf32, #tpu.memory_space<vmem>>, vector<512xf32>
    %add3A_219 = arith.addf %add3A_216, %get3A_218 : vector<512xf32>
    %get3A_220 = arith.constant 46080 : index
    %get3A_221 = vector.load %arg0[%get3A_220] : memref<131072xf32, #tpu.memory_space<vmem>>, vector<512xf32>
    %add3A_222 = arith.addf %add3A_219, %get3A_221 : vector<512xf32>
    %get3A_223 = arith.constant 50176 : index
    %get3A_224 = vector.load %arg0[%get3A_223] : memref<131072xf32, #tpu.memory_space<vmem>>, vector<512xf32>
    %add3A_225 = arith.addf %add3A_222, %get3A_224 : vector<512xf32>
    %get3A_226 = arith.constant 54272 : index
    %get3A_227 = vector.load %arg0[%get3A_226] : memref<131072xf32, #tpu.memory_space<vmem>>, vector<512xf32>
    %add3A_228 = arith.addf %add3A_225, %get3A_227 : vector<512xf32>
    %get3A_229 = arith.constant 58368 : index
    %get3A_230 = vector.load %arg0[%get3A_229] : memref<131072xf32, #tpu.memory_space<vmem>>, vector<512xf32>
    %add3A_231 = arith.addf %add3A_228, %get3A_230 : vector<512xf32>
    %get3A_232 = arith.constant 62464 : index
    %get3A_233 = vector.load %arg0[%get3A_232] : memref<131072xf32, #tpu.memory_space<vmem>>, vector<512xf32>
    %add3A_234 = arith.addf %add3A_231, %get3A_233 : vector<512xf32>
    %get3A_235 = arith.constant 66560 : index
    %get3A_236 = vector.load %arg0[%get3A_235] : memref<131072xf32, #tpu.memory_space<vmem>>, vector<512xf32>
    %add3A_237 = arith.addf %add3A_234, %get3A_236 : vector<512xf32>
    %get3A_238 = arith.constant 70656 : index
    %get3A_239 = vector.load %arg0[%get3A_238] : memref<131072xf32, #tpu.memory_space<vmem>>, vector<512xf32>
    %add3A_240 = arith.addf %add3A_237, %get3A_239 : vector<512xf32>
    %get3A_241 = arith.constant 74752 : index
    %get3A_242 = vector.load %arg0[%get3A_241] : memref<131072xf32, #tpu.memory_space<vmem>>, vector<512xf32>
    %add3A_243 = arith.addf %add3A_240, %get3A_242 : vector<512xf32>
    %get3A_244 = arith.constant 78848 : index
    %get3A_245 = vector.load %arg0[%get3A_244] : memref<131072xf32, #tpu.memory_space<vmem>>, vector<512xf32>
    %add3A_246 = arith.addf %add3A_243, %get3A_245 : vector<512xf32>
    %get3A_247 = arith.constant 82944 : index
    %get3A_248 = vector.load %arg0[%get3A_247] : memref<131072xf32, #tpu.memory_space<vmem>>, vector<512xf32>
    %add3A_249 = arith.addf %add3A_246, %get3A_248 : vector<512xf32>
    %get3A_250 = arith.constant 87040 : index
    %get3A_251 = vector.load %arg0[%get3A_250] : memref<131072xf32, #tpu.memory_space<vmem>>, vector<512xf32>
    %add3A_252 = arith.addf %add3A_249, %get3A_251 : vector<512xf32>
    %get3A_253 = arith.constant 91136 : index
    %get3A_254 = vector.load %arg0[%get3A_253] : memref<131072xf32, #tpu.memory_space<vmem>>, vector<512xf32>
    %add3A_255 = arith.addf %add3A_252, %get3A_254 : vector<512xf32>
    %get3A_256 = arith.constant 95232 : index
    %get3A_257 = vector.load %arg0[%get3A_256] : memref<131072xf32, #tpu.memory_space<vmem>>, vector<512xf32>
    %add3A_258 = arith.addf %add3A_255, %get3A_257 : vector<512xf32>
    %get3A_259 = arith.constant 99328 : index
    %get3A_260 = vector.load %arg0[%get3A_259] : memref<131072xf32, #tpu.memory_space<vmem>>, vector<512xf32>
    %add3A_261 = arith.addf %add3A_258, %get3A_260 : vector<512xf32>
    %get3A_262 = arith.constant 103424 : index
    %get3A_263 = vector.load %arg0[%get3A_262] : memref<131072xf32, #tpu.memory_space<vmem>>, vector<512xf32>
    %add3A_264 = arith.addf %add3A_261, %get3A_263 : vector<512xf32>
    %get3A_265 = arith.constant 107520 : index
    %get3A_266 = vector.load %arg0[%get3A_265] : memref<131072xf32, #tpu.memory_space<vmem>>, vector<512xf32>
    %add3A_267 = arith.addf %add3A_264, %get3A_266 : vector<512xf32>
    %get3A_268 = arith.constant 111616 : index
    %get3A_269 = vector.load %arg0[%get3A_268] : memref<131072xf32, #tpu.memory_space<vmem>>, vector<512xf32>
    %add3A_270 = arith.addf %add3A_267, %get3A_269 : vector<512xf32>
    %get3A_271 = arith.constant 115712 : index
    %get3A_272 = vector.load %arg0[%get3A_271] : memref<131072xf32, #tpu.memory_space<vmem>>, vector<512xf32>
    %add3A_273 = arith.addf %add3A_270, %get3A_272 : vector<512xf32>
    %get3A_274 = arith.constant 119808 : index
    %get3A_275 = vector.load %arg0[%get3A_274] : memref<131072xf32, #tpu.memory_space<vmem>>, vector<512xf32>
    %add3A_276 = arith.addf %add3A_273, %get3A_275 : vector<512xf32>
    %get3A_277 = arith.constant 123904 : index
    %get3A_278 = vector.load %arg0[%get3A_277] : memref<131072xf32, #tpu.memory_space<vmem>>, vector<512xf32>
    %add3A_279 = arith.addf %add3A_276, %get3A_278 : vector<512xf32>
    %get3A_280 = arith.constant 128000 : index
    %get3A_281 = vector.load %arg0[%get3A_280] : memref<131072xf32, #tpu.memory_space<vmem>>, vector<512xf32>
    %add3A_282 = arith.addf %add3A_279, %get3A_281 : vector<512xf32>
    %get3A_283 = arith.constant 1536 : index
    %get3A_284 = vector.load %arg0[%get3A_283] : memref<131072xf32, #tpu.memory_space<vmem>>, vector<512xf32>
    %get3A_285 = arith.constant 5632 : index
    %get3A_286 = vector.load %arg0[%get3A_285] : memref<131072xf32, #tpu.memory_space<vmem>>, vector<512xf32>
    %add3A_287 = arith.addf %get3A_284, %get3A_286 : vector<512xf32>
    %get3A_288 = arith.constant 9728 : index
    %get3A_289 = vector.load %arg0[%get3A_288] : memref<131072xf32, #tpu.memory_space<vmem>>, vector<512xf32>
    %add3A_290 = arith.addf %add3A_287, %get3A_289 : vector<512xf32>
    %get3A_291 = arith.constant 13824 : index
    %get3A_292 = vector.load %arg0[%get3A_291] : memref<131072xf32, #tpu.memory_space<vmem>>, vector<512xf32>
    %add3A_293 = arith.addf %add3A_290, %get3A_292 : vector<512xf32>
    %get3A_294 = arith.constant 17920 : index
    %get3A_295 = vector.load %arg0[%get3A_294] : memref<131072xf32, #tpu.memory_space<vmem>>, vector<512xf32>
    %add3A_296 = arith.addf %add3A_293, %get3A_295 : vector<512xf32>
    %get3A_297 = arith.constant 22016 : index
    %get3A_298 = vector.load %arg0[%get3A_297] : memref<131072xf32, #tpu.memory_space<vmem>>, vector<512xf32>
    %add3A_299 = arith.addf %add3A_296, %get3A_298 : vector<512xf32>
    %get3A_300 = arith.constant 26112 : index
    %get3A_301 = vector.load %arg0[%get3A_300] : memref<131072xf32, #tpu.memory_space<vmem>>, vector<512xf32>
    %add3A_302 = arith.addf %add3A_299, %get3A_301 : vector<512xf32>
    %get3A_303 = arith.constant 30208 : index
    %get3A_304 = vector.load %arg0[%get3A_303] : memref<131072xf32, #tpu.memory_space<vmem>>, vector<512xf32>
    %add3A_305 = arith.addf %add3A_302, %get3A_304 : vector<512xf32>
    %get3A_306 = arith.constant 34304 : index
    %get3A_307 = vector.load %arg0[%get3A_306] : memref<131072xf32, #tpu.memory_space<vmem>>, vector<512xf32>
    %add3A_308 = arith.addf %add3A_305, %get3A_307 : vector<512xf32>
    %get3A_309 = arith.constant 38400 : index
    %get3A_310 = vector.load %arg0[%get3A_309] : memref<131072xf32, #tpu.memory_space<vmem>>, vector<512xf32>
    %add3A_311 = arith.addf %add3A_308, %get3A_310 : vector<512xf32>
    %get3A_312 = arith.constant 42496 : index
    %get3A_313 = vector.load %arg0[%get3A_312] : memref<131072xf32, #tpu.memory_space<vmem>>, vector<512xf32>
    %add3A_314 = arith.addf %add3A_311, %get3A_313 : vector<512xf32>
    %get3A_315 = arith.constant 46592 : index
    %get3A_316 = vector.load %arg0[%get3A_315] : memref<131072xf32, #tpu.memory_space<vmem>>, vector<512xf32>
    %add3A_317 = arith.addf %add3A_314, %get3A_316 : vector<512xf32>
    %get3A_318 = arith.constant 50688 : index
    %get3A_319 = vector.load %arg0[%get3A_318] : memref<131072xf32, #tpu.memory_space<vmem>>, vector<512xf32>
    %add3A_320 = arith.addf %add3A_317, %get3A_319 : vector<512xf32>
    %get3A_321 = arith.constant 54784 : index
    %get3A_322 = vector.load %arg0[%get3A_321] : memref<131072xf32, #tpu.memory_space<vmem>>, vector<512xf32>
    %add3A_323 = arith.addf %add3A_320, %get3A_322 : vector<512xf32>
    %get3A_324 = arith.constant 58880 : index
    %get3A_325 = vector.load %arg0[%get3A_324] : memref<131072xf32, #tpu.memory_space<vmem>>, vector<512xf32>
    %add3A_326 = arith.addf %add3A_323, %get3A_325 : vector<512xf32>
    %get3A_327 = arith.constant 62976 : index
    %get3A_328 = vector.load %arg0[%get3A_327] : memref<131072xf32, #tpu.memory_space<vmem>>, vector<512xf32>
    %add3A_329 = arith.addf %add3A_326, %get3A_328 : vector<512xf32>
    %get3A_330 = arith.constant 67072 : index
    %get3A_331 = vector.load %arg0[%get3A_330] : memref<131072xf32, #tpu.memory_space<vmem>>, vector<512xf32>
    %add3A_332 = arith.addf %add3A_329, %get3A_331 : vector<512xf32>
    %get3A_333 = arith.constant 71168 : index
    %get3A_334 = vector.load %arg0[%get3A_333] : memref<131072xf32, #tpu.memory_space<vmem>>, vector<512xf32>
    %add3A_335 = arith.addf %add3A_332, %get3A_334 : vector<512xf32>
    %get3A_336 = arith.constant 75264 : index
    %get3A_337 = vector.load %arg0[%get3A_336] : memref<131072xf32, #tpu.memory_space<vmem>>, vector<512xf32>
    %add3A_338 = arith.addf %add3A_335, %get3A_337 : vector<512xf32>
    %get3A_339 = arith.constant 79360 : index
    %get3A_340 = vector.load %arg0[%get3A_339] : memref<131072xf32, #tpu.memory_space<vmem>>, vector<512xf32>
    %add3A_341 = arith.addf %add3A_338, %get3A_340 : vector<512xf32>
    %get3A_342 = arith.constant 83456 : index
    %get3A_343 = vector.load %arg0[%get3A_342] : memref<131072xf32, #tpu.memory_space<vmem>>, vector<512xf32>
    %add3A_344 = arith.addf %add3A_341, %get3A_343 : vector<512xf32>
    %get3A_345 = arith.constant 87552 : index
    %get3A_346 = vector.load %arg0[%get3A_345] : memref<131072xf32, #tpu.memory_space<vmem>>, vector<512xf32>
    %add3A_347 = arith.addf %add3A_344, %get3A_346 : vector<512xf32>
    %get3A_348 = arith.constant 91648 : index
    %get3A_349 = vector.load %arg0[%get3A_348] : memref<131072xf32, #tpu.memory_space<vmem>>, vector<512xf32>
    %add3A_350 = arith.addf %add3A_347, %get3A_349 : vector<512xf32>
    %get3A_351 = arith.constant 95744 : index
    %get3A_352 = vector.load %arg0[%get3A_351] : memref<131072xf32, #tpu.memory_space<vmem>>, vector<512xf32>
    %add3A_353 = arith.addf %add3A_350, %get3A_352 : vector<512xf32>
    %get3A_354 = arith.constant 99840 : index
    %get3A_355 = vector.load %arg0[%get3A_354] : memref<131072xf32, #tpu.memory_space<vmem>>, vector<512xf32>
    %add3A_356 = arith.addf %add3A_353, %get3A_355 : vector<512xf32>
    %get3A_357 = arith.constant 103936 : index
    %get3A_358 = vector.load %arg0[%get3A_357] : memref<131072xf32, #tpu.memory_space<vmem>>, vector<512xf32>
    %add3A_359 = arith.addf %add3A_356, %get3A_358 : vector<512xf32>
    %get3A_360 = arith.constant 108032 : index
    %get3A_361 = vector.load %arg0[%get3A_360] : memref<131072xf32, #tpu.memory_space<vmem>>, vector<512xf32>
    %add3A_362 = arith.addf %add3A_359, %get3A_361 : vector<512xf32>
    %get3A_363 = arith.constant 112128 : index
    %get3A_364 = vector.load %arg0[%get3A_363] : memref<131072xf32, #tpu.memory_space<vmem>>, vector<512xf32>
    %add3A_365 = arith.addf %add3A_362, %get3A_364 : vector<512xf32>
    %get3A_366 = arith.constant 116224 : index
    %get3A_367 = vector.load %arg0[%get3A_366] : memref<131072xf32, #tpu.memory_space<vmem>>, vector<512xf32>
    %add3A_368 = arith.addf %add3A_365, %get3A_367 : vector<512xf32>
    %get3A_369 = arith.constant 120320 : index
    %get3A_370 = vector.load %arg0[%get3A_369] : memref<131072xf32, #tpu.memory_space<vmem>>, vector<512xf32>
    %add3A_371 = arith.addf %add3A_368, %get3A_370 : vector<512xf32>
    %get3A_372 = arith.constant 124416 : index
    %get3A_373 = vector.load %arg0[%get3A_372] : memref<131072xf32, #tpu.memory_space<vmem>>, vector<512xf32>
    %add3A_374 = arith.addf %add3A_371, %get3A_373 : vector<512xf32>
    %get3A_375 = arith.constant 128512 : index
    %get3A_376 = vector.load %arg0[%get3A_375] : memref<131072xf32, #tpu.memory_space<vmem>>, vector<512xf32>
    %add3A_377 = arith.addf %add3A_374, %get3A_376 : vector<512xf32>
    %get3A_378 = arith.constant 2048 : index
    %get3A_379 = vector.load %arg0[%get3A_378] : memref<131072xf32, #tpu.memory_space<vmem>>, vector<512xf32>
    %get3A_380 = arith.constant 6144 : index
    %get3A_381 = vector.load %arg0[%get3A_380] : memref<131072xf32, #tpu.memory_space<vmem>>, vector<512xf32>
    %add3A_382 = arith.addf %get3A_379, %get3A_381 : vector<512xf32>
    %get3A_383 = arith.constant 10240 : index
    %get3A_384 = vector.load %arg0[%get3A_383] : memref<131072xf32, #tpu.memory_space<vmem>>, vector<512xf32>
    %add3A_385 = arith.addf %add3A_382, %get3A_384 : vector<512xf32>
    %get3A_386 = arith.constant 14336 : index
    %get3A_387 = vector.load %arg0[%get3A_386] : memref<131072xf32, #tpu.memory_space<vmem>>, vector<512xf32>
    %add3A_388 = arith.addf %add3A_385, %get3A_387 : vector<512xf32>
    %get3A_389 = arith.constant 18432 : index
    %get3A_390 = vector.load %arg0[%get3A_389] : memref<131072xf32, #tpu.memory_space<vmem>>, vector<512xf32>
    %add3A_391 = arith.addf %add3A_388, %get3A_390 : vector<512xf32>
    %get3A_392 = arith.constant 22528 : index
    %get3A_393 = vector.load %arg0[%get3A_392] : memref<131072xf32, #tpu.memory_space<vmem>>, vector<512xf32>
    %add3A_394 = arith.addf %add3A_391, %get3A_393 : vector<512xf32>
    %get3A_395 = arith.constant 26624 : index
    %get3A_396 = vector.load %arg0[%get3A_395] : memref<131072xf32, #tpu.memory_space<vmem>>, vector<512xf32>
    %add3A_397 = arith.addf %add3A_394, %get3A_396 : vector<512xf32>
    %get3A_398 = arith.constant 30720 : index
    %get3A_399 = vector.load %arg0[%get3A_398] : memref<131072xf32, #tpu.memory_space<vmem>>, vector<512xf32>
    %add3A_400 = arith.addf %add3A_397, %get3A_399 : vector<512xf32>
    %get3A_401 = arith.constant 34816 : index
    %get3A_402 = vector.load %arg0[%get3A_401] : memref<131072xf32, #tpu.memory_space<vmem>>, vector<512xf32>
    %add3A_403 = arith.addf %add3A_400, %get3A_402 : vector<512xf32>
    %get3A_404 = arith.constant 38912 : index
    %get3A_405 = vector.load %arg0[%get3A_404] : memref<131072xf32, #tpu.memory_space<vmem>>, vector<512xf32>
    %add3A_406 = arith.addf %add3A_403, %get3A_405 : vector<512xf32>
    %get3A_407 = arith.constant 43008 : index
    %get3A_408 = vector.load %arg0[%get3A_407] : memref<131072xf32, #tpu.memory_space<vmem>>, vector<512xf32>
    %add3A_409 = arith.addf %add3A_406, %get3A_408 : vector<512xf32>
    %get3A_410 = arith.constant 47104 : index
    %get3A_411 = vector.load %arg0[%get3A_410] : memref<131072xf32, #tpu.memory_space<vmem>>, vector<512xf32>
    %add3A_412 = arith.addf %add3A_409, %get3A_411 : vector<512xf32>
    %get3A_413 = arith.constant 51200 : index
    %get3A_414 = vector.load %arg0[%get3A_413] : memref<131072xf32, #tpu.memory_space<vmem>>, vector<512xf32>
    %add3A_415 = arith.addf %add3A_412, %get3A_414 : vector<512xf32>
    %get3A_416 = arith.constant 55296 : index
    %get3A_417 = vector.load %arg0[%get3A_416] : memref<131072xf32, #tpu.memory_space<vmem>>, vector<512xf32>
    %add3A_418 = arith.addf %add3A_415, %get3A_417 : vector<512xf32>
    %get3A_419 = arith.constant 59392 : index
    %get3A_420 = vector.load %arg0[%get3A_419] : memref<131072xf32, #tpu.memory_space<vmem>>, vector<512xf32>
    %add3A_421 = arith.addf %add3A_418, %get3A_420 : vector<512xf32>
    %get3A_422 = arith.constant 63488 : index
    %get3A_423 = vector.load %arg0[%get3A_422] : memref<131072xf32, #tpu.memory_space<vmem>>, vector<512xf32>
    %add3A_424 = arith.addf %add3A_421, %get3A_423 : vector<512xf32>
    %get3A_425 = arith.constant 67584 : index
    %get3A_426 = vector.load %arg0[%get3A_425] : memref<131072xf32, #tpu.memory_space<vmem>>, vector<512xf32>
    %add3A_427 = arith.addf %add3A_424, %get3A_426 : vector<512xf32>
    %get3A_428 = arith.constant 71680 : index
    %get3A_429 = vector.load %arg0[%get3A_428] : memref<131072xf32, #tpu.memory_space<vmem>>, vector<512xf32>
    %add3A_430 = arith.addf %add3A_427, %get3A_429 : vector<512xf32>
    %get3A_431 = arith.constant 75776 : index
    %get3A_432 = vector.load %arg0[%get3A_431] : memref<131072xf32, #tpu.memory_space<vmem>>, vector<512xf32>
    %add3A_433 = arith.addf %add3A_430, %get3A_432 : vector<512xf32>
    %get3A_434 = arith.constant 79872 : index
    %get3A_435 = vector.load %arg0[%get3A_434] : memref<131072xf32, #tpu.memory_space<vmem>>, vector<512xf32>
    %add3A_436 = arith.addf %add3A_433, %get3A_435 : vector<512xf32>
    %get3A_437 = arith.constant 83968 : index
    %get3A_438 = vector.load %arg0[%get3A_437] : memref<131072xf32, #tpu.memory_space<vmem>>, vector<512xf32>
    %add3A_439 = arith.addf %add3A_436, %get3A_438 : vector<512xf32>
    %get3A_440 = arith.constant 88064 : index
    %get3A_441 = vector.load %arg0[%get3A_440] : memref<131072xf32, #tpu.memory_space<vmem>>, vector<512xf32>
    %add3A_442 = arith.addf %add3A_439, %get3A_441 : vector<512xf32>
    %get3A_443 = arith.constant 92160 : index
    %get3A_444 = vector.load %arg0[%get3A_443] : memref<131072xf32, #tpu.memory_space<vmem>>, vector<512xf32>
    %add3A_445 = arith.addf %add3A_442, %get3A_444 : vector<512xf32>
    %get3A_446 = arith.constant 96256 : index
    %get3A_447 = vector.load %arg0[%get3A_446] : memref<131072xf32, #tpu.memory_space<vmem>>, vector<512xf32>
    %add3A_448 = arith.addf %add3A_445, %get3A_447 : vector<512xf32>
    %get3A_449 = arith.constant 100352 : index
    %get3A_450 = vector.load %arg0[%get3A_449] : memref<131072xf32, #tpu.memory_space<vmem>>, vector<512xf32>
    %add3A_451 = arith.addf %add3A_448, %get3A_450 : vector<512xf32>
    %get3A_452 = arith.constant 104448 : index
    %get3A_453 = vector.load %arg0[%get3A_452] : memref<131072xf32, #tpu.memory_space<vmem>>, vector<512xf32>
    %add3A_454 = arith.addf %add3A_451, %get3A_453 : vector<512xf32>
    %get3A_455 = arith.constant 108544 : index
    %get3A_456 = vector.load %arg0[%get3A_455] : memref<131072xf32, #tpu.memory_space<vmem>>, vector<512xf32>
    %add3A_457 = arith.addf %add3A_454, %get3A_456 : vector<512xf32>
    %get3A_458 = arith.constant 112640 : index
    %get3A_459 = vector.load %arg0[%get3A_458] : memref<131072xf32, #tpu.memory_space<vmem>>, vector<512xf32>
    %add3A_460 = arith.addf %add3A_457, %get3A_459 : vector<512xf32>
    %get3A_461 = arith.constant 116736 : index
    %get3A_462 = vector.load %arg0[%get3A_461] : memref<131072xf32, #tpu.memory_space<vmem>>, vector<512xf32>
    %add3A_463 = arith.addf %add3A_460, %get3A_462 : vector<512xf32>
    %get3A_464 = arith.constant 120832 : index
    %get3A_465 = vector.load %arg0[%get3A_464] : memref<131072xf32, #tpu.memory_space<vmem>>, vector<512xf32>
    %add3A_466 = arith.addf %add3A_463, %get3A_465 : vector<512xf32>
    %get3A_467 = arith.constant 124928 : index
    %get3A_468 = vector.load %arg0[%get3A_467] : memref<131072xf32, #tpu.memory_space<vmem>>, vector<512xf32>
    %add3A_469 = arith.addf %add3A_466, %get3A_468 : vector<512xf32>
    %get3A_470 = arith.constant 129024 : index
    %get3A_471 = vector.load %arg0[%get3A_470] : memref<131072xf32, #tpu.memory_space<vmem>>, vector<512xf32>
    %add3A_472 = arith.addf %add3A_469, %get3A_471 : vector<512xf32>
    %get3A_473 = arith.constant 2560 : index
    %get3A_474 = vector.load %arg0[%get3A_473] : memref<131072xf32, #tpu.memory_space<vmem>>, vector<512xf32>
    %get3A_475 = arith.constant 6656 : index
    %get3A_476 = vector.load %arg0[%get3A_475] : memref<131072xf32, #tpu.memory_space<vmem>>, vector<512xf32>
    %add3A_477 = arith.addf %get3A_474, %get3A_476 : vector<512xf32>
    %get3A_478 = arith.constant 10752 : index
    %get3A_479 = vector.load %arg0[%get3A_478] : memref<131072xf32, #tpu.memory_space<vmem>>, vector<512xf32>
    %add3A_480 = arith.addf %add3A_477, %get3A_479 : vector<512xf32>
    %get3A_481 = arith.constant 14848 : index
    %get3A_482 = vector.load %arg0[%get3A_481] : memref<131072xf32, #tpu.memory_space<vmem>>, vector<512xf32>
    %add3A_483 = arith.addf %add3A_480, %get3A_482 : vector<512xf32>
    %get3A_484 = arith.constant 18944 : index
    %get3A_485 = vector.load %arg0[%get3A_484] : memref<131072xf32, #tpu.memory_space<vmem>>, vector<512xf32>
    %add3A_486 = arith.addf %add3A_483, %get3A_485 : vector<512xf32>
    %get3A_487 = arith.constant 23040 : index
    %get3A_488 = vector.load %arg0[%get3A_487] : memref<131072xf32, #tpu.memory_space<vmem>>, vector<512xf32>
    %add3A_489 = arith.addf %add3A_486, %get3A_488 : vector<512xf32>
    %get3A_490 = arith.constant 27136 : index
    %get3A_491 = vector.load %arg0[%get3A_490] : memref<131072xf32, #tpu.memory_space<vmem>>, vector<512xf32>
    %add3A_492 = arith.addf %add3A_489, %get3A_491 : vector<512xf32>
    %get3A_493 = arith.constant 31232 : index
    %get3A_494 = vector.load %arg0[%get3A_493] : memref<131072xf32, #tpu.memory_space<vmem>>, vector<512xf32>
    %add3A_495 = arith.addf %add3A_492, %get3A_494 : vector<512xf32>
    %get3A_496 = arith.constant 35328 : index
    %get3A_497 = vector.load %arg0[%get3A_496] : memref<131072xf32, #tpu.memory_space<vmem>>, vector<512xf32>
    %add3A_498 = arith.addf %add3A_495, %get3A_497 : vector<512xf32>
    %get3A_499 = arith.constant 39424 : index
    %get3A_500 = vector.load %arg0[%get3A_499] : memref<131072xf32, #tpu.memory_space<vmem>>, vector<512xf32>
    %add3A_501 = arith.addf %add3A_498, %get3A_500 : vector<512xf32>
    %get3A_502 = arith.constant 43520 : index
    %get3A_503 = vector.load %arg0[%get3A_502] : memref<131072xf32, #tpu.memory_space<vmem>>, vector<512xf32>
    %add3A_504 = arith.addf %add3A_501, %get3A_503 : vector<512xf32>
    %get3A_505 = arith.constant 47616 : index
    %get3A_506 = vector.load %arg0[%get3A_505] : memref<131072xf32, #tpu.memory_space<vmem>>, vector<512xf32>
    %add3A_507 = arith.addf %add3A_504, %get3A_506 : vector<512xf32>
    %get3A_508 = arith.constant 51712 : index
    %get3A_509 = vector.load %arg0[%get3A_508] : memref<131072xf32, #tpu.memory_space<vmem>>, vector<512xf32>
    %add3A_510 = arith.addf %add3A_507, %get3A_509 : vector<512xf32>
    %get3A_511 = arith.constant 55808 : index
    %get3A_512 = vector.load %arg0[%get3A_511] : memref<131072xf32, #tpu.memory_space<vmem>>, vector<512xf32>
    %add3A_513 = arith.addf %add3A_510, %get3A_512 : vector<512xf32>
    %get3A_514 = arith.constant 59904 : index
    %get3A_515 = vector.load %arg0[%get3A_514] : memref<131072xf32, #tpu.memory_space<vmem>>, vector<512xf32>
    %add3A_516 = arith.addf %add3A_513, %get3A_515 : vector<512xf32>
    %get3A_517 = arith.constant 64000 : index
    %get3A_518 = vector.load %arg0[%get3A_517] : memref<131072xf32, #tpu.memory_space<vmem>>, vector<512xf32>
    %add3A_519 = arith.addf %add3A_516, %get3A_518 : vector<512xf32>
    %get3A_520 = arith.constant 68096 : index
    %get3A_521 = vector.load %arg0[%get3A_520] : memref<131072xf32, #tpu.memory_space<vmem>>, vector<512xf32>
    %add3A_522 = arith.addf %add3A_519, %get3A_521 : vector<512xf32>
    %get3A_523 = arith.constant 72192 : index
    %get3A_524 = vector.load %arg0[%get3A_523] : memref<131072xf32, #tpu.memory_space<vmem>>, vector<512xf32>
    %add3A_525 = arith.addf %add3A_522, %get3A_524 : vector<512xf32>
    %get3A_526 = arith.constant 76288 : index
    %get3A_527 = vector.load %arg0[%get3A_526] : memref<131072xf32, #tpu.memory_space<vmem>>, vector<512xf32>
    %add3A_528 = arith.addf %add3A_525, %get3A_527 : vector<512xf32>
    %get3A_529 = arith.constant 80384 : index
    %get3A_530 = vector.load %arg0[%get3A_529] : memref<131072xf32, #tpu.memory_space<vmem>>, vector<512xf32>
    %add3A_531 = arith.addf %add3A_528, %get3A_530 : vector<512xf32>
    %get3A_532 = arith.constant 84480 : index
    %get3A_533 = vector.load %arg0[%get3A_532] : memref<131072xf32, #tpu.memory_space<vmem>>, vector<512xf32>
    %add3A_534 = arith.addf %add3A_531, %get3A_533 : vector<512xf32>
    %get3A_535 = arith.constant 88576 : index
    %get3A_536 = vector.load %arg0[%get3A_535] : memref<131072xf32, #tpu.memory_space<vmem>>, vector<512xf32>
    %add3A_537 = arith.addf %add3A_534, %get3A_536 : vector<512xf32>
    %get3A_538 = arith.constant 92672 : index
    %get3A_539 = vector.load %arg0[%get3A_538] : memref<131072xf32, #tpu.memory_space<vmem>>, vector<512xf32>
    %add3A_540 = arith.addf %add3A_537, %get3A_539 : vector<512xf32>
    %get3A_541 = arith.constant 96768 : index
    %get3A_542 = vector.load %arg0[%get3A_541] : memref<131072xf32, #tpu.memory_space<vmem>>, vector<512xf32>
    %add3A_543 = arith.addf %add3A_540, %get3A_542 : vector<512xf32>
    %get3A_544 = arith.constant 100864 : index
    %get3A_545 = vector.load %arg0[%get3A_544] : memref<131072xf32, #tpu.memory_space<vmem>>, vector<512xf32>
    %add3A_546 = arith.addf %add3A_543, %get3A_545 : vector<512xf32>
    %get3A_547 = arith.constant 104960 : index
    %get3A_548 = vector.load %arg0[%get3A_547] : memref<131072xf32, #tpu.memory_space<vmem>>, vector<512xf32>
    %add3A_549 = arith.addf %add3A_546, %get3A_548 : vector<512xf32>
    %get3A_550 = arith.constant 109056 : index
    %get3A_551 = vector.load %arg0[%get3A_550] : memref<131072xf32, #tpu.memory_space<vmem>>, vector<512xf32>
    %add3A_552 = arith.addf %add3A_549, %get3A_551 : vector<512xf32>
    %get3A_553 = arith.constant 113152 : index
    %get3A_554 = vector.load %arg0[%get3A_553] : memref<131072xf32, #tpu.memory_space<vmem>>, vector<512xf32>
    %add3A_555 = arith.addf %add3A_552, %get3A_554 : vector<512xf32>
    %get3A_556 = arith.constant 117248 : index
    %get3A_557 = vector.load %arg0[%get3A_556] : memref<131072xf32, #tpu.memory_space<vmem>>, vector<512xf32>
    %add3A_558 = arith.addf %add3A_555, %get3A_557 : vector<512xf32>
    %get3A_559 = arith.constant 121344 : index
    %get3A_560 = vector.load %arg0[%get3A_559] : memref<131072xf32, #tpu.memory_space<vmem>>, vector<512xf32>
    %add3A_561 = arith.addf %add3A_558, %get3A_560 : vector<512xf32>
    %get3A_562 = arith.constant 125440 : index
    %get3A_563 = vector.load %arg0[%get3A_562] : memref<131072xf32, #tpu.memory_space<vmem>>, vector<512xf32>
    %add3A_564 = arith.addf %add3A_561, %get3A_563 : vector<512xf32>
    %get3A_565 = arith.constant 129536 : index
    %get3A_566 = vector.load %arg0[%get3A_565] : memref<131072xf32, #tpu.memory_space<vmem>>, vector<512xf32>
    %add3A_567 = arith.addf %add3A_564, %get3A_566 : vector<512xf32>
    %get3A_568 = arith.constant 3072 : index
    %get3A_569 = vector.load %arg0[%get3A_568] : memref<131072xf32, #tpu.memory_space<vmem>>, vector<512xf32>
    %get3A_570 = arith.constant 7168 : index
    %get3A_571 = vector.load %arg0[%get3A_570] : memref<131072xf32, #tpu.memory_space<vmem>>, vector<512xf32>
    %add3A_572 = arith.addf %get3A_569, %get3A_571 : vector<512xf32>
    %get3A_573 = arith.constant 11264 : index
    %get3A_574 = vector.load %arg0[%get3A_573] : memref<131072xf32, #tpu.memory_space<vmem>>, vector<512xf32>
    %add3A_575 = arith.addf %add3A_572, %get3A_574 : vector<512xf32>
    %get3A_576 = arith.constant 15360 : index
    %get3A_577 = vector.load %arg0[%get3A_576] : memref<131072xf32, #tpu.memory_space<vmem>>, vector<512xf32>
    %add3A_578 = arith.addf %add3A_575, %get3A_577 : vector<512xf32>
    %get3A_579 = arith.constant 19456 : index
    %get3A_580 = vector.load %arg0[%get3A_579] : memref<131072xf32, #tpu.memory_space<vmem>>, vector<512xf32>
    %add3A_581 = arith.addf %add3A_578, %get3A_580 : vector<512xf32>
    %get3A_582 = arith.constant 23552 : index
    %get3A_583 = vector.load %arg0[%get3A_582] : memref<131072xf32, #tpu.memory_space<vmem>>, vector<512xf32>
    %add3A_584 = arith.addf %add3A_581, %get3A_583 : vector<512xf32>
    %get3A_585 = arith.constant 27648 : index
    %get3A_586 = vector.load %arg0[%get3A_585] : memref<131072xf32, #tpu.memory_space<vmem>>, vector<512xf32>
    %add3A_587 = arith.addf %add3A_584, %get3A_586 : vector<512xf32>
    %get3A_588 = arith.constant 31744 : index
    %get3A_589 = vector.load %arg0[%get3A_588] : memref<131072xf32, #tpu.memory_space<vmem>>, vector<512xf32>
    %add3A_590 = arith.addf %add3A_587, %get3A_589 : vector<512xf32>
    %get3A_591 = arith.constant 35840 : index
    %get3A_592 = vector.load %arg0[%get3A_591] : memref<131072xf32, #tpu.memory_space<vmem>>, vector<512xf32>
    %add3A_593 = arith.addf %add3A_590, %get3A_592 : vector<512xf32>
    %get3A_594 = arith.constant 39936 : index
    %get3A_595 = vector.load %arg0[%get3A_594] : memref<131072xf32, #tpu.memory_space<vmem>>, vector<512xf32>
    %add3A_596 = arith.addf %add3A_593, %get3A_595 : vector<512xf32>
    %get3A_597 = arith.constant 44032 : index
    %get3A_598 = vector.load %arg0[%get3A_597] : memref<131072xf32, #tpu.memory_space<vmem>>, vector<512xf32>
    %add3A_599 = arith.addf %add3A_596, %get3A_598 : vector<512xf32>
    %get3A_600 = arith.constant 48128 : index
    %get3A_601 = vector.load %arg0[%get3A_600] : memref<131072xf32, #tpu.memory_space<vmem>>, vector<512xf32>
    %add3A_602 = arith.addf %add3A_599, %get3A_601 : vector<512xf32>
    %get3A_603 = arith.constant 52224 : index
    %get3A_604 = vector.load %arg0[%get3A_603] : memref<131072xf32, #tpu.memory_space<vmem>>, vector<512xf32>
    %add3A_605 = arith.addf %add3A_602, %get3A_604 : vector<512xf32>
    %get3A_606 = arith.constant 56320 : index
    %get3A_607 = vector.load %arg0[%get3A_606] : memref<131072xf32, #tpu.memory_space<vmem>>, vector<512xf32>
    %add3A_608 = arith.addf %add3A_605, %get3A_607 : vector<512xf32>
    %get3A_609 = arith.constant 60416 : index
    %get3A_610 = vector.load %arg0[%get3A_609] : memref<131072xf32, #tpu.memory_space<vmem>>, vector<512xf32>
    %add3A_611 = arith.addf %add3A_608, %get3A_610 : vector<512xf32>
    %get3A_612 = arith.constant 64512 : index
    %get3A_613 = vector.load %arg0[%get3A_612] : memref<131072xf32, #tpu.memory_space<vmem>>, vector<512xf32>
    %add3A_614 = arith.addf %add3A_611, %get3A_613 : vector<512xf32>
    %get3A_615 = arith.constant 68608 : index
    %get3A_616 = vector.load %arg0[%get3A_615] : memref<131072xf32, #tpu.memory_space<vmem>>, vector<512xf32>
    %add3A_617 = arith.addf %add3A_614, %get3A_616 : vector<512xf32>
    %get3A_618 = arith.constant 72704 : index
    %get3A_619 = vector.load %arg0[%get3A_618] : memref<131072xf32, #tpu.memory_space<vmem>>, vector<512xf32>
    %add3A_620 = arith.addf %add3A_617, %get3A_619 : vector<512xf32>
    %get3A_621 = arith.constant 76800 : index
    %get3A_622 = vector.load %arg0[%get3A_621] : memref<131072xf32, #tpu.memory_space<vmem>>, vector<512xf32>
    %add3A_623 = arith.addf %add3A_620, %get3A_622 : vector<512xf32>
    %get3A_624 = arith.constant 80896 : index
    %get3A_625 = vector.load %arg0[%get3A_624] : memref<131072xf32, #tpu.memory_space<vmem>>, vector<512xf32>
    %add3A_626 = arith.addf %add3A_623, %get3A_625 : vector<512xf32>
    %get3A_627 = arith.constant 84992 : index
    %get3A_628 = vector.load %arg0[%get3A_627] : memref<131072xf32, #tpu.memory_space<vmem>>, vector<512xf32>
    %add3A_629 = arith.addf %add3A_626, %get3A_628 : vector<512xf32>
    %get3A_630 = arith.constant 89088 : index
    %get3A_631 = vector.load %arg0[%get3A_630] : memref<131072xf32, #tpu.memory_space<vmem>>, vector<512xf32>
    %add3A_632 = arith.addf %add3A_629, %get3A_631 : vector<512xf32>
    %get3A_633 = arith.constant 93184 : index
    %get3A_634 = vector.load %arg0[%get3A_633] : memref<131072xf32, #tpu.memory_space<vmem>>, vector<512xf32>
    %add3A_635 = arith.addf %add3A_632, %get3A_634 : vector<512xf32>
    %get3A_636 = arith.constant 97280 : index
    %get3A_637 = vector.load %arg0[%get3A_636] : memref<131072xf32, #tpu.memory_space<vmem>>, vector<512xf32>
    %add3A_638 = arith.addf %add3A_635, %get3A_637 : vector<512xf32>
    %get3A_639 = arith.constant 101376 : index
    %get3A_640 = vector.load %arg0[%get3A_639] : memref<131072xf32, #tpu.memory_space<vmem>>, vector<512xf32>
    %add3A_641 = arith.addf %add3A_638, %get3A_640 : vector<512xf32>
    %get3A_642 = arith.constant 105472 : index
    %get3A_643 = vector.load %arg0[%get3A_642] : memref<131072xf32, #tpu.memory_space<vmem>>, vector<512xf32>
    %add3A_644 = arith.addf %add3A_641, %get3A_643 : vector<512xf32>
    %get3A_645 = arith.constant 109568 : index
    %get3A_646 = vector.load %arg0[%get3A_645] : memref<131072xf32, #tpu.memory_space<vmem>>, vector<512xf32>
    %add3A_647 = arith.addf %add3A_644, %get3A_646 : vector<512xf32>
    %get3A_648 = arith.constant 113664 : index
    %get3A_649 = vector.load %arg0[%get3A_648] : memref<131072xf32, #tpu.memory_space<vmem>>, vector<512xf32>
    %add3A_650 = arith.addf %add3A_647, %get3A_649 : vector<512xf32>
    %get3A_651 = arith.constant 117760 : index
    %get3A_652 = vector.load %arg0[%get3A_651] : memref<131072xf32, #tpu.memory_space<vmem>>, vector<512xf32>
    %add3A_653 = arith.addf %add3A_650, %get3A_652 : vector<512xf32>
    %get3A_654 = arith.constant 121856 : index
    %get3A_655 = vector.load %arg0[%get3A_654] : memref<131072xf32, #tpu.memory_space<vmem>>, vector<512xf32>
    %add3A_656 = arith.addf %add3A_653, %get3A_655 : vector<512xf32>
    %get3A_657 = arith.constant 125952 : index
    %get3A_658 = vector.load %arg0[%get3A_657] : memref<131072xf32, #tpu.memory_space<vmem>>, vector<512xf32>
    %add3A_659 = arith.addf %add3A_656, %get3A_658 : vector<512xf32>
    %get3A_660 = arith.constant 130048 : index
    %get3A_661 = vector.load %arg0[%get3A_660] : memref<131072xf32, #tpu.memory_space<vmem>>, vector<512xf32>
    %add3A_662 = arith.addf %add3A_659, %get3A_661 : vector<512xf32>
    %get3A_663 = arith.constant 3584 : index
    %get3A_664 = vector.load %arg0[%get3A_663] : memref<131072xf32, #tpu.memory_space<vmem>>, vector<512xf32>
    %get3A_665 = arith.constant 7680 : index
    %get3A_666 = vector.load %arg0[%get3A_665] : memref<131072xf32, #tpu.memory_space<vmem>>, vector<512xf32>
    %add3A_667 = arith.addf %get3A_664, %get3A_666 : vector<512xf32>
    %get3A_668 = arith.constant 11776 : index
    %get3A_669 = vector.load %arg0[%get3A_668] : memref<131072xf32, #tpu.memory_space<vmem>>, vector<512xf32>
    %add3A_670 = arith.addf %add3A_667, %get3A_669 : vector<512xf32>
    %get3A_671 = arith.constant 15872 : index
    %get3A_672 = vector.load %arg0[%get3A_671] : memref<131072xf32, #tpu.memory_space<vmem>>, vector<512xf32>
    %add3A_673 = arith.addf %add3A_670, %get3A_672 : vector<512xf32>
    %get3A_674 = arith.constant 19968 : index
    %get3A_675 = vector.load %arg0[%get3A_674] : memref<131072xf32, #tpu.memory_space<vmem>>, vector<512xf32>
    %add3A_676 = arith.addf %add3A_673, %get3A_675 : vector<512xf32>
    %get3A_677 = arith.constant 24064 : index
    %get3A_678 = vector.load %arg0[%get3A_677] : memref<131072xf32, #tpu.memory_space<vmem>>, vector<512xf32>
    %add3A_679 = arith.addf %add3A_676, %get3A_678 : vector<512xf32>
    %get3A_680 = arith.constant 28160 : index
    %get3A_681 = vector.load %arg0[%get3A_680] : memref<131072xf32, #tpu.memory_space<vmem>>, vector<512xf32>
    %add3A_682 = arith.addf %add3A_679, %get3A_681 : vector<512xf32>
    %get3A_683 = arith.constant 32256 : index
    %get3A_684 = vector.load %arg0[%get3A_683] : memref<131072xf32, #tpu.memory_space<vmem>>, vector<512xf32>
    %add3A_685 = arith.addf %add3A_682, %get3A_684 : vector<512xf32>
    %get3A_686 = arith.constant 36352 : index
    %get3A_687 = vector.load %arg0[%get3A_686] : memref<131072xf32, #tpu.memory_space<vmem>>, vector<512xf32>
    %add3A_688 = arith.addf %add3A_685, %get3A_687 : vector<512xf32>
    %get3A_689 = arith.constant 40448 : index
    %get3A_690 = vector.load %arg0[%get3A_689] : memref<131072xf32, #tpu.memory_space<vmem>>, vector<512xf32>
    %add3A_691 = arith.addf %add3A_688, %get3A_690 : vector<512xf32>
    %get3A_692 = arith.constant 44544 : index
    %get3A_693 = vector.load %arg0[%get3A_692] : memref<131072xf32, #tpu.memory_space<vmem>>, vector<512xf32>
    %add3A_694 = arith.addf %add3A_691, %get3A_693 : vector<512xf32>
    %get3A_695 = arith.constant 48640 : index
    %get3A_696 = vector.load %arg0[%get3A_695] : memref<131072xf32, #tpu.memory_space<vmem>>, vector<512xf32>
    %add3A_697 = arith.addf %add3A_694, %get3A_696 : vector<512xf32>
    %get3A_698 = arith.constant 52736 : index
    %get3A_699 = vector.load %arg0[%get3A_698] : memref<131072xf32, #tpu.memory_space<vmem>>, vector<512xf32>
    %add3A_700 = arith.addf %add3A_697, %get3A_699 : vector<512xf32>
    %get3A_701 = arith.constant 56832 : index
    %get3A_702 = vector.load %arg0[%get3A_701] : memref<131072xf32, #tpu.memory_space<vmem>>, vector<512xf32>
    %add3A_703 = arith.addf %add3A_700, %get3A_702 : vector<512xf32>
    %get3A_704 = arith.constant 60928 : index
    %get3A_705 = vector.load %arg0[%get3A_704] : memref<131072xf32, #tpu.memory_space<vmem>>, vector<512xf32>
    %add3A_706 = arith.addf %add3A_703, %get3A_705 : vector<512xf32>
    %get3A_707 = arith.constant 65024 : index
    %get3A_708 = vector.load %arg0[%get3A_707] : memref<131072xf32, #tpu.memory_space<vmem>>, vector<512xf32>
    %add3A_709 = arith.addf %add3A_706, %get3A_708 : vector<512xf32>
    %get3A_710 = arith.constant 69120 : index
    %get3A_711 = vector.load %arg0[%get3A_710] : memref<131072xf32, #tpu.memory_space<vmem>>, vector<512xf32>
    %add3A_712 = arith.addf %add3A_709, %get3A_711 : vector<512xf32>
    %get3A_713 = arith.constant 73216 : index
    %get3A_714 = vector.load %arg0[%get3A_713] : memref<131072xf32, #tpu.memory_space<vmem>>, vector<512xf32>
    %add3A_715 = arith.addf %add3A_712, %get3A_714 : vector<512xf32>
    %get3A_716 = arith.constant 77312 : index
    %get3A_717 = vector.load %arg0[%get3A_716] : memref<131072xf32, #tpu.memory_space<vmem>>, vector<512xf32>
    %add3A_718 = arith.addf %add3A_715, %get3A_717 : vector<512xf32>
    %get3A_719 = arith.constant 81408 : index
    %get3A_720 = vector.load %arg0[%get3A_719] : memref<131072xf32, #tpu.memory_space<vmem>>, vector<512xf32>
    %add3A_721 = arith.addf %add3A_718, %get3A_720 : vector<512xf32>
    %get3A_722 = arith.constant 85504 : index
    %get3A_723 = vector.load %arg0[%get3A_722] : memref<131072xf32, #tpu.memory_space<vmem>>, vector<512xf32>
    %add3A_724 = arith.addf %add3A_721, %get3A_723 : vector<512xf32>
    %get3A_725 = arith.constant 89600 : index
    %get3A_726 = vector.load %arg0[%get3A_725] : memref<131072xf32, #tpu.memory_space<vmem>>, vector<512xf32>
    %add3A_727 = arith.addf %add3A_724, %get3A_726 : vector<512xf32>
    %get3A_728 = arith.constant 93696 : index
    %get3A_729 = vector.load %arg0[%get3A_728] : memref<131072xf32, #tpu.memory_space<vmem>>, vector<512xf32>
    %add3A_730 = arith.addf %add3A_727, %get3A_729 : vector<512xf32>
    %get3A_731 = arith.constant 97792 : index
    %get3A_732 = vector.load %arg0[%get3A_731] : memref<131072xf32, #tpu.memory_space<vmem>>, vector<512xf32>
    %add3A_733 = arith.addf %add3A_730, %get3A_732 : vector<512xf32>
    %get3A_734 = arith.constant 101888 : index
    %get3A_735 = vector.load %arg0[%get3A_734] : memref<131072xf32, #tpu.memory_space<vmem>>, vector<512xf32>
    %add3A_736 = arith.addf %add3A_733, %get3A_735 : vector<512xf32>
    %get3A_737 = arith.constant 105984 : index
    %get3A_738 = vector.load %arg0[%get3A_737] : memref<131072xf32, #tpu.memory_space<vmem>>, vector<512xf32>
    %add3A_739 = arith.addf %add3A_736, %get3A_738 : vector<512xf32>
    %get3A_740 = arith.constant 110080 : index
    %get3A_741 = vector.load %arg0[%get3A_740] : memref<131072xf32, #tpu.memory_space<vmem>>, vector<512xf32>
    %add3A_742 = arith.addf %add3A_739, %get3A_741 : vector<512xf32>
    %get3A_743 = arith.constant 114176 : index
    %get3A_744 = vector.load %arg0[%get3A_743] : memref<131072xf32, #tpu.memory_space<vmem>>, vector<512xf32>
    %add3A_745 = arith.addf %add3A_742, %get3A_744 : vector<512xf32>
    %get3A_746 = arith.constant 118272 : index
    %get3A_747 = vector.load %arg0[%get3A_746] : memref<131072xf32, #tpu.memory_space<vmem>>, vector<512xf32>
    %add3A_748 = arith.addf %add3A_745, %get3A_747 : vector<512xf32>
    %get3A_749 = arith.constant 122368 : index
    %get3A_750 = vector.load %arg0[%get3A_749] : memref<131072xf32, #tpu.memory_space<vmem>>, vector<512xf32>
    %add3A_751 = arith.addf %add3A_748, %get3A_750 : vector<512xf32>
    %get3A_752 = arith.constant 126464 : index
    %get3A_753 = vector.load %arg0[%get3A_752] : memref<131072xf32, #tpu.memory_space<vmem>>, vector<512xf32>
    %add3A_754 = arith.addf %add3A_751, %get3A_753 : vector<512xf32>
    %get3A_755 = arith.constant 130560 : index
    %get3A_756 = vector.load %arg0[%get3A_755] : memref<131072xf32, #tpu.memory_space<vmem>>, vector<512xf32>
    %add3A_757 = arith.addf %add3A_754, %get3A_756 : vector<512xf32>
    %stack3A = vector.shape_cast %add3A_92 : vector<512xf32> to vector<1x512xf32>
    %stack3A_758 = vector.shape_cast %add3A_187 : vector<512xf32> to vector<1x512xf32>
    %stack3A_759 = vector.shape_cast %add3A_282 : vector<512xf32> to vector<1x512xf32>
    %stack3A_760 = vector.shape_cast %add3A_377 : vector<512xf32> to vector<1x512xf32>
    %stack3A_761 = vector.shape_cast %add3A_472 : vector<512xf32> to vector<1x512xf32>
    %stack3A_762 = vector.shape_cast %add3A_567 : vector<512xf32> to vector<1x512xf32>
    %stack3A_763 = vector.shape_cast %add3A_662 : vector<512xf32> to vector<1x512xf32>
    %stack3A_764 = vector.shape_cast %add3A_757 : vector<512xf32> to vector<1x512xf32>
    %stack3A_765 = tpu.concatenate %stack3A, %stack3A_758, %stack3A_759, %stack3A_760, %stack3A_761, %stack3A_762, %stack3A_763, %stack3A_764 in 0 : vector<1x512xf32>, vector<1x512xf32>, vector<1x512xf32>, vector<1x512xf32>, vector<1x512xf32>, vector<1x512xf32>, vector<1x512xf32>, vector<1x512xf32> -> vector<8x512xf32>
    %get3A_766 = arith.constant 0 : index
    %get3A_767 = vector.load %arg1[%get3A_766] : memref<16384xi32, #tpu.memory_space<vmem>>, vector<512xi32>
    %get3A_768 = arith.constant 512 : index
    %get3A_769 = vector.load %arg1[%get3A_768] : memref<16384xi32, #tpu.memory_space<vmem>>, vector<512xi32>
    %add3A_770 = arith.addi %get3A_767, %get3A_769 : vector<512xi32>
    %get3A_771 = arith.constant 1024 : index
    %get3A_772 = vector.load %arg1[%get3A_771] : memref<16384xi32, #tpu.memory_space<vmem>>, vector<512xi32>
    %add3A_773 = arith.addi %add3A_770, %get3A_772 : vector<512xi32>
    %get3A_774 = arith.constant 1536 : index
    %get3A_775 = vector.load %arg1[%get3A_774] : memref<16384xi32, #tpu.memory_space<vmem>>, vector<512xi32>
    %add3A_776 = arith.addi %add3A_773, %get3A_775 : vector<512xi32>
    %get3A_777 = arith.constant 2048 : index
    %get3A_778 = vector.load %arg1[%get3A_777] : memref<16384xi32, #tpu.memory_space<vmem>>, vector<512xi32>
    %add3A_779 = arith.addi %add3A_776, %get3A_778 : vector<512xi32>
    %get3A_780 = arith.constant 2560 : index
    %get3A_781 = vector.load %arg1[%get3A_780] : memref<16384xi32, #tpu.memory_space<vmem>>, vector<512xi32>
    %add3A_782 = arith.addi %add3A_779, %get3A_781 : vector<512xi32>
    %get3A_783 = arith.constant 3072 : index
    %get3A_784 = vector.load %arg1[%get3A_783] : memref<16384xi32, #tpu.memory_space<vmem>>, vector<512xi32>
    %add3A_785 = arith.addi %add3A_782, %get3A_784 : vector<512xi32>
    %get3A_786 = arith.constant 3584 : index
    %get3A_787 = vector.load %arg1[%get3A_786] : memref<16384xi32, #tpu.memory_space<vmem>>, vector<512xi32>
    %add3A_788 = arith.addi %add3A_785, %get3A_787 : vector<512xi32>
    %get3A_789 = arith.constant 4096 : index
    %get3A_790 = vector.load %arg1[%get3A_789] : memref<16384xi32, #tpu.memory_space<vmem>>, vector<512xi32>
    %add3A_791 = arith.addi %add3A_788, %get3A_790 : vector<512xi32>
    %get3A_792 = arith.constant 4608 : index
    %get3A_793 = vector.load %arg1[%get3A_792] : memref<16384xi32, #tpu.memory_space<vmem>>, vector<512xi32>
    %add3A_794 = arith.addi %add3A_791, %get3A_793 : vector<512xi32>
    %get3A_795 = arith.constant 5120 : index
    %get3A_796 = vector.load %arg1[%get3A_795] : memref<16384xi32, #tpu.memory_space<vmem>>, vector<512xi32>
    %add3A_797 = arith.addi %add3A_794, %get3A_796 : vector<512xi32>
    %get3A_798 = arith.constant 5632 : index
    %get3A_799 = vector.load %arg1[%get3A_798] : memref<16384xi32, #tpu.memory_space<vmem>>, vector<512xi32>
    %add3A_800 = arith.addi %add3A_797, %get3A_799 : vector<512xi32>
    %get3A_801 = arith.constant 6144 : index
    %get3A_802 = vector.load %arg1[%get3A_801] : memref<16384xi32, #tpu.memory_space<vmem>>, vector<512xi32>
    %add3A_803 = arith.addi %add3A_800, %get3A_802 : vector<512xi32>
    %get3A_804 = arith.constant 6656 : index
    %get3A_805 = vector.load %arg1[%get3A_804] : memref<16384xi32, #tpu.memory_space<vmem>>, vector<512xi32>
    %add3A_806 = arith.addi %add3A_803, %get3A_805 : vector<512xi32>
    %get3A_807 = arith.constant 7168 : index
    %get3A_808 = vector.load %arg1[%get3A_807] : memref<16384xi32, #tpu.memory_space<vmem>>, vector<512xi32>
    %add3A_809 = arith.addi %add3A_806, %get3A_808 : vector<512xi32>
    %get3A_810 = arith.constant 7680 : index
    %get3A_811 = vector.load %arg1[%get3A_810] : memref<16384xi32, #tpu.memory_space<vmem>>, vector<512xi32>
    %add3A_812 = arith.addi %add3A_809, %get3A_811 : vector<512xi32>
    %get3A_813 = arith.constant 8192 : index
    %get3A_814 = vector.load %arg1[%get3A_813] : memref<16384xi32, #tpu.memory_space<vmem>>, vector<512xi32>
    %add3A_815 = arith.addi %add3A_812, %get3A_814 : vector<512xi32>
    %get3A_816 = arith.constant 8704 : index
    %get3A_817 = vector.load %arg1[%get3A_816] : memref<16384xi32, #tpu.memory_space<vmem>>, vector<512xi32>
    %add3A_818 = arith.addi %add3A_815, %get3A_817 : vector<512xi32>
    %get3A_819 = arith.constant 9216 : index
    %get3A_820 = vector.load %arg1[%get3A_819] : memref<16384xi32, #tpu.memory_space<vmem>>, vector<512xi32>
    %add3A_821 = arith.addi %add3A_818, %get3A_820 : vector<512xi32>
    %get3A_822 = arith.constant 9728 : index
    %get3A_823 = vector.load %arg1[%get3A_822] : memref<16384xi32, #tpu.memory_space<vmem>>, vector<512xi32>
    %add3A_824 = arith.addi %add3A_821, %get3A_823 : vector<512xi32>
    %get3A_825 = arith.constant 10240 : index
    %get3A_826 = vector.load %arg1[%get3A_825] : memref<16384xi32, #tpu.memory_space<vmem>>, vector<512xi32>
    %add3A_827 = arith.addi %add3A_824, %get3A_826 : vector<512xi32>
    %get3A_828 = arith.constant 10752 : index
    %get3A_829 = vector.load %arg1[%get3A_828] : memref<16384xi32, #tpu.memory_space<vmem>>, vector<512xi32>
    %add3A_830 = arith.addi %add3A_827, %get3A_829 : vector<512xi32>
    %get3A_831 = arith.constant 11264 : index
    %get3A_832 = vector.load %arg1[%get3A_831] : memref<16384xi32, #tpu.memory_space<vmem>>, vector<512xi32>
    %add3A_833 = arith.addi %add3A_830, %get3A_832 : vector<512xi32>
    %get3A_834 = arith.constant 11776 : index
    %get3A_835 = vector.load %arg1[%get3A_834] : memref<16384xi32, #tpu.memory_space<vmem>>, vector<512xi32>
    %add3A_836 = arith.addi %add3A_833, %get3A_835 : vector<512xi32>
    %get3A_837 = arith.constant 12288 : index
    %get3A_838 = vector.load %arg1[%get3A_837] : memref<16384xi32, #tpu.memory_space<vmem>>, vector<512xi32>
    %add3A_839 = arith.addi %add3A_836, %get3A_838 : vector<512xi32>
    %get3A_840 = arith.constant 12800 : index
    %get3A_841 = vector.load %arg1[%get3A_840] : memref<16384xi32, #tpu.memory_space<vmem>>, vector<512xi32>
    %add3A_842 = arith.addi %add3A_839, %get3A_841 : vector<512xi32>
    %get3A_843 = arith.constant 13312 : index
    %get3A_844 = vector.load %arg1[%get3A_843] : memref<16384xi32, #tpu.memory_space<vmem>>, vector<512xi32>
    %add3A_845 = arith.addi %add3A_842, %get3A_844 : vector<512xi32>
    %get3A_846 = arith.constant 13824 : index
    %get3A_847 = vector.load %arg1[%get3A_846] : memref<16384xi32, #tpu.memory_space<vmem>>, vector<512xi32>
    %add3A_848 = arith.addi %add3A_845, %get3A_847 : vector<512xi32>
    %get3A_849 = arith.constant 14336 : index
    %get3A_850 = vector.load %arg1[%get3A_849] : memref<16384xi32, #tpu.memory_space<vmem>>, vector<512xi32>
    %add3A_851 = arith.addi %add3A_848, %get3A_850 : vector<512xi32>
    %get3A_852 = arith.constant 14848 : index
    %get3A_853 = vector.load %arg1[%get3A_852] : memref<16384xi32, #tpu.memory_space<vmem>>, vector<512xi32>
    %add3A_854 = arith.addi %add3A_851, %get3A_853 : vector<512xi32>
    %get3A_855 = arith.constant 15360 : index
    %get3A_856 = vector.load %arg1[%get3A_855] : memref<16384xi32, #tpu.memory_space<vmem>>, vector<512xi32>
    %add3A_857 = arith.addi %add3A_854, %get3A_856 : vector<512xi32>
    %get3A_858 = arith.constant 15872 : index
    %get3A_859 = vector.load %arg1[%get3A_858] : memref<16384xi32, #tpu.memory_space<vmem>>, vector<512xi32>
    %add3A_860 = arith.addi %add3A_857, %get3A_859 : vector<512xi32>
    %max3A = arith.constant 1 : i32
    %max3A_861 = vector.broadcast %max3A : i32 to vector<512xi32>
    %max3A_862 = arith.maxsi %add3A_860, %max3A_861 : vector<512xi32>
    %convert_element_type3A = arith.sitofp %max3A_862 : vector<512xi32> to vector<512xf32>
    %transpose3A = tpu.transpose %stack3A_765, [1, 0] : vector<8x512xf32> -> vector<512x8xf32>
    %broadcast_in_dim3A = vector.shape_cast %convert_element_type3A : vector<512xf32> to vector<512x1xf32>
    %div3A = vector.broadcast %broadcast_in_dim3A : vector<512x1xf32> to vector<512x8xf32>
    %div3A_863 = arith.divf %transpose3A, %div3A : vector<512x8xf32>
    %swap3A = arith.constant 0 : index
    %swap3A_864 = arith.constant 0 : index
    %swap3A_865 = vector.load %arg6[%swap3A, %swap3A_864] : memref<512x8xf32, #tpu.memory_space<vmem>>, vector<512x8xf32>
    tpu.vector_store %arg6[%swap3A, %swap3A_864], %div3A_863 {strides = array<i32>} : memref<512x8xf32, #tpu.memory_space<vmem>>, vector<512x8xf32>,
    %get3A_866 = arith.constant 0 : index
    %get3A_867 = vector.load %arg2[%get3A_866] : memref<512xf32, #tpu.memory_space<vmem>>, vector<512xf32>
    %get3A_868 = arith.constant 0 : index
    %get3A_869 = vector.load %arg3[%get3A_868] : memref<512xf32, #tpu.memory_space<vmem>>, vector<512xf32>
    %div3A_870 = arith.divf %get3A_867, %get3A_869 : vector<512xf32>
    %swap3A_871 = arith.constant 0 : index
    %swap3A_872 = vector.load %arg4[%swap3A_871] : memref<512xf32, #tpu.memory_space<vmem>>, vector<512xf32>
    tpu.vector_store %arg4[%swap3A_871], %div3A_870 {strides = array<i32>} : memref<512xf32, #tpu.memory_space<vmem>>, vector<512xf32>,
    %ge3A = arith.constant 1.200000e-01 : f32
    %ge3A_873 = vector.broadcast %ge3A : f32 to vector<512xf32>
    %ge3A_874 = arith.cmpf oge, %div3A_870, %ge3A_873 : vector<512xf32>
    %convert_element_type3A_875 = arith.extui %ge3A_874 : vector<512xi1> to vector<512xi32>
    %swap3A_876 = arith.constant 0 : index
    %swap3A_877 = vector.load %arg5[%swap3A_876] : memref<512xi32, #tpu.memory_space<vmem>>, vector<512xi32>
    tpu.vector_store %arg5[%swap3A_876], %convert_element_type3A_875 {strides = array<i32>} : memref<512xi32, #tpu.memory_space<vmem>>, vector<512xi32>,
    %jit3A = arith.constant 0 : i32
    %broadcast_in_dim3A_878 = vector.broadcast %jit3A : i32 to vector<512xi32>
    %select_n3A = arith.select %ge3A_874, %add3A_860, %broadcast_in_dim3A_878 : vector<512xi1>, vector<512xi32>
    %reduce_sum3A = vector.shape_cast %select_n3A : vector<512xi32> to vector<1x512xi32>
    %reduce_sum3A_879 = arith.constant dense<0> : vector<1xi32>
    %reduce_sum3A_880 = vector.multi_reduction <add>, %reduce_sum3A, %reduce_sum3A_879 [1] : vector<1x512xi32> to vector<1xi32>
    %reduce_sum3A_881 = vector.shape_cast %reduce_sum3A_880 : vector<1xi32> to vector<1x1xi32>
    %reduce_sum3A_882 = vector.extract %reduce_sum3A_881[0, 0] : i32 from vector<1x1xi32>
    %swap3A_883 = arith.constant 0 : index
    %swap3A_884 = arith.constant 0 : index
    %swap3A_885 = memref.load %arg7[%swap3A_883, %swap3A_884] : memref<1x1xi32, #tpu.memory_space<smem>>
    memref.store %reduce_sum3A_882, %arg7[%swap3A_883, %swap3A_884] : memref<1x1xi32, #tpu.memory_space<smem>>
    return
  }
}

</mosaic_0001>

<sc_bundles>
// kernel: kernel.4.cloned.1.call-start
scs
__scs_entry_jumppad:
0x0: {  	(pc) =	sbr.rel $0x88, $3  }
0x1: {  	(tag) =	ssettag $0x0;
	lr =	simm.s32 $0x1  }
0x2: {  	[smem:$0x3F9D] =	sst lr;
	_ =	strace $0xD0000000  }
0x3: {  	_ = 	snop  }
0x4: {  	_ = 	snop  }
0x5: {  	_ = 	snop  }
0x6: {  	_ = 	snop  }
0x7: {  	_ = 	snop  }
__scs_overlays_trampoline_lowered:
0x8: {  	[smem:$0x3FAC] =	sst s0  }
0x9: {  	[smem:$0x3FAD] =	sst s1  }
0xa: {  	[smem:$0x3FAE] =	sst s2  }
0xb: {  	[smem:$0x3FAF] =	sst s3  }
0xc: {  	[smem:$0x3FB0] =	sst s4  }
0xd: {  	[smem:$0x3FB1] =	sst s5  }
0xe: {  	[smem:$0x3FB2] =	sst s6  }
0xf: {  	[smem:$0x3FB3] =	sst s7  }
0x10: {  	[smem:$0x3FB4] =	sst s8  }
0x11: {  	[smem:$0x3FB5] =	sst s9;
	s0 =	simm.s32 @!p0 $0x0  }
0x12: {  	s1 =	sld [smem:$0x3F9B];
	s0 =	simm.s32 @p0 $0x1  }
0x13: {  	[smem:$0x3FB6] =	sst s0;
	s0 =	simm.s32 @!p1 $0x0  }
0x14: {  	s2 =	sld [smem:$0x3F9A];
	s0 =	simm.s32 @p1 $0x1  }
0x15: {  	[smem:$0x3FB7] =	sst s0;
	s0 =	simm.s32 @!p2 $0x0  }
0x16: {  	s3 =	sld [smem:$0x3FDB];
	s0 =	simm.s32 @p2 $0x1  }
0x17: {  	s4 =	simm.s32 $0x1BF5;
	[smem:$0x3FB9] =	sst s0  }
0x18: {  	s0 =	sld [smem:$0x3F9C];
	_ =	swait.ge [sflag:s4], $0x0  }
0x19: {  	s7 =	sld [smem:$0x3F9D]  }
0x1a: {  	s8 =	sadd.s32 $0xFFFFE003, lr  }
0x1b: {  	s9 =	sadd.s32 $0xFFFFFEF7, lr;
	s5 =	simm.s32 $0xFFFFFFFF;
	p2 =	slt.u32 s8, $0xFFFFF086  }
0x1c: {  	p1 =	slt.u32 s9, $0xF7A;
	s5 =	simm.s32 @!p2 $0x0  }
0x1d: {  	s5 =	simm.s32 @p1 $0x1;
	p0 =	seq.s32 s7, s2  }
0x1e: {  	s7 =	smul.u32 @!p0 $0xF7A, s2;
	p2 =	seq.s32 @!p0 s5, $0x0  }
0x1f: {  	s9 =	smul.u32 $0xF7A, s1;
	s8 =	simm.s32 @!p0 $0x1BF5;
	p2 =	por !p2, p0  }
0x20: {  	[sflag:s8] =	ssyncset.s32 @!p0 $0xFFFFF086;
	s6 =	sadd.s32 @!p0 s3, s7;
	s7 =	simm.s32 @!p0 $0x108  }
0x21: {  	s3 =	sadd.s32 s3, s9;
	s6 =	sadd.s32 @!p0 $0x88, s6;
	s7 =	simm.s32 @p2 $0x1082  }
0x22: {  	[simem:s7], [sflag:s8] =	dma.local @!p0 [hbm:s6], $0xF7A  }
0x23: {  	s9 =	sor.u32 $0xD0000000, s2;
	s6 =	simm.s32 $0x108;
	_ =	swait.ge @!p0 [sflag:s8], $0x0  }
0x24: {  	s3 =	sadd.s32 $0x88, s3;
	s6 =	simm.s32 @!p1 $0x1082;
	[sflag:s4] =	ssyncset.s32 $0xFFFFF086  }
0x25: {  	[simem:s6], [sflag:s4] =	dma.local [hbm:s3], $0xF7A  }
0x26: {  	[smem:$0x3F9D] =	sst s1;
	(tag) =	ssettag s2;
	_ =	strace s9  }
0x27: {  	s1 =	sld [smem:$0x3FAD]  }
0x28: {  	s2 =	sld [smem:$0x3FAE]  }
0x29: {  	s4 =	sld [smem:$0x3FB0]  }
0x2a: {  	p0 =	seq.s32 s5, $0x0;
	s5 =	sld [smem:$0x3FB1]  }
0x2b: {  	s6 =	sld [smem:$0x3FB2]  }
0x2c: {  	s7 =	sld [smem:$0x3FB3]  }
0x2d: {  	s3 =	simm.s32 $0x108;
	s8 =	sld [smem:$0x3FB4]  }
0x2e: {  	s3 =	simm.s32 @!p0 $0x1082;
	s9 =	sld [smem:$0x3FB5]  }
0x2f: {  	lr =	sadd.s32 s0, s3;
	s0 =	sld [smem:$0x3FAC]  }
0x30: {  	s3 =	sld [smem:$0x3FAF]  }
0x31: {  	[smem:$0x3FB8] =	sst s10  }
0x32: {  	s10 =	sld [smem:$0x3FB6];
	_ =	sdelay $0x3  }
0x33: {  	p0 =	seq.s32 s10, $0x1;
	s10 =	sld [smem:$0x3FB8];
	_ =	sdelay $0x3  }
0x34: {  	[smem:$0x3FB8] =	sst s10  }
0x35: {  	s10 =	sld [smem:$0x3FB7];
	_ =	sdelay $0x3  }
0x36: {  	p1 =	seq.s32 s10, $0x1;
	s10 =	sld [smem:$0x3FB8];
	_ =	sdelay $0x3  }
0x37: {  	[smem:$0x3FB8] =	sst s10  }
0x38: {  	s10 =	sld [smem:$0x3FB9]  }
0x39: {  	_ = 	snop;
	(pc) =	sbr.ind lr, $3  }
0x3a: {  	_ = 	snop  }
0x3b: {  	_ = 	snop  }
0x3c: {  	p2 =	seq.s32 s10, $0x1;
	s10 =	sld [smem:$0x3FB8]  }
0x3d: {  	_ =	shalt  }
0x3e: {  	_ =	shalt  }
0x3f: {  	_ =	shalt  }
0x40: {  	_ =	shalt  }
0x41: {  	_ =	shalt  }
0x42: {  	_ =	shalt  }
0x43: {  	_ =	shalt  }
0x44: {  	_ =	shalt  }
0x45: {  	_ =	shalt  }
0x46: {  	_ =	shalt  }
0x47: {  	_ =	shalt  }
0x48: {  	_ =	shalt  }
0x49: {  	_ =	shalt  }
0x4a: {  	_ =	shalt  }
0x4b: {  	_ =	shalt  }
0x4c: {  	_ =	shalt  }
0x4d: {  	_ =	shalt  }
0x4e: {  	_ =	shalt  }
0x4f: {  	_ =	shalt  }
0x50: {  	_ =	shalt  }
0x51: {  	_ =	shalt  }
0x52: {  	_ =	shalt  }
0x53: {  	_ =	shalt  }
0x54: {  	_ =	shalt  }
0x55: {  	_ =	shalt  }
0x56: {  	_ =	shalt  }
0x57: {  	_ =	shalt  }
0x58: {  	_ =	shalt  }
0x59: {  	_ =	shalt  }
0x5a: {  	_ =	shalt  }
0x5b: {  	_ =	shalt  }
0x5c: {  	_ =	shalt  }
0x5d: {  	_ =	shalt  }
0x5e: {  	_ =	shalt  }
0x5f: {  	_ =	shalt  }
0x60: {  	_ =	shalt  }
0x61: {  	_ =	shalt  }
0x62: {  	_ =	shalt  }
0x63: {  	_ =	shalt  }
0x64: {  	_ =	shalt  }
0x65: {  	_ =	shalt  }
0x66: {  	_ =	shalt  }
0x67: {  	_ =	shalt  }
0x68: {  	_ =	shalt  }
0x69: {  	_ =	shalt  }
0x6a: {  	_ =	shalt  }
0x6b: {  	_ =	shalt  }
0x6c: {  	_ =	shalt  }
0x6d: {  	_ =	shalt  }
0x6e: {  	_ =	shalt  }
0x6f: {  	_ =	shalt  }
0x70: {  	_ =	shalt  }
0x71: {  	_ =	shalt  }
0x72: {  	_ =	shalt  }
0x73: {  	_ =	shalt  }
0x74: {  	_ =	shalt  }
0x75: {  	_ =	shalt  }
0x76: {  	_ =	shalt  }
0x77: {  	_ =	shalt  }
0x78: {  	_ =	shalt  }
0x79: {  	_ =	shalt  }
0x7a: {  	_ =	shalt  }
0x7b: {  	_ =	shalt  }
0x7c: {  	_ =	shalt  }
0x7d: {  	_ =	shalt  }
0x7e: {  	_ =	shalt  }
0x7f: {  	_ =	shalt  }
0x80: {  	_ =	shalt  }
0x81: {  	_ =	shalt  }
0x82: {  	_ =	shalt  }
0x83: {  	_ =	shalt  }
0x84: {  	_ =	shalt  }
0x85: {  	_ =	shalt  }
0x86: {  	_ =	shalt  }
0x87: {  	_ =	shalt  }
.Lfunc_end0:
.L_simem_size_0:
called_computation_lowered:
.L_overlay_start_0:
0x88: {  	s2 =	sld [smem:$0x3FD9]  }
0x89: {  	s3 =	sld [smem:$0x3FFE];
	_ =	sdelay $0x1  }
0x8a: {  	s1 =	srdreg.scid  }
0x8b: {  	s0 =	sand.u32 $0x1, s1  }
0x8c: {  	s14 =	sshll.u32 s0, $0xA;
	s2 =	sadd.s32 s3, s2  }
0x8d: {  	s2 =	sadd.s32 s2, s14  }
0x8e: {  	[smem:$0x3FC4] =	sst s2  }
0x8f: {  	_ = 	snop  }
0x90: {  	s2 =	sld [smem:$0x3FD0]  }
0x91: {  	s15 =	sld [smem:$0x3FC9]  }
0x92: {  	s4 =	sld [smem:$0x3FC7]  }
0x93: {  	s6 =	simm.s32 $0xA;
	s7 =	simm.s32 $0x10;
	s5 =	sld [smem:$0x3FC6]  }
0x94: {  	[smem:s7], [sflag:s6] =	dma.local [hbm:s2], $0x1  }
0x95: {  	_ =	swait.eq [sflag:s6], $0x1  }
0x96: {  	[sflag:s6] =	ssyncset.done $0x0  }
0x97: {  	s16 =	sld [smem:$0x10];
	[sflag:s6] =	ssyncadd.s32 $0xFFFFFFFF  }
0x98: {  	s17 =	sld [smem:$0x13];
	(tm) =	ssettm $0x1  }
0x99: {  	s18 =	sld [smem:$0x3FFB];
	_ =	sdelay $0x3  }
0x9a: {  	_ =	strace s18  }
0x9b: {  	s7 =	sld [smem:$0x3FFC];
	_ =	sdelay $0x3  }
0x9c: {  	_ =	strace s7  }
0x9d: {  	s7 =	sld [smem:$0x3FFD];
	_ =	sdelay $0x3  }
0x9e: {  	_ =	strace s7  }
0x9f: {  	_ =	strace $0x8FFFFFFF  }
0xa0: {  	s19 =	sld [smem:$0x3FDB];
	_ =	sdelay $0x1  }
0xa1: {  	s8 =	simm.s32 $_scs_section_size  }
0xa2: {  	s9 =	simm.s32 $_size__tile_overlayer_lowered;
	s10 =	simm.s32 $_tile_overlayer_lowered  }
0xa3: {  	s22 =	simm.s32 $0x1BFF;
	s21 =	sshll.u32 s10, $0x1;
	s7 =	sadd.s32 s8, s19  }
0xa4: {  	s11 =	simm.s32 $0x0;
	s20 =	sshll.u32 s9, $0x1;
	s9 =	sadd.s32 s21, s7  }
0xa5: {  	[timem:s11], [sflag:s22] =	dma.local [hbm:s9], s20  }
0xa6: {  	_ =	swait.ge [sflag:s22], s20  }
0xa7: {  	s8 =	ssub.s32 $0x0, s20;
	[sflag:s22] =	ssyncset.done $0x0  }
0xa8: {  	[sflag:s22] =	ssyncadd.s32 s8;
	_ =	sdelay $0x1  }
0xa9: {  	s23 =	simm.s32 $0x1B8B  }
0xaa: {  	_ =	swait.ge [sflag:s23], $0x1  }
0xab: {  	[sflag:s23] =	ssyncset.done $0x0  }
0xac: {  	s25 =	simm.s32 $0x1B8E;
	s24 =	sld [smem:$0x3FFE];
	[sflag:s23] =	ssyncadd.s32 $0xFFFFFFFF  }
0xad: {  	s26 =	simm.s32 $execute0_lowered;
	[smem:$0x3FD2] =	sst s25  }
0xae: {  	s9 =	sshll.u32 s26, $0x1;
	_ =	strace $0x80000046;
	[dreg:$0x1] =	wrdreg $0xFFFFFFFF  }
0xaf: {  	s28 =	simm.s32 $_size_execute0_lowered;
	s7 =	sadd.s32 s7, s9;
	[dreg:$0x0] =	wrdreg $0x0  }
0xb0: {  	s9 =	sshll.u32 s28, $0x1;
	[dreg:$0x2] =	wrdreg s7  }
0xb1: {  	[dreg:$0x3] =	wrdreg s9  }
0xb2: {  	[dreg:$0x4] =	wrdreg $0xC0  }
0xb3: {  	_ =	task [dreg:s11], $0x5FFFF  }
0xb4: {  	[dreg:$0x1] =	wrdreg $0xFFFFFFFF  }
0xb5: {  	[dreg:$0x0] =	wrdreg $0x60  }
0xb6: {  	[dreg:$0x2] =	wrdreg s15  }
0xb7: {  	[dreg:$0x3] =	wrdreg s5  }
0xb8: {  	[dreg:$0x4] =	wrdreg s24  }
0xb9: {  	[dreg:$0x5] =	wrdreg s4  }
0xba: {  	[dreg:$0x6] =	wrdreg s16  }
0xbb: {  	[dreg:$0x7] =	wrdreg s17  }
0xbc: {  	[dreg:$0x8] =	wrdreg $0x9  }
0xbd: {  	_ =	task.clear_ibuf [dreg:s11], $0x9FFFF;
	_ =	strace $0x90000046  }
0xbe: {  	s29 =	simm.s32 $0x9;
	_ =	strace $0x80000048  }
0xbf: {  	_ =	swait.ge [sflag:s29], $0x1  }
0xc0: {  	[sflag:s29] =	ssyncadd.s32 $0xFFFFFFFF  }
0xc1: {  	_ =	strace $0x90000048  }
0xc2: {  	_ =	sfence  }
0xc3: {  	s30 =	sld [smem:$0x0];
	_ =	sdelay $0x2  }
0xc4: {  	s31 =	sshll.u32 s1, $0xD;
	s1 =	sshrl.u32 s1, $0x2  }
0xc5: {  	s3 =	sand.u32 $0x4000, s31;
	s1 =	sadd.s32 s1, s30  }
0xc6: {  	s0 =	sor.u32 s3, s0;
	s1 =	sshll.u32 s1, $0x11  }
0xc7: {  	s0 =	sor.u32 s1, s0  }
0xc8: {  	s0 =	sadd.s32 $0x8F2B, s0  }
0xc9: {  	[sflag:s0] =	ssyncadd.remote.s32 $0x1  }
0xca: {  	_ =	sfence.sel $0xFFFF  }
0xcb: {  	[dreg:$0x0] =	wrdreg $0xFFFFFFFF;
	(pc) =	sbr.abs _section_cstart, $3  }
0xcc: {  	[dreg:$0x1] =	wrdreg $0xFFFFFFFF  }
0xcd: {  	_ =	task.clear_ibuf [dreg:s11], $0x2FFFF;
	_ =	strace $0x9FFFFFFF  }
0xce: {  	(tm) =	ssettm $0x7FFFFFFF  }
0xcf: {  	_ =	shalt  }
tec
execute0_lowered:
.L_overlay_start_1:
0x0: {  	(tag) =	ssettag $0x1  }
0x1: {  	s0 =	rddreg [dreg:$0x0]  }
0x2: {  	s1 =	rddreg [dreg:$0x1]  }
0x3: {  	s2 =	rddreg [dreg:$0x2];
	s3 =	srdreg.scid  }
0x4: {  	s15 =	stileid.u32;
	s5 =	rddreg [dreg:$0x5];
	s3 =	sand.u32 $0x1, s3  }
0x5: {  	s17 =	sor.u32 $0x1E80, s15;
	s4 =	sshll.u32 s3, $0x4;
	s3 =	ssub.s32 $0x2, s3  }
0x6: {  	s18 =	sshll.u32 s17, $0x7;
	s20 =	sshll.u32 s17, $0x4;
	s6 =	sor.u32 s15, s4  }
0x7: {  	s4 =	simm.s32 $0x0;
	s13 =	sshrl.u32 s3, $0x1;
	s15 =	simm.s32 $0x1BE00  }
0x8: {  	s7 =	smul.u32 $0x50, s6;
	[smem:$0x7FF] =	sst s4;
	s8 =	sshll.u32 s6, $0x1  }
0x9: {  	s9 =	sshll.u32 s6, $0x9;
	s10 =	smul.u32 $0x7A00, s6;
	s12 =	sshll.u32 s6, $0x6  }
0xa: {  	p0 =	sgt.u32 s6, $0x3;
	p1 =	sne.s32 s6, $0x1F;
	s6 =	sadd.s32 s1, s18  }
0xb: {  	_ =	strace $0x80000047;
	s5 =	sadd.s32 s5, s8;
	[dreg:$0x13] =	wrdreg s6  }
0xc: {  	s11 =	sadd.s32 s8, s2;
	s25 =	sadd.s32 s1, s10;
	[dreg:$0xa] =	wrdreg s5  }
0xd: {  	s9 =	sadd.s32 s9, s2;
	s11 =	sadd.s32 $0x6400, s11;
	[dreg:$0x8] =	wrdreg s25  }
0xe: {  	s3 =	ssub.s32 s3, s13;
	s21 =	sadd.s32 $0x1C00, s9;
	[dreg:$0xb] =	wrdreg s11  }
0xf: {  	s7 =	sadd.s32 s7, s2;
	s22 =	sadd.s32 $0x1C40, s9;
	[dreg:$0x19] =	wrdreg s21  }
0x10: {  	s14 =	sshrl.u32 s10, $0x3;
	s23 =	sadd.s32 $0x1C80, s9;
	[dreg:$0x1a] =	wrdreg s22  }
0x11: {  	s2 =	sadd.s32 s12, s2;
	s24 =	sadd.s32 s0, s14;
	[dreg:$0x1b] =	wrdreg s23  }
0x12: {  	s29 =	sadd.s32 $0x3000, s10;
	s7 =	sadd.s32 $0x1200, s7;
	[dreg:$0x7] =	wrdreg s24  }
0x13: {  	s12 =	sadd.s32 $0x6000, s10;
	s8 =	sadd.s32 s1, s29;
	[dreg:$0x9] =	wrdreg s7  }
0x14: {  	s26 =	sadd.s32 $0x1800, s10;
	s14 =	sadd.s32 s1, s12;
	[dreg:$0xf] =	wrdreg s8  }
0x15: {  	s28 =	sshrl.u32 s26, $0x3;
	s25 =	sadd.s32 $0x1D00, s9;
	[dreg:$0x12] =	wrdreg s14  }
0x16: {  	s30 =	sshrl.u32 s29, $0x3;
	s29 =	sadd.s32 $0x1DC0, s9;
	[dreg:$0x1d] =	wrdreg s25  }
0x17: {  	s31 =	sadd.s32 $0x4800, s10;
	s5 =	sadd.s32 s0, s28;
	[smem:$0x7FB] =	sst s29  }
0x18: {  	s16 =	sadd.s32 $0x7800, s10;
	s7 =	sadd.s32 s1, s26;
	[dreg:$0xc] =	wrdreg s5  }
0x19: {  	s10 =	simm.s32 $0x1B400;
	s24 =	sadd.s32 $0x1CC0, s9;
	[dreg:$0xd] =	wrdreg s7  }
0x1a: {  	s11 =	sshrl.u32 s31, $0x3;
	s26 =	sadd.s32 $0x1D40, s9;
	[dreg:$0x1c] =	wrdreg s24  }
0x1b: {  	s13 =	sshrl.u32 s12, $0x3;
	s28 =	sadd.s32 $0x1D80, s9;
	[dreg:$0x1e] =	wrdreg s26  }
0x1c: {  	s19 =	sshrl.u32 s16, $0x3;
	s5 =	sadd.s32 s0, s30;
	[dreg:$0x1f] =	wrdreg s28  }
0x1d: {  	s12 =	simm.s32 $0x1B800;
	s7 =	sadd.s32 s0, s11;
	[dreg:$0xe] =	wrdreg s5  }
0x1e: {  	s8 =	simm.s32 $0x1B000;
	s30 =	sadd.s32 $0x5C00, s2;
	[dreg:$0x10] =	wrdreg s7  }
0x1f: {  	s9 =	simm.s32 $0x1B200;
	s5 =	sadd.s32 s1, s31;
	[smem:$0x7FC] =	sst s30  }
0x20: {  	s14 =	simm.s32 $0x1BC00;
	s1 =	sadd.s32 s1, s16;
	[dreg:$0x11] =	wrdreg s5  }
0x21: {  	s2 =	simm.s32 $0x5;
	s31 =	smax.u32 s3, $0x1;
	[dreg:$0x14] =	wrdreg s1  }
.Ltmp0:
0x22: {  	s5 =	sadd.s32 s0, s13;
	[smem:$0x7FD] =	sst s31;
	(pc) =	sbr.rel .LBB2_1-.Ltmp0, $4  }
0x23: {  	s11 =	simm.s32 $0x1B600;
	s1 =	sadd.s32 s0, s19;
	[dreg:$0x15] =	wrdreg s5  }
0x24: {  	s3 =	simm.s32 $0x1C200;
	[dreg:$0x16] =	wrdreg s1;
	s1 =	sadd.s32 s0, s20  }
0x25: {  	v0 =	vimm.f32 $1.000000000e+00;
	v1 =	vimm.f32 $0.0e+00;
	s7 =	simm.s32 $0x1C000;
	s0 =	sadd.s32 $0x1E840, s0;
	[dreg:$0x17] =	wrdreg s1  }
0x26: {  	v2 =	vlaneseq.u32;
	v3 =	vimm.s32 $0x0;
	v4 =	vimm.s32 $0x1;
	s13 =	simm.s32 $0x1BA00;
	[dreg:$0x18] =	wrdreg s0;
	s1 =	simm.s32 $0x0  }
.LBB2_22:
0x27: {  	s0 =	rddreg [dreg:$0x19]  }
0x28: {  	[hbm4b:s0+s4] =	stream.linear.scatter [tilespmem:s8], [sflag:$0x5], $0x200, $0x38;
	[tilespmem:$0x1C980] =	vst v63  }
0x29: {  	_ =	swait.ge [sflag:s2], $0x200  }
0x2a: {  	[sflag:s2] =	ssyncset.done $0x0  }
0x2b: {  	s22 =	rddreg [dreg:$0x1a];
	[sflag:s2] =	ssyncadd.s32 $0xFFFFFE00  }
0x2c: {  	[hbm4b:s22+s4] =	stream.linear.scatter [tilespmem:s9], [sflag:$0x5], $0x200, $0x38;
	[tilespmem:$0x1C980] =	vst v63  }
0x2d: {  	_ =	swait.ge [sflag:s2], $0x200  }
0x2e: {  	[sflag:s2] =	ssyncset.done $0x0  }
0x2f: {  	s23 =	rddreg [dreg:$0x1b];
	[sflag:s2] =	ssyncadd.s32 $0xFFFFFE00  }
0x30: {  	[hbm4b:s23+s4] =	stream.linear.scatter [tilespmem:s10], [sflag:$0x5], $0x200, $0x38;
	[tilespmem:$0x1C980] =	vst v63  }
0x31: {  	_ =	swait.ge [sflag:s2], $0x200  }
0x32: {  	[sflag:s2] =	ssyncset.done $0x0  }
0x33: {  	s24 =	rddreg [dreg:$0x1c];
	[sflag:s2] =	ssyncadd.s32 $0xFFFFFE00  }
0x34: {  	[hbm4b:s24+s4] =	stream.linear.scatter [tilespmem:s11], [sflag:$0x5], $0x200, $0x38;
	[tilespmem:$0x1C980] =	vst v63  }
0x35: {  	_ =	swait.ge [sflag:s2], $0x200  }
0x36: {  	[sflag:s2] =	ssyncset.done $0x0  }
0x37: {  	s25 =	rddreg [dreg:$0x1d];
	[sflag:s2] =	ssyncadd.s32 $0xFFFFFE00  }
0x38: {  	[hbm4b:s25+s4] =	stream.linear.scatter [tilespmem:s12], [sflag:$0x5], $0x200, $0x38;
	[tilespmem:$0x1C980] =	vst v63  }
0x39: {  	_ =	swait.ge [sflag:s2], $0x200  }
0x3a: {  	[sflag:s2] =	ssyncset.done $0x0  }
0x3b: {  	s26 =	rddreg [dreg:$0x1e];
	[sflag:s2] =	ssyncadd.s32 $0xFFFFFE00  }
0x3c: {  	[hbm4b:s26+s4] =	stream.linear.scatter [tilespmem:s13], [sflag:$0x5], $0x200, $0x38;
	[tilespmem:$0x1C980] =	vst v63  }
0x3d: {  	_ =	swait.ge [sflag:s2], $0x200  }
0x3e: {  	[sflag:s2] =	ssyncset.done $0x0  }
0x3f: {  	s28 =	rddreg [dreg:$0x1f];
	[sflag:s2] =	ssyncadd.s32 $0xFFFFFE00  }
0x40: {  	[hbm4b:s28+s4] =	stream.linear.scatter [tilespmem:s14], [sflag:$0x5], $0x200, $0x38;
	[tilespmem:$0x1C980] =	vst v63  }
0x41: {  	_ =	swait.ge [sflag:s2], $0x200  }
0x42: {  	s29 =	sld [smem:$0x7FB]  }
0x43: {  	[sflag:s2] =	ssyncset.done $0x0  }
0x44: {  	[sflag:s2] =	ssyncadd.s32 $0xFFFFFE00  }
0x45: {  	[hbm4b:s29+s4] =	stream.linear.scatter [tilespmem:s15], [sflag:$0x5], $0x200, $0x38;
	[tilespmem:$0x1C980] =	vst v63  }
0x46: {  	_ =	swait.ge [sflag:s2], $0x200  }
0x47: {  	s30 =	sld [smem:$0x7FC]  }
0x48: {  	[sflag:s2] =	ssyncset.done $0x0  }
0x49: {  	[sflag:s2] =	ssyncadd.s32 $0xFFFFFE00  }
0x4a: {  	[hbm4b:s30+s4] =	stream.linear.scatter [tilespmem:s7], [sflag:$0x5], $0x200, $0x38;
	[tilespmem:$0x1C980] =	vst v63  }
0x4b: {  	_ =	swait.ge [sflag:s2], $0x200  }
0x4c: {  	s1 =	sld [smem:$0x7FA]  }
0x4d: {  	s31 =	sld [smem:$0x7FD];
	_ =	sdelay $0x1  }
0x4e: {  	s1 =	sadd.s32 $0x1, s1  }
0x4f: {  	p2 =	sne.s32 s1, s31  }
.Ltmp1:
0x50: {  	_ = 	snop;
	(pc) =	sbr.rel @!p2 .LBB2_23-.Ltmp1, $3  }
0x51: {  	_ =	sdelay $0x1  }
0x52: {  	[sflag:s2] =	ssyncset.done $0x0  }
0x53: {  	[sflag:s2] =	ssyncadd.s32 $0xFFFFFE00  }
.LBB2_1:
0x54: {  	[smem:$0x7FA] =	sst s1  }
0x55: {  	s0 =	rddreg [dreg:$0x7]  }
0x56: {  	[tilespmem:s4], [sflag:$0x1] =	stream.linear.gather [hbm4b:s0+s4], $0x1800, $0x38;
	[tilespmem:$0x1C980] =	vst v63  }
0x57: {  	s24 =	rddreg [dreg:$0x8];
	s25 =	simm.s32 $0x3000  }
0x58: {  	[tilespmem:s25], [sflag:$0x3] =	stream.linear.gather [hbm4b:s24+s4], $0xC000, $0x38;
	[tilespmem:$0x1C980] =	vst v63  }
0x59: {  	s26 =	rddreg [dreg:$0x9];
	s28 =	simm.s32 $0x1C380  }
0x5a: {  	[tilespmem:s28], [sflag:$0x5] =	stream.linear.gather [hbm4b:s26+s4], $0x280, $0x38;
	[tilespmem:$0x1C980] =	vst v63  }
0x5b: {  	_ =	swait.ge [sflag:s2], $0x280  }
0x5c: {  	[sflag:s2] =	ssyncset.done $0x0  }
0x5d: {  	[sflag:s2] =	ssyncadd.s32 $0xFFFFFD80  }
0x5e: {  	s30 =	simm.s32 $0x1C600;
	s29 =	rddreg [dreg:$0x3]  }
0x5f: {  	[tilespmem:s30], [sflag:$0x5] =	stream.linear.gather [hbm4b:s29+s4], $0x80, $0x38;
	[tilespmem:$0x1C980] =	vst v63  }
0x60: {  	_ =	swait.ge [sflag:s2], $0x80  }
0x61: {  	[sflag:s2] =	ssyncset.done $0x0  }
0x62: {  	[sflag:s2] =	ssyncadd.s32 $0xFFFFFF80  }
0x63: {  	[tilespmem:$0x1C200] =	vst v1  }
0x64: {  	[tilespmem:$0x1C210] =	vst v1  }
0x65: {  	[tilespmem:$0x1C220] =	vst v1  }
0x66: {  	[tilespmem:$0x1C230] =	vst v1  }
0x67: {  	[tilespmem:$0x1C240] =	vst v1  }
0x68: {  	[tilespmem:$0x1C250] =	vst v1  }
0x69: {  	[tilespmem:$0x1C260] =	vst v1  }
0x6a: {  	[tilespmem:$0x1C270] =	vst v1  }
0x6b: {  	[tilespmem:$0x1C280] =	vst v1  }
0x6c: {  	[tilespmem:$0x1C290] =	vst v1  }
0x6d: {  	[tilespmem:$0x1C2A0] =	vst v1  }
0x6e: {  	[tilespmem:$0x1C2B0] =	vst v1  }
0x6f: {  	[tilespmem:$0x1C2C0] =	vst v1  }
0x70: {  	[tilespmem:$0x1C2D0] =	vst v1  }
0x71: {  	[tilespmem:$0x1C2E0] =	vst v1  }
0x72: {  	[tilespmem:$0x1C2F0] =	vst v1  }
0x73: {  	[tilespmem:$0x1C300] =	vst v1  }
0x74: {  	[tilespmem:$0x1C310] =	vst v1  }
0x75: {  	[tilespmem:$0x1C320] =	vst v1  }
0x76: {  	[tilespmem:$0x1C330] =	vst v1  }
0x77: {  	[tilespmem:$0x1C340] =	vst v1  }
0x78: {  	[tilespmem:$0x1C350] =	vst v1  }
0x79: {  	[tilespmem:$0x1C360] =	vst v1  }
0x7a: {  	s31 =	simm.s32 $0x1C398;
	[tilespmem:$0x1C370] =	vst v1  }
0x7b: {  	v13 =	vld [tilespmem:s31+$0xFFFFFFE8]  }
0x7c: {  	v14 =	vld [tilespmem:s31+$0xFFFFFFF8]  }
0x7d: {  	v15 =	vld [tilespmem:s31+$0x0]  }
0x7e: {  	v12 =	vld [tilespmem:$0x1C600];
	_ =	sdelay $0x3  }
0x7f: {  	v7 =	vld [tilespmem:$0x1C610]  }
0x80: {  	v6 =	vld [tilespmem:$0x1C620];
	[tilespmem:v13+s3+$0x0] =	vst.idx.msk $0xffff, v0  }
0x81: {  	[tilespmem:v14+s3+$0x0] =	vst.idx.msk $0xffff, v0  }
0x82: {  	[tilespmem:v15+s3+$0x0] =	vst.idx.msk $0xffff, v0  }
0x83: {  	v19 =	vld.idx.msk [tilespmem:v12+s3+$0x0], $0xffff  }
0x84: {  	v5 =	vld [tilespmem:$0x1C370]  }
0x85: {  	v8 =	vld [tilespmem:$0x1C360]  }
0x86: {  	v9 =	vld [tilespmem:$0x1C350]  }
0x87: {  	v10 =	vld [tilespmem:$0x1C340]  }
0x88: {  	v11 =	vld [tilespmem:$0x1C330]  }
0x89: {  	v22 =	vld [tilespmem:$0x1C320]  }
0x8a: {  	v20 =	vld [tilespmem:$0x1C310]  }
0x8b: {  	v37 =	vld [tilespmem:$0x1C300]  }
0x8c: {  	v34 =	vld [tilespmem:$0x1C2E0]  }
0x8d: {  	v36 =	vld [tilespmem:$0x1C2F0]  }
0x8e: {  	v31 =	vld [tilespmem:$0x1C2D0]  }
0x8f: {  	v26 =	vld [tilespmem:$0x1C2C0]  }
0x90: {  	v24 =	vld [tilespmem:$0x1C2B0]  }
0x91: {  	v17 =	vld [tilespmem:$0x1C290]  }
0x92: {  	v21 =	vld [tilespmem:$0x1C280]  }
0x93: {  	v23 =	vld [tilespmem:$0x1C270]  }
0x94: {  	v16 =	vld [tilespmem:$0x1C260]  }
0x95: {  	v18 =	vld [tilespmem:$0x1C250]  }
0x96: {  	v25 =	vld [tilespmem:$0x1C240]  }
0x97: {  	v27 =	vld [tilespmem:$0x1C230]  }
0x98: {  	v28 =	vld [tilespmem:$0x1C220]  }
0x99: {  	v30 =	vld [tilespmem:$0x1C200]  }
0x9a: {  	v29 =	vld [tilespmem:$0x1C210]  }
0x9b: {  	v33 =	vld [tilespmem:$0x1C2A0]  }
0x9c: {  	v35 =	vld.idx.msk [tilespmem:v6+s3+$0x0], $0xffff  }
0x9d: {  	v38 =	vld.idx.msk [tilespmem:v7+s3+$0x0], $0xffff;
	[tilespmem:v13+s3+$0x0] =	vst.idx.msk $0xffff, v1  }
0x9e: {  	[tilespmem:v14+s3+$0x0] =	vst.idx.msk $0xffff, v1;
	v13 =	vadd.f32 $0.0e+00, v30  }
0x9f: {  	s20 =	simm.s32 $0x1C3C0;
	[tilespmem:v15+s3+$0x0] =	vst.idx.msk $0xffff, v1  }
0xa0: {  	v15 =	vld [tilespmem:s20+$0xFFFFFFE8];
	v29 =	vadd.f32 v29, v13  }
0xa1: {  	v14 =	vld [tilespmem:s20+$0xFFFFFFF8]  }
0xa2: {  	v13 =	vld [tilespmem:s20+$0x0];
	v28 =	vadd.f32 v28, v29;
	_ =	sdelay $0x1  }
0xa3: {  	v27 =	vadd.f32 v27, v28;
	_ =	sdelay $0x1  }
0xa4: {  	v25 =	vadd.f32 v25, v27;
	_ =	sdelay $0x1  }
0xa5: {  	[tilespmem:v15+s3+$0x0] =	vst.idx.msk $0xffff, v0;
	v18 =	vadd.f32 v18, v25  }
0xa6: {  	[tilespmem:v14+s3+$0x0] =	vst.idx.msk $0xffff, v0  }
0xa7: {  	[tilespmem:v13+s3+$0x0] =	vst.idx.msk $0xffff, v0;
	v25 =	vadd.f32 v16, v18  }
0xa8: {  	v28 =	vld [tilespmem:$0x1C350]  }
0xa9: {  	v30 =	vld [tilespmem:$0x1C340];
	v23 =	vadd.f32 v23, v25  }
0xaa: {  	v32 =	vld [tilespmem:$0x1C330]  }
0xab: {  	v40 =	vld [tilespmem:$0x1C220];
	v21 =	vadd.f32 v21, v23  }
0xac: {  	v43 =	vld [tilespmem:$0x1C200]  }
0xad: {  	v18 =	vld.idx.msk [tilespmem:v12+s3+$0x0], $0xffff;
	v21 =	vadd.f32 v17, v21  }
0xae: {  	v16 =	vld [tilespmem:$0x1C370]  }
0xaf: {  	v25 =	vld [tilespmem:$0x1C360];
	v23 =	vadd.f32 v38, v19;
	v27 =	vadd.f32 v33, v21  }
0xb0: {  	v19 =	vld [tilespmem:$0x1C310]  }
0xb1: {  	v38 =	vld [tilespmem:$0x1C240];
	v29 =	vadd.f32 v35, v23;
	v33 =	vadd.f32 v24, v27  }
0xb2: {  	v17 =	vld [tilespmem:$0x1C320]  }
0xb3: {  	v23 =	vld [tilespmem:$0x1C2E0];
	(xrf2) =	vadd.scan.msk.f32 $0xffff, v29;
	v33 =	vadd.f32 v26, v33  }
0xb4: {  	v35 =	vld [tilespmem:$0x1C260]  }
0xb5: {  	v21 =	vld [tilespmem:$0x1C300];
	v62 =	vadd.f32 v31, v33  }
0xb6: {  	v29 =	vld [tilespmem:$0x1C2B0]  }
0xb7: {  	v24 =	vld [tilespmem:$0x1C2F0];
	v63 =	vadd.f32 v34, v62  }
0xb8: {  	v27 =	vld [tilespmem:$0x1C2D0]  }
0xb9: {  	v26 =	vld [tilespmem:$0x1C2C0];
	v39 =	vadd.f32 v36, v63  }
0xba: {  	v31 =	vld [tilespmem:$0x1C290]  }
0xbb: {  	v33 =	vld [tilespmem:$0x1C280];
	v37 =	vadd.f32 v37, v39  }
0xbc: {  	v34 =	vld [tilespmem:$0x1C270]  }
0xbd: {  	v36 =	vld [tilespmem:$0x1C250];
	v41, _, _ =	vpop (xrf2);
	v37 =	vadd.f32 v20, v37  }
0xbe: {  	v42 =	vmov s4;
	v44 =	vbroadcast v41, $0xF;
	v41 =	vld [tilespmem:$0x1C210]  }
0xbf: {  	vm0 =	veq.s32 v42, v2;
	v39 =	vld [tilespmem:$0x1C230];
	v42 =	vadd.f32 v22, v37  }
0xc0: {  	s23 =	simm.s32 $0x1;
	s24 =	simm.s32 $0x2;
	v20 =	vsel vm0, v44, v1;
	v37 =	vld [tilespmem:$0x1C2A0];
	v22 =	vimm.f32 $0.0e+00  }
.LBB2_2:
0xc1: {  	p2 =	sne.s32 s24, $0xF;
	v44 =	vld.idx.msk [tilespmem:v6+s3+$0x0], $0xffff;
	v42 =	vadd.f32 v11, v42;
	v11 =	vmov v32;
	s25 =	smov.u32 s24;
	s24 =	sadd.s32 $0x1, s24  }
0xc2: {  	v32 =	vld.idx.msk [tilespmem:v7+s3+$0x0], $0xffff  }
0xc3: {  	[tilespmem:v15+s3+$0x0] =	vst.idx.msk $0xffff, v1;
	v15 =	vadd.f32 v10, v42;
	v10 =	vmov v30  }
0xc4: {  	v30 =	vadd.f32 $0.0e+00, v43;
	[tilespmem:v14+s3+$0x0] =	vst.idx.msk $0xffff, v1  }
0xc5: {  	s20 =	sadd.s32 $0x28, s20;
	[tilespmem:v13+s3+$0x0] =	vst.idx.msk $0xffff, v1;
	v13 =	vadd.f32 v9, v15;
	v9 =	vmov v28  }
0xc6: {  	v15 =	vld [tilespmem:s20+$0xFFFFFFE8];
	v28 =	vadd.f32 v41, v30  }
0xc7: {  	v14 =	vld [tilespmem:s20+$0xFFFFFFF8];
	v30 =	vadd.f32 v8, v13;
	v8 =	vmov v25  }
0xc8: {  	v18 =	vadd.f32 v32, v18;
	v13 =	vld [tilespmem:s20+$0x0];
	v25 =	vadd.f32 v40, v28  }
0xc9: {  	v28 =	vadd.f32 v5, v30;
	v5 =	vmov v16  }
0xca: {  	v18 =	vadd.f32 v44, v18;
	v16 =	vadd.f32 v39, v25  }
0xcb: {  	(xrf2) =	vadd.scan.msk.f32 $0xffff, v28  }
0xcc: {  	v16 =	vadd.f32 v38, v16;
	_ =	sdelay $0x1  }
0xcd: {  	[tilespmem:v15+s3+$0x0] =	vst.idx.msk $0xffff, v0;
	v16 =	vadd.f32 v36, v16;
	(xrf2) =	vadd.scan.msk.f32 $0xffff, v18  }
0xce: {  	[tilespmem:v14+s3+$0x0] =	vst.idx.msk $0xffff, v0  }
0xcf: {  	[tilespmem:v13+s3+$0x0] =	vst.idx.msk $0xffff, v0;
	v25 =	vadd.f32 v35, v16  }
0xd0: {  	v18 =	vld.idx.msk [tilespmem:v12+s3+$0x0], $0xffff  }
0xd1: {  	v16 =	vld [tilespmem:$0x1C370];
	v30 =	vadd.f32 v34, v25  }
0xd2: {  	v25 =	vld [tilespmem:$0x1C360]  }
0xd3: {  	v28 =	vld [tilespmem:$0x1C350];
	v33 =	vadd.f32 v33, v30  }
0xd4: {  	v30 =	vld [tilespmem:$0x1C340];
	v34, _, _ =	vpop (xrf2)  }
0xd5: {  	v32 =	vld [tilespmem:$0x1C330];
	v31 =	vadd.f32 v31, v33  }
0xd6: {  	v33 =	vbroadcast v34, $0xF;
	v44 =	vld [tilespmem:$0x1C320]  }
0xd7: {  	v41 =	vld [tilespmem:$0x1C310];
	v31 =	vadd.f32 v37, v31;
	v34, _, _ =	vpop (xrf2)  }
0xd8: {  	v35 =	vmov s23;
	s23 =	smov.u32 s25;
	v22 =	vsel vm0, v33, v22;
	v37 =	vld [tilespmem:$0x1C300];
	v34 =	vbroadcast v34, $0xF  }
0xd9: {  	vm0 =	veq.s32 v35, v2;
	v36 =	vld [tilespmem:$0x1C2E0];
	v29 =	vadd.f32 v29, v31  }
0xda: {  	v38 =	vld [tilespmem:$0x1C2F0];
	v20 =	vsel vm0, v34, v20  }
0xdb: {  	v35 =	vld [tilespmem:$0x1C2D0];
	v31 =	vadd.f32 v26, v29  }
0xdc: {  	v26 =	vld [tilespmem:$0x1C2C0]  }
0xdd: {  	v29 =	vld [tilespmem:$0x1C2B0];
	v40 =	vadd.f32 v27, v31  }
0xde: {  	v31 =	vld [tilespmem:$0x1C290]  }
0xdf: {  	v33 =	vld [tilespmem:$0x1C280];
	v39 =	vadd.f32 v23, v40;
	v23 =	vmov v36  }
0xe0: {  	v34 =	vld [tilespmem:$0x1C270];
	v27 =	vmov v35  }
0xe1: {  	v35 =	vld [tilespmem:$0x1C260];
	v39 =	vadd.f32 v24, v39;
	v24 =	vmov v38  }
0xe2: {  	v36 =	vld [tilespmem:$0x1C250]  }
0xe3: {  	v38 =	vld [tilespmem:$0x1C240];
	v42 =	vadd.f32 v21, v39;
	v21 =	vmov v37  }
.Ltmp2:
0xe4: {  	v39 =	vld [tilespmem:$0x1C230];
	(pc) =	sbr.rel @p2 .LBB2_2-.Ltmp2, $4  }
0xe5: {  	v40 =	vld [tilespmem:$0x1C220];
	v37 =	vadd.f32 v19, v42;
	v19 =	vmov v41  }
0xe6: {  	v41 =	vld [tilespmem:$0x1C210]  }
0xe7: {  	v43 =	vld [tilespmem:$0x1C200];
	v42 =	vadd.f32 v17, v37;
	v17 =	vmov v44  }
0xe8: {  	v37 =	vld [tilespmem:$0x1C2A0]  }
0xe9: {  	_ =	sdelay $0x2  }
0xea: {  	v12 =	vadd.f32 $0.0e+00, v43;
	_ =	sdelay $0x1  }
0xeb: {  	v12 =	vadd.f32 v41, v12;
	_ =	sdelay $0x1  }
0xec: {  	v12 =	vadd.f32 v40, v12;
	_ =	sdelay $0x1  }
0xed: {  	v12 =	vadd.f32 v39, v12;
	_ =	sdelay $0x1  }
0xee: {  	v12 =	vadd.f32 v38, v12;
	_ =	sdelay $0x1  }
0xef: {  	v12 =	vadd.f32 v36, v12;
	_ =	sdelay $0x1  }
0xf0: {  	v12 =	vadd.f32 v35, v12;
	_ =	sdelay $0x1  }
0xf1: {  	v12 =	vadd.f32 v34, v12;
	_ =	sdelay $0x1  }
0xf2: {  	v12 =	vadd.f32 v33, v12;
	_ =	sdelay $0x1  }
0xf3: {  	v12 =	vadd.f32 v31, v12;
	_ =	sdelay $0x1  }
0xf4: {  	v12 =	vadd.f32 v37, v12;
	_ =	sdelay $0x1  }
0xf5: {  	v12 =	vadd.f32 v29, v12;
	_ =	sdelay $0x1  }
0xf6: {  	v12 =	vadd.f32 v26, v12;
	_ =	sdelay $0x1  }
0xf7: {  	v12 =	vadd.f32 v27, v12;
	_ =	sdelay $0x1  }
0xf8: {  	v12 =	vadd.f32 v23, v12;
	_ =	sdelay $0x1  }
0xf9: {  	v12 =	vadd.f32 v24, v12;
	_ =	sdelay $0x1  }
0xfa: {  	v12 =	vadd.f32 v21, v12;
	_ =	sdelay $0x1  }
0xfb: {  	v12 =	vadd.f32 v19, v12;
	_ =	sdelay $0x1  }
0xfc: {  	v11 =	vadd.f32 v11, v42;
	v12 =	vadd.f32 v17, v12;
	_ =	sdelay $0x1  }
0xfd: {  	v7 =	vld.idx.msk [tilespmem:v7+s3+$0x0], $0xffff;
	v10 =	vadd.f32 v10, v11;
	v59 =	vadd.f32 v32, v12;
	_ =	sdelay $0x1  }
0xfe: {  	v6 =	vld.idx.msk [tilespmem:v6+s3+$0x0], $0xffff;
	v9 =	vadd.f32 v9, v10;
	v60 =	vadd.f32 v30, v59;
	_ =	sdelay $0x1  }
0xff: {  	v8 =	vadd.f32 v8, v9;
	v61 =	vadd.f32 v28, v60  }
0x100: {  	v7 =	vadd.f32 v7, v18  }
0x101: {  	v5 =	vadd.f32 v5, v8;
	v62 =	vadd.f32 v25, v61  }
0x102: {  	v6 =	vadd.f32 v6, v7  }
0x103: {  	(xrf2) =	vadd.scan.msk.f32 $0xffff, v5;
	v5 =	vadd.f32 v16, v62  }
0x104: {  	(xrf2) =	vadd.scan.msk.f32 $0xffff, v6  }
0x105: {  	(xrf2) =	vadd.scan.msk.f32 $0xffff, v5;
	_ =	sdelay $0x7  }
0x106: {  	v5, _, _ =	vpop (xrf2)  }
0x107: {  	v6, _, _ =	vpop (xrf2)  }
0x108: {  	[tilespmem:v15+s3+$0x0] =	vst.idx.msk $0xffff, v1;
	v7 =	vmov s23;
	v5 =	vbroadcast v5, $0xF;
	v6 =	vbroadcast v6, $0xF;
	v63, _, _ =	vpop (xrf2)  }
0x109: {  	[tilespmem:v14+s3+$0x0] =	vst.idx.msk $0xffff, v1;
	vm1 =	veq.s32 v7, v2;
	v7 =	vbroadcast v63, $0xF  }
0x10a: {  	[tilespmem:v13+s3+$0x0] =	vst.idx.msk $0xffff, v1;
	v5 =	vsel vm0, v5, v22;
	v6 =	vsel vm1, v6, v20  }
0x10b: {  	[tilespmem:$0x1C680] =	vst v6;
	v5 =	vsel vm1, v7, v5  }
0x10c: {  	s0 =	simm.s32 $0x0;
	s1 =	rddreg [dreg:$0xa];
	s29 =	simm.s32 $0x1C680;
	[tilespmem:$0x1C700] =	vst v5  }
0x10d: {  	[hbm4b:s1+s0] =	stream.linear.scatter [tilespmem:s29], [sflag:$0x5], $0x10, $0x38;
	[tilespmem:$0x1C980] =	vst v63  }
0x10e: {  	_ =	swait.ge [sflag:s2], $0x10  }
0x10f: {  	[sflag:s2] =	ssyncset.done $0x0  }
0x110: {  	s31 =	simm.s32 $0x1C700;
	s30 =	rddreg [dreg:$0xb];
	[sflag:s2] =	ssyncadd.s32 $0xFFFFFFF0  }
0x111: {  	[hbm4b:s30+s0] =	stream.linear.scatter [tilespmem:s31], [sflag:$0x5], $0x10, $0x38;
	[tilespmem:$0x1C980] =	vst v63  }
0x112: {  	_ =	swait.ge [sflag:s2], $0x10  }
0x113: {  	[sflag:s2] =	ssyncset.done $0x0  }
0x114: {  	s0 =	simm.s32 $0x0;
	[sflag:s2] =	ssyncadd.s32 $0xFFFFFFF0;
	s2 =	simm.s32 $0x40  }
.LBB2_4:
0x115: {  	p2 =	sne.s32 s2, $0x7C0;
	[tilespmem:s0+$0x1C000] =	vst v3  }
0x116: {  	[tilespmem:s0+$0x1B000] =	vst v1  }
0x117: {  	[tilespmem:s0+$0x1B200] =	vst v1  }
0x118: {  	[tilespmem:s0+$0x1B400] =	vst v1  }
.Ltmp3:
0x119: {  	[tilespmem:s0+$0x1B600] =	vst v1;
	(pc) =	sbr.rel @p2 .LBB2_4-.Ltmp3, $4  }
0x11a: {  	[tilespmem:s0+$0x1B800] =	vst v1  }
0x11b: {  	[tilespmem:s0+$0x1BA00] =	vst v1  }
0x11c: {  	[tilespmem:s0+$0x1BC00] =	vst v1  }
0x11d: {  	[tilespmem:s0+$0x1BE00] =	vst v1;
	s0 =	sshra.s32 s2, $0x2;
	s2 =	sadd.s32 $0x40, s2  }
0x11e: {  	[tilespmem:s0+$0x1C000] =	vst v3  }
0x11f: {  	[tilespmem:s0+$0x1B000] =	vst v1  }
0x120: {  	[tilespmem:s0+$0x1B200] =	vst v1  }
0x121: {  	[tilespmem:s0+$0x1B400] =	vst v1  }
0x122: {  	[tilespmem:s0+$0x1B600] =	vst v1  }
0x123: {  	[tilespmem:s0+$0x1B800] =	vst v1  }
0x124: {  	[tilespmem:s0+$0x1BA00] =	vst v1  }
0x125: {  	[tilespmem:s0+$0x1BC00] =	vst v1  }
0x126: {  	[tilespmem:s0+$0x1BE00] =	vst v1;
	s22 =	simm.s32 $0x0;
	s1 =	rddreg [dreg:$0xc];
	s2 =	simm.s32 $0x1800  }
0x127: {  	[tilespmem:s2], [sflag:$0x2] =	stream.linear.gather [hbm4b:s1+s22], $0x1800, $0x38;
	[tilespmem:$0x1C980] =	vst v63  }
0x128: {  	s30 =	rddreg [dreg:$0xd];
	s31 =	simm.s32 $0xF000;
	s3 =	simm.s32 $0x1  }
0x129: {  	[tilespmem:s31], [sflag:$0x4] =	stream.linear.gather [hbm4b:s30+s22], $0xC000, $0x38;
	[tilespmem:$0x1C980] =	vst v63  }
0x12a: {  	_ =	swait.ge [sflag:s3], $0x1800  }
0x12b: {  	[sflag:s3] =	ssyncset.done $0x0  }
0x12c: {  	s4 =	simm.s32 $0x3;
	s5 =	simm.s32 $0x0;
	[sflag:s3] =	ssyncadd.s32 $0xFFFFE800  }
0x12d: {  	s20 =	sand.u32 $0x40, s5;
	_ =	swait.ge [sflag:s4], $0xC000  }
0x12e: {  	s2 =	sand.u32 $0x1F80, s5;
	s23 =	sor.u32 $0x30, s20;
	[sflag:s4] =	ssyncset.done $0x0  }
0x12f: {  	s25 =	sor.u32 $0x10, s20;
	s24 =	sor.u32 s23, s2;
	[sflag:s4] =	ssyncadd.s32 $0xFFFF4000  }
0x130: {  	s26 =	sor.u32 $0x20, s20;
	s6 =	sor.u32 s25, s2;
	v8 =	vld [tilespmem:s24+$0x0]  }
0x131: {  	s2 =	sor.u32 s26, s2;
	v13 =	vld [tilespmem:s6+$0x0]  }
0x132: {  	v7 =	vld [tilespmem:s2+$0x0];
	_ =	sdelay $0x3  }
0x133: {  	s16 =	simm.s32 $0x40;
	v5 =	vld [tilespmem:s22+$0x0]  }
0x134: {  	v6 =	vld [tilespmem:s16+$0x0]  }
0x135: {  	s0 =	sand.u32 $0xFC00, s22;
	[tilespmem:v8+s7+$0x0] =	vst.idx.add.s32.msk $0xffff, v4  }
0x136: {  	s0 =	sadd.s32 $0x3000, s0;
	[tilespmem:v13+s7+$0x0] =	vst.idx.add.s32.msk $0xffff, v4  }
0x137: {  	s17 =	sor.u32 s23, s0;
	[tilespmem:v7+s7+$0x0] =	vst.idx.add.s32.msk $0xffff, v4  }
0x138: {  	s18 =	sor.u32 s25, s0;
	v9 =	vld [tilespmem:s17+$0x0]  }
0x139: {  	s19 =	sor.u32 s26, s0;
	v10 =	vld [tilespmem:s18+$0x0]  }
0x13a: {  	v11 =	vld [tilespmem:s19+$0x0]  }
0x13b: {  	s0 =	sor.u32 s20, s0;
	[tilespmem:v5+s7+$0x0] =	vst.idx.add.s32.msk $0xffff, v4  }
0x13c: {  	v12 =	vld [tilespmem:s0+$0x0]  }
0x13d: {  	[tilespmem:v8+s8+$0x0] =	vst.idx.add.f32.msk $0xffff, v9  }
0x13e: {  	[tilespmem:v13+s8+$0x0] =	vst.idx.add.f32.msk $0xffff, v10  }
0x13f: {  	[tilespmem:v7+s8+$0x0] =	vst.idx.add.f32.msk $0xffff, v11  }
0x140: {  	v9 =	vld [tilespmem:s17+$0x80]  }
0x141: {  	v10 =	vld [tilespmem:s18+$0x80]  }
0x142: {  	v11 =	vld [tilespmem:s19+$0x80]  }
0x143: {  	[tilespmem:v5+s8+$0x0] =	vst.idx.add.f32.msk $0xffff, v12  }
0x144: {  	v12 =	vld [tilespmem:s0+$0x80]  }
0x145: {  	[tilespmem:v8+s9+$0x0] =	vst.idx.add.f32.msk $0xffff, v9  }
0x146: {  	[tilespmem:v13+s9+$0x0] =	vst.idx.add.f32.msk $0xffff, v10  }
0x147: {  	[tilespmem:v7+s9+$0x0] =	vst.idx.add.f32.msk $0xffff, v11  }
0x148: {  	v9 =	vld [tilespmem:s17+$0x100]  }
0x149: {  	[tilespmem:v5+s9+$0x0] =	vst.idx.add.f32.msk $0xffff, v12  }
0x14a: {  	v10 =	vld [tilespmem:s18+$0x100]  }
0x14b: {  	v11 =	vld [tilespmem:s19+$0x100]  }
0x14c: {  	v12 =	vld [tilespmem:s0+$0x100]  }
0x14d: {  	[tilespmem:v8+s10+$0x0] =	vst.idx.add.f32.msk $0xffff, v9  }
0x14e: {  	p2 =	por $0x0, $0x0;
	s2 =	simm.s32 $0x1;
	v9 =	vld [tilespmem:s17+$0x180]  }
0x14f: {  	s2 =	simm.s32 @!p2 $0x0;
	[tilespmem:v13+s10+$0x0] =	vst.idx.add.f32.msk $0xffff, v10  }
0x150: {  	s2 =	sshll.u32 s2, $0x6;
	[tilespmem:v7+s10+$0x0] =	vst.idx.add.f32.msk $0xffff, v11  }
0x151: {  	s20 =	sadd.s32 $0x0, s2;
	v10 =	vld [tilespmem:s18+$0x180]  }
0x152: {  	s2 =	sadd.s32 $0x30, s20;
	v11 =	vld [tilespmem:s19+$0x180]  }
0x153: {  	s21 =	sor.u32 $0x200, s2;
	[tilespmem:v8+s11+$0x0] =	vst.idx.add.f32.msk $0xffff, v9  }
0x154: {  	v9 =	vld [tilespmem:s21+$0x3000]  }
0x155: {  	[tilespmem:v5+s10+$0x0] =	vst.idx.add.f32.msk $0xffff, v12  }
0x156: {  	v12 =	vld [tilespmem:s0+$0x180]  }
0x157: {  	[tilespmem:v13+s11+$0x0] =	vst.idx.add.f32.msk $0xffff, v10  }
0x158: {  	[tilespmem:v7+s11+$0x0] =	vst.idx.add.f32.msk $0xffff, v11  }
0x159: {  	s22 =	sor.u32 $0x280, s2;
	[tilespmem:v8+s12+$0x0] =	vst.idx.add.f32.msk $0xffff, v9  }
0x15a: {  	s23 =	simm.s32 $0x40;
	s26 =	sadd.s32 $0x10, s20;
	v9 =	vld [tilespmem:s22+$0x3000]  }
0x15b: {  	s29 =	sand.u32 $0x40, s23;
	s30 =	sor.u32 $0x200, s26;
	[tilespmem:v5+s11+$0x0] =	vst.idx.add.f32.msk $0xffff, v12  }
0x15c: {  	s1 =	sor.u32 $0x200, s20;
	s0 =	sor.u32 $0x10, s29;
	v10 =	vld [tilespmem:s30+$0x3000];
	s21 =	sand.u32 $0x1F80, s23  }
0x15d: {  	v12 =	vld [tilespmem:s1+$0x3000];
	s30 =	sor.u32 s0, s21  }
0x15e: {  	v15 =	vld [tilespmem:s30+$0x0]  }
0x15f: {  	s25 =	sor.u32 $0x300, s2;
	[tilespmem:v8+s13+$0x0] =	vst.idx.add.f32.msk $0xffff, v9  }
0x160: {  	v9 =	vld [tilespmem:s25+$0x3000]  }
0x161: {  	[tilespmem:v13+s12+$0x0] =	vst.idx.add.f32.msk $0xffff, v10;
	s25 =	sadd.s32 $0x20, s20  }
0x162: {  	s6 =	sor.u32 $0x380, s2;
	s2 =	sor.u32 $0x30, s29;
	[tilespmem:v5+s12+$0x0] =	vst.idx.add.f32.msk $0xffff, v12;
	s31 =	sor.u32 $0x200, s25  }
0x163: {  	s22 =	sor.u32 s2, s21;
	v11 =	vld [tilespmem:s31+$0x3000]  }
0x164: {  	v12 =	vld [tilespmem:s22+$0x0]  }
0x165: {  	s3 =	sor.u32 $0x280, s26;
	[tilespmem:v8+s14+$0x0] =	vst.idx.add.f32.msk $0xffff, v9  }
0x166: {  	v9 =	vld [tilespmem:s3+$0x3000]  }
0x167: {  	v14 =	vld [tilespmem:s6+$0x3000]  }
0x168: {  	s5 =	sor.u32 $0x280, s20;
	[tilespmem:v7+s12+$0x0] =	vst.idx.add.f32.msk $0xffff, v11  }
0x169: {  	s4 =	sor.u32 $0x280, s25;
	v11 =	vld [tilespmem:s5+$0x3000]  }
0x16a: {  	v10 =	vld [tilespmem:s4+$0x3000]  }
0x16b: {  	s16 =	sor.u32 $0x300, s26;
	[tilespmem:v13+s13+$0x0] =	vst.idx.add.f32.msk $0xffff, v9  }
0x16c: {  	v9 =	vld [tilespmem:s16+$0x3000]  }
0x16d: {  	[tilespmem:v8+s15+$0x0] =	vst.idx.add.f32.msk $0xffff, v14  }
0x16e: {  	[tilespmem:v5+s13+$0x0] =	vst.idx.add.f32.msk $0xffff, v11  }
0x16f: {  	s18 =	sor.u32 $0x300, s20;
	[tilespmem:v7+s13+$0x0] =	vst.idx.add.f32.msk $0xffff, v10  }
0x170: {  	s28 =	sor.u32 $0x20, s29;
	s17 =	sor.u32 $0x300, s25;
	v16 =	vld [tilespmem:s18+$0x3000]  }
0x171: {  	s24 =	sor.u32 s28, s21;
	v11 =	vld [tilespmem:s17+$0x3000]  }
0x172: {  	v10 =	vld [tilespmem:s24+$0x0]  }
0x173: {  	s19 =	sor.u32 $0x380, s26;
	[tilespmem:v13+s14+$0x0] =	vst.idx.add.f32.msk $0xffff, v9  }
0x174: {  	v17 =	vld [tilespmem:s19+$0x3000]  }
0x175: {  	[tilespmem:v5+s14+$0x0] =	vst.idx.add.f32.msk $0xffff, v16  }
0x176: {  	s20 =	sor.u32 $0x380, s20;
	[tilespmem:v7+s14+$0x0] =	vst.idx.add.f32.msk $0xffff, v11  }
0x177: {  	s31 =	sor.u32 $0x380, s25;
	v9 =	vld [tilespmem:s20+$0x3000]  }
0x178: {  	v11 =	vld [tilespmem:s31+$0x3000]  }
0x179: {  	v8 =	vmov v6;
	s24 =	simm.s32 $0x80;
	s20 =	simm.s32 $0x200;
	[tilespmem:v13+s15+$0x0] =	vst.idx.add.f32.msk $0xffff, v17  }
.LBB2_6:
0x17a: {  	v14 =	vld [tilespmem:s24+$0x0];
	s25 =	sand.u32 $0xFC00, s20;
	v13 =	vmov v15  }
0x17b: {  	[tilespmem:v6+s7+$0x0] =	vst.idx.add.s32.msk $0xffff, v4;
	s25 =	sadd.s32 $0x3000, s25  }
0x17c: {  	s30 =	sor.u32 s0, s25;
	s28 =	sor.u32 s28, s25;
	[tilespmem:v12+s7+$0x0] =	vst.idx.add.s32.msk $0xffff, v4;
	s0 =	sor.u32 s2, s25  }
0x17d: {  	s29 =	sor.u32 s29, s25;
	v16 =	vld [tilespmem:s0+$0x0]  }
0x17e: {  	[tilespmem:v15+s7+$0x0] =	vst.idx.add.s32.msk $0xffff, v4  }
0x17f: {  	[tilespmem:v10+s7+$0x0] =	vst.idx.add.s32.msk $0xffff, v4  }
0x180: {  	v15 =	vld [tilespmem:s30+$0x0]  }
0x181: {  	v17 =	vld [tilespmem:s28+$0x0]  }
0x182: {  	[tilespmem:v12+s8+$0x0] =	vst.idx.add.f32.msk $0xffff, v16  }
0x183: {  	v16 =	vld [tilespmem:s0+$0x80]  }
0x184: {  	v18 =	vld [tilespmem:s29+$0x0]  }
0x185: {  	[tilespmem:v13+s8+$0x0] =	vst.idx.add.f32.msk $0xffff, v15  }
0x186: {  	[tilespmem:v10+s8+$0x0] =	vst.idx.add.f32.msk $0xffff, v17  }
0x187: {  	v15 =	vld [tilespmem:s30+$0x80]  }
0x188: {  	[tilespmem:v12+s9+$0x0] =	vst.idx.add.f32.msk $0xffff, v16  }
0x189: {  	v16 =	vld [tilespmem:s0+$0x100]  }
0x18a: {  	[tilespmem:v6+s8+$0x0] =	vst.idx.add.f32.msk $0xffff, v18  }
0x18b: {  	v17 =	vld [tilespmem:s28+$0x80]  }
0x18c: {  	v18 =	vld [tilespmem:s29+$0x80]  }
0x18d: {  	[tilespmem:v13+s9+$0x0] =	vst.idx.add.f32.msk $0xffff, v15  }
0x18e: {  	[tilespmem:v12+s10+$0x0] =	vst.idx.add.f32.msk $0xffff, v16  }
0x18f: {  	p2 =	por !p2, !p2;
	v15 =	vld [tilespmem:s0+$0x180];
	s0 =	simm.s32 $0x1  }
0x190: {  	s0 =	simm.s32 @!p2 $0x0;
	[tilespmem:v10+s9+$0x0] =	vst.idx.add.f32.msk $0xffff, v17  }
0x191: {  	s0 =	sshll.u32 s0, $0x6;
	[tilespmem:v6+s9+$0x0] =	vst.idx.add.f32.msk $0xffff, v18  }
0x192: {  	s25 =	sadd.s32 s0, s20;
	v16 =	vld [tilespmem:s30+$0x100]  }
0x193: {  	s26 =	sadd.s32 $0x10, s25;
	v17 =	vld [tilespmem:s28+$0x100];
	s17 =	sadd.s32 $0x20, s25;
	s21 =	sadd.s32 $0x30, s25  }
0x194: {  	s3 =	sor.u32 $0x200, s26;
	s5 =	sor.u32 $0x200, s17;
	[tilespmem:v12+s11+$0x0] =	vst.idx.add.f32.msk $0xffff, v15;
	s0 =	sor.u32 $0x200, s21  }
0x195: {  	s6 =	sor.u32 $0x200, s25;
	s16 =	sor.u32 $0x280, s26;
	s18 =	sor.u32 $0x280, s17;
	v15 =	vld [tilespmem:s0+$0x3000]  }
0x196: {  	s19 =	sor.u32 $0x280, s25;
	s4 =	sor.u32 $0x300, s26;
	s0 =	sor.u32 $0x300, s17;
	v18 =	vld [tilespmem:s29+$0x100]  }
0x197: {  	s2 =	sor.u32 $0x300, s25;
	s31 =	sor.u32 $0x380, s26;
	s26 =	sor.u32 $0x380, s17;
	[tilespmem:v13+s10+$0x0] =	vst.idx.add.f32.msk $0xffff, v16  }
0x198: {  	s25 =	sor.u32 $0x380, s25;
	[tilespmem:v10+s10+$0x0] =	vst.idx.add.f32.msk $0xffff, v17  }
0x199: {  	v16 =	vld [tilespmem:s30+$0x180]  }
0x19a: {  	s17 =	sor.u32 $0x280, s21;
	[tilespmem:v12+s12+$0x0] =	vst.idx.add.f32.msk $0xffff, v15  }
0x19b: {  	v15 =	vld [tilespmem:s17+$0x3000]  }
0x19c: {  	[tilespmem:v6+s10+$0x0] =	vst.idx.add.f32.msk $0xffff, v18  }
0x19d: {  	v17 =	vld [tilespmem:s28+$0x180]  }
0x19e: {  	v18 =	vld [tilespmem:s29+$0x180]  }
0x19f: {  	[tilespmem:v13+s11+$0x0] =	vst.idx.add.f32.msk $0xffff, v16  }
0x1a0: {  	s17 =	sor.u32 $0x300, s21;
	[tilespmem:v12+s13+$0x0] =	vst.idx.add.f32.msk $0xffff, v15  }
0x1a1: {  	v15 =	vld [tilespmem:s17+$0x3000]  }
0x1a2: {  	[tilespmem:v10+s11+$0x0] =	vst.idx.add.f32.msk $0xffff, v17  }
0x1a3: {  	[tilespmem:v6+s11+$0x0] =	vst.idx.add.f32.msk $0xffff, v18  }
0x1a4: {  	v16 =	vld [tilespmem:s3+$0x3000]  }
0x1a5: {  	v17 =	vld [tilespmem:s5+$0x3000]  }
0x1a6: {  	s3 =	sor.u32 $0x380, s21;
	[tilespmem:v12+s14+$0x0] =	vst.idx.add.f32.msk $0xffff, v15  }
0x1a7: {  	v15 =	vld [tilespmem:s3+$0x3000]  }
0x1a8: {  	v18 =	vld [tilespmem:s6+$0x3000]  }
0x1a9: {  	[tilespmem:v13+s12+$0x0] =	vst.idx.add.f32.msk $0xffff, v16  }
0x1aa: {  	[tilespmem:v10+s12+$0x0] =	vst.idx.add.f32.msk $0xffff, v17  }
0x1ab: {  	v16 =	vld [tilespmem:s16+$0x3000]  }
0x1ac: {  	[tilespmem:v12+s15+$0x0] =	vst.idx.add.f32.msk $0xffff, v15  }
0x1ad: {  	[tilespmem:v6+s12+$0x0] =	vst.idx.add.f32.msk $0xffff, v18  }
0x1ae: {  	v12 =	vld [tilespmem:s18+$0x3000]  }
0x1af: {  	v15 =	vld [tilespmem:s19+$0x3000]  }
0x1b0: {  	[tilespmem:v13+s13+$0x0] =	vst.idx.add.f32.msk $0xffff, v16  }
0x1b1: {  	v16 =	vld [tilespmem:s4+$0x3000]  }
0x1b2: {  	[tilespmem:v7+s15+$0x0] =	vst.idx.add.f32.msk $0xffff, v11;
	v7 =	vmov v10  }
0x1b3: {  	[tilespmem:v10+s13+$0x0] =	vst.idx.add.f32.msk $0xffff, v12  }
0x1b4: {  	[tilespmem:v6+s13+$0x0] =	vst.idx.add.f32.msk $0xffff, v15  }
0x1b5: {  	v10 =	vld [tilespmem:s0+$0x3000]  }
0x1b6: {  	v11 =	vld [tilespmem:s2+$0x3000]  }
0x1b7: {  	[tilespmem:v13+s14+$0x0] =	vst.idx.add.f32.msk $0xffff, v16  }
0x1b8: {  	s23 =	sadd.s32 $0x40, s23;
	v16 =	vld [tilespmem:s31+$0x3000]  }
0x1b9: {  	p3 =	slt.u32 s23, $0x17C0;
	s29 =	sand.u32 $0x40, s23;
	[tilespmem:v5+s15+$0x0] =	vst.idx.add.f32.msk $0xffff, v9;
	v5 =	vmov v6;
	v6 =	vmov v14  }
0x1ba: {  	s3 =	sand.u32 $0x1F80, s23;
	s0 =	sor.u32 $0x10, s29;
	s2 =	sor.u32 $0x30, s29;
	[tilespmem:v7+s14+$0x0] =	vst.idx.add.f32.msk $0xffff, v10  }
0x1bb: {  	s28 =	sor.u32 $0x20, s29;
	s4 =	sor.u32 s0, s3;
	s5 =	sor.u32 s2, s3;
	[tilespmem:v8+s14+$0x0] =	vst.idx.add.f32.msk $0xffff, v11;
	v8 =	vmov v14  }
0x1bc: {  	s3 =	sor.u32 s28, s3;
	v12 =	vld [tilespmem:s5+$0x0]  }
.Ltmp4:
0x1bd: {  	v15 =	vld [tilespmem:s4+$0x0];
	(pc) =	sbr.rel @p3 .LBB2_6-.Ltmp4, $4  }
0x1be: {  	v10 =	vld [tilespmem:s3+$0x0]  }
0x1bf: {  	v11 =	vld [tilespmem:s26+$0x3000]  }
0x1c0: {  	v9 =	vld [tilespmem:s25+$0x3000]  }
0x1c1: {  	s24 =	sadd.s32 $0x40, s24;
	s20 =	sadd.s32 $0x200, s20;
	[tilespmem:v13+s15+$0x0] =	vst.idx.add.f32.msk $0xffff, v16  }
0x1c2: {  	_ =	sdelay $0x3  }
0x1c3: {  	s3 =	sand.u32 $0xFC00, s20;
	[tilespmem:v12+s7+$0x0] =	vst.idx.add.s32.msk $0xffff, v4  }
0x1c4: {  	[tilespmem:v15+s7+$0x0] =	vst.idx.add.s32.msk $0xffff, v4;
	s3 =	sadd.s32 $0x3000, s3  }
0x1c5: {  	[tilespmem:v10+s7+$0x0] =	vst.idx.add.s32.msk $0xffff, v4;
	s2 =	sor.u32 s2, s3  }
0x1c6: {  	s0 =	sor.u32 s0, s3;
	v13 =	vld [tilespmem:s2+$0x0]  }
0x1c7: {  	s4 =	sor.u32 s28, s3;
	v14 =	vld [tilespmem:s0+$0x0]  }
0x1c8: {  	v16 =	vld [tilespmem:s4+$0x0]  }
0x1c9: {  	[tilespmem:v6+s7+$0x0] =	vst.idx.add.s32.msk $0xffff, v4;
	s3 =	sor.u32 s29, s3  }
0x1ca: {  	v17 =	vld [tilespmem:s3+$0x0]  }
0x1cb: {  	[tilespmem:v12+s8+$0x0] =	vst.idx.add.f32.msk $0xffff, v13  }
0x1cc: {  	[tilespmem:v15+s8+$0x0] =	vst.idx.add.f32.msk $0xffff, v14  }
0x1cd: {  	[tilespmem:v10+s8+$0x0] =	vst.idx.add.f32.msk $0xffff, v16  }
0x1ce: {  	v13 =	vld [tilespmem:s2+$0x80]  }
0x1cf: {  	v14 =	vld [tilespmem:s0+$0x80]  }
0x1d0: {  	v16 =	vld [tilespmem:s4+$0x80]  }
0x1d1: {  	[tilespmem:v6+s8+$0x0] =	vst.idx.add.f32.msk $0xffff, v17  }
0x1d2: {  	v17 =	vld [tilespmem:s3+$0x80]  }
0x1d3: {  	[tilespmem:v12+s9+$0x0] =	vst.idx.add.f32.msk $0xffff, v13  }
0x1d4: {  	[tilespmem:v15+s9+$0x0] =	vst.idx.add.f32.msk $0xffff, v14  }
0x1d5: {  	[tilespmem:v10+s9+$0x0] =	vst.idx.add.f32.msk $0xffff, v16  }
0x1d6: {  	v13 =	vld [tilespmem:s2+$0x100]  }
0x1d7: {  	v14 =	vld [tilespmem:s0+$0x100]  }
0x1d8: {  	v16 =	vld [tilespmem:s4+$0x100]  }
0x1d9: {  	[tilespmem:v6+s9+$0x0] =	vst.idx.add.f32.msk $0xffff, v17  }
0x1da: {  	v17 =	vld [tilespmem:s3+$0x100]  }
0x1db: {  	[tilespmem:v12+s10+$0x0] =	vst.idx.add.f32.msk $0xffff, v13  }
0x1dc: {  	[tilespmem:v15+s10+$0x0] =	vst.idx.add.f32.msk $0xffff, v14  }
0x1dd: {  	[tilespmem:v10+s10+$0x0] =	vst.idx.add.f32.msk $0xffff, v16  }
0x1de: {  	v13 =	vld [tilespmem:s2+$0x180]  }
0x1df: {  	p2 =	por !p2, !p2;
	s2 =	simm.s32 $0x1;
	v14 =	vld [tilespmem:s0+$0x180]  }
0x1e0: {  	[tilespmem:v6+s10+$0x0] =	vst.idx.add.f32.msk $0xffff, v17;
	s2 =	simm.s32 @!p2 $0x0  }
0x1e1: {  	v16 =	vld [tilespmem:s4+$0x180];
	s2 =	sshll.u32 s2, $0x6  }
0x1e2: {  	v17 =	vld [tilespmem:s3+$0x180];
	s2 =	sadd.s32 s2, s20  }
0x1e3: {  	s5 =	sadd.s32 $0x30, s2;
	[tilespmem:v12+s11+$0x0] =	vst.idx.add.f32.msk $0xffff, v13  }
0x1e4: {  	s6 =	sor.u32 $0x200, s5;
	[tilespmem:v15+s11+$0x0] =	vst.idx.add.f32.msk $0xffff, v14  }
0x1e5: {  	v13 =	vld [tilespmem:s6+$0x3000]  }
0x1e6: {  	s22 =	sadd.s32 $0x10, s2;
	[tilespmem:v10+s11+$0x0] =	vst.idx.add.f32.msk $0xffff, v16  }
0x1e7: {  	s23 =	sadd.s32 $0x20, s2;
	s24 =	sor.u32 $0x200, s22;
	[tilespmem:v6+s11+$0x0] =	vst.idx.add.f32.msk $0xffff, v17  }
0x1e8: {  	s25 =	sor.u32 $0x200, s23;
	v14 =	vld [tilespmem:s24+$0x3000]  }
0x1e9: {  	v16 =	vld [tilespmem:s25+$0x3000]  }
0x1ea: {  	s20 =	sor.u32 $0x280, s5;
	[tilespmem:v12+s12+$0x0] =	vst.idx.add.f32.msk $0xffff, v13  }
0x1eb: {  	s26 =	sor.u32 $0x200, s2;
	v13 =	vld [tilespmem:s20+$0x3000]  }
0x1ec: {  	v17 =	vld [tilespmem:s26+$0x3000]  }
0x1ed: {  	[tilespmem:v15+s12+$0x0] =	vst.idx.add.f32.msk $0xffff, v14  }
0x1ee: {  	s31 =	sor.u32 $0x280, s23;
	[tilespmem:v10+s12+$0x0] =	vst.idx.add.f32.msk $0xffff, v16  }
0x1ef: {  	v14 =	vld [tilespmem:s31+$0x3000]  }
0x1f0: {  	s21 =	sor.u32 $0x300, s5;
	[tilespmem:v12+s13+$0x0] =	vst.idx.add.f32.msk $0xffff, v13  }
0x1f1: {  	v13 =	vld [tilespmem:s21+$0x3000]  }
0x1f2: {  	s1 =	sor.u32 $0x280, s2;
	[tilespmem:v6+s12+$0x0] =	vst.idx.add.f32.msk $0xffff, v17  }
0x1f3: {  	v16 =	vld [tilespmem:s1+$0x3000];
	_ =	sdelay $0x1  }
0x1f4: {  	[tilespmem:v10+s13+$0x0] =	vst.idx.add.f32.msk $0xffff, v14  }
0x1f5: {  	s30 =	sor.u32 $0x280, s22;
	[tilespmem:v12+s14+$0x0] =	vst.idx.add.f32.msk $0xffff, v13  }
0x1f6: {  	v13 =	vld [tilespmem:s30+$0x3000]  }
0x1f7: {  	s16 =	sor.u32 $0x300, s23;
	[tilespmem:v6+s13+$0x0] =	vst.idx.add.f32.msk $0xffff, v16  }
0x1f8: {  	s17 =	sor.u32 $0x300, s2;
	v14 =	vld [tilespmem:s16+$0x3000]  }
0x1f9: {  	s5 =	sor.u32 $0x380, s5;
	v16 =	vld [tilespmem:s17+$0x3000]  }
0x1fa: {  	v17 =	vld [tilespmem:s5+$0x3000]  }
0x1fb: {  	s6 =	sor.u32 $0x300, s22;
	[tilespmem:v15+s13+$0x0] =	vst.idx.add.f32.msk $0xffff, v13  }
0x1fc: {  	v13 =	vld [tilespmem:s6+$0x3000]  }
0x1fd: {  	[tilespmem:v10+s14+$0x0] =	vst.idx.add.f32.msk $0xffff, v14  }
0x1fe: {  	s0 =	sor.u32 $0x380, s23;
	[tilespmem:v8+s14+$0x0] =	vst.idx.add.f32.msk $0xffff, v16  }
0x1ff: {  	v8 =	vld [tilespmem:s0+$0x3000]  }
0x200: {  	[tilespmem:v12+s15+$0x0] =	vst.idx.add.f32.msk $0xffff, v17  }
0x201: {  	s2 =	sor.u32 $0x380, s2;
	[tilespmem:v15+s14+$0x0] =	vst.idx.add.f32.msk $0xffff, v13  }
0x202: {  	s3 =	sor.u32 $0x380, s22;
	v13 =	vld [tilespmem:s2+$0x3000]  }
0x203: {  	v12 =	vld [tilespmem:s3+$0x3000]  }
0x204: {  	[tilespmem:v7+s15+$0x0] =	vst.idx.add.f32.msk $0xffff, v11  }
0x205: {  	[tilespmem:v5+s15+$0x0] =	vst.idx.add.f32.msk $0xffff, v9  }
0x206: {  	[tilespmem:v10+s15+$0x0] =	vst.idx.add.f32.msk $0xffff, v8  }
0x207: {  	[tilespmem:v6+s15+$0x0] =	vst.idx.add.f32.msk $0xffff, v13  }
0x208: {  	[tilespmem:v15+s15+$0x0] =	vst.idx.add.f32.msk $0xffff, v12  }
0x209: {  	s18 =	simm.s32 $0x0;
	s1 =	rddreg [dreg:$0xe]  }
0x20a: {  	[tilespmem:s18], [sflag:$0x1] =	stream.linear.gather [hbm4b:s1+s18], $0x1800, $0x38;
	[tilespmem:$0x1C980] =	vst v63  }
0x20b: {  	s20 =	simm.s32 $0x3000;
	s21 =	simm.s32 $0x2;
	s19 =	rddreg [dreg:$0xf]  }
0x20c: {  	[tilespmem:s20], [sflag:$0x3] =	stream.linear.gather [hbm4b:s19+s18], $0xC000, $0x38;
	[tilespmem:$0x1C980] =	vst v63  }
0x20d: {  	_ =	swait.ge [sflag:s21], $0x1800  }
0x20e: {  	[sflag:s21] =	ssyncset.done $0x0  }
0x20f: {  	s23 =	simm.s32 $0x0;
	s22 =	simm.s32 $0x4;
	[sflag:s21] =	ssyncadd.s32 $0xFFFFE800  }
0x210: {  	s24 =	sand.u32 $0x40, s23;
	s2 =	sand.u32 $0x1F80, s23;
	_ =	swait.ge [sflag:s22], $0xC000  }
0x211: {  	s26 =	sor.u32 $0x30, s24;
	s2 =	sadd.s32 $0x1800, s2;
	[sflag:s22] =	ssyncset.done $0x0  }
0x212: {  	s31 =	sor.u32 $0x10, s24;
	s30 =	sor.u32 s26, s2;
	[sflag:s22] =	ssyncadd.s32 $0xFFFF4000  }
0x213: {  	s16 =	sor.u32 $0x20, s24;
	s1 =	sor.u32 s31, s2;
	v8 =	vld [tilespmem:s30+$0x0]  }
0x214: {  	s2 =	sor.u32 s16, s2;
	v13 =	vld [tilespmem:s1+$0x0]  }
0x215: {  	v7 =	vld [tilespmem:s2+$0x0];
	_ =	sdelay $0x2  }
0x216: {  	s25 =	simm.s32 $0x1800  }
0x217: {  	s17 =	simm.s32 $0x1840;
	v5 =	vld [tilespmem:s25+$0x0]  }
0x218: {  	v6 =	vld [tilespmem:s17+$0x0]  }
0x219: {  	s0 =	sand.u32 $0xFC00, s18;
	[tilespmem:v8+s7+$0x0] =	vst.idx.add.s32.msk $0xffff, v4  }
0x21a: {  	s0 =	sadd.s32 $0xF000, s0;
	[tilespmem:v13+s7+$0x0] =	vst.idx.add.s32.msk $0xffff, v4  }
0x21b: {  	s18 =	sor.u32 s26, s0;
	[tilespmem:v7+s7+$0x0] =	vst.idx.add.s32.msk $0xffff, v4  }
0x21c: {  	s19 =	sor.u32 s31, s0;
	v9 =	vld [tilespmem:s18+$0x0]  }
0x21d: {  	s21 =	sor.u32 s16, s0;
	v10 =	vld [tilespmem:s19+$0x0]  }
0x21e: {  	v11 =	vld [tilespmem:s21+$0x0]  }
0x21f: {  	s0 =	sor.u32 s24, s0;
	[tilespmem:v5+s7+$0x0] =	vst.idx.add.s32.msk $0xffff, v4  }
0x220: {  	v12 =	vld [tilespmem:s0+$0x0]  }
0x221: {  	[tilespmem:v8+s8+$0x0] =	vst.idx.add.f32.msk $0xffff, v9  }
0x222: {  	[tilespmem:v13+s8+$0x0] =	vst.idx.add.f32.msk $0xffff, v10  }
0x223: {  	[tilespmem:v7+s8+$0x0] =	vst.idx.add.f32.msk $0xffff, v11  }
0x224: {  	v9 =	vld [tilespmem:s18+$0x80]  }
0x225: {  	v10 =	vld [tilespmem:s19+$0x80]  }
0x226: {  	v11 =	vld [tilespmem:s21+$0x80]  }
0x227: {  	[tilespmem:v5+s8+$0x0] =	vst.idx.add.f32.msk $0xffff, v12  }
0x228: {  	v12 =	vld [tilespmem:s0+$0x80]  }
0x229: {  	[tilespmem:v8+s9+$0x0] =	vst.idx.add.f32.msk $0xffff, v9  }
0x22a: {  	[tilespmem:v13+s9+$0x0] =	vst.idx.add.f32.msk $0xffff, v10  }
0x22b: {  	[tilespmem:v7+s9+$0x0] =	vst.idx.add.f32.msk $0xffff, v11  }
0x22c: {  	v9 =	vld [tilespmem:s18+$0x100]  }
0x22d: {  	v10 =	vld [tilespmem:s19+$0x100]  }
0x22e: {  	v11 =	vld [tilespmem:s21+$0x100]  }
0x22f: {  	[tilespmem:v5+s9+$0x0] =	vst.idx.add.f32.msk $0xffff, v12  }
0x230: {  	v12 =	vld [tilespmem:s0+$0x100]  }
0x231: {  	[tilespmem:v8+s10+$0x0] =	vst.idx.add.f32.msk $0xffff, v9  }
0x232: {  	[tilespmem:v13+s10+$0x0] =	vst.idx.add.f32.msk $0xffff, v10  }
0x233: {  	[tilespmem:v7+s10+$0x0] =	vst.idx.add.f32.msk $0xffff, v11  }
0x234: {  	p2 =	por $0x0, $0x0;
	s2 =	simm.s32 $0x1;
	v9 =	vld [tilespmem:s18+$0x180]  }
0x235: {  	s2 =	simm.s32 @!p2 $0x0;
	[tilespmem:v5+s10+$0x0] =	vst.idx.add.f32.msk $0xffff, v12  }
0x236: {  	s2 =	sshll.u32 s2, $0x6;
	v10 =	vld [tilespmem:s19+$0x180]  }
0x237: {  	s20 =	sadd.s32 $0x0, s2;
	v11 =	vld [tilespmem:s21+$0x180]  }
0x238: {  	s2 =	sadd.s32 $0x30, s20;
	v12 =	vld [tilespmem:s0+$0x180]  }
0x239: {  	s22 =	sor.u32 $0x200, s2;
	[tilespmem:v8+s11+$0x0] =	vst.idx.add.f32.msk $0xffff, v9  }
0x23a: {  	v9 =	vld [tilespmem:s22+$0xF000]  }
0x23b: {  	s25 =	sadd.s32 $0x10, s20;
	[tilespmem:v13+s11+$0x0] =	vst.idx.add.f32.msk $0xffff, v10  }
0x23c: {  	s4 =	sadd.s32 $0x20, s20;
	s26 =	sor.u32 $0x200, s25;
	[tilespmem:v7+s11+$0x0] =	vst.idx.add.f32.msk $0xffff, v11  }
0x23d: {  	s30 =	sor.u32 $0x200, s4;
	v10 =	vld [tilespmem:s26+$0xF000]  }
0x23e: {  	v11 =	vld [tilespmem:s30+$0xF000]  }
0x23f: {  	s23 =	sor.u32 $0x280, s2;
	[tilespmem:v8+s12+$0x0] =	vst.idx.add.f32.msk $0xffff, v9  }
0x240: {  	v9 =	vld [tilespmem:s23+$0xF000]  }
0x241: {  	s31 =	sor.u32 $0x200, s20;
	[tilespmem:v5+s11+$0x0] =	vst.idx.add.f32.msk $0xffff, v12  }
0x242: {  	v12 =	vld [tilespmem:s31+$0xF000]  }
0x243: {  	[tilespmem:v13+s12+$0x0] =	vst.idx.add.f32.msk $0xffff, v10  }
0x244: {  	[tilespmem:v7+s12+$0x0] =	vst.idx.add.f32.msk $0xffff, v11  }
0x245: {  	s24 =	sor.u32 $0x300, s2;
	[tilespmem:v8+s13+$0x0] =	vst.idx.add.f32.msk $0xffff, v9  }
0x246: {  	s6 =	sor.u32 $0x280, s20;
	s23 =	simm.s32 $0x40;
	v9 =	vld [tilespmem:s24+$0xF000]  }
0x247: {  	s5 =	sor.u32 $0x280, s4;
	[tilespmem:v5+s12+$0x0] =	vst.idx.add.f32.msk $0xffff, v12;
	s29 =	sand.u32 $0x40, s23;
	s21 =	sand.u32 $0x1F80, s23  }
0x248: {  	s1 =	sor.u32 $0x280, s25;
	v10 =	vld [tilespmem:s5+$0xF000];
	s22 =	sadd.s32 $0x1800, s21;
	s0 =	sor.u32 $0x10, s29  }
0x249: {  	s17 =	sor.u32 $0x300, s25;
	s3 =	sor.u32 $0x380, s25;
	v11 =	vld [tilespmem:s6+$0xF000];
	s25 =	sor.u32 s0, s22  }
0x24a: {  	v15 =	vld [tilespmem:s25+$0x0]  }
0x24b: {  	[tilespmem:v8+s14+$0x0] =	vst.idx.add.f32.msk $0xffff, v9  }
0x24c: {  	v9 =	vld [tilespmem:s1+$0xF000]  }
0x24d: {  	s28 =	sor.u32 $0x20, s29;
	[tilespmem:v7+s13+$0x0] =	vst.idx.add.f32.msk $0xffff, v10  }
0x24e: {  	s26 =	sor.u32 s28, s22;
	[tilespmem:v5+s13+$0x0] =	vst.idx.add.f32.msk $0xffff, v11  }
0x24f: {  	s18 =	sor.u32 $0x300, s4;
	v10 =	vld [tilespmem:s26+$0x0]  }
0x250: {  	v11 =	vld [tilespmem:s18+$0xF000]  }
0x251: {  	[tilespmem:v13+s13+$0x0] =	vst.idx.add.f32.msk $0xffff, v9  }
0x252: {  	s16 =	sor.u32 $0x380, s2;
	s19 =	sor.u32 $0x300, s20;
	s2 =	sor.u32 $0x30, s29;
	v9 =	vld [tilespmem:s17+$0xF000]  }
0x253: {  	v16 =	vld [tilespmem:s19+$0xF000];
	s24 =	sor.u32 s2, s22  }
0x254: {  	v12 =	vld [tilespmem:s24+$0x0]  }
0x255: {  	[tilespmem:v7+s14+$0x0] =	vst.idx.add.f32.msk $0xffff, v11  }
0x256: {  	v14 =	vld [tilespmem:s16+$0xF000]  }
0x257: {  	[tilespmem:v13+s14+$0x0] =	vst.idx.add.f32.msk $0xffff, v9  }
0x258: {  	v17 =	vld [tilespmem:s3+$0xF000]  }
0x259: {  	s30 =	sor.u32 $0x380, s4;
	[tilespmem:v5+s14+$0x0] =	vst.idx.add.f32.msk $0xffff, v16  }
0x25a: {  	v11 =	vld [tilespmem:s30+$0xF000]  }
0x25b: {  	s31 =	sor.u32 $0x380, s20;
	[tilespmem:v8+s15+$0x0] =	vst.idx.add.f32.msk $0xffff, v14  }
0x25c: {  	v9 =	vld [tilespmem:s31+$0xF000]  }
0x25d: {  	s20 =	simm.s32 $0x200;
	s24 =	simm.s32 $0x1880;
	v8 =	vmov v6;
	[tilespmem:v13+s15+$0x0] =	vst.idx.add.f32.msk $0xffff, v17  }
.LBB2_8:
0x25e: {  	v14 =	vld [tilespmem:s24+$0x0];
	s3 =	sand.u32 $0xFC00, s20;
	v13 =	vmov v15  }
0x25f: {  	[tilespmem:v6+s7+$0x0] =	vst.idx.add.s32.msk $0xffff, v4;
	s3 =	sadd.s32 $0xF000, s3  }
0x260: {  	s30 =	sor.u32 s0, s3;
	s28 =	sor.u32 s28, s3;
	[tilespmem:v12+s7+$0x0] =	vst.idx.add.s32.msk $0xffff, v4;
	s0 =	sor.u32 s2, s3  }
0x261: {  	s29 =	sor.u32 s29, s3;
	v16 =	vld [tilespmem:s0+$0x0]  }
0x262: {  	[tilespmem:v15+s7+$0x0] =	vst.idx.add.s32.msk $0xffff, v4  }
0x263: {  	[tilespmem:v10+s7+$0x0] =	vst.idx.add.s32.msk $0xffff, v4  }
0x264: {  	v15 =	vld [tilespmem:s30+$0x0]  }
0x265: {  	v17 =	vld [tilespmem:s28+$0x0]  }
0x266: {  	[tilespmem:v12+s8+$0x0] =	vst.idx.add.f32.msk $0xffff, v16  }
0x267: {  	v16 =	vld [tilespmem:s0+$0x80]  }
0x268: {  	v18 =	vld [tilespmem:s29+$0x0]  }
0x269: {  	[tilespmem:v13+s8+$0x0] =	vst.idx.add.f32.msk $0xffff, v15  }
0x26a: {  	[tilespmem:v10+s8+$0x0] =	vst.idx.add.f32.msk $0xffff, v17  }
0x26b: {  	v15 =	vld [tilespmem:s30+$0x80]  }
0x26c: {  	[tilespmem:v12+s9+$0x0] =	vst.idx.add.f32.msk $0xffff, v16  }
0x26d: {  	v16 =	vld [tilespmem:s0+$0x100]  }
0x26e: {  	[tilespmem:v6+s8+$0x0] =	vst.idx.add.f32.msk $0xffff, v18  }
0x26f: {  	v17 =	vld [tilespmem:s28+$0x80]  }
0x270: {  	v18 =	vld [tilespmem:s29+$0x80]  }
0x271: {  	[tilespmem:v13+s9+$0x0] =	vst.idx.add.f32.msk $0xffff, v15  }
0x272: {  	[tilespmem:v12+s10+$0x0] =	vst.idx.add.f32.msk $0xffff, v16  }
0x273: {  	p2 =	por !p2, !p2;
	v15 =	vld [tilespmem:s0+$0x180];
	s0 =	simm.s32 $0x1  }
0x274: {  	s0 =	simm.s32 @!p2 $0x0;
	[tilespmem:v10+s9+$0x0] =	vst.idx.add.f32.msk $0xffff, v17  }
0x275: {  	s0 =	sshll.u32 s0, $0x6;
	[tilespmem:v6+s9+$0x0] =	vst.idx.add.f32.msk $0xffff, v18  }
0x276: {  	s3 =	sadd.s32 s0, s20;
	v16 =	vld [tilespmem:s30+$0x100]  }
0x277: {  	s4 =	sadd.s32 $0x10, s3;
	v17 =	vld [tilespmem:s28+$0x100];
	s5 =	sadd.s32 $0x20, s3;
	s6 =	sadd.s32 $0x30, s3  }
0x278: {  	s16 =	sor.u32 $0x200, s4;
	s17 =	sor.u32 $0x200, s5;
	[tilespmem:v12+s11+$0x0] =	vst.idx.add.f32.msk $0xffff, v15;
	s0 =	sor.u32 $0x200, s6  }
0x279: {  	s18 =	sor.u32 $0x200, s3;
	s19 =	sor.u32 $0x280, s4;
	s21 =	sor.u32 $0x280, s5;
	v15 =	vld [tilespmem:s0+$0xF000]  }
0x27a: {  	s1 =	sor.u32 $0x280, s3;
	s22 =	sor.u32 $0x300, s4;
	s2 =	sor.u32 $0x300, s5;
	v18 =	vld [tilespmem:s29+$0x100]  }
0x27b: {  	s31 =	sor.u32 $0x380, s4;
	s26 =	sor.u32 $0x380, s5;
	s0 =	sor.u32 $0x300, s3;
	[tilespmem:v13+s10+$0x0] =	vst.idx.add.f32.msk $0xffff, v16  }
0x27c: {  	s25 =	sor.u32 $0x380, s3;
	[tilespmem:v10+s10+$0x0] =	vst.idx.add.f32.msk $0xffff, v17  }
0x27d: {  	v16 =	vld [tilespmem:s30+$0x180]  }
0x27e: {  	s3 =	sor.u32 $0x280, s6;
	[tilespmem:v12+s12+$0x0] =	vst.idx.add.f32.msk $0xffff, v15  }
0x27f: {  	v15 =	vld [tilespmem:s3+$0xF000]  }
0x280: {  	[tilespmem:v6+s10+$0x0] =	vst.idx.add.f32.msk $0xffff, v18  }
0x281: {  	v17 =	vld [tilespmem:s28+$0x180]  }
0x282: {  	v18 =	vld [tilespmem:s29+$0x180]  }
0x283: {  	[tilespmem:v13+s11+$0x0] =	vst.idx.add.f32.msk $0xffff, v16  }
0x284: {  	s3 =	sor.u32 $0x300, s6;
	[tilespmem:v12+s13+$0x0] =	vst.idx.add.f32.msk $0xffff, v15  }
0x285: {  	v15 =	vld [tilespmem:s3+$0xF000]  }
0x286: {  	[tilespmem:v10+s11+$0x0] =	vst.idx.add.f32.msk $0xffff, v17  }
0x287: {  	[tilespmem:v6+s11+$0x0] =	vst.idx.add.f32.msk $0xffff, v18  }
0x288: {  	v16 =	vld [tilespmem:s16+$0xF000]  }
0x289: {  	v17 =	vld [tilespmem:s17+$0xF000]  }
0x28a: {  	s3 =	sor.u32 $0x380, s6;
	[tilespmem:v12+s14+$0x0] =	vst.idx.add.f32.msk $0xffff, v15  }
0x28b: {  	v15 =	vld [tilespmem:s3+$0xF000]  }
0x28c: {  	v18 =	vld [tilespmem:s18+$0xF000]  }
0x28d: {  	[tilespmem:v13+s12+$0x0] =	vst.idx.add.f32.msk $0xffff, v16  }
0x28e: {  	[tilespmem:v10+s12+$0x0] =	vst.idx.add.f32.msk $0xffff, v17  }
0x28f: {  	v16 =	vld [tilespmem:s19+$0xF000]  }
0x290: {  	[tilespmem:v12+s15+$0x0] =	vst.idx.add.f32.msk $0xffff, v15  }
0x291: {  	[tilespmem:v6+s12+$0x0] =	vst.idx.add.f32.msk $0xffff, v18  }
0x292: {  	v12 =	vld [tilespmem:s21+$0xF000]  }
0x293: {  	v15 =	vld [tilespmem:s1+$0xF000]  }
0x294: {  	[tilespmem:v13+s13+$0x0] =	vst.idx.add.f32.msk $0xffff, v16  }
0x295: {  	v16 =	vld [tilespmem:s22+$0xF000]  }
0x296: {  	[tilespmem:v7+s15+$0x0] =	vst.idx.add.f32.msk $0xffff, v11;
	v7 =	vmov v10  }
0x297: {  	[tilespmem:v10+s13+$0x0] =	vst.idx.add.f32.msk $0xffff, v12  }
0x298: {  	[tilespmem:v6+s13+$0x0] =	vst.idx.add.f32.msk $0xffff, v15  }
0x299: {  	v10 =	vld [tilespmem:s2+$0xF000]  }
0x29a: {  	v11 =	vld [tilespmem:s0+$0xF000]  }
0x29b: {  	[tilespmem:v13+s14+$0x0] =	vst.idx.add.f32.msk $0xffff, v16  }
0x29c: {  	s23 =	sadd.s32 $0x40, s23;
	v16 =	vld [tilespmem:s31+$0xF000]  }
0x29d: {  	p3 =	slt.u32 s23, $0x17C0;
	s29 =	sand.u32 $0x40, s23;
	s1 =	sand.u32 $0x1F80, s23;
	[tilespmem:v5+s15+$0x0] =	vst.idx.add.f32.msk $0xffff, v9;
	v5 =	vmov v6;
	v6 =	vmov v14  }
0x29e: {  	s1 =	sadd.s32 $0x1800, s1;
	s2 =	sor.u32 $0x30, s29;
	s0 =	sor.u32 $0x10, s29;
	[tilespmem:v7+s14+$0x0] =	vst.idx.add.f32.msk $0xffff, v10  }
0x29f: {  	s28 =	sor.u32 $0x20, s29;
	s4 =	sor.u32 s2, s1;
	s3 =	sor.u32 s0, s1;
	[tilespmem:v8+s14+$0x0] =	vst.idx.add.f32.msk $0xffff, v11;
	v8 =	vmov v14  }
0x2a0: {  	s1 =	sor.u32 s28, s1;
	v12 =	vld [tilespmem:s4+$0x0]  }
.Ltmp5:
0x2a1: {  	v15 =	vld [tilespmem:s3+$0x0];
	(pc) =	sbr.rel @p3 .LBB2_8-.Ltmp5, $4  }
0x2a2: {  	v10 =	vld [tilespmem:s1+$0x0]  }
0x2a3: {  	v11 =	vld [tilespmem:s26+$0xF000]  }
0x2a4: {  	v9 =	vld [tilespmem:s25+$0xF000]  }
0x2a5: {  	s24 =	sadd.s32 $0x40, s24;
	s20 =	sadd.s32 $0x200, s20;
	[tilespmem:v13+s15+$0x0] =	vst.idx.add.f32.msk $0xffff, v16  }
0x2a6: {  	_ =	sdelay $0x3  }
0x2a7: {  	s1 =	sand.u32 $0xFC00, s20;
	[tilespmem:v12+s7+$0x0] =	vst.idx.add.s32.msk $0xffff, v4  }
0x2a8: {  	[tilespmem:v15+s7+$0x0] =	vst.idx.add.s32.msk $0xffff, v4;
	s1 =	sadd.s32 $0xF000, s1  }
0x2a9: {  	[tilespmem:v10+s7+$0x0] =	vst.idx.add.s32.msk $0xffff, v4;
	s2 =	sor.u32 s2, s1  }
0x2aa: {  	s0 =	sor.u32 s0, s1;
	v13 =	vld [tilespmem:s2+$0x0]  }
0x2ab: {  	s3 =	sor.u32 s28, s1;
	v14 =	vld [tilespmem:s0+$0x0]  }
0x2ac: {  	v16 =	vld [tilespmem:s3+$0x0]  }
0x2ad: {  	[tilespmem:v6+s7+$0x0] =	vst.idx.add.s32.msk $0xffff, v4;
	s1 =	sor.u32 s29, s1  }
0x2ae: {  	v17 =	vld [tilespmem:s1+$0x0]  }
0x2af: {  	[tilespmem:v12+s8+$0x0] =	vst.idx.add.f32.msk $0xffff, v13  }
0x2b0: {  	[tilespmem:v15+s8+$0x0] =	vst.idx.add.f32.msk $0xffff, v14  }
0x2b1: {  	[tilespmem:v10+s8+$0x0] =	vst.idx.add.f32.msk $0xffff, v16  }
0x2b2: {  	v13 =	vld [tilespmem:s2+$0x80]  }
0x2b3: {  	v14 =	vld [tilespmem:s0+$0x80]  }
0x2b4: {  	v16 =	vld [tilespmem:s3+$0x80]  }
0x2b5: {  	[tilespmem:v6+s8+$0x0] =	vst.idx.add.f32.msk $0xffff, v17  }
0x2b6: {  	v17 =	vld [tilespmem:s1+$0x80]  }
0x2b7: {  	[tilespmem:v12+s9+$0x0] =	vst.idx.add.f32.msk $0xffff, v13  }
0x2b8: {  	[tilespmem:v15+s9+$0x0] =	vst.idx.add.f32.msk $0xffff, v14  }
0x2b9: {  	[tilespmem:v10+s9+$0x0] =	vst.idx.add.f32.msk $0xffff, v16  }
0x2ba: {  	v13 =	vld [tilespmem:s2+$0x100]  }
0x2bb: {  	v14 =	vld [tilespmem:s0+$0x100]  }
0x2bc: {  	v16 =	vld [tilespmem:s3+$0x100]  }
0x2bd: {  	[tilespmem:v6+s9+$0x0] =	vst.idx.add.f32.msk $0xffff, v17  }
0x2be: {  	v17 =	vld [tilespmem:s1+$0x100]  }
0x2bf: {  	[tilespmem:v12+s10+$0x0] =	vst.idx.add.f32.msk $0xffff, v13  }
0x2c0: {  	[tilespmem:v15+s10+$0x0] =	vst.idx.add.f32.msk $0xffff, v14  }
0x2c1: {  	[tilespmem:v10+s10+$0x0] =	vst.idx.add.f32.msk $0xffff, v16  }
0x2c2: {  	v13 =	vld [tilespmem:s2+$0x180]  }
0x2c3: {  	p2 =	por !p2, !p2;
	s2 =	simm.s32 $0x1;
	v14 =	vld [tilespmem:s0+$0x180]  }
0x2c4: {  	[tilespmem:v6+s10+$0x0] =	vst.idx.add.f32.msk $0xffff, v17;
	s2 =	simm.s32 @!p2 $0x0  }
0x2c5: {  	v16 =	vld [tilespmem:s3+$0x180];
	s2 =	sshll.u32 s2, $0x6  }
0x2c6: {  	v17 =	vld [tilespmem:s1+$0x180];
	s2 =	sadd.s32 s2, s20  }
0x2c7: {  	s4 =	sadd.s32 $0x30, s2;
	[tilespmem:v12+s11+$0x0] =	vst.idx.add.f32.msk $0xffff, v13  }
0x2c8: {  	s5 =	sor.u32 $0x200, s4;
	[tilespmem:v15+s11+$0x0] =	vst.idx.add.f32.msk $0xffff, v14  }
0x2c9: {  	v13 =	vld [tilespmem:s5+$0xF000]  }
0x2ca: {  	s21 =	sadd.s32 $0x10, s2;
	[tilespmem:v10+s11+$0x0] =	vst.idx.add.f32.msk $0xffff, v16  }
0x2cb: {  	s22 =	sadd.s32 $0x20, s2;
	s23 =	sor.u32 $0x200, s21;
	[tilespmem:v6+s11+$0x0] =	vst.idx.add.f32.msk $0xffff, v17  }
0x2cc: {  	s24 =	sor.u32 $0x200, s22;
	v14 =	vld [tilespmem:s23+$0xF000]  }
0x2cd: {  	v16 =	vld [tilespmem:s24+$0xF000]  }
0x2ce: {  	s19 =	sor.u32 $0x280, s4;
	[tilespmem:v12+s12+$0x0] =	vst.idx.add.f32.msk $0xffff, v13  }
0x2cf: {  	s25 =	sor.u32 $0x200, s2;
	v13 =	vld [tilespmem:s19+$0xF000]  }
0x2d0: {  	v17 =	vld [tilespmem:s25+$0xF000]  }
0x2d1: {  	[tilespmem:v15+s12+$0x0] =	vst.idx.add.f32.msk $0xffff, v14  }
0x2d2: {  	s30 =	sor.u32 $0x280, s22;
	[tilespmem:v10+s12+$0x0] =	vst.idx.add.f32.msk $0xffff, v16  }
0x2d3: {  	v14 =	vld [tilespmem:s30+$0xF000]  }
0x2d4: {  	s20 =	sor.u32 $0x300, s4;
	[tilespmem:v12+s13+$0x0] =	vst.idx.add.f32.msk $0xffff, v13  }
0x2d5: {  	v13 =	vld [tilespmem:s20+$0xF000]  }
0x2d6: {  	s31 =	sor.u32 $0x280, s2;
	[tilespmem:v6+s12+$0x0] =	vst.idx.add.f32.msk $0xffff, v17  }
0x2d7: {  	v16 =	vld [tilespmem:s31+$0xF000];
	_ =	sdelay $0x1  }
0x2d8: {  	[tilespmem:v10+s13+$0x0] =	vst.idx.add.f32.msk $0xffff, v14  }
0x2d9: {  	s26 =	sor.u32 $0x280, s21;
	[tilespmem:v12+s14+$0x0] =	vst.idx.add.f32.msk $0xffff, v13  }
0x2da: {  	v13 =	vld [tilespmem:s26+$0xF000]  }
0x2db: {  	s17 =	sor.u32 $0x300, s22;
	[tilespmem:v6+s13+$0x0] =	vst.idx.add.f32.msk $0xffff, v16  }
0x2dc: {  	s18 =	sor.u32 $0x300, s2;
	v14 =	vld [tilespmem:s17+$0xF000]  }
0x2dd: {  	s6 =	sor.u32 $0x380, s4;
	v16 =	vld [tilespmem:s18+$0xF000]  }
0x2de: {  	v17 =	vld [tilespmem:s6+$0xF000]  }
0x2df: {  	s16 =	sor.u32 $0x300, s21;
	[tilespmem:v15+s13+$0x0] =	vst.idx.add.f32.msk $0xffff, v13  }
0x2e0: {  	v13 =	vld [tilespmem:s16+$0xF000]  }
0x2e1: {  	[tilespmem:v10+s14+$0x0] =	vst.idx.add.f32.msk $0xffff, v14  }
0x2e2: {  	s0 =	sor.u32 $0x380, s22;
	[tilespmem:v8+s14+$0x0] =	vst.idx.add.f32.msk $0xffff, v16  }
0x2e3: {  	v8 =	vld [tilespmem:s0+$0xF000]  }
0x2e4: {  	[tilespmem:v12+s15+$0x0] =	vst.idx.add.f32.msk $0xffff, v17  }
0x2e5: {  	s19 =	sor.u32 $0x380, s2;
	[tilespmem:v15+s14+$0x0] =	vst.idx.add.f32.msk $0xffff, v13  }
0x2e6: {  	s1 =	sor.u32 $0x380, s21;
	v13 =	vld [tilespmem:s19+$0xF000]  }
0x2e7: {  	v12 =	vld [tilespmem:s1+$0xF000]  }
0x2e8: {  	[tilespmem:v7+s15+$0x0] =	vst.idx.add.f32.msk $0xffff, v11  }
0x2e9: {  	[tilespmem:v5+s15+$0x0] =	vst.idx.add.f32.msk $0xffff, v9  }
0x2ea: {  	[tilespmem:v10+s15+$0x0] =	vst.idx.add.f32.msk $0xffff, v8  }
0x2eb: {  	[tilespmem:v6+s15+$0x0] =	vst.idx.add.f32.msk $0xffff, v13  }
0x2ec: {  	[tilespmem:v15+s15+$0x0] =	vst.idx.add.f32.msk $0xffff, v12  }
0x2ed: {  	s22 =	simm.s32 $0x1800;
	s20 =	simm.s32 $0x0;
	s21 =	rddreg [dreg:$0x10]  }
0x2ee: {  	[tilespmem:s22], [sflag:$0x2] =	stream.linear.gather [hbm4b:s21+s20], $0x1800, $0x38;
	[tilespmem:$0x1C980] =	vst v63  }
0x2ef: {  	s24 =	simm.s32 $0xF000;
	s25 =	simm.s32 $0x1;
	s23 =	rddreg [dreg:$0x11]  }
0x2f0: {  	[tilespmem:s24], [sflag:$0x4] =	stream.linear.gather [hbm4b:s23+s20], $0xC000, $0x38;
	[tilespmem:$0x1C980] =	vst v63  }
0x2f1: {  	_ =	swait.ge [sflag:s25], $0x1800  }
0x2f2: {  	[sflag:s25] =	ssyncset.done $0x0  }
0x2f3: {  	s30 =	simm.s32 $0x0;
	s26 =	simm.s32 $0x3;
	[sflag:s25] =	ssyncadd.s32 $0xFFFFE800  }
0x2f4: {  	s31 =	sand.u32 $0x40, s30;
	_ =	swait.ge [sflag:s26], $0xC000  }
0x2f5: {  	s5 =	sor.u32 $0x30, s31;
	s1 =	sand.u32 $0x1F80, s30;
	[sflag:s26] =	ssyncset.done $0x0  }
0x2f6: {  	s17 =	sor.u32 $0x10, s31;
	s16 =	sor.u32 s5, s1;
	[sflag:s26] =	ssyncadd.s32 $0xFFFF4000  }
0x2f7: {  	s6 =	sor.u32 $0x20, s31;
	s18 =	sor.u32 s17, s1;
	v8 =	vld [tilespmem:s16+$0x0]  }
0x2f8: {  	s1 =	sor.u32 s6, s1;
	v13 =	vld [tilespmem:s18+$0x0]  }
0x2f9: {  	v7 =	vld [tilespmem:s1+$0x0];
	_ =	sdelay $0x3  }
0x2fa: {  	s19 =	simm.s32 $0x40;
	v5 =	vld [tilespmem:s20+$0x0]  }
0x2fb: {  	v6 =	vld [tilespmem:s19+$0x0]  }
0x2fc: {  	s0 =	sand.u32 $0xFC00, s20;
	[tilespmem:v8+s7+$0x0] =	vst.idx.add.s32.msk $0xffff, v4  }
0x2fd: {  	s0 =	sadd.s32 $0x3000, s0;
	[tilespmem:v13+s7+$0x0] =	vst.idx.add.s32.msk $0xffff, v4  }
0x2fe: {  	s20 =	sor.u32 s5, s0;
	[tilespmem:v7+s7+$0x0] =	vst.idx.add.s32.msk $0xffff, v4  }
0x2ff: {  	s21 =	sor.u32 s17, s0;
	v9 =	vld [tilespmem:s20+$0x0]  }
0x300: {  	s22 =	sor.u32 s6, s0;
	v10 =	vld [tilespmem:s21+$0x0]  }
0x301: {  	v11 =	vld [tilespmem:s22+$0x0]  }
0x302: {  	s0 =	sor.u32 s31, s0;
	[tilespmem:v5+s7+$0x0] =	vst.idx.add.s32.msk $0xffff, v4  }
0x303: {  	v12 =	vld [tilespmem:s0+$0x0]  }
0x304: {  	[tilespmem:v8+s8+$0x0] =	vst.idx.add.f32.msk $0xffff, v9  }
0x305: {  	[tilespmem:v13+s8+$0x0] =	vst.idx.add.f32.msk $0xffff, v10  }
0x306: {  	[tilespmem:v7+s8+$0x0] =	vst.idx.add.f32.msk $0xffff, v11  }
0x307: {  	v9 =	vld [tilespmem:s20+$0x80]  }
0x308: {  	v10 =	vld [tilespmem:s21+$0x80]  }
0x309: {  	v11 =	vld [tilespmem:s22+$0x80]  }
0x30a: {  	[tilespmem:v5+s8+$0x0] =	vst.idx.add.f32.msk $0xffff, v12  }
0x30b: {  	v12 =	vld [tilespmem:s0+$0x80]  }
0x30c: {  	[tilespmem:v8+s9+$0x0] =	vst.idx.add.f32.msk $0xffff, v9  }
0x30d: {  	[tilespmem:v13+s9+$0x0] =	vst.idx.add.f32.msk $0xffff, v10  }
0x30e: {  	[tilespmem:v7+s9+$0x0] =	vst.idx.add.f32.msk $0xffff, v11  }
0x30f: {  	v9 =	vld [tilespmem:s20+$0x100]  }
0x310: {  	v10 =	vld [tilespmem:s21+$0x100]  }
0x311: {  	v11 =	vld [tilespmem:s22+$0x100]  }
0x312: {  	[tilespmem:v5+s9+$0x0] =	vst.idx.add.f32.msk $0xffff, v12  }
0x313: {  	v12 =	vld [tilespmem:s0+$0x100]  }
0x314: {  	[tilespmem:v8+s10+$0x0] =	vst.idx.add.f32.msk $0xffff, v9  }
0x315: {  	[tilespmem:v13+s10+$0x0] =	vst.idx.add.f32.msk $0xffff, v10  }
0x316: {  	[tilespmem:v7+s10+$0x0] =	vst.idx.add.f32.msk $0xffff, v11  }
0x317: {  	p2 =	por $0x0, $0x0;
	s1 =	simm.s32 $0x1;
	v9 =	vld [tilespmem:s20+$0x180]  }
0x318: {  	s1 =	simm.s32 @!p2 $0x0;
	[tilespmem:v5+s10+$0x0] =	vst.idx.add.f32.msk $0xffff, v12  }
0x319: {  	s1 =	sshll.u32 s1, $0x6;
	v10 =	vld [tilespmem:s21+$0x180]  }
0x31a: {  	s20 =	sadd.s32 $0x0, s1;
	v11 =	vld [tilespmem:s22+$0x180]  }
0x31b: {  	v12 =	vld [tilespmem:s0+$0x180];
	s1 =	sadd.s32 $0x30, s20  }
0x31c: {  	s23 =	sor.u32 $0x200, s1;
	[tilespmem:v8+s11+$0x0] =	vst.idx.add.f32.msk $0xffff, v9  }
0x31d: {  	v9 =	vld [tilespmem:s23+$0x3000]  }
0x31e: {  	s26 =	sadd.s32 $0x10, s20;
	[tilespmem:v13+s11+$0x0] =	vst.idx.add.f32.msk $0xffff, v10  }
0x31f: {  	s3 =	sadd.s32 $0x20, s20;
	s30 =	sor.u32 $0x200, s26;
	[tilespmem:v7+s11+$0x0] =	vst.idx.add.f32.msk $0xffff, v11  }
0x320: {  	s31 =	sor.u32 $0x200, s3;
	v10 =	vld [tilespmem:s30+$0x3000]  }
0x321: {  	v11 =	vld [tilespmem:s31+$0x3000]  }
0x322: {  	s24 =	sor.u32 $0x280, s1;
	[tilespmem:v8+s12+$0x0] =	vst.idx.add.f32.msk $0xffff, v9  }
0x323: {  	v9 =	vld [tilespmem:s24+$0x3000]  }
0x324: {  	s4 =	sor.u32 $0x200, s20;
	[tilespmem:v5+s11+$0x0] =	vst.idx.add.f32.msk $0xffff, v12  }
0x325: {  	v12 =	vld [tilespmem:s4+$0x3000]  }
0x326: {  	[tilespmem:v13+s12+$0x0] =	vst.idx.add.f32.msk $0xffff, v10  }
0x327: {  	[tilespmem:v7+s12+$0x0] =	vst.idx.add.f32.msk $0xffff, v11  }
0x328: {  	s25 =	sor.u32 $0x300, s1;
	[tilespmem:v8+s13+$0x0] =	vst.idx.add.f32.msk $0xffff, v9  }
0x329: {  	s23 =	simm.s32 $0x40;
	v9 =	vld [tilespmem:s25+$0x3000]  }
0x32a: {  	s16 =	sor.u32 $0x280, s20;
	s6 =	sor.u32 $0x280, s3;
	s29 =	sand.u32 $0x40, s23;
	[tilespmem:v5+s12+$0x0] =	vst.idx.add.f32.msk $0xffff, v12  }
0x32b: {  	s5 =	sor.u32 $0x280, s26;
	s0 =	sor.u32 $0x10, s29;
	v10 =	vld [tilespmem:s6+$0x3000];
	s24 =	sand.u32 $0x1F80, s23  }
0x32c: {  	s18 =	sor.u32 $0x300, s26;
	s22 =	sor.u32 $0x380, s26;
	v11 =	vld [tilespmem:s16+$0x3000];
	s26 =	sor.u32 s0, s24  }
0x32d: {  	v15 =	vld [tilespmem:s26+$0x0]  }
0x32e: {  	[tilespmem:v8+s14+$0x0] =	vst.idx.add.f32.msk $0xffff, v9  }
0x32f: {  	v9 =	vld [tilespmem:s5+$0x3000]  }
0x330: {  	s28 =	sor.u32 $0x20, s29;
	[tilespmem:v7+s13+$0x0] =	vst.idx.add.f32.msk $0xffff, v10  }
0x331: {  	s17 =	sor.u32 $0x380, s1;
	s1 =	sor.u32 s28, s24;
	[tilespmem:v5+s13+$0x0] =	vst.idx.add.f32.msk $0xffff, v11  }
0x332: {  	s19 =	sor.u32 $0x300, s3;
	v10 =	vld [tilespmem:s1+$0x0]  }
0x333: {  	v11 =	vld [tilespmem:s19+$0x3000]  }
0x334: {  	[tilespmem:v13+s13+$0x0] =	vst.idx.add.f32.msk $0xffff, v9  }
0x335: {  	s21 =	sor.u32 $0x300, s20;
	s2 =	sor.u32 $0x30, s29;
	v9 =	vld [tilespmem:s18+$0x3000]  }
0x336: {  	v16 =	vld [tilespmem:s21+$0x3000];
	s25 =	sor.u32 s2, s24  }
0x337: {  	v12 =	vld [tilespmem:s25+$0x0]  }
0x338: {  	[tilespmem:v7+s14+$0x0] =	vst.idx.add.f32.msk $0xffff, v11  }
0x339: {  	v14 =	vld [tilespmem:s17+$0x3000]  }
0x33a: {  	[tilespmem:v13+s14+$0x0] =	vst.idx.add.f32.msk $0xffff, v9  }
0x33b: {  	v17 =	vld [tilespmem:s22+$0x3000]  }
0x33c: {  	s30 =	sor.u32 $0x380, s3;
	[tilespmem:v5+s14+$0x0] =	vst.idx.add.f32.msk $0xffff, v16  }
0x33d: {  	v11 =	vld [tilespmem:s30+$0x3000]  }
0x33e: {  	s31 =	sor.u32 $0x380, s20;
	[tilespmem:v8+s15+$0x0] =	vst.idx.add.f32.msk $0xffff, v14  }
0x33f: {  	v9 =	vld [tilespmem:s31+$0x3000]  }
0x340: {  	s20 =	simm.s32 $0x200;
	s24 =	simm.s32 $0x80;
	v8 =	vmov v6;
	[tilespmem:v13+s15+$0x0] =	vst.idx.add.f32.msk $0xffff, v17  }
.LBB2_10:
0x341: {  	v14 =	vld [tilespmem:s24+$0x0];
	s1 =	sand.u32 $0xFC00, s20;
	v13 =	vmov v15  }
0x342: {  	[tilespmem:v6+s7+$0x0] =	vst.idx.add.s32.msk $0xffff, v4;
	s1 =	sadd.s32 $0x3000, s1  }
0x343: {  	s30 =	sor.u32 s0, s1;
	s28 =	sor.u32 s28, s1;
	[tilespmem:v12+s7+$0x0] =	vst.idx.add.s32.msk $0xffff, v4;
	s0 =	sor.u32 s2, s1  }
0x344: {  	s29 =	sor.u32 s29, s1;
	v16 =	vld [tilespmem:s0+$0x0]  }
0x345: {  	[tilespmem:v15+s7+$0x0] =	vst.idx.add.s32.msk $0xffff, v4  }
0x346: {  	[tilespmem:v10+s7+$0x0] =	vst.idx.add.s32.msk $0xffff, v4  }
0x347: {  	v15 =	vld [tilespmem:s30+$0x0]  }
0x348: {  	v17 =	vld [tilespmem:s28+$0x0]  }
0x349: {  	[tilespmem:v12+s8+$0x0] =	vst.idx.add.f32.msk $0xffff, v16  }
0x34a: {  	v16 =	vld [tilespmem:s0+$0x80]  }
0x34b: {  	v18 =	vld [tilespmem:s29+$0x0]  }
0x34c: {  	[tilespmem:v13+s8+$0x0] =	vst.idx.add.f32.msk $0xffff, v15  }
0x34d: {  	[tilespmem:v10+s8+$0x0] =	vst.idx.add.f32.msk $0xffff, v17  }
0x34e: {  	v15 =	vld [tilespmem:s30+$0x80]  }
0x34f: {  	[tilespmem:v12+s9+$0x0] =	vst.idx.add.f32.msk $0xffff, v16  }
0x350: {  	v16 =	vld [tilespmem:s0+$0x100]  }
0x351: {  	[tilespmem:v6+s8+$0x0] =	vst.idx.add.f32.msk $0xffff, v18  }
0x352: {  	v17 =	vld [tilespmem:s28+$0x80]  }
0x353: {  	v18 =	vld [tilespmem:s29+$0x80]  }
0x354: {  	[tilespmem:v13+s9+$0x0] =	vst.idx.add.f32.msk $0xffff, v15  }
0x355: {  	[tilespmem:v12+s10+$0x0] =	vst.idx.add.f32.msk $0xffff, v16  }
0x356: {  	p2 =	por !p2, !p2;
	v15 =	vld [tilespmem:s0+$0x180];
	s0 =	simm.s32 $0x1  }
0x357: {  	s0 =	simm.s32 @!p2 $0x0;
	[tilespmem:v10+s9+$0x0] =	vst.idx.add.f32.msk $0xffff, v17  }
0x358: {  	s0 =	sshll.u32 s0, $0x6;
	[tilespmem:v6+s9+$0x0] =	vst.idx.add.f32.msk $0xffff, v18  }
0x359: {  	s1 =	sadd.s32 s0, s20;
	v16 =	vld [tilespmem:s30+$0x100]  }
0x35a: {  	s3 =	sadd.s32 $0x10, s1;
	v17 =	vld [tilespmem:s28+$0x100];
	s4 =	sadd.s32 $0x20, s1;
	s5 =	sadd.s32 $0x30, s1  }
0x35b: {  	s6 =	sor.u32 $0x200, s3;
	s16 =	sor.u32 $0x200, s4;
	[tilespmem:v12+s11+$0x0] =	vst.idx.add.f32.msk $0xffff, v15;
	s0 =	sor.u32 $0x200, s5  }
0x35c: {  	s17 =	sor.u32 $0x200, s1;
	s18 =	sor.u32 $0x280, s3;
	s19 =	sor.u32 $0x280, s4;
	v15 =	vld [tilespmem:s0+$0x3000]  }
0x35d: {  	s21 =	sor.u32 $0x280, s1;
	s22 =	sor.u32 $0x300, s3;
	s2 =	sor.u32 $0x300, s4;
	v18 =	vld [tilespmem:s29+$0x100]  }
0x35e: {  	s31 =	sor.u32 $0x380, s3;
	s26 =	sor.u32 $0x380, s4;
	s0 =	sor.u32 $0x300, s1;
	[tilespmem:v13+s10+$0x0] =	vst.idx.add.f32.msk $0xffff, v16  }
0x35f: {  	s25 =	sor.u32 $0x380, s1;
	[tilespmem:v10+s10+$0x0] =	vst.idx.add.f32.msk $0xffff, v17  }
0x360: {  	v16 =	vld [tilespmem:s30+$0x180]  }
0x361: {  	s1 =	sor.u32 $0x280, s5;
	[tilespmem:v12+s12+$0x0] =	vst.idx.add.f32.msk $0xffff, v15  }
0x362: {  	v15 =	vld [tilespmem:s1+$0x3000]  }
0x363: {  	[tilespmem:v6+s10+$0x0] =	vst.idx.add.f32.msk $0xffff, v18  }
0x364: {  	v17 =	vld [tilespmem:s28+$0x180]  }
0x365: {  	v18 =	vld [tilespmem:s29+$0x180]  }
0x366: {  	[tilespmem:v13+s11+$0x0] =	vst.idx.add.f32.msk $0xffff, v16  }
0x367: {  	s1 =	sor.u32 $0x300, s5;
	[tilespmem:v12+s13+$0x0] =	vst.idx.add.f32.msk $0xffff, v15  }
0x368: {  	v15 =	vld [tilespmem:s1+$0x3000]  }
0x369: {  	[tilespmem:v10+s11+$0x0] =	vst.idx.add.f32.msk $0xffff, v17  }
0x36a: {  	[tilespmem:v6+s11+$0x0] =	vst.idx.add.f32.msk $0xffff, v18  }
0x36b: {  	v16 =	vld [tilespmem:s6+$0x3000]  }
0x36c: {  	v17 =	vld [tilespmem:s16+$0x3000]  }
0x36d: {  	s1 =	sor.u32 $0x380, s5;
	[tilespmem:v12+s14+$0x0] =	vst.idx.add.f32.msk $0xffff, v15  }
0x36e: {  	v15 =	vld [tilespmem:s1+$0x3000]  }
0x36f: {  	v18 =	vld [tilespmem:s17+$0x3000]  }
0x370: {  	[tilespmem:v13+s12+$0x0] =	vst.idx.add.f32.msk $0xffff, v16  }
0x371: {  	[tilespmem:v10+s12+$0x0] =	vst.idx.add.f32.msk $0xffff, v17  }
0x372: {  	v16 =	vld [tilespmem:s18+$0x3000]  }
0x373: {  	[tilespmem:v12+s15+$0x0] =	vst.idx.add.f32.msk $0xffff, v15  }
0x374: {  	[tilespmem:v6+s12+$0x0] =	vst.idx.add.f32.msk $0xffff, v18  }
0x375: {  	v12 =	vld [tilespmem:s19+$0x3000]  }
0x376: {  	v15 =	vld [tilespmem:s21+$0x3000]  }
0x377: {  	[tilespmem:v13+s13+$0x0] =	vst.idx.add.f32.msk $0xffff, v16  }
0x378: {  	v16 =	vld [tilespmem:s22+$0x3000]  }
0x379: {  	[tilespmem:v7+s15+$0x0] =	vst.idx.add.f32.msk $0xffff, v11;
	v7 =	vmov v10  }
0x37a: {  	[tilespmem:v10+s13+$0x0] =	vst.idx.add.f32.msk $0xffff, v12  }
0x37b: {  	[tilespmem:v6+s13+$0x0] =	vst.idx.add.f32.msk $0xffff, v15  }
0x37c: {  	v10 =	vld [tilespmem:s2+$0x3000]  }
0x37d: {  	v11 =	vld [tilespmem:s0+$0x3000]  }
0x37e: {  	[tilespmem:v13+s14+$0x0] =	vst.idx.add.f32.msk $0xffff, v16  }
0x37f: {  	s23 =	sadd.s32 $0x40, s23;
	v16 =	vld [tilespmem:s31+$0x3000]  }
0x380: {  	p3 =	slt.u32 s23, $0x17C0;
	s29 =	sand.u32 $0x40, s23;
	[tilespmem:v5+s15+$0x0] =	vst.idx.add.f32.msk $0xffff, v9;
	v5 =	vmov v6;
	v6 =	vmov v14  }
0x381: {  	s1 =	sand.u32 $0x1F80, s23;
	s2 =	sor.u32 $0x30, s29;
	s0 =	sor.u32 $0x10, s29;
	[tilespmem:v7+s14+$0x0] =	vst.idx.add.f32.msk $0xffff, v10  }
0x382: {  	s28 =	sor.u32 $0x20, s29;
	s4 =	sor.u32 s2, s1;
	s3 =	sor.u32 s0, s1;
	[tilespmem:v8+s14+$0x0] =	vst.idx.add.f32.msk $0xffff, v11;
	v8 =	vmov v14  }
0x383: {  	s1 =	sor.u32 s28, s1;
	v12 =	vld [tilespmem:s4+$0x0]  }
.Ltmp6:
0x384: {  	v15 =	vld [tilespmem:s3+$0x0];
	(pc) =	sbr.rel @p3 .LBB2_10-.Ltmp6, $4  }
0x385: {  	v10 =	vld [tilespmem:s1+$0x0]  }
0x386: {  	v11 =	vld [tilespmem:s26+$0x3000]  }
0x387: {  	v9 =	vld [tilespmem:s25+$0x3000]  }
0x388: {  	s24 =	sadd.s32 $0x40, s24;
	s20 =	sadd.s32 $0x200, s20;
	[tilespmem:v13+s15+$0x0] =	vst.idx.add.f32.msk $0xffff, v16  }
0x389: {  	_ =	sdelay $0x3  }
0x38a: {  	s1 =	sand.u32 $0xFC00, s20;
	[tilespmem:v12+s7+$0x0] =	vst.idx.add.s32.msk $0xffff, v4  }
0x38b: {  	[tilespmem:v15+s7+$0x0] =	vst.idx.add.s32.msk $0xffff, v4;
	s1 =	sadd.s32 $0x3000, s1  }
0x38c: {  	[tilespmem:v10+s7+$0x0] =	vst.idx.add.s32.msk $0xffff, v4;
	s2 =	sor.u32 s2, s1  }
0x38d: {  	s0 =	sor.u32 s0, s1;
	v13 =	vld [tilespmem:s2+$0x0]  }
0x38e: {  	s3 =	sor.u32 s28, s1;
	v14 =	vld [tilespmem:s0+$0x0]  }
0x38f: {  	v16 =	vld [tilespmem:s3+$0x0]  }
0x390: {  	[tilespmem:v6+s7+$0x0] =	vst.idx.add.s32.msk $0xffff, v4;
	s1 =	sor.u32 s29, s1  }
0x391: {  	v17 =	vld [tilespmem:s1+$0x0]  }
0x392: {  	[tilespmem:v12+s8+$0x0] =	vst.idx.add.f32.msk $0xffff, v13  }
0x393: {  	[tilespmem:v15+s8+$0x0] =	vst.idx.add.f32.msk $0xffff, v14  }
0x394: {  	[tilespmem:v10+s8+$0x0] =	vst.idx.add.f32.msk $0xffff, v16  }
0x395: {  	v13 =	vld [tilespmem:s2+$0x80]  }
0x396: {  	v14 =	vld [tilespmem:s0+$0x80]  }
0x397: {  	v16 =	vld [tilespmem:s3+$0x80]  }
0x398: {  	[tilespmem:v6+s8+$0x0] =	vst.idx.add.f32.msk $0xffff, v17  }
0x399: {  	v17 =	vld [tilespmem:s1+$0x80]  }
0x39a: {  	[tilespmem:v12+s9+$0x0] =	vst.idx.add.f32.msk $0xffff, v13  }
0x39b: {  	[tilespmem:v15+s9+$0x0] =	vst.idx.add.f32.msk $0xffff, v14  }
0x39c: {  	[tilespmem:v10+s9+$0x0] =	vst.idx.add.f32.msk $0xffff, v16  }
0x39d: {  	v13 =	vld [tilespmem:s2+$0x100]  }
0x39e: {  	v14 =	vld [tilespmem:s0+$0x100]  }
0x39f: {  	v16 =	vld [tilespmem:s3+$0x100]  }
0x3a0: {  	[tilespmem:v6+s9+$0x0] =	vst.idx.add.f32.msk $0xffff, v17  }
0x3a1: {  	v17 =	vld [tilespmem:s1+$0x100]  }
0x3a2: {  	[tilespmem:v12+s10+$0x0] =	vst.idx.add.f32.msk $0xffff, v13  }
0x3a3: {  	[tilespmem:v15+s10+$0x0] =	vst.idx.add.f32.msk $0xffff, v14  }
0x3a4: {  	[tilespmem:v10+s10+$0x0] =	vst.idx.add.f32.msk $0xffff, v16  }
0x3a5: {  	v13 =	vld [tilespmem:s2+$0x180]  }
0x3a6: {  	p2 =	por !p2, !p2;
	s2 =	simm.s32 $0x1;
	v14 =	vld [tilespmem:s0+$0x180]  }
0x3a7: {  	[tilespmem:v6+s10+$0x0] =	vst.idx.add.f32.msk $0xffff, v17;
	s2 =	simm.s32 @!p2 $0x0  }
0x3a8: {  	v16 =	vld [tilespmem:s3+$0x180];
	s2 =	sshll.u32 s2, $0x6  }
0x3a9: {  	v17 =	vld [tilespmem:s1+$0x180];
	s2 =	sadd.s32 s2, s20  }
0x3aa: {  	s4 =	sadd.s32 $0x30, s2;
	[tilespmem:v12+s11+$0x0] =	vst.idx.add.f32.msk $0xffff, v13  }
0x3ab: {  	s5 =	sor.u32 $0x200, s4;
	[tilespmem:v15+s11+$0x0] =	vst.idx.add.f32.msk $0xffff, v14  }
0x3ac: {  	v13 =	vld [tilespmem:s5+$0x3000]  }
0x3ad: {  	s17 =	sadd.s32 $0x10, s2;
	[tilespmem:v10+s11+$0x0] =	vst.idx.add.f32.msk $0xffff, v16  }
0x3ae: {  	s18 =	sadd.s32 $0x20, s2;
	s19 =	sor.u32 $0x200, s17;
	[tilespmem:v6+s11+$0x0] =	vst.idx.add.f32.msk $0xffff, v17  }
0x3af: {  	s20 =	sor.u32 $0x200, s18;
	v14 =	vld [tilespmem:s19+$0x3000]  }
0x3b0: {  	v16 =	vld [tilespmem:s20+$0x3000]  }
0x3b1: {  	s6 =	sor.u32 $0x280, s4;
	[tilespmem:v12+s12+$0x0] =	vst.idx.add.f32.msk $0xffff, v13  }
0x3b2: {  	s21 =	sor.u32 $0x200, s2;
	v13 =	vld [tilespmem:s6+$0x3000]  }
0x3b3: {  	v17 =	vld [tilespmem:s21+$0x3000]  }
0x3b4: {  	[tilespmem:v15+s12+$0x0] =	vst.idx.add.f32.msk $0xffff, v14  }
0x3b5: {  	s23 =	sor.u32 $0x280, s18;
	[tilespmem:v10+s12+$0x0] =	vst.idx.add.f32.msk $0xffff, v16  }
0x3b6: {  	v14 =	vld [tilespmem:s23+$0x3000]  }
0x3b7: {  	s16 =	sor.u32 $0x300, s4;
	[tilespmem:v12+s13+$0x0] =	vst.idx.add.f32.msk $0xffff, v13  }
0x3b8: {  	v13 =	vld [tilespmem:s16+$0x3000]  }
0x3b9: {  	s24 =	sor.u32 $0x280, s2;
	[tilespmem:v6+s12+$0x0] =	vst.idx.add.f32.msk $0xffff, v17  }
0x3ba: {  	v16 =	vld [tilespmem:s24+$0x3000];
	_ =	sdelay $0x1  }
0x3bb: {  	[tilespmem:v10+s13+$0x0] =	vst.idx.add.f32.msk $0xffff, v14  }
0x3bc: {  	s22 =	sor.u32 $0x280, s17;
	[tilespmem:v12+s14+$0x0] =	vst.idx.add.f32.msk $0xffff, v13  }
0x3bd: {  	v13 =	vld [tilespmem:s22+$0x3000]  }
0x3be: {  	s30 =	sor.u32 $0x300, s18;
	[tilespmem:v6+s13+$0x0] =	vst.idx.add.f32.msk $0xffff, v16  }
0x3bf: {  	s31 =	sor.u32 $0x300, s2;
	v14 =	vld [tilespmem:s30+$0x3000]  }
0x3c0: {  	s25 =	sor.u32 $0x380, s4;
	v16 =	vld [tilespmem:s31+$0x3000]  }
0x3c1: {  	v17 =	vld [tilespmem:s25+$0x3000]  }
0x3c2: {  	s26 =	sor.u32 $0x300, s17;
	[tilespmem:v15+s13+$0x0] =	vst.idx.add.f32.msk $0xffff, v13  }
0x3c3: {  	v13 =	vld [tilespmem:s26+$0x3000]  }
0x3c4: {  	[tilespmem:v10+s14+$0x0] =	vst.idx.add.f32.msk $0xffff, v14  }
0x3c5: {  	s0 =	sor.u32 $0x380, s18;
	[tilespmem:v8+s14+$0x0] =	vst.idx.add.f32.msk $0xffff, v16  }
0x3c6: {  	v8 =	vld [tilespmem:s0+$0x3000]  }
0x3c7: {  	[tilespmem:v12+s15+$0x0] =	vst.idx.add.f32.msk $0xffff, v17  }
0x3c8: {  	s4 =	sor.u32 $0x380, s2;
	[tilespmem:v15+s14+$0x0] =	vst.idx.add.f32.msk $0xffff, v13  }
0x3c9: {  	s1 =	sor.u32 $0x380, s17;
	v13 =	vld [tilespmem:s4+$0x3000]  }
0x3ca: {  	v12 =	vld [tilespmem:s1+$0x3000]  }
0x3cb: {  	[tilespmem:v7+s15+$0x0] =	vst.idx.add.f32.msk $0xffff, v11  }
0x3cc: {  	[tilespmem:v5+s15+$0x0] =	vst.idx.add.f32.msk $0xffff, v9  }
0x3cd: {  	[tilespmem:v10+s15+$0x0] =	vst.idx.add.f32.msk $0xffff, v8  }
0x3ce: {  	[tilespmem:v6+s15+$0x0] =	vst.idx.add.f32.msk $0xffff, v13  }
0x3cf: {  	[tilespmem:v15+s15+$0x0] =	vst.idx.add.f32.msk $0xffff, v12  }
0x3d0: {  	s5 =	simm.s32 $0x0;
	s17 =	rddreg [dreg:$0x15]  }
0x3d1: {  	[tilespmem:s5], [sflag:$0x1] =	stream.linear.gather [hbm4b:s17+s5], $0x1800, $0x38;
	[tilespmem:$0x1C980] =	vst v63  }
0x3d2: {  	s19 =	simm.s32 $0x3000;
	s20 =	simm.s32 $0x2;
	s18 =	rddreg [dreg:$0x12]  }
0x3d3: {  	[tilespmem:s19], [sflag:$0x3] =	stream.linear.gather [hbm4b:s18+s5], $0xC000, $0x38;
	[tilespmem:$0x1C980] =	vst v63  }
0x3d4: {  	_ =	swait.ge [sflag:s20], $0x1800  }
0x3d5: {  	[sflag:s20] =	ssyncset.done $0x0  }
0x3d6: {  	s21 =	simm.s32 $0x4;
	s22 =	simm.s32 $0x0;
	[sflag:s20] =	ssyncadd.s32 $0xFFFFE800  }
0x3d7: {  	s23 =	sand.u32 $0x40, s22;
	s1 =	sand.u32 $0x1F80, s22;
	_ =	swait.ge [sflag:s21], $0xC000  }
0x3d8: {  	s25 =	sor.u32 $0x30, s23;
	s1 =	sadd.s32 $0x1800, s1;
	[sflag:s21] =	ssyncset.done $0x0  }
0x3d9: {  	s30 =	sor.u32 $0x10, s23;
	s26 =	sor.u32 s25, s1;
	[sflag:s21] =	ssyncadd.s32 $0xFFFF4000  }
0x3da: {  	s6 =	sor.u32 $0x20, s23;
	s31 =	sor.u32 s30, s1;
	v8 =	vld [tilespmem:s26+$0x0]  }
0x3db: {  	s1 =	sor.u32 s6, s1;
	v13 =	vld [tilespmem:s31+$0x0]  }
0x3dc: {  	v7 =	vld [tilespmem:s1+$0x0];
	_ =	sdelay $0x2  }
0x3dd: {  	s24 =	simm.s32 $0x1800  }
0x3de: {  	v5 =	vld [tilespmem:s24+$0x0];
	_ =	sdelay $0x1  }
0x3df: {  	s0 =	sand.u32 $0xFC00, s5;
	[tilespmem:v8+s7+$0x0] =	vst.idx.add.s32.msk $0xffff, v4  }
0x3e0: {  	s0 =	sadd.s32 $0xF000, s0;
	[tilespmem:v13+s7+$0x0] =	vst.idx.add.s32.msk $0xffff, v4  }
0x3e1: {  	s17 =	sor.u32 s25, s0;
	[tilespmem:v7+s7+$0x0] =	vst.idx.add.s32.msk $0xffff, v4  }
0x3e2: {  	s18 =	sor.u32 s30, s0;
	v9 =	vld [tilespmem:s17+$0x0]  }
0x3e3: {  	s19 =	sor.u32 s6, s0;
	v10 =	vld [tilespmem:s18+$0x0]  }
0x3e4: {  	v11 =	vld [tilespmem:s19+$0x0]  }
0x3e5: {  	s0 =	sor.u32 s23, s0;
	[tilespmem:v5+s7+$0x0] =	vst.idx.add.s32.msk $0xffff, v4  }
0x3e6: {  	v12 =	vld [tilespmem:s0+$0x0]  }
0x3e7: {  	[tilespmem:v8+s8+$0x0] =	vst.idx.add.f32.msk $0xffff, v9  }
0x3e8: {  	[tilespmem:v13+s8+$0x0] =	vst.idx.add.f32.msk $0xffff, v10  }
0x3e9: {  	[tilespmem:v7+s8+$0x0] =	vst.idx.add.f32.msk $0xffff, v11  }
0x3ea: {  	v9 =	vld [tilespmem:s17+$0x80]  }
0x3eb: {  	v10 =	vld [tilespmem:s18+$0x80]  }
0x3ec: {  	v11 =	vld [tilespmem:s19+$0x80]  }
0x3ed: {  	[tilespmem:v5+s8+$0x0] =	vst.idx.add.f32.msk $0xffff, v12  }
0x3ee: {  	v12 =	vld [tilespmem:s0+$0x80]  }
0x3ef: {  	[tilespmem:v8+s9+$0x0] =	vst.idx.add.f32.msk $0xffff, v9  }
0x3f0: {  	[tilespmem:v13+s9+$0x0] =	vst.idx.add.f32.msk $0xffff, v10  }
0x3f1: {  	[tilespmem:v7+s9+$0x0] =	vst.idx.add.f32.msk $0xffff, v11  }
0x3f2: {  	v9 =	vld [tilespmem:s17+$0x100]  }
0x3f3: {  	v10 =	vld [tilespmem:s18+$0x100]  }
0x3f4: {  	v11 =	vld [tilespmem:s19+$0x100]  }
0x3f5: {  	[tilespmem:v5+s9+$0x0] =	vst.idx.add.f32.msk $0xffff, v12  }
0x3f6: {  	v12 =	vld [tilespmem:s0+$0x100]  }
0x3f7: {  	[tilespmem:v8+s10+$0x0] =	vst.idx.add.f32.msk $0xffff, v9  }
0x3f8: {  	[tilespmem:v13+s10+$0x0] =	vst.idx.add.f32.msk $0xffff, v10  }
0x3f9: {  	[tilespmem:v7+s10+$0x0] =	vst.idx.add.f32.msk $0xffff, v11  }
0x3fa: {  	v9 =	vld [tilespmem:s17+$0x180]  }
0x3fb: {  	p2 =	por $0x0, $0x0;
	s1 =	simm.s32 $0x1;
	v10 =	vld [tilespmem:s18+$0x180]  }
0x3fc: {  	s1 =	simm.s32 @!p2 $0x0;
	[tilespmem:v5+s10+$0x0] =	vst.idx.add.f32.msk $0xffff, v12  }
0x3fd: {  	s1 =	sshll.u32 s1, $0x6;
	v11 =	vld [tilespmem:s19+$0x180]  }
0x3fe: {  	s20 =	sadd.s32 $0x0, s1;
	v12 =	vld [tilespmem:s0+$0x180]  }
0x3ff: {  	s1 =	sadd.s32 $0x30, s20;
	[tilespmem:v8+s11+$0x0] =	vst.idx.add.f32.msk $0xffff, v9  }
0x400: {  	s21 =	sor.u32 $0x200, s1;
	[tilespmem:v13+s11+$0x0] =	vst.idx.add.f32.msk $0xffff, v10  }
0x401: {  	v9 =	vld [tilespmem:s21+$0xF000]  }
0x402: {  	s24 =	sadd.s32 $0x10, s20;
	[tilespmem:v7+s11+$0x0] =	vst.idx.add.f32.msk $0xffff, v11  }
0x403: {  	s3 =	sadd.s32 $0x20, s20;
	s25 =	sor.u32 $0x200, s24;
	[tilespmem:v5+s11+$0x0] =	vst.idx.add.f32.msk $0xffff, v12  }
0x404: {  	s26 =	sor.u32 $0x200, s3;
	v10 =	vld [tilespmem:s25+$0xF000]  }
0x405: {  	v11 =	vld [tilespmem:s26+$0xF000]  }
0x406: {  	s22 =	sor.u32 $0x280, s1;
	[tilespmem:v8+s12+$0x0] =	vst.idx.add.f32.msk $0xffff, v9  }
0x407: {  	s30 =	sor.u32 $0x200, s20;
	v9 =	vld [tilespmem:s22+$0xF000]  }
0x408: {  	v12 =	vld [tilespmem:s30+$0xF000]  }
0x409: {  	[tilespmem:v13+s12+$0x0] =	vst.idx.add.f32.msk $0xffff, v10  }
0x40a: {  	s4 =	sor.u32 $0x280, s3;
	[tilespmem:v7+s12+$0x0] =	vst.idx.add.f32.msk $0xffff, v11  }
0x40b: {  	v10 =	vld [tilespmem:s4+$0xF000]  }
0x40c: {  	s23 =	sor.u32 $0x300, s1;
	[tilespmem:v8+s13+$0x0] =	vst.idx.add.f32.msk $0xffff, v9  }
0x40d: {  	v9 =	vld [tilespmem:s23+$0xF000]  }
0x40e: {  	s5 =	sor.u32 $0x280, s20;
	[tilespmem:v5+s12+$0x0] =	vst.idx.add.f32.msk $0xffff, v12  }
0x40f: {  	s16 =	simm.s32 $0x1840;
	v11 =	vld [tilespmem:s5+$0xF000]  }
0x410: {  	v6 =	vld [tilespmem:s16+$0x0]  }
0x411: {  	[tilespmem:v7+s13+$0x0] =	vst.idx.add.f32.msk $0xffff, v10  }
0x412: {  	s31 =	sor.u32 $0x280, s24;
	[tilespmem:v8+s14+$0x0] =	vst.idx.add.f32.msk $0xffff, v9  }
0x413: {  	s23 =	simm.s32 $0x40;
	v9 =	vld [tilespmem:s31+$0xF000]  }
0x414: {  	s17 =	sor.u32 $0x300, s3;
	[tilespmem:v5+s13+$0x0] =	vst.idx.add.f32.msk $0xffff, v11;
	s29 =	sand.u32 $0x40, s23;
	s19 =	sand.u32 $0x1F80, s23  }
0x415: {  	s18 =	sor.u32 $0x300, s20;
	v11 =	vld [tilespmem:s17+$0xF000];
	s22 =	sadd.s32 $0x1800, s19;
	s2 =	sor.u32 $0x30, s29  }
0x416: {  	s16 =	sor.u32 $0x300, s24;
	s21 =	sor.u32 $0x380, s24;
	v16 =	vld [tilespmem:s18+$0xF000];
	s24 =	sor.u32 s2, s22  }
0x417: {  	v12 =	vld [tilespmem:s24+$0x0]  }
0x418: {  	s0 =	sor.u32 $0x10, s29;
	[tilespmem:v13+s13+$0x0] =	vst.idx.add.f32.msk $0xffff, v9  }
0x419: {  	s28 =	sor.u32 $0x20, s29;
	s25 =	sor.u32 s0, s22;
	v9 =	vld [tilespmem:s16+$0xF000]  }
0x41a: {  	s26 =	sor.u32 s28, s22;
	v15 =	vld [tilespmem:s25+$0x0]  }
0x41b: {  	v10 =	vld [tilespmem:s26+$0x0]  }
0x41c: {  	s6 =	sor.u32 $0x380, s1;
	[tilespmem:v7+s14+$0x0] =	vst.idx.add.f32.msk $0xffff, v11  }
0x41d: {  	v14 =	vld [tilespmem:s6+$0xF000]  }
0x41e: {  	[tilespmem:v13+s14+$0x0] =	vst.idx.add.f32.msk $0xffff, v9  }
0x41f: {  	v17 =	vld [tilespmem:s21+$0xF000]  }
0x420: {  	s30 =	sor.u32 $0x380, s3;
	[tilespmem:v5+s14+$0x0] =	vst.idx.add.f32.msk $0xffff, v16  }
0x421: {  	v11 =	vld [tilespmem:s30+$0xF000]  }
0x422: {  	s31 =	sor.u32 $0x380, s20;
	[tilespmem:v8+s15+$0x0] =	vst.idx.add.f32.msk $0xffff, v14  }
0x423: {  	v9 =	vld [tilespmem:s31+$0xF000]  }
0x424: {  	s24 =	simm.s32 $0x1880;
	s20 =	simm.s32 $0x200;
	v8 =	vmov v6;
	[tilespmem:v13+s15+$0x0] =	vst.idx.add.f32.msk $0xffff, v17  }
.LBB2_12:
0x425: {  	v14 =	vld [tilespmem:s24+$0x0];
	s1 =	sand.u32 $0xFC00, s20;
	v13 =	vmov v15  }
0x426: {  	[tilespmem:v6+s7+$0x0] =	vst.idx.add.s32.msk $0xffff, v4;
	s1 =	sadd.s32 $0xF000, s1  }
0x427: {  	s30 =	sor.u32 s0, s1;
	s28 =	sor.u32 s28, s1;
	[tilespmem:v12+s7+$0x0] =	vst.idx.add.s32.msk $0xffff, v4;
	s0 =	sor.u32 s2, s1  }
0x428: {  	s29 =	sor.u32 s29, s1;
	v16 =	vld [tilespmem:s0+$0x0]  }
0x429: {  	[tilespmem:v15+s7+$0x0] =	vst.idx.add.s32.msk $0xffff, v4  }
0x42a: {  	[tilespmem:v10+s7+$0x0] =	vst.idx.add.s32.msk $0xffff, v4  }
0x42b: {  	v15 =	vld [tilespmem:s30+$0x0]  }
0x42c: {  	v17 =	vld [tilespmem:s28+$0x0]  }
0x42d: {  	[tilespmem:v12+s8+$0x0] =	vst.idx.add.f32.msk $0xffff, v16  }
0x42e: {  	v16 =	vld [tilespmem:s0+$0x80]  }
0x42f: {  	v18 =	vld [tilespmem:s29+$0x0]  }
0x430: {  	[tilespmem:v13+s8+$0x0] =	vst.idx.add.f32.msk $0xffff, v15  }
0x431: {  	[tilespmem:v10+s8+$0x0] =	vst.idx.add.f32.msk $0xffff, v17  }
0x432: {  	v15 =	vld [tilespmem:s30+$0x80]  }
0x433: {  	[tilespmem:v12+s9+$0x0] =	vst.idx.add.f32.msk $0xffff, v16  }
0x434: {  	v16 =	vld [tilespmem:s0+$0x100]  }
0x435: {  	[tilespmem:v6+s8+$0x0] =	vst.idx.add.f32.msk $0xffff, v18  }
0x436: {  	v17 =	vld [tilespmem:s28+$0x80]  }
0x437: {  	v18 =	vld [tilespmem:s29+$0x80]  }
0x438: {  	[tilespmem:v13+s9+$0x0] =	vst.idx.add.f32.msk $0xffff, v15  }
0x439: {  	[tilespmem:v12+s10+$0x0] =	vst.idx.add.f32.msk $0xffff, v16  }
0x43a: {  	p2 =	por !p2, !p2;
	v15 =	vld [tilespmem:s0+$0x180];
	s0 =	simm.s32 $0x1  }
0x43b: {  	s0 =	simm.s32 @!p2 $0x0;
	[tilespmem:v10+s9+$0x0] =	vst.idx.add.f32.msk $0xffff, v17  }
0x43c: {  	s0 =	sshll.u32 s0, $0x6;
	[tilespmem:v6+s9+$0x0] =	vst.idx.add.f32.msk $0xffff, v18  }
0x43d: {  	s1 =	sadd.s32 s0, s20;
	v16 =	vld [tilespmem:s30+$0x100]  }
0x43e: {  	s3 =	sadd.s32 $0x10, s1;
	v17 =	vld [tilespmem:s28+$0x100];
	s4 =	sadd.s32 $0x20, s1;
	s5 =	sadd.s32 $0x30, s1  }
0x43f: {  	s6 =	sor.u32 $0x200, s3;
	s16 =	sor.u32 $0x200, s4;
	[tilespmem:v12+s11+$0x0] =	vst.idx.add.f32.msk $0xffff, v15;
	s0 =	sor.u32 $0x200, s5  }
0x440: {  	s17 =	sor.u32 $0x200, s1;
	s18 =	sor.u32 $0x280, s3;
	s19 =	sor.u32 $0x280, s4;
	v15 =	vld [tilespmem:s0+$0xF000]  }
0x441: {  	s21 =	sor.u32 $0x280, s1;
	s22 =	sor.u32 $0x300, s3;
	s2 =	sor.u32 $0x300, s4;
	v18 =	vld [tilespmem:s29+$0x100]  }
0x442: {  	s31 =	sor.u32 $0x380, s3;
	s26 =	sor.u32 $0x380, s4;
	s0 =	sor.u32 $0x300, s1;
	[tilespmem:v13+s10+$0x0] =	vst.idx.add.f32.msk $0xffff, v16  }
0x443: {  	s25 =	sor.u32 $0x380, s1;
	[tilespmem:v10+s10+$0x0] =	vst.idx.add.f32.msk $0xffff, v17  }
0x444: {  	v16 =	vld [tilespmem:s30+$0x180]  }
0x445: {  	s1 =	sor.u32 $0x280, s5;
	[tilespmem:v12+s12+$0x0] =	vst.idx.add.f32.msk $0xffff, v15  }
0x446: {  	v15 =	vld [tilespmem:s1+$0xF000]  }
0x447: {  	[tilespmem:v6+s10+$0x0] =	vst.idx.add.f32.msk $0xffff, v18  }
0x448: {  	v17 =	vld [tilespmem:s28+$0x180]  }
0x449: {  	v18 =	vld [tilespmem:s29+$0x180]  }
0x44a: {  	[tilespmem:v13+s11+$0x0] =	vst.idx.add.f32.msk $0xffff, v16  }
0x44b: {  	s1 =	sor.u32 $0x300, s5;
	[tilespmem:v12+s13+$0x0] =	vst.idx.add.f32.msk $0xffff, v15  }
0x44c: {  	v15 =	vld [tilespmem:s1+$0xF000]  }
0x44d: {  	[tilespmem:v10+s11+$0x0] =	vst.idx.add.f32.msk $0xffff, v17  }
0x44e: {  	[tilespmem:v6+s11+$0x0] =	vst.idx.add.f32.msk $0xffff, v18  }
0x44f: {  	v16 =	vld [tilespmem:s6+$0xF000]  }
0x450: {  	v17 =	vld [tilespmem:s16+$0xF000]  }
0x451: {  	s1 =	sor.u32 $0x380, s5;
	[tilespmem:v12+s14+$0x0] =	vst.idx.add.f32.msk $0xffff, v15  }
0x452: {  	v15 =	vld [tilespmem:s1+$0xF000]  }
0x453: {  	v18 =	vld [tilespmem:s17+$0xF000]  }
0x454: {  	[tilespmem:v13+s12+$0x0] =	vst.idx.add.f32.msk $0xffff, v16  }
0x455: {  	[tilespmem:v10+s12+$0x0] =	vst.idx.add.f32.msk $0xffff, v17  }
0x456: {  	v16 =	vld [tilespmem:s18+$0xF000]  }
0x457: {  	[tilespmem:v12+s15+$0x0] =	vst.idx.add.f32.msk $0xffff, v15  }
0x458: {  	[tilespmem:v6+s12+$0x0] =	vst.idx.add.f32.msk $0xffff, v18  }
0x459: {  	v12 =	vld [tilespmem:s19+$0xF000]  }
0x45a: {  	v15 =	vld [tilespmem:s21+$0xF000]  }
0x45b: {  	[tilespmem:v13+s13+$0x0] =	vst.idx.add.f32.msk $0xffff, v16  }
0x45c: {  	v16 =	vld [tilespmem:s22+$0xF000]  }
0x45d: {  	[tilespmem:v7+s15+$0x0] =	vst.idx.add.f32.msk $0xffff, v11;
	v7 =	vmov v10  }
0x45e: {  	[tilespmem:v10+s13+$0x0] =	vst.idx.add.f32.msk $0xffff, v12  }
0x45f: {  	[tilespmem:v6+s13+$0x0] =	vst.idx.add.f32.msk $0xffff, v15  }
0x460: {  	v10 =	vld [tilespmem:s2+$0xF000]  }
0x461: {  	v11 =	vld [tilespmem:s0+$0xF000]  }
0x462: {  	[tilespmem:v13+s14+$0x0] =	vst.idx.add.f32.msk $0xffff, v16  }
0x463: {  	s23 =	sadd.s32 $0x40, s23;
	v16 =	vld [tilespmem:s31+$0xF000]  }
0x464: {  	p3 =	slt.u32 s23, $0x17C0;
	s29 =	sand.u32 $0x40, s23;
	s1 =	sand.u32 $0x1F80, s23;
	[tilespmem:v5+s15+$0x0] =	vst.idx.add.f32.msk $0xffff, v9;
	v5 =	vmov v6;
	v6 =	vmov v14  }
0x465: {  	s1 =	sadd.s32 $0x1800, s1;
	s2 =	sor.u32 $0x30, s29;
	s0 =	sor.u32 $0x10, s29;
	[tilespmem:v7+s14+$0x0] =	vst.idx.add.f32.msk $0xffff, v10  }
0x466: {  	s28 =	sor.u32 $0x20, s29;
	s4 =	sor.u32 s2, s1;
	s3 =	sor.u32 s0, s1;
	[tilespmem:v8+s14+$0x0] =	vst.idx.add.f32.msk $0xffff, v11;
	v8 =	vmov v14  }
0x467: {  	s1 =	sor.u32 s28, s1;
	v12 =	vld [tilespmem:s4+$0x0]  }
.Ltmp7:
0x468: {  	v15 =	vld [tilespmem:s3+$0x0];
	(pc) =	sbr.rel @p3 .LBB2_12-.Ltmp7, $4  }
0x469: {  	v10 =	vld [tilespmem:s1+$0x0]  }
0x46a: {  	v11 =	vld [tilespmem:s26+$0xF000]  }
0x46b: {  	v9 =	vld [tilespmem:s25+$0xF000]  }
0x46c: {  	s24 =	sadd.s32 $0x40, s24;
	s20 =	sadd.s32 $0x200, s20;
	[tilespmem:v13+s15+$0x0] =	vst.idx.add.f32.msk $0xffff, v16  }
0x46d: {  	_ =	sdelay $0x3  }
0x46e: {  	s1 =	sand.u32 $0xFC00, s20;
	[tilespmem:v12+s7+$0x0] =	vst.idx.add.s32.msk $0xffff, v4  }
0x46f: {  	[tilespmem:v15+s7+$0x0] =	vst.idx.add.s32.msk $0xffff, v4;
	s1 =	sadd.s32 $0xF000, s1  }
0x470: {  	[tilespmem:v10+s7+$0x0] =	vst.idx.add.s32.msk $0xffff, v4;
	s2 =	sor.u32 s2, s1  }
0x471: {  	s0 =	sor.u32 s0, s1;
	v13 =	vld [tilespmem:s2+$0x0]  }
0x472: {  	s3 =	sor.u32 s28, s1;
	v14 =	vld [tilespmem:s0+$0x0]  }
0x473: {  	v16 =	vld [tilespmem:s3+$0x0]  }
0x474: {  	[tilespmem:v6+s7+$0x0] =	vst.idx.add.s32.msk $0xffff, v4;
	s1 =	sor.u32 s29, s1  }
0x475: {  	v17 =	vld [tilespmem:s1+$0x0]  }
0x476: {  	[tilespmem:v12+s8+$0x0] =	vst.idx.add.f32.msk $0xffff, v13  }
0x477: {  	[tilespmem:v15+s8+$0x0] =	vst.idx.add.f32.msk $0xffff, v14  }
0x478: {  	[tilespmem:v10+s8+$0x0] =	vst.idx.add.f32.msk $0xffff, v16  }
0x479: {  	v13 =	vld [tilespmem:s2+$0x80]  }
0x47a: {  	v14 =	vld [tilespmem:s0+$0x80]  }
0x47b: {  	v16 =	vld [tilespmem:s3+$0x80]  }
0x47c: {  	[tilespmem:v6+s8+$0x0] =	vst.idx.add.f32.msk $0xffff, v17  }
0x47d: {  	v17 =	vld [tilespmem:s1+$0x80]  }
0x47e: {  	[tilespmem:v12+s9+$0x0] =	vst.idx.add.f32.msk $0xffff, v13  }
0x47f: {  	[tilespmem:v15+s9+$0x0] =	vst.idx.add.f32.msk $0xffff, v14  }
0x480: {  	[tilespmem:v10+s9+$0x0] =	vst.idx.add.f32.msk $0xffff, v16  }
0x481: {  	v13 =	vld [tilespmem:s2+$0x100]  }
0x482: {  	v14 =	vld [tilespmem:s0+$0x100]  }
0x483: {  	v16 =	vld [tilespmem:s3+$0x100]  }
0x484: {  	[tilespmem:v6+s9+$0x0] =	vst.idx.add.f32.msk $0xffff, v17  }
0x485: {  	v17 =	vld [tilespmem:s1+$0x100]  }
0x486: {  	[tilespmem:v12+s10+$0x0] =	vst.idx.add.f32.msk $0xffff, v13  }
0x487: {  	[tilespmem:v15+s10+$0x0] =	vst.idx.add.f32.msk $0xffff, v14  }
0x488: {  	[tilespmem:v10+s10+$0x0] =	vst.idx.add.f32.msk $0xffff, v16  }
0x489: {  	v13 =	vld [tilespmem:s2+$0x180]  }
0x48a: {  	p2 =	por !p2, !p2;
	s2 =	simm.s32 $0x1;
	v14 =	vld [tilespmem:s0+$0x180]  }
0x48b: {  	[tilespmem:v6+s10+$0x0] =	vst.idx.add.f32.msk $0xffff, v17;
	s2 =	simm.s32 @!p2 $0x0  }
0x48c: {  	v16 =	vld [tilespmem:s3+$0x180];
	s2 =	sshll.u32 s2, $0x6  }
0x48d: {  	v17 =	vld [tilespmem:s1+$0x180];
	s2 =	sadd.s32 s2, s20  }
0x48e: {  	s4 =	sadd.s32 $0x30, s2;
	[tilespmem:v12+s11+$0x0] =	vst.idx.add.f32.msk $0xffff, v13  }
0x48f: {  	s5 =	sor.u32 $0x200, s4;
	[tilespmem:v15+s11+$0x0] =	vst.idx.add.f32.msk $0xffff, v14  }
0x490: {  	v13 =	vld [tilespmem:s5+$0xF000]  }
0x491: {  	s21 =	sadd.s32 $0x10, s2;
	[tilespmem:v10+s11+$0x0] =	vst.idx.add.f32.msk $0xffff, v16  }
0x492: {  	s22 =	sadd.s32 $0x20, s2;
	s23 =	sor.u32 $0x200, s21;
	[tilespmem:v6+s11+$0x0] =	vst.idx.add.f32.msk $0xffff, v17  }
0x493: {  	s24 =	sor.u32 $0x200, s22;
	v14 =	vld [tilespmem:s23+$0xF000]  }
0x494: {  	v16 =	vld [tilespmem:s24+$0xF000]  }
0x495: {  	s19 =	sor.u32 $0x280, s4;
	[tilespmem:v12+s12+$0x0] =	vst.idx.add.f32.msk $0xffff, v13  }
0x496: {  	s25 =	sor.u32 $0x200, s2;
	v13 =	vld [tilespmem:s19+$0xF000]  }
0x497: {  	v17 =	vld [tilespmem:s25+$0xF000]  }
0x498: {  	[tilespmem:v15+s12+$0x0] =	vst.idx.add.f32.msk $0xffff, v14  }
0x499: {  	s30 =	sor.u32 $0x280, s22;
	[tilespmem:v10+s12+$0x0] =	vst.idx.add.f32.msk $0xffff, v16  }
0x49a: {  	v14 =	vld [tilespmem:s30+$0xF000]  }
0x49b: {  	s20 =	sor.u32 $0x300, s4;
	[tilespmem:v12+s13+$0x0] =	vst.idx.add.f32.msk $0xffff, v13  }
0x49c: {  	v13 =	vld [tilespmem:s20+$0xF000]  }
0x49d: {  	s31 =	sor.u32 $0x280, s2;
	[tilespmem:v6+s12+$0x0] =	vst.idx.add.f32.msk $0xffff, v17  }
0x49e: {  	v16 =	vld [tilespmem:s31+$0xF000];
	_ =	sdelay $0x1  }
0x49f: {  	[tilespmem:v10+s13+$0x0] =	vst.idx.add.f32.msk $0xffff, v14  }
0x4a0: {  	s26 =	sor.u32 $0x280, s21;
	[tilespmem:v12+s14+$0x0] =	vst.idx.add.f32.msk $0xffff, v13  }
0x4a1: {  	v13 =	vld [tilespmem:s26+$0xF000]  }
0x4a2: {  	s17 =	sor.u32 $0x300, s22;
	[tilespmem:v6+s13+$0x0] =	vst.idx.add.f32.msk $0xffff, v16  }
0x4a3: {  	s18 =	sor.u32 $0x300, s2;
	v14 =	vld [tilespmem:s17+$0xF000]  }
0x4a4: {  	s6 =	sor.u32 $0x380, s4;
	v16 =	vld [tilespmem:s18+$0xF000]  }
0x4a5: {  	v17 =	vld [tilespmem:s6+$0xF000]  }
0x4a6: {  	s16 =	sor.u32 $0x300, s21;
	[tilespmem:v15+s13+$0x0] =	vst.idx.add.f32.msk $0xffff, v13  }
0x4a7: {  	v13 =	vld [tilespmem:s16+$0xF000]  }
0x4a8: {  	[tilespmem:v10+s14+$0x0] =	vst.idx.add.f32.msk $0xffff, v14  }
0x4a9: {  	s0 =	sor.u32 $0x380, s22;
	[tilespmem:v8+s14+$0x0] =	vst.idx.add.f32.msk $0xffff, v16  }
0x4aa: {  	v8 =	vld [tilespmem:s0+$0xF000]  }
0x4ab: {  	[tilespmem:v12+s15+$0x0] =	vst.idx.add.f32.msk $0xffff, v17  }
0x4ac: {  	s19 =	sor.u32 $0x380, s2;
	[tilespmem:v15+s14+$0x0] =	vst.idx.add.f32.msk $0xffff, v13  }
0x4ad: {  	s1 =	sor.u32 $0x380, s21;
	v13 =	vld [tilespmem:s19+$0xF000]  }
0x4ae: {  	v12 =	vld [tilespmem:s1+$0xF000]  }
0x4af: {  	[tilespmem:v7+s15+$0x0] =	vst.idx.add.f32.msk $0xffff, v11  }
0x4b0: {  	[tilespmem:v5+s15+$0x0] =	vst.idx.add.f32.msk $0xffff, v9  }
0x4b1: {  	[tilespmem:v10+s15+$0x0] =	vst.idx.add.f32.msk $0xffff, v8  }
0x4b2: {  	[tilespmem:v6+s15+$0x0] =	vst.idx.add.f32.msk $0xffff, v13  }
0x4b3: {  	[tilespmem:v15+s15+$0x0] =	vst.idx.add.f32.msk $0xffff, v12  }
0x4b4: {  	s22 =	simm.s32 $0x1800;
	s20 =	simm.s32 $0x0;
	s21 =	rddreg [dreg:$0x16]  }
0x4b5: {  	[tilespmem:s22], [sflag:$0x2] =	stream.linear.gather [hbm4b:s21+s20], $0x200, $0x38;
	[tilespmem:$0x1C980] =	vst v63  }
0x4b6: {  	s24 =	simm.s32 $0xF000;
	s25 =	simm.s32 $0x1;
	s23 =	rddreg [dreg:$0x14]  }
0x4b7: {  	[tilespmem:s24], [sflag:$0x4] =	stream.linear.gather [hbm4b:s23+s20], $0x1000, $0x38;
	[tilespmem:$0x1C980] =	vst v63  }
0x4b8: {  	_ =	swait.ge [sflag:s25], $0x1800  }
0x4b9: {  	[sflag:s25] =	ssyncset.done $0x0  }
0x4ba: {  	s30 =	simm.s32 $0x0;
	s26 =	simm.s32 $0x3;
	[sflag:s25] =	ssyncadd.s32 $0xFFFFE800  }
0x4bb: {  	s31 =	sand.u32 $0x40, s30;
	_ =	swait.ge [sflag:s26], $0xC000  }
0x4bc: {  	s5 =	sor.u32 $0x30, s31;
	s1 =	sand.u32 $0x1F80, s30;
	[sflag:s26] =	ssyncset.done $0x0  }
0x4bd: {  	s17 =	sor.u32 $0x10, s31;
	s16 =	sor.u32 s5, s1;
	[sflag:s26] =	ssyncadd.s32 $0xFFFF4000  }
0x4be: {  	s6 =	sor.u32 $0x20, s31;
	s18 =	sor.u32 s17, s1;
	v8 =	vld [tilespmem:s16+$0x0]  }
0x4bf: {  	s1 =	sor.u32 s6, s1;
	v13 =	vld [tilespmem:s18+$0x0]  }
0x4c0: {  	v7 =	vld [tilespmem:s1+$0x0];
	_ =	sdelay $0x3  }
0x4c1: {  	s19 =	simm.s32 $0x40;
	v5 =	vld [tilespmem:s20+$0x0]  }
0x4c2: {  	v6 =	vld [tilespmem:s19+$0x0]  }
0x4c3: {  	s0 =	sand.u32 $0xFC00, s20;
	[tilespmem:v8+s7+$0x0] =	vst.idx.add.s32.msk $0xffff, v4  }
0x4c4: {  	s0 =	sadd.s32 $0x3000, s0;
	[tilespmem:v13+s7+$0x0] =	vst.idx.add.s32.msk $0xffff, v4  }
0x4c5: {  	s20 =	sor.u32 s5, s0;
	[tilespmem:v7+s7+$0x0] =	vst.idx.add.s32.msk $0xffff, v4  }
0x4c6: {  	s21 =	sor.u32 s17, s0;
	v9 =	vld [tilespmem:s20+$0x0]  }
0x4c7: {  	s22 =	sor.u32 s6, s0;
	v10 =	vld [tilespmem:s21+$0x0]  }
0x4c8: {  	v11 =	vld [tilespmem:s22+$0x0]  }
0x4c9: {  	s0 =	sor.u32 s31, s0;
	[tilespmem:v5+s7+$0x0] =	vst.idx.add.s32.msk $0xffff, v4  }
0x4ca: {  	v12 =	vld [tilespmem:s0+$0x0]  }
0x4cb: {  	[tilespmem:v8+s8+$0x0] =	vst.idx.add.f32.msk $0xffff, v9  }
0x4cc: {  	[tilespmem:v13+s8+$0x0] =	vst.idx.add.f32.msk $0xffff, v10  }
0x4cd: {  	[tilespmem:v7+s8+$0x0] =	vst.idx.add.f32.msk $0xffff, v11  }
0x4ce: {  	v9 =	vld [tilespmem:s20+$0x80]  }
0x4cf: {  	v10 =	vld [tilespmem:s21+$0x80]  }
0x4d0: {  	v11 =	vld [tilespmem:s22+$0x80]  }
0x4d1: {  	[tilespmem:v5+s8+$0x0] =	vst.idx.add.f32.msk $0xffff, v12  }
0x4d2: {  	v12 =	vld [tilespmem:s0+$0x80]  }
0x4d3: {  	[tilespmem:v8+s9+$0x0] =	vst.idx.add.f32.msk $0xffff, v9  }
0x4d4: {  	[tilespmem:v13+s9+$0x0] =	vst.idx.add.f32.msk $0xffff, v10  }
0x4d5: {  	[tilespmem:v7+s9+$0x0] =	vst.idx.add.f32.msk $0xffff, v11  }
0x4d6: {  	v9 =	vld [tilespmem:s20+$0x100]  }
0x4d7: {  	v10 =	vld [tilespmem:s21+$0x100]  }
0x4d8: {  	v11 =	vld [tilespmem:s22+$0x100]  }
0x4d9: {  	[tilespmem:v5+s9+$0x0] =	vst.idx.add.f32.msk $0xffff, v12  }
0x4da: {  	v12 =	vld [tilespmem:s0+$0x100]  }
0x4db: {  	[tilespmem:v8+s10+$0x0] =	vst.idx.add.f32.msk $0xffff, v9  }
0x4dc: {  	[tilespmem:v13+s10+$0x0] =	vst.idx.add.f32.msk $0xffff, v10  }
0x4dd: {  	[tilespmem:v7+s10+$0x0] =	vst.idx.add.f32.msk $0xffff, v11  }
0x4de: {  	p2 =	por $0x0, $0x0;
	s1 =	simm.s32 $0x1;
	v9 =	vld [tilespmem:s20+$0x180]  }
0x4df: {  	s1 =	simm.s32 @!p2 $0x0;
	[tilespmem:v5+s10+$0x0] =	vst.idx.add.f32.msk $0xffff, v12  }
0x4e0: {  	s1 =	sshll.u32 s1, $0x6;
	v10 =	vld [tilespmem:s21+$0x180]  }
0x4e1: {  	s20 =	sadd.s32 $0x0, s1;
	v11 =	vld [tilespmem:s22+$0x180]  }
0x4e2: {  	v12 =	vld [tilespmem:s0+$0x180];
	s1 =	sadd.s32 $0x30, s20  }
0x4e3: {  	s23 =	sor.u32 $0x200, s1;
	[tilespmem:v8+s11+$0x0] =	vst.idx.add.f32.msk $0xffff, v9  }
0x4e4: {  	v9 =	vld [tilespmem:s23+$0x3000]  }
0x4e5: {  	s26 =	sadd.s32 $0x10, s20;
	[tilespmem:v13+s11+$0x0] =	vst.idx.add.f32.msk $0xffff, v10  }
0x4e6: {  	s3 =	sadd.s32 $0x20, s20;
	s30 =	sor.u32 $0x200, s26;
	[tilespmem:v7+s11+$0x0] =	vst.idx.add.f32.msk $0xffff, v11  }
0x4e7: {  	s31 =	sor.u32 $0x200, s3;
	v10 =	vld [tilespmem:s30+$0x3000]  }
0x4e8: {  	v11 =	vld [tilespmem:s31+$0x3000]  }
0x4e9: {  	s24 =	sor.u32 $0x280, s1;
	[tilespmem:v8+s12+$0x0] =	vst.idx.add.f32.msk $0xffff, v9  }
0x4ea: {  	v9 =	vld [tilespmem:s24+$0x3000]  }
0x4eb: {  	s4 =	sor.u32 $0x200, s20;
	[tilespmem:v5+s11+$0x0] =	vst.idx.add.f32.msk $0xffff, v12  }
0x4ec: {  	v12 =	vld [tilespmem:s4+$0x3000]  }
0x4ed: {  	[tilespmem:v13+s12+$0x0] =	vst.idx.add.f32.msk $0xffff, v10  }
0x4ee: {  	[tilespmem:v7+s12+$0x0] =	vst.idx.add.f32.msk $0xffff, v11  }
0x4ef: {  	s25 =	sor.u32 $0x300, s1;
	[tilespmem:v8+s13+$0x0] =	vst.idx.add.f32.msk $0xffff, v9  }
0x4f0: {  	s23 =	simm.s32 $0x40;
	v9 =	vld [tilespmem:s25+$0x3000]  }
0x4f1: {  	s16 =	sor.u32 $0x280, s20;
	s6 =	sor.u32 $0x280, s3;
	s29 =	sand.u32 $0x40, s23;
	[tilespmem:v5+s12+$0x0] =	vst.idx.add.f32.msk $0xffff, v12  }
0x4f2: {  	s5 =	sor.u32 $0x280, s26;
	s0 =	sor.u32 $0x10, s29;
	v10 =	vld [tilespmem:s6+$0x3000];
	s24 =	sand.u32 $0x1F80, s23  }
0x4f3: {  	s18 =	sor.u32 $0x300, s26;
	s22 =	sor.u32 $0x380, s26;
	v11 =	vld [tilespmem:s16+$0x3000];
	s26 =	sor.u32 s0, s24  }
0x4f4: {  	v15 =	vld [tilespmem:s26+$0x0]  }
0x4f5: {  	[tilespmem:v8+s14+$0x0] =	vst.idx.add.f32.msk $0xffff, v9  }
0x4f6: {  	v9 =	vld [tilespmem:s5+$0x3000]  }
0x4f7: {  	s28 =	sor.u32 $0x20, s29;
	[tilespmem:v7+s13+$0x0] =	vst.idx.add.f32.msk $0xffff, v10  }
0x4f8: {  	s17 =	sor.u32 $0x380, s1;
	s1 =	sor.u32 s28, s24;
	[tilespmem:v5+s13+$0x0] =	vst.idx.add.f32.msk $0xffff, v11  }
0x4f9: {  	s19 =	sor.u32 $0x300, s3;
	v10 =	vld [tilespmem:s1+$0x0]  }
0x4fa: {  	v11 =	vld [tilespmem:s19+$0x3000]  }
0x4fb: {  	[tilespmem:v13+s13+$0x0] =	vst.idx.add.f32.msk $0xffff, v9  }
0x4fc: {  	s21 =	sor.u32 $0x300, s20;
	s2 =	sor.u32 $0x30, s29;
	v9 =	vld [tilespmem:s18+$0x3000]  }
0x4fd: {  	v16 =	vld [tilespmem:s21+$0x3000];
	s25 =	sor.u32 s2, s24  }
0x4fe: {  	v12 =	vld [tilespmem:s25+$0x0]  }
0x4ff: {  	[tilespmem:v7+s14+$0x0] =	vst.idx.add.f32.msk $0xffff, v11  }
0x500: {  	v14 =	vld [tilespmem:s17+$0x3000]  }
0x501: {  	[tilespmem:v13+s14+$0x0] =	vst.idx.add.f32.msk $0xffff, v9  }
0x502: {  	v17 =	vld [tilespmem:s22+$0x3000]  }
0x503: {  	s30 =	sor.u32 $0x380, s3;
	[tilespmem:v5+s14+$0x0] =	vst.idx.add.f32.msk $0xffff, v16  }
0x504: {  	v11 =	vld [tilespmem:s30+$0x3000]  }
0x505: {  	s31 =	sor.u32 $0x380, s20;
	[tilespmem:v8+s15+$0x0] =	vst.idx.add.f32.msk $0xffff, v14  }
0x506: {  	v9 =	vld [tilespmem:s31+$0x3000]  }
0x507: {  	s20 =	simm.s32 $0x200;
	s24 =	simm.s32 $0x80;
	v8 =	vmov v6;
	[tilespmem:v13+s15+$0x0] =	vst.idx.add.f32.msk $0xffff, v17  }
.LBB2_14:
0x508: {  	v14 =	vld [tilespmem:s24+$0x0];
	s1 =	sand.u32 $0xFC00, s20;
	v13 =	vmov v15  }
0x509: {  	[tilespmem:v6+s7+$0x0] =	vst.idx.add.s32.msk $0xffff, v4;
	s1 =	sadd.s32 $0x3000, s1  }
0x50a: {  	s30 =	sor.u32 s0, s1;
	s28 =	sor.u32 s28, s1;
	[tilespmem:v12+s7+$0x0] =	vst.idx.add.s32.msk $0xffff, v4;
	s0 =	sor.u32 s2, s1  }
0x50b: {  	s29 =	sor.u32 s29, s1;
	v16 =	vld [tilespmem:s0+$0x0]  }
0x50c: {  	[tilespmem:v15+s7+$0x0] =	vst.idx.add.s32.msk $0xffff, v4  }
0x50d: {  	[tilespmem:v10+s7+$0x0] =	vst.idx.add.s32.msk $0xffff, v4  }
0x50e: {  	v15 =	vld [tilespmem:s30+$0x0]  }
0x50f: {  	v17 =	vld [tilespmem:s28+$0x0]  }
0x510: {  	[tilespmem:v12+s8+$0x0] =	vst.idx.add.f32.msk $0xffff, v16  }
0x511: {  	v16 =	vld [tilespmem:s0+$0x80]  }
0x512: {  	v18 =	vld [tilespmem:s29+$0x0]  }
0x513: {  	[tilespmem:v13+s8+$0x0] =	vst.idx.add.f32.msk $0xffff, v15  }
0x514: {  	[tilespmem:v10+s8+$0x0] =	vst.idx.add.f32.msk $0xffff, v17  }
0x515: {  	v15 =	vld [tilespmem:s30+$0x80]  }
0x516: {  	[tilespmem:v12+s9+$0x0] =	vst.idx.add.f32.msk $0xffff, v16  }
0x517: {  	v16 =	vld [tilespmem:s0+$0x100]  }
0x518: {  	[tilespmem:v6+s8+$0x0] =	vst.idx.add.f32.msk $0xffff, v18  }
0x519: {  	v17 =	vld [tilespmem:s28+$0x80]  }
0x51a: {  	v18 =	vld [tilespmem:s29+$0x80]  }
0x51b: {  	[tilespmem:v13+s9+$0x0] =	vst.idx.add.f32.msk $0xffff, v15  }
0x51c: {  	[tilespmem:v12+s10+$0x0] =	vst.idx.add.f32.msk $0xffff, v16  }
0x51d: {  	p2 =	por !p2, !p2;
	v15 =	vld [tilespmem:s0+$0x180];
	s0 =	simm.s32 $0x1  }
0x51e: {  	s0 =	simm.s32 @!p2 $0x0;
	[tilespmem:v10+s9+$0x0] =	vst.idx.add.f32.msk $0xffff, v17  }
0x51f: {  	s0 =	sshll.u32 s0, $0x6;
	[tilespmem:v6+s9+$0x0] =	vst.idx.add.f32.msk $0xffff, v18  }
0x520: {  	s1 =	sadd.s32 s0, s20;
	v16 =	vld [tilespmem:s30+$0x100]  }
0x521: {  	s3 =	sadd.s32 $0x10, s1;
	v17 =	vld [tilespmem:s28+$0x100];
	s4 =	sadd.s32 $0x20, s1;
	s5 =	sadd.s32 $0x30, s1  }
0x522: {  	s6 =	sor.u32 $0x200, s3;
	s16 =	sor.u32 $0x200, s4;
	[tilespmem:v12+s11+$0x0] =	vst.idx.add.f32.msk $0xffff, v15;
	s0 =	sor.u32 $0x200, s5  }
0x523: {  	s17 =	sor.u32 $0x200, s1;
	s18 =	sor.u32 $0x280, s3;
	s19 =	sor.u32 $0x280, s4;
	v15 =	vld [tilespmem:s0+$0x3000]  }
0x524: {  	s21 =	sor.u32 $0x280, s1;
	s22 =	sor.u32 $0x300, s3;
	s2 =	sor.u32 $0x300, s4;
	v18 =	vld [tilespmem:s29+$0x100]  }
0x525: {  	s31 =	sor.u32 $0x380, s3;
	s26 =	sor.u32 $0x380, s4;
	s0 =	sor.u32 $0x300, s1;
	[tilespmem:v13+s10+$0x0] =	vst.idx.add.f32.msk $0xffff, v16  }
0x526: {  	s25 =	sor.u32 $0x380, s1;
	[tilespmem:v10+s10+$0x0] =	vst.idx.add.f32.msk $0xffff, v17  }
0x527: {  	v16 =	vld [tilespmem:s30+$0x180]  }
0x528: {  	s1 =	sor.u32 $0x280, s5;
	[tilespmem:v12+s12+$0x0] =	vst.idx.add.f32.msk $0xffff, v15  }
0x529: {  	v15 =	vld [tilespmem:s1+$0x3000]  }
0x52a: {  	[tilespmem:v6+s10+$0x0] =	vst.idx.add.f32.msk $0xffff, v18  }
0x52b: {  	v17 =	vld [tilespmem:s28+$0x180]  }
0x52c: {  	v18 =	vld [tilespmem:s29+$0x180]  }
0x52d: {  	[tilespmem:v13+s11+$0x0] =	vst.idx.add.f32.msk $0xffff, v16  }
0x52e: {  	s1 =	sor.u32 $0x300, s5;
	[tilespmem:v12+s13+$0x0] =	vst.idx.add.f32.msk $0xffff, v15  }
0x52f: {  	v15 =	vld [tilespmem:s1+$0x3000]  }
0x530: {  	[tilespmem:v10+s11+$0x0] =	vst.idx.add.f32.msk $0xffff, v17  }
0x531: {  	[tilespmem:v6+s11+$0x0] =	vst.idx.add.f32.msk $0xffff, v18  }
0x532: {  	v16 =	vld [tilespmem:s6+$0x3000]  }
0x533: {  	v17 =	vld [tilespmem:s16+$0x3000]  }
0x534: {  	s1 =	sor.u32 $0x380, s5;
	[tilespmem:v12+s14+$0x0] =	vst.idx.add.f32.msk $0xffff, v15  }
0x535: {  	v15 =	vld [tilespmem:s1+$0x3000]  }
0x536: {  	v18 =	vld [tilespmem:s17+$0x3000]  }
0x537: {  	[tilespmem:v13+s12+$0x0] =	vst.idx.add.f32.msk $0xffff, v16  }
0x538: {  	[tilespmem:v10+s12+$0x0] =	vst.idx.add.f32.msk $0xffff, v17  }
0x539: {  	v16 =	vld [tilespmem:s18+$0x3000]  }
0x53a: {  	[tilespmem:v12+s15+$0x0] =	vst.idx.add.f32.msk $0xffff, v15  }
0x53b: {  	[tilespmem:v6+s12+$0x0] =	vst.idx.add.f32.msk $0xffff, v18  }
0x53c: {  	v12 =	vld [tilespmem:s19+$0x3000]  }
0x53d: {  	v15 =	vld [tilespmem:s21+$0x3000]  }
0x53e: {  	[tilespmem:v13+s13+$0x0] =	vst.idx.add.f32.msk $0xffff, v16  }
0x53f: {  	v16 =	vld [tilespmem:s22+$0x3000]  }
0x540: {  	[tilespmem:v7+s15+$0x0] =	vst.idx.add.f32.msk $0xffff, v11;
	v7 =	vmov v10  }
0x541: {  	[tilespmem:v10+s13+$0x0] =	vst.idx.add.f32.msk $0xffff, v12  }
0x542: {  	[tilespmem:v6+s13+$0x0] =	vst.idx.add.f32.msk $0xffff, v15  }
0x543: {  	v10 =	vld [tilespmem:s2+$0x3000]  }
0x544: {  	v11 =	vld [tilespmem:s0+$0x3000]  }
0x545: {  	[tilespmem:v13+s14+$0x0] =	vst.idx.add.f32.msk $0xffff, v16  }
0x546: {  	s23 =	sadd.s32 $0x40, s23;
	v16 =	vld [tilespmem:s31+$0x3000]  }
0x547: {  	p3 =	slt.u32 s23, $0x17C0;
	s29 =	sand.u32 $0x40, s23;
	[tilespmem:v5+s15+$0x0] =	vst.idx.add.f32.msk $0xffff, v9;
	v5 =	vmov v6;
	v6 =	vmov v14  }
0x548: {  	s1 =	sand.u32 $0x1F80, s23;
	s2 =	sor.u32 $0x30, s29;
	s0 =	sor.u32 $0x10, s29;
	[tilespmem:v7+s14+$0x0] =	vst.idx.add.f32.msk $0xffff, v10  }
0x549: {  	s28 =	sor.u32 $0x20, s29;
	s4 =	sor.u32 s2, s1;
	s3 =	sor.u32 s0, s1;
	[tilespmem:v8+s14+$0x0] =	vst.idx.add.f32.msk $0xffff, v11;
	v8 =	vmov v14  }
0x54a: {  	s1 =	sor.u32 s28, s1;
	v12 =	vld [tilespmem:s4+$0x0]  }
.Ltmp8:
0x54b: {  	v15 =	vld [tilespmem:s3+$0x0];
	(pc) =	sbr.rel @p3 .LBB2_14-.Ltmp8, $4  }
0x54c: {  	v10 =	vld [tilespmem:s1+$0x0]  }
0x54d: {  	v11 =	vld [tilespmem:s26+$0x3000]  }
0x54e: {  	v9 =	vld [tilespmem:s25+$0x3000]  }
0x54f: {  	s24 =	sadd.s32 $0x40, s24;
	s20 =	sadd.s32 $0x200, s20;
	[tilespmem:v13+s15+$0x0] =	vst.idx.add.f32.msk $0xffff, v16  }
0x550: {  	_ =	sdelay $0x3  }
0x551: {  	s1 =	sand.u32 $0xFC00, s20;
	[tilespmem:v12+s7+$0x0] =	vst.idx.add.s32.msk $0xffff, v4  }
0x552: {  	[tilespmem:v15+s7+$0x0] =	vst.idx.add.s32.msk $0xffff, v4;
	s1 =	sadd.s32 $0x3000, s1  }
0x553: {  	[tilespmem:v10+s7+$0x0] =	vst.idx.add.s32.msk $0xffff, v4;
	s2 =	sor.u32 s2, s1  }
0x554: {  	s0 =	sor.u32 s0, s1;
	v13 =	vld [tilespmem:s2+$0x0]  }
0x555: {  	s3 =	sor.u32 s28, s1;
	v14 =	vld [tilespmem:s0+$0x0]  }
0x556: {  	v16 =	vld [tilespmem:s3+$0x0]  }
0x557: {  	[tilespmem:v6+s7+$0x0] =	vst.idx.add.s32.msk $0xffff, v4;
	s1 =	sor.u32 s29, s1  }
0x558: {  	v17 =	vld [tilespmem:s1+$0x0]  }
0x559: {  	[tilespmem:v12+s8+$0x0] =	vst.idx.add.f32.msk $0xffff, v13  }
0x55a: {  	[tilespmem:v15+s8+$0x0] =	vst.idx.add.f32.msk $0xffff, v14  }
0x55b: {  	[tilespmem:v10+s8+$0x0] =	vst.idx.add.f32.msk $0xffff, v16  }
0x55c: {  	v13 =	vld [tilespmem:s2+$0x80]  }
0x55d: {  	v14 =	vld [tilespmem:s0+$0x80]  }
0x55e: {  	v16 =	vld [tilespmem:s3+$0x80]  }
0x55f: {  	[tilespmem:v6+s8+$0x0] =	vst.idx.add.f32.msk $0xffff, v17  }
0x560: {  	v17 =	vld [tilespmem:s1+$0x80]  }
0x561: {  	[tilespmem:v12+s9+$0x0] =	vst.idx.add.f32.msk $0xffff, v13  }
0x562: {  	[tilespmem:v15+s9+$0x0] =	vst.idx.add.f32.msk $0xffff, v14  }
0x563: {  	[tilespmem:v10+s9+$0x0] =	vst.idx.add.f32.msk $0xffff, v16  }
0x564: {  	v13 =	vld [tilespmem:s2+$0x100]  }
0x565: {  	v14 =	vld [tilespmem:s0+$0x100]  }
0x566: {  	v16 =	vld [tilespmem:s3+$0x100]  }
0x567: {  	[tilespmem:v6+s9+$0x0] =	vst.idx.add.f32.msk $0xffff, v17  }
0x568: {  	v17 =	vld [tilespmem:s1+$0x100]  }
0x569: {  	[tilespmem:v12+s10+$0x0] =	vst.idx.add.f32.msk $0xffff, v13  }
0x56a: {  	[tilespmem:v15+s10+$0x0] =	vst.idx.add.f32.msk $0xffff, v14  }
0x56b: {  	[tilespmem:v10+s10+$0x0] =	vst.idx.add.f32.msk $0xffff, v16  }
0x56c: {  	v13 =	vld [tilespmem:s2+$0x180]  }
0x56d: {  	p2 =	por !p2, !p2;
	s2 =	simm.s32 $0x1;
	v14 =	vld [tilespmem:s0+$0x180]  }
0x56e: {  	[tilespmem:v6+s10+$0x0] =	vst.idx.add.f32.msk $0xffff, v17;
	s2 =	simm.s32 @!p2 $0x0  }
0x56f: {  	v16 =	vld [tilespmem:s3+$0x180];
	s2 =	sshll.u32 s2, $0x6  }
0x570: {  	v17 =	vld [tilespmem:s1+$0x180];
	s2 =	sadd.s32 s2, s20  }
0x571: {  	s4 =	sadd.s32 $0x30, s2;
	[tilespmem:v12+s11+$0x0] =	vst.idx.add.f32.msk $0xffff, v13  }
0x572: {  	s5 =	sor.u32 $0x200, s4;
	[tilespmem:v15+s11+$0x0] =	vst.idx.add.f32.msk $0xffff, v14  }
0x573: {  	v13 =	vld [tilespmem:s5+$0x3000]  }
0x574: {  	s17 =	sadd.s32 $0x10, s2;
	[tilespmem:v10+s11+$0x0] =	vst.idx.add.f32.msk $0xffff, v16  }
0x575: {  	s18 =	sadd.s32 $0x20, s2;
	s19 =	sor.u32 $0x200, s17;
	[tilespmem:v6+s11+$0x0] =	vst.idx.add.f32.msk $0xffff, v17  }
0x576: {  	s20 =	sor.u32 $0x200, s18;
	v14 =	vld [tilespmem:s19+$0x3000]  }
0x577: {  	v16 =	vld [tilespmem:s20+$0x3000]  }
0x578: {  	s6 =	sor.u32 $0x280, s4;
	[tilespmem:v12+s12+$0x0] =	vst.idx.add.f32.msk $0xffff, v13  }
0x579: {  	s21 =	sor.u32 $0x200, s2;
	v13 =	vld [tilespmem:s6+$0x3000]  }
0x57a: {  	v17 =	vld [tilespmem:s21+$0x3000]  }
0x57b: {  	[tilespmem:v15+s12+$0x0] =	vst.idx.add.f32.msk $0xffff, v14  }
0x57c: {  	s23 =	sor.u32 $0x280, s18;
	[tilespmem:v10+s12+$0x0] =	vst.idx.add.f32.msk $0xffff, v16  }
0x57d: {  	v14 =	vld [tilespmem:s23+$0x3000]  }
0x57e: {  	s16 =	sor.u32 $0x300, s4;
	[tilespmem:v12+s13+$0x0] =	vst.idx.add.f32.msk $0xffff, v13  }
0x57f: {  	v13 =	vld [tilespmem:s16+$0x3000]  }
0x580: {  	s24 =	sor.u32 $0x280, s2;
	[tilespmem:v6+s12+$0x0] =	vst.idx.add.f32.msk $0xffff, v17  }
0x581: {  	v16 =	vld [tilespmem:s24+$0x3000];
	_ =	sdelay $0x1  }
0x582: {  	[tilespmem:v10+s13+$0x0] =	vst.idx.add.f32.msk $0xffff, v14  }
0x583: {  	s22 =	sor.u32 $0x280, s17;
	[tilespmem:v12+s14+$0x0] =	vst.idx.add.f32.msk $0xffff, v13  }
0x584: {  	v13 =	vld [tilespmem:s22+$0x3000]  }
0x585: {  	s30 =	sor.u32 $0x300, s18;
	[tilespmem:v6+s13+$0x0] =	vst.idx.add.f32.msk $0xffff, v16  }
0x586: {  	s31 =	sor.u32 $0x300, s2;
	v14 =	vld [tilespmem:s30+$0x3000]  }
0x587: {  	s25 =	sor.u32 $0x380, s4;
	v16 =	vld [tilespmem:s31+$0x3000]  }
0x588: {  	v17 =	vld [tilespmem:s25+$0x3000]  }
0x589: {  	s26 =	sor.u32 $0x300, s17;
	[tilespmem:v15+s13+$0x0] =	vst.idx.add.f32.msk $0xffff, v13  }
0x58a: {  	v13 =	vld [tilespmem:s26+$0x3000]  }
0x58b: {  	[tilespmem:v10+s14+$0x0] =	vst.idx.add.f32.msk $0xffff, v14  }
0x58c: {  	s0 =	sor.u32 $0x380, s18;
	[tilespmem:v8+s14+$0x0] =	vst.idx.add.f32.msk $0xffff, v16  }
0x58d: {  	v8 =	vld [tilespmem:s0+$0x3000]  }
0x58e: {  	[tilespmem:v12+s15+$0x0] =	vst.idx.add.f32.msk $0xffff, v17  }
0x58f: {  	s3 =	sor.u32 $0x380, s2;
	[tilespmem:v15+s14+$0x0] =	vst.idx.add.f32.msk $0xffff, v13  }
0x590: {  	s1 =	sor.u32 $0x380, s17;
	v13 =	vld [tilespmem:s3+$0x3000]  }
0x591: {  	v12 =	vld [tilespmem:s1+$0x3000]  }
0x592: {  	[tilespmem:v7+s15+$0x0] =	vst.idx.add.f32.msk $0xffff, v11  }
0x593: {  	[tilespmem:v5+s15+$0x0] =	vst.idx.add.f32.msk $0xffff, v9  }
0x594: {  	[tilespmem:v10+s15+$0x0] =	vst.idx.add.f32.msk $0xffff, v8  }
0x595: {  	[tilespmem:v6+s15+$0x0] =	vst.idx.add.f32.msk $0xffff, v13  }
0x596: {  	s4 =	simm.s32 $0x2;
	[tilespmem:v15+s15+$0x0] =	vst.idx.add.f32.msk $0xffff, v12  }
0x597: {  	_ =	swait.ge [sflag:s4], $0x200  }
0x598: {  	[sflag:s4] =	ssyncset.done $0x0  }
0x599: {  	s5 =	simm.s32 $0x4;
	s23 =	simm.s32 $0x0;
	[sflag:s4] =	ssyncadd.s32 $0xFFFFFE00  }
0x59a: {  	s6 =	sand.u32 $0x180, s23;
	s0 =	sand.u32 $0x40, s23;
	_ =	swait.ge [sflag:s5], $0x1000  }
0x59b: {  	s17 =	sor.u32 $0x30, s0;
	s1 =	sor.u32 $0x1800, s6;
	[sflag:s5] =	ssyncset.done $0x0  }
0x59c: {  	s19 =	sor.u32 $0x10, s0;
	s18 =	sor.u32 s17, s1;
	[sflag:s5] =	ssyncadd.s32 $0xFFFFF000  }
0x59d: {  	s21 =	sor.u32 $0x20, s0;
	s20 =	sor.u32 s19, s1;
	v8 =	vld [tilespmem:s18+$0x0]  }
0x59e: {  	s1 =	sor.u32 s21, s1;
	v13 =	vld [tilespmem:s20+$0x0]  }
0x59f: {  	v7 =	vld [tilespmem:s1+$0x0];
	_ =	sdelay $0x2  }
0x5a0: {  	s16 =	simm.s32 $0x1800  }
0x5a1: {  	s22 =	simm.s32 $0x1840;
	v5 =	vld [tilespmem:s16+$0x0]  }
0x5a2: {  	s24 =	simm.s32 $0x0;
	v6 =	vld [tilespmem:s22+$0x0]  }
0x5a3: {  	s25 =	sand.u32 $0xC00, s24;
	[tilespmem:v8+s7+$0x0] =	vst.idx.add.s32.msk $0xffff, v4  }
0x5a4: {  	s1 =	sor.u32 $0xF000, s25;
	[tilespmem:v13+s7+$0x0] =	vst.idx.add.s32.msk $0xffff, v4  }
0x5a5: {  	s26 =	sor.u32 s17, s1;
	[tilespmem:v7+s7+$0x0] =	vst.idx.add.s32.msk $0xffff, v4  }
0x5a6: {  	s30 =	sor.u32 s19, s1;
	v9 =	vld [tilespmem:s26+$0x0]  }
0x5a7: {  	s31 =	sor.u32 s21, s1;
	v10 =	vld [tilespmem:s30+$0x0]  }
0x5a8: {  	v11 =	vld [tilespmem:s31+$0x0]  }
0x5a9: {  	s0 =	sor.u32 s0, s1;
	[tilespmem:v5+s7+$0x0] =	vst.idx.add.s32.msk $0xffff, v4  }
0x5aa: {  	v12 =	vld [tilespmem:s0+$0x0]  }
0x5ab: {  	[tilespmem:v8+s8+$0x0] =	vst.idx.add.f32.msk $0xffff, v9  }
0x5ac: {  	[tilespmem:v13+s8+$0x0] =	vst.idx.add.f32.msk $0xffff, v10  }
0x5ad: {  	[tilespmem:v7+s8+$0x0] =	vst.idx.add.f32.msk $0xffff, v11  }
0x5ae: {  	v9 =	vld [tilespmem:s26+$0x80]  }
0x5af: {  	v10 =	vld [tilespmem:s30+$0x80]  }
0x5b0: {  	v11 =	vld [tilespmem:s31+$0x80]  }
0x5b1: {  	[tilespmem:v5+s8+$0x0] =	vst.idx.add.f32.msk $0xffff, v12  }
0x5b2: {  	v12 =	vld [tilespmem:s0+$0x80]  }
0x5b3: {  	[tilespmem:v8+s9+$0x0] =	vst.idx.add.f32.msk $0xffff, v9  }
0x5b4: {  	[tilespmem:v13+s9+$0x0] =	vst.idx.add.f32.msk $0xffff, v10  }
0x5b5: {  	[tilespmem:v7+s9+$0x0] =	vst.idx.add.f32.msk $0xffff, v11  }
0x5b6: {  	v9 =	vld [tilespmem:s26+$0x100]  }
0x5b7: {  	v10 =	vld [tilespmem:s30+$0x100]  }
0x5b8: {  	v11 =	vld [tilespmem:s31+$0x100]  }
0x5b9: {  	[tilespmem:v5+s9+$0x0] =	vst.idx.add.f32.msk $0xffff, v12  }
0x5ba: {  	v12 =	vld [tilespmem:s0+$0x100]  }
0x5bb: {  	[tilespmem:v8+s10+$0x0] =	vst.idx.add.f32.msk $0xffff, v9  }
0x5bc: {  	[tilespmem:v13+s10+$0x0] =	vst.idx.add.f32.msk $0xffff, v10  }
0x5bd: {  	[tilespmem:v7+s10+$0x0] =	vst.idx.add.f32.msk $0xffff, v11  }
0x5be: {  	v9 =	vld [tilespmem:s26+$0x180]  }
0x5bf: {  	p2 =	por $0x0, $0x0;
	s1 =	simm.s32 $0x1;
	v10 =	vld [tilespmem:s30+$0x180]  }
0x5c0: {  	s1 =	simm.s32 @!p2 $0x0;
	[tilespmem:v5+s10+$0x0] =	vst.idx.add.f32.msk $0xffff, v12  }
0x5c1: {  	s1 =	sshll.u32 s1, $0x6;
	v11 =	vld [tilespmem:s31+$0x180]  }
0x5c2: {  	s1 =	sadd.s32 $0x0, s1;
	v12 =	vld [tilespmem:s0+$0x180]  }
0x5c3: {  	s6 =	sadd.s32 $0x30, s1;
	[tilespmem:v8+s11+$0x0] =	vst.idx.add.f32.msk $0xffff, v9  }
0x5c4: {  	s16 =	sor.u32 $0x200, s6;
	[tilespmem:v13+s11+$0x0] =	vst.idx.add.f32.msk $0xffff, v10  }
0x5c5: {  	v9 =	vld [tilespmem:s16+$0xF000]  }
0x5c6: {  	s19 =	sadd.s32 $0x10, s1;
	[tilespmem:v7+s11+$0x0] =	vst.idx.add.f32.msk $0xffff, v11  }
0x5c7: {  	s4 =	sadd.s32 $0x20, s1;
	s21 =	sor.u32 $0x200, s19;
	[tilespmem:v5+s11+$0x0] =	vst.idx.add.f32.msk $0xffff, v12  }
0x5c8: {  	s22 =	sor.u32 $0x200, s4;
	v10 =	vld [tilespmem:s21+$0xF000]  }
0x5c9: {  	v11 =	vld [tilespmem:s22+$0xF000]  }
0x5ca: {  	s17 =	sor.u32 $0x280, s6;
	[tilespmem:v8+s12+$0x0] =	vst.idx.add.f32.msk $0xffff, v9  }
0x5cb: {  	s25 =	sor.u32 $0x200, s1;
	v9 =	vld [tilespmem:s17+$0xF000]  }
0x5cc: {  	v12 =	vld [tilespmem:s25+$0xF000]  }
0x5cd: {  	[tilespmem:v13+s12+$0x0] =	vst.idx.add.f32.msk $0xffff, v10  }
0x5ce: {  	s30 =	sor.u32 $0x280, s4;
	[tilespmem:v7+s12+$0x0] =	vst.idx.add.f32.msk $0xffff, v11  }
0x5cf: {  	v10 =	vld [tilespmem:s30+$0xF000]  }
0x5d0: {  	s18 =	sor.u32 $0x300, s6;
	[tilespmem:v8+s13+$0x0] =	vst.idx.add.f32.msk $0xffff, v9  }
0x5d1: {  	v9 =	vld [tilespmem:s18+$0xF000]  }
0x5d2: {  	s31 =	sor.u32 $0x280, s1;
	[tilespmem:v5+s12+$0x0] =	vst.idx.add.f32.msk $0xffff, v12  }
0x5d3: {  	v11 =	vld [tilespmem:s31+$0xF000];
	_ =	sdelay $0x1  }
0x5d4: {  	[tilespmem:v7+s13+$0x0] =	vst.idx.add.f32.msk $0xffff, v10  }
0x5d5: {  	s26 =	sor.u32 $0x280, s19;
	[tilespmem:v8+s14+$0x0] =	vst.idx.add.f32.msk $0xffff, v9  }
0x5d6: {  	s20 =	simm.s32 $0x40;
	v9 =	vld [tilespmem:s26+$0xF000]  }
0x5d7: {  	s28 =	sand.u32 $0x40, s20;
	s17 =	sor.u32 $0x300, s4;
	[tilespmem:v5+s13+$0x0] =	vst.idx.add.f32.msk $0xffff, v11;
	s18 =	sand.u32 $0x180, s20  }
0x5d8: {  	s2 =	sor.u32 $0x30, s28;
	s1 =	sor.u32 $0x300, s1;
	v11 =	vld [tilespmem:s17+$0xF000];
	s21 =	sor.u32 $0x1800, s18  }
0x5d9: {  	v16 =	vld [tilespmem:s1+$0xF000];
	s22 =	sor.u32 s2, s21  }
0x5da: {  	v12 =	vld [tilespmem:s22+$0x0]  }
0x5db: {  	s0 =	sor.u32 $0x10, s28;
	s16 =	sor.u32 $0x300, s19;
	[tilespmem:v13+s13+$0x0] =	vst.idx.add.f32.msk $0xffff, v9  }
0x5dc: {  	s25 =	sor.u32 s0, s21;
	v9 =	vld [tilespmem:s16+$0xF000]  }
0x5dd: {  	v15 =	vld [tilespmem:s25+$0x0]  }
0x5de: {  	[tilespmem:v7+s14+$0x0] =	vst.idx.add.f32.msk $0xffff, v11  }
0x5df: {  	s6 =	sor.u32 $0x380, s6;
	[tilespmem:v5+s14+$0x0] =	vst.idx.add.f32.msk $0xffff, v16  }
0x5e0: {  	v14 =	vld [tilespmem:s6+$0xF000]  }
0x5e1: {  	s29 =	sor.u32 $0x20, s28;
	s19 =	sor.u32 $0x380, s19;
	[tilespmem:v13+s14+$0x0] =	vst.idx.add.f32.msk $0xffff, v9  }
0x5e2: {  	s26 =	sor.u32 s29, s21;
	v17 =	vld [tilespmem:s19+$0xF000]  }
0x5e3: {  	s31 =	sor.u32 $0x380, s4;
	v10 =	vld [tilespmem:s26+$0x0]  }
0x5e4: {  	s30 =	sor.u32 s24, s23;
	v11 =	vld [tilespmem:s31+$0xF000]  }
0x5e5: {  	s1 =	sor.u32 $0x380, s30;
	[tilespmem:v8+s15+$0x0] =	vst.idx.add.f32.msk $0xffff, v14  }
0x5e6: {  	v9 =	vld [tilespmem:s1+$0xF000]  }
0x5e7: {  	s24 =	simm.s32 $0x1880;
	s23 =	simm.s32 $0x200;
	v8 =	vmov v6;
	[tilespmem:v13+s15+$0x0] =	vst.idx.add.f32.msk $0xffff, v17  }
.LBB2_16:
0x5e8: {  	v14 =	vld [tilespmem:s24+$0x0];
	s1 =	sand.u32 $0xC00, s23;
	s3 =	sor.u32 s23, s20;
	v13 =	vmov v15  }
0x5e9: {  	[tilespmem:v6+s7+$0x0] =	vst.idx.add.s32.msk $0xffff, v4;
	s1 =	sor.u32 $0xF000, s1;
	s25 =	sor.u32 $0x380, s3  }
0x5ea: {  	s30 =	sor.u32 s0, s1;
	s29 =	sor.u32 s29, s1;
	[tilespmem:v12+s7+$0x0] =	vst.idx.add.s32.msk $0xffff, v4;
	s0 =	sor.u32 s2, s1  }
0x5eb: {  	s28 =	sor.u32 s28, s1;
	v16 =	vld [tilespmem:s0+$0x0]  }
0x5ec: {  	[tilespmem:v15+s7+$0x0] =	vst.idx.add.s32.msk $0xffff, v4  }
0x5ed: {  	[tilespmem:v10+s7+$0x0] =	vst.idx.add.s32.msk $0xffff, v4  }
0x5ee: {  	v15 =	vld [tilespmem:s30+$0x0]  }
0x5ef: {  	v17 =	vld [tilespmem:s29+$0x0]  }
0x5f0: {  	[tilespmem:v12+s8+$0x0] =	vst.idx.add.f32.msk $0xffff, v16  }
0x5f1: {  	v16 =	vld [tilespmem:s0+$0x80]  }
0x5f2: {  	v18 =	vld [tilespmem:s28+$0x0]  }
0x5f3: {  	[tilespmem:v13+s8+$0x0] =	vst.idx.add.f32.msk $0xffff, v15  }
0x5f4: {  	[tilespmem:v10+s8+$0x0] =	vst.idx.add.f32.msk $0xffff, v17  }
0x5f5: {  	v15 =	vld [tilespmem:s30+$0x80]  }
0x5f6: {  	[tilespmem:v12+s9+$0x0] =	vst.idx.add.f32.msk $0xffff, v16  }
0x5f7: {  	v16 =	vld [tilespmem:s0+$0x100]  }
0x5f8: {  	[tilespmem:v6+s8+$0x0] =	vst.idx.add.f32.msk $0xffff, v18  }
0x5f9: {  	v17 =	vld [tilespmem:s29+$0x80]  }
0x5fa: {  	v18 =	vld [tilespmem:s28+$0x80]  }
0x5fb: {  	[tilespmem:v13+s9+$0x0] =	vst.idx.add.f32.msk $0xffff, v15  }
0x5fc: {  	[tilespmem:v12+s10+$0x0] =	vst.idx.add.f32.msk $0xffff, v16  }
0x5fd: {  	p2 =	por !p2, !p2;
	v15 =	vld [tilespmem:s0+$0x180];
	s0 =	simm.s32 $0x1  }
0x5fe: {  	s0 =	simm.s32 @!p2 $0x0;
	[tilespmem:v10+s9+$0x0] =	vst.idx.add.f32.msk $0xffff, v17  }
0x5ff: {  	s0 =	sshll.u32 s0, $0x6;
	[tilespmem:v6+s9+$0x0] =	vst.idx.add.f32.msk $0xffff, v18  }
0x600: {  	s0 =	sadd.s32 s0, s23;
	v16 =	vld [tilespmem:s30+$0x100]  }
0x601: {  	s1 =	sadd.s32 $0x10, s0;
	v17 =	vld [tilespmem:s29+$0x100];
	s3 =	sadd.s32 $0x20, s0;
	s4 =	sadd.s32 $0x30, s0  }
0x602: {  	s5 =	sor.u32 $0x200, s1;
	s6 =	sor.u32 $0x200, s3;
	[tilespmem:v12+s11+$0x0] =	vst.idx.add.f32.msk $0xffff, v15;
	s2 =	sor.u32 $0x200, s4  }
0x603: {  	s16 =	sor.u32 $0x200, s0;
	s17 =	sor.u32 $0x280, s1;
	s18 =	sor.u32 $0x280, s3;
	v15 =	vld [tilespmem:s2+$0xF000]  }
0x604: {  	s19 =	sor.u32 $0x280, s0;
	s21 =	sor.u32 $0x300, s1;
	s2 =	sor.u32 $0x300, s3;
	v18 =	vld [tilespmem:s28+$0x100]  }
0x605: {  	s0 =	sor.u32 $0x300, s0;
	s31 =	sor.u32 $0x380, s1;
	s26 =	sor.u32 $0x380, s3;
	[tilespmem:v13+s10+$0x0] =	vst.idx.add.f32.msk $0xffff, v16  }
0x606: {  	[tilespmem:v10+s10+$0x0] =	vst.idx.add.f32.msk $0xffff, v17  }
0x607: {  	v16 =	vld [tilespmem:s30+$0x180]  }
0x608: {  	s1 =	sor.u32 $0x280, s4;
	[tilespmem:v12+s12+$0x0] =	vst.idx.add.f32.msk $0xffff, v15  }
0x609: {  	v15 =	vld [tilespmem:s1+$0xF000]  }
0x60a: {  	[tilespmem:v6+s10+$0x0] =	vst.idx.add.f32.msk $0xffff, v18  }
0x60b: {  	v17 =	vld [tilespmem:s29+$0x180]  }
0x60c: {  	v18 =	vld [tilespmem:s28+$0x180]  }
0x60d: {  	[tilespmem:v13+s11+$0x0] =	vst.idx.add.f32.msk $0xffff, v16  }
0x60e: {  	s1 =	sor.u32 $0x300, s4;
	[tilespmem:v12+s13+$0x0] =	vst.idx.add.f32.msk $0xffff, v15  }
0x60f: {  	v15 =	vld [tilespmem:s1+$0xF000]  }
0x610: {  	[tilespmem:v10+s11+$0x0] =	vst.idx.add.f32.msk $0xffff, v17  }
0x611: {  	[tilespmem:v6+s11+$0x0] =	vst.idx.add.f32.msk $0xffff, v18  }
0x612: {  	v16 =	vld [tilespmem:s5+$0xF000]  }
0x613: {  	v17 =	vld [tilespmem:s6+$0xF000]  }
0x614: {  	s1 =	sor.u32 $0x380, s4;
	[tilespmem:v12+s14+$0x0] =	vst.idx.add.f32.msk $0xffff, v15  }
0x615: {  	v15 =	vld [tilespmem:s1+$0xF000]  }
0x616: {  	v18 =	vld [tilespmem:s16+$0xF000]  }
0x617: {  	[tilespmem:v13+s12+$0x0] =	vst.idx.add.f32.msk $0xffff, v16  }
0x618: {  	[tilespmem:v10+s12+$0x0] =	vst.idx.add.f32.msk $0xffff, v17  }
0x619: {  	v16 =	vld [tilespmem:s17+$0xF000]  }
0x61a: {  	[tilespmem:v12+s15+$0x0] =	vst.idx.add.f32.msk $0xffff, v15  }
0x61b: {  	[tilespmem:v6+s12+$0x0] =	vst.idx.add.f32.msk $0xffff, v18  }
0x61c: {  	v12 =	vld [tilespmem:s18+$0xF000]  }
0x61d: {  	v15 =	vld [tilespmem:s19+$0xF000]  }
0x61e: {  	[tilespmem:v13+s13+$0x0] =	vst.idx.add.f32.msk $0xffff, v16  }
0x61f: {  	v16 =	vld [tilespmem:s21+$0xF000]  }
0x620: {  	[tilespmem:v7+s15+$0x0] =	vst.idx.add.f32.msk $0xffff, v11;
	v7 =	vmov v10  }
0x621: {  	[tilespmem:v10+s13+$0x0] =	vst.idx.add.f32.msk $0xffff, v12  }
0x622: {  	[tilespmem:v6+s13+$0x0] =	vst.idx.add.f32.msk $0xffff, v15  }
0x623: {  	v10 =	vld [tilespmem:s2+$0xF000]  }
0x624: {  	v11 =	vld [tilespmem:s0+$0xF000]  }
0x625: {  	[tilespmem:v13+s14+$0x0] =	vst.idx.add.f32.msk $0xffff, v16  }
0x626: {  	s20 =	sadd.s32 $0x40, s20;
	v16 =	vld [tilespmem:s31+$0xF000]  }
0x627: {  	p3 =	slt.u32 s20, $0x1C0;
	s28 =	sand.u32 $0x40, s20;
	s1 =	sand.u32 $0x180, s20;
	[tilespmem:v5+s15+$0x0] =	vst.idx.add.f32.msk $0xffff, v9;
	v5 =	vmov v6;
	v6 =	vmov v14  }
0x628: {  	s1 =	sor.u32 $0x1800, s1;
	s2 =	sor.u32 $0x30, s28;
	s0 =	sor.u32 $0x10, s28;
	[tilespmem:v7+s14+$0x0] =	vst.idx.add.f32.msk $0xffff, v10  }
0x629: {  	s29 =	sor.u32 $0x20, s28;
	s4 =	sor.u32 s2, s1;
	s3 =	sor.u32 s0, s1;
	[tilespmem:v8+s14+$0x0] =	vst.idx.add.f32.msk $0xffff, v11;
	v8 =	vmov v14  }
0x62a: {  	s1 =	sor.u32 s29, s1;
	v12 =	vld [tilespmem:s4+$0x0]  }
.Ltmp9:
0x62b: {  	v15 =	vld [tilespmem:s3+$0x0];
	(pc) =	sbr.rel @p3 .LBB2_16-.Ltmp9, $4  }
0x62c: {  	v10 =	vld [tilespmem:s1+$0x0]  }
0x62d: {  	v11 =	vld [tilespmem:s26+$0xF000]  }
0x62e: {  	v9 =	vld [tilespmem:s25+$0xF000]  }
0x62f: {  	s24 =	sadd.s32 $0x40, s24;
	s23 =	sadd.s32 $0x200, s23;
	[tilespmem:v13+s15+$0x0] =	vst.idx.add.f32.msk $0xffff, v16  }
0x630: {  	_ =	sdelay $0x3  }
0x631: {  	[tilespmem:v6+s7+$0x0] =	vst.idx.add.s32.msk $0xffff, v4  }
0x632: {  	s1 =	sand.u32 $0xC00, s23;
	[tilespmem:v12+s7+$0x0] =	vst.idx.add.s32.msk $0xffff, v4  }
0x633: {  	[tilespmem:v15+s7+$0x0] =	vst.idx.add.s32.msk $0xffff, v4;
	s1 =	sor.u32 $0xF000, s1  }
0x634: {  	[tilespmem:v10+s7+$0x0] =	vst.idx.add.s32.msk $0xffff, v4;
	s2 =	sor.u32 s2, s1  }
0x635: {  	s0 =	sor.u32 s0, s1;
	v13 =	vld [tilespmem:s2+$0x0]  }
0x636: {  	s3 =	sor.u32 s29, s1;
	v14 =	vld [tilespmem:s0+$0x0]  }
0x637: {  	v16 =	vld [tilespmem:s3+$0x0]  }
0x638: {  	s1 =	sor.u32 s28, s1;
	[tilespmem:v7+s15+$0x0] =	vst.idx.add.f32.msk $0xffff, v11  }
0x639: {  	v17 =	vld [tilespmem:s1+$0x0]  }
0x63a: {  	[tilespmem:v12+s8+$0x0] =	vst.idx.add.f32.msk $0xffff, v13  }
0x63b: {  	[tilespmem:v15+s8+$0x0] =	vst.idx.add.f32.msk $0xffff, v14  }
0x63c: {  	[tilespmem:v10+s8+$0x0] =	vst.idx.add.f32.msk $0xffff, v16  }
0x63d: {  	v13 =	vld [tilespmem:s2+$0x80]  }
0x63e: {  	v14 =	vld [tilespmem:s0+$0x80]  }
0x63f: {  	v16 =	vld [tilespmem:s3+$0x80]  }
0x640: {  	[tilespmem:v6+s8+$0x0] =	vst.idx.add.f32.msk $0xffff, v17  }
0x641: {  	v17 =	vld [tilespmem:s1+$0x80]  }
0x642: {  	[tilespmem:v12+s9+$0x0] =	vst.idx.add.f32.msk $0xffff, v13  }
0x643: {  	[tilespmem:v15+s9+$0x0] =	vst.idx.add.f32.msk $0xffff, v14  }
0x644: {  	[tilespmem:v10+s9+$0x0] =	vst.idx.add.f32.msk $0xffff, v16  }
0x645: {  	v13 =	vld [tilespmem:s2+$0x100]  }
0x646: {  	v14 =	vld [tilespmem:s0+$0x100]  }
0x647: {  	v16 =	vld [tilespmem:s3+$0x100]  }
0x648: {  	[tilespmem:v6+s9+$0x0] =	vst.idx.add.f32.msk $0xffff, v17  }
0x649: {  	v17 =	vld [tilespmem:s1+$0x100]  }
0x64a: {  	[tilespmem:v12+s10+$0x0] =	vst.idx.add.f32.msk $0xffff, v13  }
0x64b: {  	[tilespmem:v15+s10+$0x0] =	vst.idx.add.f32.msk $0xffff, v14  }
0x64c: {  	[tilespmem:v10+s10+$0x0] =	vst.idx.add.f32.msk $0xffff, v16  }
0x64d: {  	v13 =	vld [tilespmem:s2+$0x180]  }
0x64e: {  	v14 =	vld [tilespmem:s0+$0x180]  }
0x64f: {  	p2 =	por !p2, !p2;
	s2 =	simm.s32 $0x1;
	v16 =	vld [tilespmem:s3+$0x180]  }
0x650: {  	[tilespmem:v6+s10+$0x0] =	vst.idx.add.f32.msk $0xffff, v17;
	s2 =	simm.s32 @!p2 $0x0  }
0x651: {  	v17 =	vld [tilespmem:s1+$0x180];
	s2 =	sshll.u32 s2, $0x6  }
0x652: {  	s2 =	sadd.s32 s2, s23;
	[tilespmem:v12+s11+$0x0] =	vst.idx.add.f32.msk $0xffff, v13  }
0x653: {  	s4 =	sadd.s32 $0x30, s2;
	[tilespmem:v15+s11+$0x0] =	vst.idx.add.f32.msk $0xffff, v14  }
0x654: {  	s17 =	sadd.s32 $0x10, s2;
	s5 =	sor.u32 $0x200, s4;
	[tilespmem:v10+s11+$0x0] =	vst.idx.add.f32.msk $0xffff, v16  }
0x655: {  	s18 =	sadd.s32 $0x20, s2;
	s19 =	sor.u32 $0x200, s17;
	v13 =	vld [tilespmem:s5+$0xF000]  }
0x656: {  	s21 =	sor.u32 $0x200, s18;
	v14 =	vld [tilespmem:s19+$0xF000]  }
0x657: {  	v16 =	vld [tilespmem:s21+$0xF000]  }
0x658: {  	s22 =	sor.u32 $0x200, s2;
	[tilespmem:v6+s11+$0x0] =	vst.idx.add.f32.msk $0xffff, v17  }
0x659: {  	v17 =	vld [tilespmem:s22+$0xF000]  }
0x65a: {  	[tilespmem:v12+s12+$0x0] =	vst.idx.add.f32.msk $0xffff, v13  }
0x65b: {  	[tilespmem:v15+s12+$0x0] =	vst.idx.add.f32.msk $0xffff, v14  }
0x65c: {  	s6 =	sor.u32 $0x280, s4;
	[tilespmem:v10+s12+$0x0] =	vst.idx.add.f32.msk $0xffff, v16  }
0x65d: {  	s25 =	sor.u32 $0x280, s18;
	v13 =	vld [tilespmem:s6+$0xF000]  }
0x65e: {  	v58 =	vld [tilespmem:s25+$0xF000]  }
0x65f: {  	s26 =	sor.u32 $0x280, s2;
	[tilespmem:v6+s12+$0x0] =	vst.idx.add.f32.msk $0xffff, v17  }
0x660: {  	s24 =	sor.u32 $0x280, s17;
	v59 =	vld [tilespmem:s26+$0xF000]  }
0x661: {  	v57 =	vld [tilespmem:s24+$0xF000]  }
0x662: {  	[tilespmem:v12+s13+$0x0] =	vst.idx.add.f32.msk $0xffff, v13  }
0x663: {  	s16 =	sor.u32 $0x300, s4;
	[tilespmem:v10+s13+$0x0] =	vst.idx.add.f32.msk $0xffff, v58  }
0x664: {  	v13 =	vld [tilespmem:s16+$0xF000]  }
0x665: {  	s30 =	sor.u32 $0x300, s18;
	[tilespmem:v6+s13+$0x0] =	vst.idx.add.f32.msk $0xffff, v59  }
0x666: {  	s2 =	sor.u32 $0x300, s2;
	v14 =	vld [tilespmem:s30+$0xF000]  }
0x667: {  	v16 =	vld [tilespmem:s2+$0xF000]  }
0x668: {  	[tilespmem:v15+s13+$0x0] =	vst.idx.add.f32.msk $0xffff, v57  }
0x669: {  	s29 =	sor.u32 $0x300, s17;
	[tilespmem:v12+s14+$0x0] =	vst.idx.add.f32.msk $0xffff, v13  }
0x66a: {  	v13 =	vld [tilespmem:s29+$0xF000]  }
0x66b: {  	[tilespmem:v10+s14+$0x0] =	vst.idx.add.f32.msk $0xffff, v14  }
0x66c: {  	s28 =	sor.u32 $0x380, s4;
	[tilespmem:v8+s14+$0x0] =	vst.idx.add.f32.msk $0xffff, v16  }
0x66d: {  	s0 =	sor.u32 $0x380, s18;
	v60 =	vld [tilespmem:s28+$0xF000]  }
0x66e: {  	v62 =	vld [tilespmem:s0+$0xF000]  }
0x66f: {  	s31 =	sor.u32 s23, s20;
	s1 =	sor.u32 $0x380, s17;
	[tilespmem:v15+s14+$0x0] =	vst.idx.add.f32.msk $0xffff, v13  }
0x670: {  	v61 =	vld [tilespmem:s1+$0xF000];
	s1 =	sor.u32 $0x380, s31  }
0x671: {  	v63 =	vld [tilespmem:s1+$0xF000]  }
.Ltmp10:
0x672: {  	[tilespmem:v5+s15+$0x0] =	vst.idx.add.f32.msk $0xffff, v9;
	(pc) =	sbr.rel @p0 .LBB2_20-.Ltmp10, $4  }
0x673: {  	[tilespmem:v12+s15+$0x0] =	vst.idx.add.f32.msk $0xffff, v60  }
0x674: {  	[tilespmem:v10+s15+$0x0] =	vst.idx.add.f32.msk $0xffff, v62  }
0x675: {  	[tilespmem:v15+s15+$0x0] =	vst.idx.add.f32.msk $0xffff, v61  }
0x676: {  	[tilespmem:v6+s15+$0x0] =	vst.idx.add.f32.msk $0xffff, v63  }
0x677: {  	s20 =	simm.s32 $0x0;
	s0 =	rddreg [dreg:$0x17];
	s2 =	simm.s32 $0x5  }
0x678: {  	[tilespmem:s20], [sflag:$0x5] =	stream.linear.gather [hbm4b:s0+s20], $0x80, $0x38;
	[tilespmem:$0x1C980] =	vst v63  }
0x679: {  	_ =	swait.ge [sflag:s2], $0x80  }
0x67a: {  	[sflag:s2] =	ssyncset.done $0x0  }
0x67b: {  	s1 =	simm.s32 $0x3000;
	s31 =	rddreg [dreg:$0x13];
	[sflag:s2] =	ssyncadd.s32 $0xFFFFFF80  }
0x67c: {  	[tilespmem:s1], [sflag:$0x5] =	stream.linear.gather [hbm4b:s31+s20], $0x400, $0x38;
	[tilespmem:$0x1C980] =	vst v63  }
0x67d: {  	_ =	swait.ge [sflag:s2], $0x400  }
0x67e: {  	p2 =	por $0x1, $0x1;
	[sflag:s2] =	ssyncset.done $0x0  }
0x67f: {  	s4 =	simm.s32 $0x0;
	s3 =	simm.s32 $0x1C200;
	[sflag:s2] =	ssyncadd.s32 $0xFFFFFC00  }
.LBB2_19:
0x680: {  	v5 =	vld [tilespmem:s20+$0x0];
	_ =	sdelay $0x7  }
0x681: {  	[tilespmem:v5+s7+$0x0] =	vst.idx.add.s32.msk $0xffff, v4  }
0x682: {  	v6 =	vld [tilespmem:s20+$0x3000];
	_ =	sdelay $0x4  }
0x683: {  	[tilespmem:v5+s8+$0x0] =	vst.idx.add.f32.msk $0xffff, v6  }
0x684: {  	v6 =	vld [tilespmem:s20+$0x3080];
	_ =	sdelay $0x4  }
0x685: {  	[tilespmem:v5+s9+$0x0] =	vst.idx.add.f32.msk $0xffff, v6  }
0x686: {  	v6 =	vld [tilespmem:s20+$0x3100];
	_ =	sdelay $0x4  }
0x687: {  	[tilespmem:v5+s10+$0x0] =	vst.idx.add.f32.msk $0xffff, v6  }
0x688: {  	s30 =	sor.u32 $0x20, s20;
	v6 =	vld [tilespmem:s20+$0x3180]  }
0x689: {  	v8 =	vld [tilespmem:s30+$0x0];
	_ =	sdelay $0x1  }
0x68a: {  	s31 =	sor.u32 $0x30, s20  }
0x68b: {  	v9 =	vld [tilespmem:s31+$0x0]  }
0x68c: {  	[tilespmem:v5+s11+$0x0] =	vst.idx.add.f32.msk $0xffff, v6  }
0x68d: {  	v6 =	vld [tilespmem:s20+$0x3200];
	_ =	sdelay $0x2  }
0x68e: {  	[tilespmem:v8+s7+$0x0] =	vst.idx.add.s32.msk $0xffff, v4  }
0x68f: {  	v11 =	vld [tilespmem:s20+$0x3020]  }
0x690: {  	[tilespmem:v5+s12+$0x0] =	vst.idx.add.f32.msk $0xffff, v6  }
0x691: {  	v6 =	vld [tilespmem:s20+$0x3280];
	_ =	sdelay $0x1  }
0x692: {  	[tilespmem:v9+s7+$0x0] =	vst.idx.add.s32.msk $0xffff, v4  }
0x693: {  	v12 =	vld [tilespmem:s20+$0x3030]  }
0x694: {  	[tilespmem:v8+s8+$0x0] =	vst.idx.add.f32.msk $0xffff, v11  }
0x695: {  	s0 =	sor.u32 $0x10, s20;
	[tilespmem:v5+s13+$0x0] =	vst.idx.add.f32.msk $0xffff, v6  }
0x696: {  	v6 =	vld [tilespmem:s0+$0x0]  }
0x697: {  	v11 =	vld [tilespmem:s20+$0x30A0];
	_ =	sdelay $0x2  }
0x698: {  	[tilespmem:v9+s8+$0x0] =	vst.idx.add.f32.msk $0xffff, v12  }
0x699: {  	v12 =	vld [tilespmem:s20+$0x30B0]  }
0x69a: {  	[tilespmem:v8+s9+$0x0] =	vst.idx.add.f32.msk $0xffff, v11  }
0x69b: {  	v11 =	vld [tilespmem:s20+$0x3120]  }
0x69c: {  	[tilespmem:v6+s7+$0x0] =	vst.idx.add.s32.msk $0xffff, v4  }
0x69d: {  	v10 =	vld [tilespmem:s20+$0x3010]  }
0x69e: {  	[tilespmem:v9+s9+$0x0] =	vst.idx.add.f32.msk $0xffff, v12  }
0x69f: {  	v12 =	vld [tilespmem:s20+$0x3130]  }
0x6a0: {  	[tilespmem:v8+s10+$0x0] =	vst.idx.add.f32.msk $0xffff, v11  }
0x6a1: {  	v11 =	vld [tilespmem:s20+$0x31A0]  }
0x6a2: {  	[tilespmem:v6+s8+$0x0] =	vst.idx.add.f32.msk $0xffff, v10  }
0x6a3: {  	v10 =	vld [tilespmem:s20+$0x3090]  }
0x6a4: {  	[tilespmem:v9+s10+$0x0] =	vst.idx.add.f32.msk $0xffff, v12  }
0x6a5: {  	v12 =	vld [tilespmem:s20+$0x31B0];
	_ =	sdelay $0x1  }
0x6a6: {  	[tilespmem:v8+s11+$0x0] =	vst.idx.add.f32.msk $0xffff, v11  }
0x6a7: {  	[tilespmem:v6+s9+$0x0] =	vst.idx.add.f32.msk $0xffff, v10  }
0x6a8: {  	v10 =	vld [tilespmem:s20+$0x3110]  }
0x6a9: {  	[tilespmem:v9+s11+$0x0] =	vst.idx.add.f32.msk $0xffff, v12  }
0x6aa: {  	v11 =	vld [tilespmem:s20+$0x3220]  }
0x6ab: {  	v12 =	vld [tilespmem:s20+$0x3230];
	_ =	sdelay $0x1  }
0x6ac: {  	[tilespmem:v6+s10+$0x0] =	vst.idx.add.f32.msk $0xffff, v10  }
0x6ad: {  	v10 =	vld [tilespmem:s20+$0x3190]  }
0x6ae: {  	[tilespmem:v8+s12+$0x0] =	vst.idx.add.f32.msk $0xffff, v11  }
0x6af: {  	[tilespmem:v9+s12+$0x0] =	vst.idx.add.f32.msk $0xffff, v12  }
0x6b0: {  	v11 =	vld [tilespmem:s20+$0x32A0]  }
0x6b1: {  	v12 =	vld [tilespmem:s20+$0x32B0]  }
0x6b2: {  	[tilespmem:v6+s11+$0x0] =	vst.idx.add.f32.msk $0xffff, v10  }
0x6b3: {  	v10 =	vld [tilespmem:s20+$0x3210];
	_ =	sdelay $0x1  }
0x6b4: {  	v7 =	vld [tilespmem:s20+$0x3300]  }
0x6b5: {  	[tilespmem:v8+s13+$0x0] =	vst.idx.add.f32.msk $0xffff, v11  }
0x6b6: {  	[tilespmem:v9+s13+$0x0] =	vst.idx.add.f32.msk $0xffff, v12  }
0x6b7: {  	[tilespmem:v6+s12+$0x0] =	vst.idx.add.f32.msk $0xffff, v10  }
0x6b8: {  	v10 =	vld [tilespmem:s20+$0x3290]  }
0x6b9: {  	v11 =	vld [tilespmem:s20+$0x3320]  }
0x6ba: {  	v12 =	vld [tilespmem:s20+$0x3330]  }
0x6bb: {  	[tilespmem:v5+s14+$0x0] =	vst.idx.add.f32.msk $0xffff, v7  }
0x6bc: {  	v7 =	vld [tilespmem:s20+$0x3380]  }
0x6bd: {  	[tilespmem:v6+s13+$0x0] =	vst.idx.add.f32.msk $0xffff, v10  }
0x6be: {  	v10 =	vld [tilespmem:s20+$0x3310]  }
0x6bf: {  	[tilespmem:v8+s14+$0x0] =	vst.idx.add.f32.msk $0xffff, v11  }
0x6c0: {  	[tilespmem:v9+s14+$0x0] =	vst.idx.add.f32.msk $0xffff, v12  }
0x6c1: {  	v11 =	vld [tilespmem:s20+$0x33A0]  }
0x6c2: {  	v12 =	vld [tilespmem:s20+$0x33B0]  }
0x6c3: {  	[tilespmem:v6+s14+$0x0] =	vst.idx.add.f32.msk $0xffff, v10  }
0x6c4: {  	p3 =	por p2, p2;
	v10 =	vld [tilespmem:s20+$0x3390]  }
.Ltmp11:
0x6c5: {  	_ = 	snop;
	(pc) =	sbr.rel @p3 .LBB2_19-.Ltmp11, $4  }
0x6c6: {  	[tilespmem:v5+s15+$0x0] =	vst.idx.add.f32.msk $0xffff, v7  }
0x6c7: {  	[tilespmem:v8+s15+$0x0] =	vst.idx.add.f32.msk $0xffff, v11  }
0x6c8: {  	[tilespmem:v9+s15+$0x0] =	vst.idx.add.f32.msk $0xffff, v12  }
0x6c9: {  	p2 =	por $0x0, $0x0;
	s20 =	simm.s32 $0x40;
	[tilespmem:v6+s15+$0x0] =	vst.idx.add.f32.msk $0xffff, v10  }
.Ltmp12:
0x6ca: {  	_ = 	snop;
	(pc) =	sbr.rel .LBB2_22-.Ltmp12, $1  }
0x6cb: {  	_ =	sdelay $0x3  }
.LBB2_20:
.Ltmp13:
0x6cc: {  	(pc) =	sbr.rel @p1 .LBB2_22-.Ltmp13, $2  }
0x6cd: {  	_ =	sdelay $0x2  }
0x6ce: {  	s4 =	simm.s32 $0x0;
	s2 =	simm.s32 $0x5;
	s3 =	simm.s32 $0x1C200  }
0x6cf: {  	s0 =	rddreg [dreg:$0x18]  }
0x6d0: {  	[tilespmem:s4], [sflag:$0x5] =	stream.linear.gather [hbm4b:s0+s4], $0x40, $0x38;
	[tilespmem:$0x1C980] =	vst v63  }
0x6d1: {  	_ =	swait.ge [sflag:s2], $0x40  }
0x6d2: {  	[sflag:s2] =	ssyncset.done $0x0  }
0x6d3: {  	[sflag:s2] =	ssyncadd.s32 $0xFFFFFFC0  }
0x6d4: {  	s1 =	simm.s32 $0x1C780;
	s31 =	rddreg [dreg:$0x4]  }
0x6d5: {  	[tilespmem:s1], [sflag:$0x5] =	stream.linear.gather [hbm4b:s31+s4], $0x200, $0x38;
	[tilespmem:$0x1C980] =	vst v63  }
0x6d6: {  	_ =	swait.ge [sflag:s2], $0x200  }
0x6d7: {  	[sflag:s2] =	ssyncset.done $0x0  }
0x6d8: {  	[sflag:s2] =	ssyncadd.s32 $0xFFFFFE00  }
0x6d9: {  	v5 =	vld [tilespmem:$0x0];
	_ =	sdelay $0x7  }
0x6da: {  	[tilespmem:v5+s7+$0x0] =	vst.idx.add.s32.msk $0xffff, v4  }
0x6db: {  	v6 =	vld [tilespmem:$0x1C780];
	_ =	sdelay $0x4  }
0x6dc: {  	[tilespmem:v5+s8+$0x0] =	vst.idx.add.f32.msk $0xffff, v6  }
0x6dd: {  	v6 =	vld [tilespmem:$0x1C7C0];
	_ =	sdelay $0x4  }
0x6de: {  	[tilespmem:v5+s9+$0x0] =	vst.idx.add.f32.msk $0xffff, v6  }
0x6df: {  	v6 =	vld [tilespmem:$0x1C800];
	_ =	sdelay $0x4  }
0x6e0: {  	[tilespmem:v5+s10+$0x0] =	vst.idx.add.f32.msk $0xffff, v6  }
0x6e1: {  	v6 =	vld [tilespmem:$0x1C840];
	_ =	sdelay $0x4  }
0x6e2: {  	[tilespmem:v5+s11+$0x0] =	vst.idx.add.f32.msk $0xffff, v6  }
0x6e3: {  	v6 =	vld [tilespmem:$0x1C880];
	_ =	sdelay $0x4  }
0x6e4: {  	[tilespmem:v5+s12+$0x0] =	vst.idx.add.f32.msk $0xffff, v6  }
0x6e5: {  	v6 =	vld [tilespmem:$0x1C8C0];
	_ =	sdelay $0x4  }
0x6e6: {  	[tilespmem:v5+s13+$0x0] =	vst.idx.add.f32.msk $0xffff, v6  }
0x6e7: {  	v6 =	vld [tilespmem:$0x1C900];
	_ =	sdelay $0x4  }
0x6e8: {  	[tilespmem:v5+s14+$0x0] =	vst.idx.add.f32.msk $0xffff, v6  }
0x6e9: {  	v6 =	vld [tilespmem:$0x1C940];
	_ =	sdelay $0x4  }
0x6ea: {  	[tilespmem:v5+s15+$0x0] =	vst.idx.add.f32.msk $0xffff, v6  }
0x6eb: {  	v5 =	vld [tilespmem:$0x10];
	_ =	sdelay $0x7  }
0x6ec: {  	[tilespmem:v5+s7+$0x0] =	vst.idx.add.s32.msk $0xffff, v4  }
0x6ed: {  	v6 =	vld [tilespmem:$0x1C790];
	_ =	sdelay $0x4  }
0x6ee: {  	[tilespmem:v5+s8+$0x0] =	vst.idx.add.f32.msk $0xffff, v6  }
0x6ef: {  	v6 =	vld [tilespmem:$0x1C7D0];
	_ =	sdelay $0x4  }
0x6f0: {  	[tilespmem:v5+s9+$0x0] =	vst.idx.add.f32.msk $0xffff, v6  }
0x6f1: {  	v6 =	vld [tilespmem:$0x1C810];
	_ =	sdelay $0x4  }
0x6f2: {  	[tilespmem:v5+s10+$0x0] =	vst.idx.add.f32.msk $0xffff, v6  }
0x6f3: {  	v6 =	vld [tilespmem:$0x1C850];
	_ =	sdelay $0x4  }
0x6f4: {  	[tilespmem:v5+s11+$0x0] =	vst.idx.add.f32.msk $0xffff, v6  }
0x6f5: {  	v6 =	vld [tilespmem:$0x1C890];
	_ =	sdelay $0x4  }
0x6f6: {  	[tilespmem:v5+s12+$0x0] =	vst.idx.add.f32.msk $0xffff, v6  }
0x6f7: {  	v6 =	vld [tilespmem:$0x1C8D0];
	_ =	sdelay $0x4  }
0x6f8: {  	[tilespmem:v5+s13+$0x0] =	vst.idx.add.f32.msk $0xffff, v6  }
0x6f9: {  	v6 =	vld [tilespmem:$0x1C910];
	_ =	sdelay $0x4  }
0x6fa: {  	[tilespmem:v5+s14+$0x0] =	vst.idx.add.f32.msk $0xffff, v6  }
0x6fb: {  	v6 =	vld [tilespmem:$0x1C950];
	_ =	sdelay $0x4  }
0x6fc: {  	[tilespmem:v5+s15+$0x0] =	vst.idx.add.f32.msk $0xffff, v6  }
0x6fd: {  	v5 =	vld [tilespmem:$0x20];
	_ =	sdelay $0x7  }
0x6fe: {  	[tilespmem:v5+s7+$0x0] =	vst.idx.add.s32.msk $0xffff, v4  }
0x6ff: {  	v6 =	vld [tilespmem:$0x1C7A0];
	_ =	sdelay $0x4  }
0x700: {  	[tilespmem:v5+s8+$0x0] =	vst.idx.add.f32.msk $0xffff, v6  }
0x701: {  	v6 =	vld [tilespmem:$0x1C7E0];
	_ =	sdelay $0x4  }
0x702: {  	[tilespmem:v5+s9+$0x0] =	vst.idx.add.f32.msk $0xffff, v6  }
0x703: {  	v6 =	vld [tilespmem:$0x1C820];
	_ =	sdelay $0x4  }
0x704: {  	[tilespmem:v5+s10+$0x0] =	vst.idx.add.f32.msk $0xffff, v6  }
0x705: {  	v6 =	vld [tilespmem:$0x1C860];
	_ =	sdelay $0x4  }
0x706: {  	[tilespmem:v5+s11+$0x0] =	vst.idx.add.f32.msk $0xffff, v6  }
0x707: {  	v6 =	vld [tilespmem:$0x1C8A0];
	_ =	sdelay $0x4  }
0x708: {  	[tilespmem:v5+s12+$0x0] =	vst.idx.add.f32.msk $0xffff, v6  }
0x709: {  	v6 =	vld [tilespmem:$0x1C8E0];
	_ =	sdelay $0x4  }
0x70a: {  	[tilespmem:v5+s13+$0x0] =	vst.idx.add.f32.msk $0xffff, v6  }
0x70b: {  	v6 =	vld [tilespmem:$0x1C920];
	_ =	sdelay $0x4  }
0x70c: {  	[tilespmem:v5+s14+$0x0] =	vst.idx.add.f32.msk $0xffff, v6  }
0x70d: {  	v6 =	vld [tilespmem:$0x1C960];
	_ =	sdelay $0x4  }
0x70e: {  	[tilespmem:v5+s15+$0x0] =	vst.idx.add.f32.msk $0xffff, v6  }
0x70f: {  	v5 =	vld [tilespmem:$0x30];
	_ =	sdelay $0x7  }
0x710: {  	[tilespmem:v5+s7+$0x0] =	vst.idx.add.s32.msk $0xffff, v4  }
0x711: {  	v6 =	vld [tilespmem:$0x1C7B0];
	_ =	sdelay $0x4  }
0x712: {  	[tilespmem:v5+s8+$0x0] =	vst.idx.add.f32.msk $0xffff, v6  }
0x713: {  	v6 =	vld [tilespmem:$0x1C7F0];
	_ =	sdelay $0x4  }
0x714: {  	[tilespmem:v5+s9+$0x0] =	vst.idx.add.f32.msk $0xffff, v6  }
0x715: {  	v6 =	vld [tilespmem:$0x1C830];
	_ =	sdelay $0x4  }
0x716: {  	[tilespmem:v5+s10+$0x0] =	vst.idx.add.f32.msk $0xffff, v6  }
0x717: {  	v6 =	vld [tilespmem:$0x1C870];
	_ =	sdelay $0x4  }
0x718: {  	[tilespmem:v5+s11+$0x0] =	vst.idx.add.f32.msk $0xffff, v6  }
0x719: {  	v6 =	vld [tilespmem:$0x1C8B0];
	_ =	sdelay $0x4  }
0x71a: {  	[tilespmem:v5+s12+$0x0] =	vst.idx.add.f32.msk $0xffff, v6  }
0x71b: {  	v6 =	vld [tilespmem:$0x1C8F0];
	_ =	sdelay $0x4  }
0x71c: {  	[tilespmem:v5+s13+$0x0] =	vst.idx.add.f32.msk $0xffff, v6  }
0x71d: {  	v6 =	vld [tilespmem:$0x1C930];
	_ =	sdelay $0x4  }
0x71e: {  	[tilespmem:v5+s14+$0x0] =	vst.idx.add.f32.msk $0xffff, v6  }
0x71f: {  	v6 =	vld [tilespmem:$0x1C970]  }
.Ltmp14:
0x720: {  	_ = 	snop;
	(pc) =	sbr.rel .LBB2_22-.Ltmp14, $2  }
0x721: {  	_ =	sdelay $0x2  }
0x722: {  	[tilespmem:v5+s15+$0x0] =	vst.idx.add.f32.msk $0xffff, v6  }
.LBB2_23:
0x723: {  	_ =	sfence.sel $0x180000  }
0x724: {  	[bflag:$0x0] =	sbarrier.arrive $0xFFFF  }
0x725: {  	_ =	strace $0x90000047  }
0x726: {  	s0 =	stileid.u32;
	[bflag:$0x2] =	sbarrier.arrive $0xFFFF  }
0x727: {  	p0 =	sne.s32 s0, $0x0;
	s0 =	rddreg [dreg:$0x6]  }
0x728: {  	s0 =	sadd.s32 @!p0 $0x100000, s0  }
0x729: {  	[sflag:s0] =	ssyncadd.tile.s32 @!p0 $0x1;
	_ =	shalt  }
.Lfunc_end2:
_tile_overlayer_lowered:
.L_overlay_start_2:
0x72a: {  	(tag) =	ssettag $0x2  }
0x72b: {  	s0 =	rddreg [dreg:$0x0];
	s2 =	stileid.u32  }
0x72c: {  	s1 =	rddreg [dreg:$0x1];
	p0 =	sne.s32 s2, $0x0  }
0x72d: {  	s3 =	rddreg [dreg:$0x2];
	[bflag:$0x3] =	sbarrier.arrive $0xFFFF;
	s2 =	simm.s32 @!p0 $0x1C05  }
0x72e: {  	[timem:s3], [sflag:s2] =	dma.local @!p0 [hbm:s0], s1  }
0x72f: {  	s0 =	simm.s32 @!p0 $0x5  }
0x730: {  	_ =	swait.ge @!p0 [sflag:s0], s1  }
0x731: {  	s1 =	ssub.s32 @!p0 $0x0, s1;
	[sflag:s0] =	ssyncset.done @!p0 $0x0  }
0x732: {  	[sflag:s0] =	ssyncadd.s32 @!p0 s1  }
0x733: {  	[bflag:$0x3] =	sbarrier.arrive $0xFFFF  }
0x734: {  	_ =	shalt  }

</sc_bundles>
